<compile_context>
chip_gen: v7x
topology: tpu7x:2x2x1
jax: 0.10.2.dev20260603
libtpu: 0.0.44.dev20260713+nightly
codegen_flags: <defaults>
</compile_context>

<pallas_src>
import dataclasses
import functools

import jax
import jax.numpy as jnp
import numpy as np
from jax import lax
from jax.experimental import pallas as pl
from jax.experimental.pallas import tpu as pltpu
from jax.experimental.pallas import tpu_sc as plsc

N = 10000
E = 320000
IN_DIM = 128
EDGE_DIM = 16
HID = 128
HEADS = 4
DH = 32
SCALE = 1.0 / np.sqrt(DH)

NC = 2
NS = 16
NW = NC * NS
L = 16

EPT = 10240
EP = NW * EPT
CH = 128
NCHUNK = EPT // CH
EHT = EPT * HEADS
CHE = 8192
NSEGF = 40960
NPAD = 10240
BN = 1000
BE = 1024
HIGH = lax.Precision.HIGHEST

_vmesh = plsc.VectorSubcoreMesh(core_axis_name="c", subcore_axis_name="s")

_sc_cp = pltpu.CompilerParams()
if "needs_layout_passes" in pltpu.CompilerParams.__dataclass_fields__:
    _sc_cp = dataclasses.replace(_sc_cp, needs_layout_passes=False)


def _wid():
    return lax.axis_index("s") * NC + lax.axis_index("c")


def _dense_body(x_ref, w_ref, b_ref, o_ref):
    o_ref[...] = (
        jnp.dot(x_ref[...], w_ref[...], preferred_element_type=jnp.float32,
                precision=HIGH)
        + b_ref[...]
    )


def _dense(x, W, b):
    return pl.pallas_call(
        _dense_body,
        grid=(N // BN,),
        in_specs=[
            pl.BlockSpec((BN, HID), lambda i: (i, 0)),
            pl.BlockSpec((HID, HID), lambda i: (0, 0)),
            pl.BlockSpec((1, HID), lambda i: (0, 0)),
        ],
        out_specs=pl.BlockSpec((BN, HID), lambda i: (i, 0)),
        out_shape=jax.ShapeDtypeStruct((N, HID), jnp.float32),
    )(x, W, b)


def _qkv_body(h_ref, wq, bq, wk, bk, wv, bv, q_ref, k_ref, v_ref):
    h = h_ref[...]
    q_ref[...] = jnp.dot(h, wq[...], preferred_element_type=jnp.float32,
                         precision=HIGH) + bq[...]
    k_ref[...] = jnp.dot(h, wk[...], preferred_element_type=jnp.float32,
                         precision=HIGH) + bk[...]
    v_ref[...] = jnp.dot(h, wv[...], preferred_element_type=jnp.float32,
                         precision=HIGH) + bv[...]


def _qkv(h, lp):
    f32 = jnp.float32
    wspec = pl.BlockSpec((HID, HID), lambda i: (0, 0))
    bspec = pl.BlockSpec((1, HID), lambda i: (0, 0))
    nspec = pl.BlockSpec((BN, HID), lambda i: (i, 0))
    return pl.pallas_call(
        _qkv_body,
        grid=(N // BN,),
        in_specs=[nspec, wspec, bspec, wspec, bspec, wspec, bspec],
        out_specs=[nspec, nspec, nspec],
        out_shape=[jax.ShapeDtypeStruct((N, HID), f32)] * 3,
    )(h, lp["q"]["W"], lp["q"]["b"].reshape(1, HID),
      lp["k"]["W"], lp["k"]["b"].reshape(1, HID),
      lp["v"]["W"], lp["v"]["b"].reshape(1, HID))




def _gather_ring(tables, bufs, sg, sw, base):
    nt = len(tables)

    def start_g(b, c):
        for i in range(nt):
            tab, ixv, _ = tables[i]
            pltpu.async_copy(tab.at[ixv.at[pl.ds(c * CH, CH)]], bufs[b][i],
                             sg[b])

    def wait_g(b):
        for i in range(nt):
            tab, _, _ = tables[i]
            pltpu.make_async_copy(tab.at[pl.ds(0, CH)], bufs[b][i],
                                  sg[b]).wait()

    def start_w(b, c):
        for i in range(nt):
            _, _, out = tables[i]
            pltpu.async_copy(bufs[b][i], out.at[pl.ds(base + c * CH, CH)],
                             sw[b])

    def wait_w(b, c):
        for i in range(nt):
            _, _, out = tables[i]
            pltpu.make_async_copy(bufs[b][i],
                                  out.at[pl.ds(base + c * CH, CH)],
                                  sw[b]).wait()

    start_g(0, 0)
    wait_g(0)
    start_w(0, 0)
    start_g(1, 1)
    wait_g(1)
    start_w(1, 1)
    wait_w(0, 0)
    start_g(0, 2)

    @pl.loop(1, NCHUNK // 2 - 1)
    def _(k):
        c = 2 * k
        wait_g(0)
        start_w(0, c)
        wait_w(1, c - 1)
        start_g(1, c + 1)
        wait_g(1)
        start_w(1, c + 1)
        wait_w(0, c)
        start_g(0, c + 2)

    wait_g(0)
    start_w(0, NCHUNK - 2)
    wait_w(1, NCHUNK - 3)
    start_g(1, NCHUNK - 1)
    wait_g(1)
    start_w(1, NCHUNK - 1)
    wait_w(0, NCHUNK - 2)
    wait_w(1, NCHUNK - 1)


def _gather_qk_body(q_hbm, k_hbm, di_hbm, si_hbm, qd_hbm, ks_hbm,
                    di_v, si_v, qb0, kb0, qb1, kb1, sg0, sg1, sw0, sw1):
    wid = _wid()
    base = wid * EPT
    pltpu.sync_copy(di_hbm.at[pl.ds(base, EPT)], di_v)
    pltpu.sync_copy(si_hbm.at[pl.ds(base, EPT)], si_v)
    _gather_ring([(q_hbm, di_v, qd_hbm), (k_hbm, si_v, ks_hbm)],
                 [(qb0, kb0), (qb1, kb1)], (sg0, sg1), (sw0, sw1), base)


def _gather_qk(Q, K, di, si):
    f32 = jnp.float32
    kern = pl.kernel(
        _gather_qk_body,
        mesh=_vmesh,
        out_type=[jax.ShapeDtypeStruct((EP, HID), f32)] * 2,
        scratch_types=[
            pltpu.VMEM((EPT,), jnp.int32),
            pltpu.VMEM((EPT,), jnp.int32),
            pltpu.VMEM((CH, HID), f32),
            pltpu.VMEM((CH, HID), f32),
            pltpu.VMEM((CH, HID), f32),
            pltpu.VMEM((CH, HID), f32),
            pltpu.SemaphoreType.DMA,
            pltpu.SemaphoreType.DMA,
            pltpu.SemaphoreType.DMA,
            pltpu.SemaphoreType.DMA,
        ],
    )
    return kern(Q, K, di, si)


def _gather_v_body(v_hbm, si_hbm, vs_hbm, si_v, vb0, vb1, sg0, sg1, sw0, sw1):
    wid = _wid()
    base = wid * EPT
    pltpu.sync_copy(si_hbm.at[pl.ds(base, EPT)], si_v)
    _gather_ring([(v_hbm, si_v, vs_hbm)], [(vb0,), (vb1,)],
                 (sg0, sg1), (sw0, sw1), base)


def _gather_v(V, si):
    f32 = jnp.float32
    kern = pl.kernel(
        _gather_v_body,
        mesh=_vmesh,
        out_type=jax.ShapeDtypeStruct((EP, HID), f32),
        scratch_types=[
            pltpu.VMEM((EPT,), jnp.int32),
            pltpu.VMEM((CH, HID), f32),
            pltpu.VMEM((CH, HID), f32),
            pltpu.SemaphoreType.DMA,
            pltpu.SemaphoreType.DMA,
            pltpu.SemaphoreType.DMA,
            pltpu.SemaphoreType.DMA,
        ],
    )
    return kern(V, si)


def _edge_body(qd_ref, ks_ref, msg_ref, t_ref, c_ref, p2_ref, s_ref,
               p64_ref, r16_ref, s16_ref, a_ref, gm_ref):
    i = pl.program_id(0)
    g = (
        jnp.dot(msg_ref[...], c_ref[...], preferred_element_type=jnp.float32,
                precision=HIGH)
        + p2_ref[0:1, :]
        + t_ref[...] * p2_ref[1:2, :]
    )
    kj = ks_ref[...] + g
    qd = qd_ref[...]
    s = s_ref[...]
    dot = jnp.dot(qd * kj, s, preferred_element_type=jnp.float32,
                  precision=HIGH)
    qn2 = jnp.dot(qd * qd, s, preferred_element_type=jnp.float32,
                  precision=HIGH)
    kn2 = jnp.dot(kj * kj, s, preferred_element_type=jnp.float32,
                  precision=HIGH)
    qn = jnp.sqrt(qn2)
    kn = jnp.sqrt(kn2)
    cos = dot / (jnp.maximum(qn, 1e-8) * jnp.maximum(kn, 1e-8))
    r16 = r16_ref[...]
    cosb = jnp.dot(cos, r16, preferred_element_type=jnp.float32,
                   precision=HIGH)
    qnb = jnp.dot(qn, r16, preferred_element_type=jnp.float32, precision=HIGH)
    knb = jnp.dot(kn, r16, preferred_element_type=jnp.float32, precision=HIGH)
    p64 = p64_ref[...]
    hid = (cosb * p64[0:1, :] + qnb * p64[1:2, :] + knb * p64[2:3, :]
           + p64[3:4, :])
    ge = 0.5 * hid * (1.0 + lax.erf(hid * np.float32(1.0 / np.sqrt(2.0))))
    tl = jnp.dot(ge * p64[4:5, :], s16_ref[...],
                 preferred_element_type=jnp.float32, precision=HIGH)
    trust = jax.nn.sigmoid(tl + p64[5:6, 0:1])
    a = dot * np.float32(SCALE) * trust
    a_ref[...] = a

    @pl.when(i == 0)
    def _():
        gm_ref[...] = jnp.full((1, 1), -1e30, jnp.float32)

    gm_ref[...] = jnp.maximum(gm_ref[...], jnp.max(a))


def _edge_pass(qd, ks, msgp, tp, C, P2, S, P64, R16, S16):
    f32 = jnp.float32
    return pl.pallas_call(
        _edge_body,
        grid=(EP // BE,),
        in_specs=[
            pl.BlockSpec((BE, HID), lambda i: (i, 0)),
            pl.BlockSpec((BE, HID), lambda i: (i, 0)),
            pl.BlockSpec((BE, EDGE_DIM), lambda i: (i, 0)),
            pl.BlockSpec((BE, 1), lambda i: (i, 0)),
            pl.BlockSpec((EDGE_DIM, HID), lambda i: (0, 0)),
            pl.BlockSpec((8, HID), lambda i: (0, 0)),
            pl.BlockSpec((HID, HEADS), lambda i: (0, 0)),
            pl.BlockSpec((8, 64), lambda i: (0, 0)),
            pl.BlockSpec((HEADS, 64), lambda i: (0, 0)),
            pl.BlockSpec((64, HEADS), lambda i: (0, 0)),
        ],
        out_specs=[
            pl.BlockSpec((BE, HEADS), lambda i: (i, 0)),
            pl.BlockSpec((1, 1), lambda i: (0, 0)),
        ],
        out_shape=[
            jax.ShapeDtypeStruct((EP, HEADS), f32),
            jax.ShapeDtypeStruct((1, 1), f32),
        ],
    )(qd, ks, msgp, tp, C, P2, S, P64, R16, S16)


def _exp_body(a_ref, gm_ref, ex_ref):
    ex_ref[...] = jnp.exp(a_ref[...] - gm_ref[...])


def _exp_pass(a, gm):
    BR = 2048
    return pl.pallas_call(
        _exp_body,
        grid=(EP // BR,),
        in_specs=[
            pl.BlockSpec((BR, HEADS), lambda i: (i, 0)),
            pl.BlockSpec((1, 1), lambda i: (0, 0)),
        ],
        out_specs=pl.BlockSpec((BR, HEADS), lambda i: (i, 0)),
        out_shape=jax.ShapeDtypeStruct((EP, HEADS), jnp.float32),
    )(a, gm)


def _segsum_body(exf_hbm, eidx_hbm, part_hbm, acc_v, ex_v, ix_v):
    wid = _wid()
    base = wid * EHT

    @pl.loop(0, NSEGF, step=L)
    def _(i):
        acc_v[pl.ds(i, L)] = jnp.zeros((L,), jnp.float32)

    @pl.loop(0, EHT, step=CHE)
    def _(c0):
        pltpu.sync_copy(exf_hbm.at[pl.ds(base + c0, CHE)], ex_v)
        pltpu.sync_copy(eidx_hbm.at[pl.ds(base + c0, CHE)], ix_v)

        @pl.loop(0, CHE, step=L)
        def _(j):
            v = ex_v[pl.ds(j, L)]
            ix = ix_v[pl.ds(j, L)]
            plsc.addupdate_scatter(acc_v, [ix], v)

    pltpu.sync_copy(acc_v, part_hbm.at[wid])


def _segsum(exf, eidx):
    kern = pl.kernel(
        _segsum_body,
        mesh=_vmesh,
        out_type=jax.ShapeDtypeStruct((NW, NSEGF), jnp.float32),
        scratch_types=[
            pltpu.VMEM((NSEGF,), jnp.float32),
            pltpu.VMEM((CHE,), jnp.float32),
            pltpu.VMEM((CHE,), jnp.int32),
        ],
        compiler_params=_sc_cp,
    )
    return kern(exf, eidx)


def _redsum_body(p_ref, o_ref):
    o_ref[...] = jnp.sum(p_ref[...], axis=0, keepdims=True)


def _redsum(part):
    BC = 2048
    return pl.pallas_call(
        _redsum_body,
        grid=(NSEGF // BC,),
        in_specs=[pl.BlockSpec((NW, BC), lambda i: (0, i))],
        out_specs=pl.BlockSpec((1, BC), lambda i: (0, i)),
        out_shape=jax.ShapeDtypeStruct((1, NSEGF), jnp.float32),
    )(part)


def _alpha_body(exf_hbm, eidx_hbm, den_hbm, al_hbm, den_v, ex_v, ix_v, al_v):
    wid = _wid()
    base = wid * EHT
    pltpu.sync_copy(den_hbm, den_v)

    @pl.loop(0, EHT, step=CHE)
    def _(c0):
        pltpu.sync_copy(exf_hbm.at[pl.ds(base + c0, CHE)], ex_v)
        pltpu.sync_copy(eidx_hbm.at[pl.ds(base + c0, CHE)], ix_v)

        @pl.loop(0, CHE, step=L)
        def _(j):
            v = ex_v[pl.ds(j, L)]
            ix = ix_v[pl.ds(j, L)]
            dd = plsc.load_gather(den_v, [ix])
            al_v[pl.ds(j, L)] = v / (dd + 1e-16)

        pltpu.sync_copy(al_v, al_hbm.at[pl.ds(base + c0, CHE)])


def _alpha(exf, eidx, den):
    kern = pl.kernel(
        _alpha_body,
        mesh=_vmesh,
        out_type=jax.ShapeDtypeStruct((EP * HEADS,), jnp.float32),
        scratch_types=[
            pltpu.VMEM((NSEGF,), jnp.float32),
            pltpu.VMEM((CHE,), jnp.float32),
            pltpu.VMEM((CHE,), jnp.int32),
            pltpu.VMEM((CHE,), jnp.float32),
        ],
        compiler_params=_sc_cp,
    )
    return kern(exf, eidx, den)


def _msg_body(vs_ref, al_ref, r_ref, o_ref):
    o_ref[...] = vs_ref[...] * jnp.dot(
        al_ref[...], r_ref[...], preferred_element_type=jnp.float32,
        precision=HIGH)


def _messages(vs, alpha, R):
    return pl.pallas_call(
        _msg_body,
        grid=(EP // BE,),
        in_specs=[
            pl.BlockSpec((BE, HID), lambda i: (i, 0)),
            pl.BlockSpec((BE, HEADS), lambda i: (i, 0)),
            pl.BlockSpec((HEADS, HID), lambda i: (0, 0)),
        ],
        out_specs=pl.BlockSpec((BE, HID), lambda i: (i, 0)),
        out_shape=jax.ShapeDtypeStruct((EP, HID), jnp.float32),
    )(vs, alpha, R)


_ZROWS = NPAD // NS // CH


def _scatter_body(msgs_hbm, dst3_hbm, zeros_hbm, outp_hbm, ix2, mb0, mb1,
                  sl0, sl1, shared):
    cid = lax.axis_index("c")
    sid = lax.axis_index("s")
    wid = sid * NC + cid
    base = wid * EPT

    @pl.loop(0, _ZROWS)
    def _(k):
        pltpu.sync_copy(zeros_hbm,
                        shared.at[pl.ds((sid * _ZROWS + k) * CH, CH)])

    plsc.subcore_barrier()
    pltpu.sync_copy(dst3_hbm.at[wid], ix2)

    def start_l(buf, sem, c):
        pltpu.async_copy(msgs_hbm.at[pl.ds(base + c * CH, CH)], buf, sem)

    def wait_l(buf, sem):
        pltpu.make_async_copy(msgs_hbm.at[pl.ds(0, CH)], buf, sem).wait()

    start_l(mb0, sl0, 0)

    @pl.loop(0, NCHUNK // 2)
    def _(k):
        c = 2 * k
        wait_l(mb0, sl0)
        start_l(mb1, sl1, c + 1)
        pltpu.sync_copy(mb0, shared.at[ix2.at[c]], add=True)
        wait_l(mb1, sl1)

        @pl.when(c + 2 < NCHUNK)
        def _():
            start_l(mb0, sl0, c + 2)

        pltpu.sync_copy(mb1, shared.at[ix2.at[c + 1]], add=True)

    plsc.subcore_barrier()

    @pl.loop(0, _ZROWS)
    def _(k):
        r0 = (sid * _ZROWS + k) * CH
        pltpu.sync_copy(shared.at[pl.ds(r0, CH)],
                        outp_hbm.at[cid].at[pl.ds(r0, CH)])


def _scatter_out(msgs, dst3, zeros):
    kern = pl.kernel(
        _scatter_body,
        mesh=_vmesh,
        out_type=jax.ShapeDtypeStruct((NC, NPAD, HID), jnp.float32),
        scratch_types=[
            pltpu.VMEM((NCHUNK, CH), jnp.int32),
            pltpu.VMEM((CH, HID), jnp.float32),
            pltpu.VMEM((CH, HID), jnp.float32),
            pltpu.SemaphoreType.DMA,
            pltpu.SemaphoreType.DMA,
            pltpu.VMEM_SHARED((NPAD, HID), jnp.float32),
        ],
    )
    return kern(msgs, dst3, zeros)


def _update_body(h_ref, op_ref, wg_ref, bg_ref, g_ref, b_ref, o_ref):
    h = h_ref[...]
    out = op_ref[0] + op_ref[1]
    beta = jax.nn.sigmoid(
        jnp.dot(h, wg_ref[...], preferred_element_type=jnp.float32,
                precision=HIGH) + bg_ref[...])
    y = beta * h + (1.0 - beta) * out
    mu = jnp.mean(y, axis=-1, keepdims=True)
    yc = y - mu
    var = jnp.mean(yc * yc, axis=-1, keepdims=True)
    o_ref[...] = yc * jax.lax.rsqrt(var + 1e-5) * g_ref[...] + b_ref[...]


def _update(h, outp, lp):
    return pl.pallas_call(
        _update_body,
        grid=(N // BN,),
        in_specs=[
            pl.BlockSpec((BN, HID), lambda i: (i, 0)),
            pl.BlockSpec((NC, BN, HID), lambda i: (0, i, 0)),
            pl.BlockSpec((HID, 1), lambda i: (0, 0)),
            pl.BlockSpec((1, 1), lambda i: (0, 0)),
            pl.BlockSpec((1, HID), lambda i: (0, 0)),
            pl.BlockSpec((1, HID), lambda i: (0, 0)),
        ],
        out_specs=pl.BlockSpec((BN, HID), lambda i: (i, 0)),
        out_shape=jax.ShapeDtypeStruct((N, HID), jnp.float32),
    )(h, outp, lp["gate"]["W"], lp["gate"]["b"].reshape(1, 1),
      lp["ln"]["g"].reshape(1, HID), lp["ln"]["b"].reshape(1, HID))


def kernel(x, edge_index, msg, t, params):
    f32 = jnp.float32
    src = edge_index[0].astype(jnp.int32)
    dst = edge_index[1].astype(jnp.int32)
    pad = EP - E
    srcp = jnp.concatenate([src, jnp.zeros((pad,), jnp.int32)])
    dstg = jnp.concatenate([dst, jnp.zeros((pad,), jnp.int32)])
    dsts = jnp.concatenate([dst, jnp.full((pad,), N, jnp.int32)])
    msgp = jnp.concatenate([msg, jnp.zeros((pad, EDGE_DIM), f32)])
    tp = jnp.concatenate([t, jnp.zeros((pad,), f32)]).reshape(EP, 1)
    eidx = (dsts[:, None] * HEADS
            + jnp.arange(HEADS, dtype=jnp.int32)[None, :]).reshape(EP * HEADS)
    dst3 = dsts.reshape(NW, NCHUNK, CH)
    zeros_blk = jnp.zeros((CH, HID), f32)

    S = np.zeros((HID, HEADS), np.float32)
    for h in range(HEADS):
        S[h * DH:(h + 1) * DH, h] = 1.0
    S = jnp.asarray(S)
    R = np.zeros((HEADS, HID), np.float32)
    for h in range(HEADS):
        R[h, h * DH:(h + 1) * DH] = 1.0
    R = jnp.asarray(R)
    R16 = np.zeros((HEADS, 64), np.float32)
    S16 = np.zeros((64, HEADS), np.float32)
    for h in range(HEADS):
        R16[h, h * 16:(h + 1) * 16] = 1.0
        S16[h * 16:(h + 1) * 16, h] = 1.0
    R16 = jnp.asarray(R16)
    S16 = jnp.asarray(S16)

    We, be = params["edge_enc"]["W"], params["edge_enc"]["b"]
    Wt, bt = params["time_enc"]["W"], params["time_enc"]["b"]

    h = _dense(x, params["input_proj"]["W"],
               params["input_proj"]["b"].reshape(1, HID))

    for lp in params["layers"]:
        C = We @ lp["edge_proj"]["W"]
        cc = (be @ lp["edge_proj"]["W"] + lp["edge_proj"]["b"]
              + bt @ lp["time_proj"]["W"] + lp["time_proj"]["b"])
        u = (Wt @ lp["time_proj"]["W"])[0]
        P2 = jnp.zeros((8, HID), f32).at[0].set(cc).at[1].set(u)
        W1 = lp["t1"]["W"]
        P64 = (jnp.zeros((8, 64), f32)
               .at[0].set(jnp.tile(W1[0], HEADS))
               .at[1].set(jnp.tile(W1[1], HEADS))
               .at[2].set(jnp.tile(W1[2], HEADS))
               .at[3].set(jnp.tile(lp["t1"]["b"], HEADS))
               .at[4].set(jnp.tile(lp["t2"]["W"][:, 0], HEADS))
               .at[5, 0].set(lp["t2"]["b"][0]))

        Q, K, V = _qkv(h, lp)
        qd, ks = _gather_qk(Q, K, dstg, srcp)
        vs = _gather_v(V, srcp)
        a, gm = _edge_pass(qd, ks, msgp, tp, C, P2, S, P64, R16, S16)
        ex = _exp_pass(a, gm)
        exf = ex.reshape(EP * HEADS)
        part = _segsum(exf, eidx)
        den = _redsum(part).reshape(NSEGF)
        alphaf = _alpha(exf, eidx, den)
        msgs = _messages(vs, alphaf.reshape(EP, HEADS), R)
        outp = _scatter_out(msgs, dst3, zeros_blk)
        h = _update(h, outp, lp)

    return h

# --- scband reference (transcript-rebuilt; emitter-appended) ---
"""Pipeline reference for scband-enhanced-trust-temporal-gnn-76836964926261 (READ-ONLY COPY).

The authoritative reference and input builder live on the scoring server;
editing this copy changes nothing except your own understanding.
"""

import jax, jax.numpy as jnp
import numpy as np

N = 10000
E = 320000
IN_DIM = 128
EDGE_DIM = 16
HID = 128
HEADS = 4
DH = HID // HEADS
LAYERS = 2


def _lin(key, fan_in, fan_out):
    k1, k2 = jax.random.split(key)
    lim = 1.0 / np.sqrt(fan_in)
    W = jax.random.uniform(k1, (fan_in, fan_out), minval=-lim, maxval=lim, dtype=jnp.float32)
    b = jax.random.uniform(k2, (fan_out,), minval=-lim, maxval=lim, dtype=jnp.float32)
    return {"W": W, "b": b}


def setup_inputs(seed: int = 0) -> dict:
    key = jax.random.key(seed)
    ks = jax.random.split(key, 32)
    x = jax.random.normal(ks[0], (N, IN_DIM), dtype=jnp.float32)
    edge_index = jax.random.randint(ks[1], (2, E), 0, N, dtype=jnp.int64)
    msg = jax.random.normal(ks[2], (E, EDGE_DIM), dtype=jnp.float32)
    t = jax.random.uniform(ks[3], (E,), dtype=jnp.float32)
    params = {
        "input_proj": _lin(ks[4], IN_DIM, HID),
        "edge_enc": _lin(ks[5], EDGE_DIM, HID),
        "time_enc": _lin(ks[6], 1, HID),
        "layers": [],
    }
    for li in range(LAYERS):
        base = 7 + li * 10
        lp = {
            "q": _lin(ks[base + 0], HID, HID),
            "k": _lin(ks[base + 1], HID, HID),
            "v": _lin(ks[base + 2], HID, HID),
            "edge_proj": _lin(ks[base + 3], HID, HID),
            "time_proj": _lin(ks[base + 4], HID, HID),
            "t1": _lin(ks[base + 5], 3, 16),
            "t2": _lin(ks[base + 6], 16, 1),
            "gate": _lin(ks[base + 7], HID, 1),
            "ln": {"g": jnp.ones((HID,), jnp.float32), "b": jnp.zeros((HID,), jnp.float32)},
        }
        params["layers"].append(lp)
    return {"x": x, "edge_index": edge_index, "msg": msg, "t": t, "params": params}


def _model(x, msg, t, params, src, dst):
    h = x @ params["input_proj"]["W"] + params["input_proj"]["b"]
    edge_emb = msg @ params["edge_enc"]["W"] + params["edge_enc"]["b"]
    time_emb = t[:, None] @ params["time_enc"]["W"] + params["time_enc"]["b"]
    n = h.shape[0]
    memory = jnp.zeros((n, HID), dtype=jnp.float32)  # TemporalMemory buffer (zeros at init)
    mem = memory.reshape(n, HEADS, DH)
    scale = 1.0 / np.sqrt(DH)
    for lp in params["layers"]:
        Q = (h @ lp["q"]["W"] + lp["q"]["b"]).reshape(n, HEADS, DH)
        K = (h @ lp["k"]["W"] + lp["k"]["b"]).reshape(n, HEADS, DH)
        V = (h @ lp["v"]["W"] + lp["v"]["b"]).reshape(n, HEADS, DH)
        ee = (edge_emb @ lp["edge_proj"]["W"] + lp["edge_proj"]["b"]).reshape(-1, HEADS, DH)
        te = (time_emb @ lp["time_proj"]["W"] + lp["time_proj"]["b"]).reshape(-1, HEADS, DH)
        Qi = Q[dst]
        Kj = K[src] + ee + te
        Vj = V[src]
        mi = mem[dst]
        mj = mem[src]
        attn = jnp.sum(Qi * Kj, axis=-1) * scale  # [E, H]
        eps = 1e-8
        cos = jnp.sum(Qi * Kj, axis=-1) / (
            jnp.maximum(jnp.linalg.norm(Qi, axis=-1), eps)
            * jnp.maximum(jnp.linalg.norm(Kj, axis=-1), eps)
        )
        drift = jnp.linalg.norm(Qi - mi, axis=-1)
        dev = jnp.linalg.norm(Kj - mj, axis=-1)
        feats = jnp.stack([cos, drift, dev], axis=-1)  # [E, H, 3]
        hmid = jax.nn.gelu(feats @ lp["t1"]["W"] + lp["t1"]["b"], approximate=False)
        trust = jax.nn.sigmoid((hmid @ lp["t2"]["W"] + lp["t2"]["b"])[..., 0])  # [E, H]
        a = attn * trust
        amax = jax.ops.segment_max(a, dst, num_segments=n)
        amax = jnp.where(jnp.isfinite(amax), amax, 0.0)
        ex = jnp.exp(a - amax[dst])
        denom = jax.ops.segment_sum(ex, dst, num_segments=n)
        alpha = ex / (denom[dst] + 1e-16)  # dropout is identity in eval
        msgs = Vj * alpha[..., None]
        out = jax.ops.segment_sum(msgs, dst, num_segments=n).reshape(n, HID)
        beta = jax.nn.sigmoid(h @ lp["gate"]["W"] + lp["gate"]["b"])  # [n, 1]
        y = beta * h + (1.0 - beta) * out
        mu = jnp.mean(y, axis=-1, keepdims=True)
        var = jnp.var(y, axis=-1, keepdims=True)
        h = (y - mu) / jnp.sqrt(var + 1e-5) * lp["ln"]["g"] + lp["ln"]["b"]
    return h


def reference(x, edge_index, msg, t, params):
    src = edge_index[0]  # message source j (PyG source_to_target flow)
    dst = edge_index[1]  # aggregation target i
    return _model(x, msg, t, params, src, dst)

if __name__ == "__main__":
    import jax
    _d = setup_inputs()
    print(jax.jit(kernel)(*tuple(_d.values())))

</pallas_src>

<mosaic_0001>
#map = affine_map<(d0, d1) -> (0)>
#map1 = affine_map<(d0, d1) -> (0, 0)>
module attributes {stable_mosaic.version = 14 : i64} {
  func.func @_segsum_body(%arg0: i32, %arg1: i32, %arg2: memref<1310720xf32, #tpu.memory_space<hbm>>, %arg3: memref<1310720xi32, #tpu.memory_space<hbm>>, %arg4: memref<32x40960xf32, #tpu.memory_space<hbm>>, %arg5: memref<40960xf32, #tpu.memory_space<vmem>>, %arg6: memref<8192xf32, #tpu.memory_space<vmem>>, %arg7: memref<8192xi32, #tpu.memory_space<vmem>>) attributes {dimension_semantics = [#tpu.dimension_semantics<core_parallel>, #tpu.dimension_semantics<subcore_parallel>], iteration_bounds = array<i64: 2, 16>, scalar_prefetch = 0 : i64, scratch_operands = 3 : i64, tpu.core_type = #tpu.core_type<sc_vector_subcore>, window_params = [{transform_indices = #map}, {transform_indices = #map}, {transform_indices = #map1}]} {
    %mul3A = arith.constant 2 : i32
    %mul3A_0 = arith.muli %arg1, %mul3A : i32
    %add3A = arith.addi %mul3A_0, %arg0 : i32
    %mul3A_1 = arith.constant 40960 : i32
    %mul3A_2 = arith.muli %add3A, %mul3A_1 : i32
    %scan3A = arith.constant 0 : i32
    %scan3A_3 = arith.constant 2560 : i32
    %scan3A_4 = arith.addi %scan3A, %scan3A_3 : i32
    %scan3A_5 = arith.constant 1 : i32
    scf.for %scan3A_12 = %scan3A to %scan3A_4 step %scan3A_5  : i32 {
      %mul3A_13 = arith.constant 16 : i32
      %mul3A_14 = arith.muli %scan3A_12, %mul3A_13 : i32
      %add3A_15 = arith.constant 0 : i32
      %add3A_16 = arith.addi %add3A_15, %mul3A_14 : i32
      %broadcast_in_dim3A = arith.constant 0.000000e+00 : f32
      %broadcast_in_dim3A_17 = vector.broadcast %broadcast_in_dim3A : f32 to vector<16xf32>
      %swap3A = arith.index_cast %add3A_16 : i32 to index
      %swap3A_18 = tpu.vector_load %arg5[%swap3A] {strides = array<i32>} : memref<40960xf32, #tpu.memory_space<vmem>>, vector<16xf32>,
      tpu.vector_store %arg5[%swap3A], %broadcast_in_dim3A_17 {strides = array<i32>} : memref<40960xf32, #tpu.memory_space<vmem>>, vector<16xf32>,
    }
    %scan3A_6 = arith.constant 2560 : i32
    %scan3A_7 = arith.constant 0 : i32
    %scan3A_8 = arith.constant 5 : i32
    %scan3A_9 = arith.addi %scan3A_7, %scan3A_8 : i32
    %scan3A_10 = arith.constant 1 : i32
    scf.for %scan3A_12 = %scan3A_7 to %scan3A_9 step %scan3A_10  : i32 {
      %mul3A_13 = arith.constant 8192 : i32
      %mul3A_14 = arith.muli %scan3A_12, %mul3A_13 : i32
      %add3A_15 = arith.constant 0 : i32
      %add3A_16 = arith.addi %add3A_15, %mul3A_14 : i32
      %add3A_17 = arith.addi %mul3A_2, %add3A_16 : i32
      "tpu.region"() ({
        %run_scoped3A = tpu.sem_alloc : memref<!tpu.dma_semaphore, #tpu.memory_space<semaphore_mem>>
        %dma_start3A = tpu.memref_slice %arg2[%add3A_17] : memref<1310720xf32, #tpu.memory_space<hbm>> -> memref<8192xf32, #tpu.memory_space<hbm>>
        %dma_start3A_24 = tpu.memref_slice %arg2[%add3A_17] : memref<1310720xf32, #tpu.memory_space<hbm>> -> memref<8192xf32, #tpu.memory_space<hbm>>
        tpu.enqueue_dma source(%dma_start3A_24 : memref<8192xf32, #tpu.memory_space<hbm>>) target(%arg6 : memref<8192xf32, #tpu.memory_space<vmem>>) target_semaphore(%run_scoped3A : memref<!tpu.dma_semaphore, #tpu.memory_space<semaphore_mem>>)
        %dma_wait3A = tpu.memref_slice %arg2[%add3A_17] : memref<1310720xf32, #tpu.memory_space<hbm>> -> memref<8192xf32, #tpu.memory_space<hbm>>
        %dma_wait3A_25 = tpu.memref_slice %arg2[%add3A_17] : memref<1310720xf32, #tpu.memory_space<hbm>> -> memref<8192xf32, #tpu.memory_space<hbm>>
        tpu.wait_dma2 semaphore(%run_scoped3A : memref<!tpu.dma_semaphore, #tpu.memory_space<semaphore_mem>>) src(%dma_wait3A_25 : memref<8192xf32, #tpu.memory_space<hbm>>) dst(%arg6 : memref<8192xf32, #tpu.memory_space<vmem>>)
        tpu.yield
      }) : () -> ()
      %add3A_18 = arith.addi %mul3A_2, %add3A_16 : i32
      "tpu.region"() ({
        %run_scoped3A = tpu.sem_alloc : memref<!tpu.dma_semaphore, #tpu.memory_space<semaphore_mem>>
        %dma_start3A = tpu.memref_slice %arg3[%add3A_18] : memref<1310720xi32, #tpu.memory_space<hbm>> -> memref<8192xi32, #tpu.memory_space<hbm>>
        %dma_start3A_24 = tpu.memref_slice %arg3[%add3A_18] : memref<1310720xi32, #tpu.memory_space<hbm>> -> memref<8192xi32, #tpu.memory_space<hbm>>
        tpu.enqueue_dma source(%dma_start3A_24 : memref<8192xi32, #tpu.memory_space<hbm>>) target(%arg7 : memref<8192xi32, #tpu.memory_space<vmem>>) target_semaphore(%run_scoped3A : memref<!tpu.dma_semaphore, #tpu.memory_space<semaphore_mem>>)
        %dma_wait3A = tpu.memref_slice %arg3[%add3A_18] : memref<1310720xi32, #tpu.memory_space<hbm>> -> memref<8192xi32, #tpu.memory_space<hbm>>
        %dma_wait3A_25 = tpu.memref_slice %arg3[%add3A_18] : memref<1310720xi32, #tpu.memory_space<hbm>> -> memref<8192xi32, #tpu.memory_space<hbm>>
        tpu.wait_dma2 semaphore(%run_scoped3A : memref<!tpu.dma_semaphore, #tpu.memory_space<semaphore_mem>>) src(%dma_wait3A_25 : memref<8192xi32, #tpu.memory_space<hbm>>) dst(%arg7 : memref<8192xi32, #tpu.memory_space<vmem>>)
        tpu.yield
      }) : () -> ()
      %scan3A_19 = arith.constant 0 : i32
      %scan3A_20 = arith.constant 512 : i32
      %scan3A_21 = arith.addi %scan3A_19, %scan3A_20 : i32
      %scan3A_22 = arith.constant 1 : i32
      scf.for %scan3A_24 = %scan3A_19 to %scan3A_21 step %scan3A_22  : i32 {
        %mul3A_25 = arith.constant 16 : i32
        %mul3A_26 = arith.muli %scan3A_24, %mul3A_25 : i32
        %add3A_27 = arith.constant 0 : i32
        %add3A_28 = arith.addi %add3A_27, %mul3A_26 : i32
        %get3A = arith.index_cast %add3A_28 : i32 to index
        %get3A_29 = tpu.vector_load %arg6[%get3A] {strides = array<i32>} : memref<8192xf32, #tpu.memory_space<vmem>>, vector<16xf32>,
        %get3A_30 = arith.index_cast %add3A_28 : i32 to index
        %get3A_31 = tpu.vector_load %arg7[%get3A_30] {strides = array<i32>} : memref<8192xi32, #tpu.memory_space<vmem>>, vector<16xi32>,
        tpu.vector_store_idx %arg5[%get3A_31], %get3A_29 {add = true} : memref<40960xf32, #tpu.memory_space<vmem>>[vector<16xi32>], vector<16xf32>,
      }
      %scan3A_23 = arith.constant 512 : i32
    }
    %scan3A_11 = arith.constant 5 : i32
    "tpu.region"() ({
      %run_scoped3A = tpu.sem_alloc : memref<!tpu.dma_semaphore, #tpu.memory_space<semaphore_mem>>
      %dma_start3A = arith.constant 0 : i32
      %dma_start3A_12 = tpu.memref_slice %arg4[%add3A, %dma_start3A] : memref<32x40960xf32, #tpu.memory_space<hbm>> -> memref<1x40960xf32, #tpu.memory_space<hbm>>
      %dma_start3A_13 = tpu.memref_squeeze %dma_start3A_12 : memref<1x40960xf32, #tpu.memory_space<hbm>> -> memref<40960xf32, #tpu.memory_space<hbm>>
      %dma_start3A_14 = arith.constant 0 : i32
      %dma_start3A_15 = tpu.memref_slice %arg4[%add3A, %dma_start3A_14] : memref<32x40960xf32, #tpu.memory_space<hbm>> -> memref<1x40960xf32, #tpu.memory_space<hbm>>
      %dma_start3A_16 = tpu.memref_squeeze %dma_start3A_15 : memref<1x40960xf32, #tpu.memory_space<hbm>> -> memref<40960xf32, #tpu.memory_space<hbm>>
      tpu.enqueue_dma source(%arg5 : memref<40960xf32, #tpu.memory_space<vmem>>) target(%dma_start3A_16 : memref<40960xf32, #tpu.memory_space<hbm>>) target_semaphore(%run_scoped3A : memref<!tpu.dma_semaphore, #tpu.memory_space<semaphore_mem>>)
      %dma_wait3A = arith.constant 0 : i32
      %dma_wait3A_17 = tpu.memref_slice %arg4[%add3A, %dma_wait3A] : memref<32x40960xf32, #tpu.memory_space<hbm>> -> memref<1x40960xf32, #tpu.memory_space<hbm>>
      %dma_wait3A_18 = tpu.memref_squeeze %dma_wait3A_17 : memref<1x40960xf32, #tpu.memory_space<hbm>> -> memref<40960xf32, #tpu.memory_space<hbm>>
      %dma_wait3A_19 = arith.constant 0 : i32
      %dma_wait3A_20 = tpu.memref_slice %arg4[%add3A, %dma_wait3A_19] : memref<32x40960xf32, #tpu.memory_space<hbm>> -> memref<1x40960xf32, #tpu.memory_space<hbm>>
      %dma_wait3A_21 = tpu.memref_squeeze %dma_wait3A_20 : memref<1x40960xf32, #tpu.memory_space<hbm>> -> memref<40960xf32, #tpu.memory_space<hbm>>
      tpu.wait_dma2 semaphore(%run_scoped3A : memref<!tpu.dma_semaphore, #tpu.memory_space<semaphore_mem>>) src(%arg5 : memref<40960xf32, #tpu.memory_space<vmem>>) dst(%dma_wait3A_21 : memref<40960xf32, #tpu.memory_space<hbm>>)
      tpu.yield
    }) : () -> ()
    return
  }
}

#map = affine_map<(d0, d1) -> (0, 0)>
#map1 = affine_map<(d0, d1) -> (0)>
module attributes {stable_mosaic.version = 14 : i64} {
  func.func @_gather_qk_body(%arg0: i32, %arg1: i32, %arg2: memref<10000x128xf32, #tpu.memory_space<hbm>>, %arg3: memref<10000x128xf32, #tpu.memory_space<hbm>>, %arg4: memref<327680xi32, #tpu.memory_space<hbm>>, %arg5: memref<327680xi32, #tpu.memory_space<hbm>>, %arg6: memref<327680x128xf32, #tpu.memory_space<hbm>>, %arg7: memref<327680x128xf32, #tpu.memory_space<hbm>>, %arg8: memref<10240xi32, #tpu.memory_space<vmem>>, %arg9: memref<10240xi32, #tpu.memory_space<vmem>>, %arg10: memref<128x128xf32, #tpu.memory_space<vmem>>, %arg11: memref<128x128xf32, #tpu.memory_space<vmem>>, %arg12: memref<128x128xf32, #tpu.memory_space<vmem>>, %arg13: memref<128x128xf32, #tpu.memory_space<vmem>>, %arg14: memref<!tpu.dma_semaphore, #tpu.memory_space<semaphore_mem>>, %arg15: memref<!tpu.dma_semaphore, #tpu.memory_space<semaphore_mem>>, %arg16: memref<!tpu.dma_semaphore, #tpu.memory_space<semaphore_mem>>, %arg17: memref<!tpu.dma_semaphore, #tpu.memory_space<semaphore_mem>>) attributes {dimension_semantics = [#tpu.dimension_semantics<core_parallel>, #tpu.dimension_semantics<subcore_parallel>], iteration_bounds = array<i64: 2, 16>, scalar_prefetch = 0 : i64, scratch_operands = 10 : i64, tpu.core_type = #tpu.core_type<sc_vector_subcore>, window_params = [{transform_indices = #map}, {transform_indices = #map}, {transform_indices = #map1}, {transform_indices = #map1}, {transform_indices = #map}, {transform_indices = #map}]} {
    %mul3A = arith.constant 2 : i32
    %mul3A_0 = arith.muli %arg1, %mul3A : i32
    %add3A = arith.addi %mul3A_0, %arg0 : i32
    %mul3A_1 = arith.constant 10240 : i32
    %mul3A_2 = arith.muli %add3A, %mul3A_1 : i32
    "tpu.region"() ({
      %run_scoped3A = tpu.sem_alloc : memref<!tpu.dma_semaphore, #tpu.memory_space<semaphore_mem>>
      %dma_start3A_189 = tpu.memref_slice %arg4[%mul3A_2] : memref<327680xi32, #tpu.memory_space<hbm>> -> memref<10240xi32, #tpu.memory_space<hbm>>
      %dma_start3A_190 = tpu.memref_slice %arg4[%mul3A_2] : memref<327680xi32, #tpu.memory_space<hbm>> -> memref<10240xi32, #tpu.memory_space<hbm>>
      tpu.enqueue_dma source(%dma_start3A_190 : memref<10240xi32, #tpu.memory_space<hbm>>) target(%arg8 : memref<10240xi32, #tpu.memory_space<vmem>>) target_semaphore(%run_scoped3A : memref<!tpu.dma_semaphore, #tpu.memory_space<semaphore_mem>>)
      %dma_wait3A_191 = tpu.memref_slice %arg4[%mul3A_2] : memref<327680xi32, #tpu.memory_space<hbm>> -> memref<10240xi32, #tpu.memory_space<hbm>>
      %dma_wait3A_192 = tpu.memref_slice %arg4[%mul3A_2] : memref<327680xi32, #tpu.memory_space<hbm>> -> memref<10240xi32, #tpu.memory_space<hbm>>
      tpu.wait_dma2 semaphore(%run_scoped3A : memref<!tpu.dma_semaphore, #tpu.memory_space<semaphore_mem>>) src(%dma_wait3A_192 : memref<10240xi32, #tpu.memory_space<hbm>>) dst(%arg8 : memref<10240xi32, #tpu.memory_space<vmem>>)
      tpu.yield
    }) : () -> ()
    "tpu.region"() ({
      %run_scoped3A = tpu.sem_alloc : memref<!tpu.dma_semaphore, #tpu.memory_space<semaphore_mem>>
      %dma_start3A_189 = tpu.memref_slice %arg5[%mul3A_2] : memref<327680xi32, #tpu.memory_space<hbm>> -> memref<10240xi32, #tpu.memory_space<hbm>>
      %dma_start3A_190 = tpu.memref_slice %arg5[%mul3A_2] : memref<327680xi32, #tpu.memory_space<hbm>> -> memref<10240xi32, #tpu.memory_space<hbm>>
      tpu.enqueue_dma source(%dma_start3A_190 : memref<10240xi32, #tpu.memory_space<hbm>>) target(%arg9 : memref<10240xi32, #tpu.memory_space<vmem>>) target_semaphore(%run_scoped3A : memref<!tpu.dma_semaphore, #tpu.memory_space<semaphore_mem>>)
      %dma_wait3A_191 = tpu.memref_slice %arg5[%mul3A_2] : memref<327680xi32, #tpu.memory_space<hbm>> -> memref<10240xi32, #tpu.memory_space<hbm>>
      %dma_wait3A_192 = tpu.memref_slice %arg5[%mul3A_2] : memref<327680xi32, #tpu.memory_space<hbm>> -> memref<10240xi32, #tpu.memory_space<hbm>>
      tpu.wait_dma2 semaphore(%run_scoped3A : memref<!tpu.dma_semaphore, #tpu.memory_space<semaphore_mem>>) src(%dma_wait3A_192 : memref<10240xi32, #tpu.memory_space<hbm>>) dst(%arg9 : memref<10240xi32, #tpu.memory_space<vmem>>)
      tpu.yield
    }) : () -> ()
    %dma_start3A = arith.constant 0 : i32
    %dma_start3A_3 = tpu.memref_slice %arg8[%dma_start3A] : memref<10240xi32, #tpu.memory_space<vmem>> -> memref<128xi32, #tpu.memory_space<vmem>>
    %dma_start3A_4 = arith.constant 0 : i32
    %dma_start3A_5 = arith.constant 0 : i32
    %dma_start3A_6 = tpu.memref_slice %arg2[%dma_start3A_4, %dma_start3A_5] : memref<10000x128xf32, #tpu.memory_space<hbm>> -> memref<10000x128xf32, #tpu.memory_space<hbm>>
    tpu.enqueue_indirect_dma source(%dma_start3A_6 : memref<10000x128xf32, #tpu.memory_space<hbm>>) target(%arg10 : memref<128x128xf32, #tpu.memory_space<vmem>>) offsets(%dma_start3A_3 : memref<128xi32, #tpu.memory_space<vmem>>) semaphore(%arg14 : memref<!tpu.dma_semaphore, #tpu.memory_space<semaphore_mem>>)
    %dma_start3A_7 = arith.constant 0 : i32
    %dma_start3A_8 = tpu.memref_slice %arg9[%dma_start3A_7] : memref<10240xi32, #tpu.memory_space<vmem>> -> memref<128xi32, #tpu.memory_space<vmem>>
    %dma_start3A_9 = arith.constant 0 : i32
    %dma_start3A_10 = arith.constant 0 : i32
    %dma_start3A_11 = tpu.memref_slice %arg3[%dma_start3A_9, %dma_start3A_10] : memref<10000x128xf32, #tpu.memory_space<hbm>> -> memref<10000x128xf32, #tpu.memory_space<hbm>>
    tpu.enqueue_indirect_dma source(%dma_start3A_11 : memref<10000x128xf32, #tpu.memory_space<hbm>>) target(%arg11 : memref<128x128xf32, #tpu.memory_space<vmem>>) offsets(%dma_start3A_8 : memref<128xi32, #tpu.memory_space<vmem>>) semaphore(%arg14 : memref<!tpu.dma_semaphore, #tpu.memory_space<semaphore_mem>>)
    %dma_wait3A = arith.constant 0 : i32
    %dma_wait3A_12 = arith.constant 0 : i32
    %dma_wait3A_13 = tpu.memref_slice %arg2[%dma_wait3A, %dma_wait3A_12] : memref<10000x128xf32, #tpu.memory_space<hbm>> -> memref<128x128xf32, #tpu.memory_space<hbm>>
    %dma_wait3A_14 = arith.constant 0 : i32
    %dma_wait3A_15 = arith.constant 0 : i32
    %dma_wait3A_16 = tpu.memref_slice %arg2[%dma_wait3A_14, %dma_wait3A_15] : memref<10000x128xf32, #tpu.memory_space<hbm>> -> memref<128x128xf32, #tpu.memory_space<hbm>>
    tpu.wait_dma2 semaphore(%arg14 : memref<!tpu.dma_semaphore, #tpu.memory_space<semaphore_mem>>) src(%dma_wait3A_16 : memref<128x128xf32, #tpu.memory_space<hbm>>) dst(%arg10 : memref<128x128xf32, #tpu.memory_space<vmem>>)
    %dma_wait3A_17 = arith.constant 0 : i32
    %dma_wait3A_18 = arith.constant 0 : i32
    %dma_wait3A_19 = tpu.memref_slice %arg3[%dma_wait3A_17, %dma_wait3A_18] : memref<10000x128xf32, #tpu.memory_space<hbm>> -> memref<128x128xf32, #tpu.memory_space<hbm>>
    %dma_wait3A_20 = arith.constant 0 : i32
    %dma_wait3A_21 = arith.constant 0 : i32
    %dma_wait3A_22 = tpu.memref_slice %arg3[%dma_wait3A_20, %dma_wait3A_21] : memref<10000x128xf32, #tpu.memory_space<hbm>> -> memref<128x128xf32, #tpu.memory_space<hbm>>
    tpu.wait_dma2 semaphore(%arg14 : memref<!tpu.dma_semaphore, #tpu.memory_space<semaphore_mem>>) src(%dma_wait3A_22 : memref<128x128xf32, #tpu.memory_space<hbm>>) dst(%arg11 : memref<128x128xf32, #tpu.memory_space<vmem>>)
    %add3A_23 = arith.constant 0 : i32
    %add3A_24 = arith.addi %mul3A_2, %add3A_23 : i32
    %dma_start3A_25 = arith.constant 0 : i32
    %dma_start3A_26 = tpu.memref_slice %arg6[%add3A_24, %dma_start3A_25] : memref<327680x128xf32, #tpu.memory_space<hbm>> -> memref<128x128xf32, #tpu.memory_space<hbm>>
    %dma_start3A_27 = arith.constant 0 : i32
    %dma_start3A_28 = tpu.memref_slice %arg6[%add3A_24, %dma_start3A_27] : memref<327680x128xf32, #tpu.memory_space<hbm>> -> memref<128x128xf32, #tpu.memory_space<hbm>>
    tpu.enqueue_dma source(%arg10 : memref<128x128xf32, #tpu.memory_space<vmem>>) target(%dma_start3A_28 : memref<128x128xf32, #tpu.memory_space<hbm>>) target_semaphore(%arg16 : memref<!tpu.dma_semaphore, #tpu.memory_space<semaphore_mem>>)
    %add3A_29 = arith.constant 0 : i32
    %add3A_30 = arith.addi %mul3A_2, %add3A_29 : i32
    %dma_start3A_31 = arith.constant 0 : i32
    %dma_start3A_32 = tpu.memref_slice %arg7[%add3A_30, %dma_start3A_31] : memref<327680x128xf32, #tpu.memory_space<hbm>> -> memref<128x128xf32, #tpu.memory_space<hbm>>
    %dma_start3A_33 = arith.constant 0 : i32
    %dma_start3A_34 = tpu.memref_slice %arg7[%add3A_30, %dma_start3A_33] : memref<327680x128xf32, #tpu.memory_space<hbm>> -> memref<128x128xf32, #tpu.memory_space<hbm>>
    tpu.enqueue_dma source(%arg11 : memref<128x128xf32, #tpu.memory_space<vmem>>) target(%dma_start3A_34 : memref<128x128xf32, #tpu.memory_space<hbm>>) target_semaphore(%arg16 : memref<!tpu.dma_semaphore, #tpu.memory_space<semaphore_mem>>)
    %dma_start3A_35 = arith.constant 128 : i32
    %dma_start3A_36 = tpu.memref_slice %arg8[%dma_start3A_35] : memref<10240xi32, #tpu.memory_space<vmem>> -> memref<128xi32, #tpu.memory_space<vmem>>
    %dma_start3A_37 = arith.constant 0 : i32
    %dma_start3A_38 = arith.constant 0 : i32
    %dma_start3A_39 = tpu.memref_slice %arg2[%dma_start3A_37, %dma_start3A_38] : memref<10000x128xf32, #tpu.memory_space<hbm>> -> memref<10000x128xf32, #tpu.memory_space<hbm>>
    tpu.enqueue_indirect_dma source(%dma_start3A_39 : memref<10000x128xf32, #tpu.memory_space<hbm>>) target(%arg12 : memref<128x128xf32, #tpu.memory_space<vmem>>) offsets(%dma_start3A_36 : memref<128xi32, #tpu.memory_space<vmem>>) semaphore(%arg15 : memref<!tpu.dma_semaphore, #tpu.memory_space<semaphore_mem>>)
    %dma_start3A_40 = arith.constant 128 : i32
    %dma_start3A_41 = tpu.memref_slice %arg9[%dma_start3A_40] : memref<10240xi32, #tpu.memory_space<vmem>> -> memref<128xi32, #tpu.memory_space<vmem>>
    %dma_start3A_42 = arith.constant 0 : i32
    %dma_start3A_43 = arith.constant 0 : i32
    %dma_start3A_44 = tpu.memref_slice %arg3[%dma_start3A_42, %dma_start3A_43] : memref<10000x128xf32, #tpu.memory_space<hbm>> -> memref<10000x128xf32, #tpu.memory_space<hbm>>
    tpu.enqueue_indirect_dma source(%dma_start3A_44 : memref<10000x128xf32, #tpu.memory_space<hbm>>) target(%arg13 : memref<128x128xf32, #tpu.memory_space<vmem>>) offsets(%dma_start3A_41 : memref<128xi32, #tpu.memory_space<vmem>>) semaphore(%arg15 : memref<!tpu.dma_semaphore, #tpu.memory_space<semaphore_mem>>)
    %dma_wait3A_45 = arith.constant 0 : i32
    %dma_wait3A_46 = arith.constant 0 : i32
    %dma_wait3A_47 = tpu.memref_slice %arg2[%dma_wait3A_45, %dma_wait3A_46] : memref<10000x128xf32, #tpu.memory_space<hbm>> -> memref<128x128xf32, #tpu.memory_space<hbm>>
    %dma_wait3A_48 = arith.constant 0 : i32
    %dma_wait3A_49 = arith.constant 0 : i32
    %dma_wait3A_50 = tpu.memref_slice %arg2[%dma_wait3A_48, %dma_wait3A_49] : memref<10000x128xf32, #tpu.memory_space<hbm>> -> memref<128x128xf32, #tpu.memory_space<hbm>>
    tpu.wait_dma2 semaphore(%arg15 : memref<!tpu.dma_semaphore, #tpu.memory_space<semaphore_mem>>) src(%dma_wait3A_50 : memref<128x128xf32, #tpu.memory_space<hbm>>) dst(%arg12 : memref<128x128xf32, #tpu.memory_space<vmem>>)
    %dma_wait3A_51 = arith.constant 0 : i32
    %dma_wait3A_52 = arith.constant 0 : i32
    %dma_wait3A_53 = tpu.memref_slice %arg3[%dma_wait3A_51, %dma_wait3A_52] : memref<10000x128xf32, #tpu.memory_space<hbm>> -> memref<128x128xf32, #tpu.memory_space<hbm>>
    %dma_wait3A_54 = arith.constant 0 : i32
    %dma_wait3A_55 = arith.constant 0 : i32
    %dma_wait3A_56 = tpu.memref_slice %arg3[%dma_wait3A_54, %dma_wait3A_55] : memref<10000x128xf32, #tpu.memory_space<hbm>> -> memref<128x128xf32, #tpu.memory_space<hbm>>
    tpu.wait_dma2 semaphore(%arg15 : memref<!tpu.dma_semaphore, #tpu.memory_space<semaphore_mem>>) src(%dma_wait3A_56 : memref<128x128xf32, #tpu.memory_space<hbm>>) dst(%arg13 : memref<128x128xf32, #tpu.memory_space<vmem>>)
    %add3A_57 = arith.constant 128 : i32
    %add3A_58 = arith.addi %mul3A_2, %add3A_57 : i32
    %dma_start3A_59 = arith.constant 0 : i32
    %dma_start3A_60 = tpu.memref_slice %arg6[%add3A_58, %dma_start3A_59] : memref<327680x128xf32, #tpu.memory_space<hbm>> -> memref<128x128xf32, #tpu.memory_space<hbm>>
    %dma_start3A_61 = arith.constant 0 : i32
    %dma_start3A_62 = tpu.memref_slice %arg6[%add3A_58, %dma_start3A_61] : memref<327680x128xf32, #tpu.memory_space<hbm>> -> memref<128x128xf32, #tpu.memory_space<hbm>>
    tpu.enqueue_dma source(%arg12 : memref<128x128xf32, #tpu.memory_space<vmem>>) target(%dma_start3A_62 : memref<128x128xf32, #tpu.memory_space<hbm>>) target_semaphore(%arg17 : memref<!tpu.dma_semaphore, #tpu.memory_space<semaphore_mem>>)
    %add3A_63 = arith.constant 128 : i32
    %add3A_64 = arith.addi %mul3A_2, %add3A_63 : i32
    %dma_start3A_65 = arith.constant 0 : i32
    %dma_start3A_66 = tpu.memref_slice %arg7[%add3A_64, %dma_start3A_65] : memref<327680x128xf32, #tpu.memory_space<hbm>> -> memref<128x128xf32, #tpu.memory_space<hbm>>
    %dma_start3A_67 = arith.constant 0 : i32
    %dma_start3A_68 = tpu.memref_slice %arg7[%add3A_64, %dma_start3A_67] : memref<327680x128xf32, #tpu.memory_space<hbm>> -> memref<128x128xf32, #tpu.memory_space<hbm>>
    tpu.enqueue_dma source(%arg13 : memref<128x128xf32, #tpu.memory_space<vmem>>) target(%dma_start3A_68 : memref<128x128xf32, #tpu.memory_space<hbm>>) target_semaphore(%arg17 : memref<!tpu.dma_semaphore, #tpu.memory_space<semaphore_mem>>)
    %add3A_69 = arith.constant 0 : i32
    %add3A_70 = arith.addi %mul3A_2, %add3A_69 : i32
    %dma_wait3A_71 = arith.constant 0 : i32
    %dma_wait3A_72 = tpu.memref_slice %arg6[%add3A_70, %dma_wait3A_71] : memref<327680x128xf32, #tpu.memory_space<hbm>> -> memref<128x128xf32, #tpu.memory_space<hbm>>
    %dma_wait3A_73 = arith.constant 0 : i32
    %dma_wait3A_74 = tpu.memref_slice %arg6[%add3A_70, %dma_wait3A_73] : memref<327680x128xf32, #tpu.memory_space<hbm>> -> memref<128x128xf32, #tpu.memory_space<hbm>>
    tpu.wait_dma2 semaphore(%arg16 : memref<!tpu.dma_semaphore, #tpu.memory_space<semaphore_mem>>) src(%arg10 : memref<128x128xf32, #tpu.memory_space<vmem>>) dst(%dma_wait3A_74 : memref<128x128xf32, #tpu.memory_space<hbm>>)
    %add3A_75 = arith.constant 0 : i32
    %add3A_76 = arith.addi %mul3A_2, %add3A_75 : i32
    %dma_wait3A_77 = arith.constant 0 : i32
    %dma_wait3A_78 = tpu.memref_slice %arg7[%add3A_76, %dma_wait3A_77] : memref<327680x128xf32, #tpu.memory_space<hbm>> -> memref<128x128xf32, #tpu.memory_space<hbm>>
    %dma_wait3A_79 = arith.constant 0 : i32
    %dma_wait3A_80 = tpu.memref_slice %arg7[%add3A_76, %dma_wait3A_79] : memref<327680x128xf32, #tpu.memory_space<hbm>> -> memref<128x128xf32, #tpu.memory_space<hbm>>
    tpu.wait_dma2 semaphore(%arg16 : memref<!tpu.dma_semaphore, #tpu.memory_space<semaphore_mem>>) src(%arg11 : memref<128x128xf32, #tpu.memory_space<vmem>>) dst(%dma_wait3A_80 : memref<128x128xf32, #tpu.memory_space<hbm>>)
    %dma_start3A_81 = arith.constant 256 : i32
    %dma_start3A_82 = tpu.memref_slice %arg8[%dma_start3A_81] : memref<10240xi32, #tpu.memory_space<vmem>> -> memref<128xi32, #tpu.memory_space<vmem>>
    %dma_start3A_83 = arith.constant 0 : i32
    %dma_start3A_84 = arith.constant 0 : i32
    %dma_start3A_85 = tpu.memref_slice %arg2[%dma_start3A_83, %dma_start3A_84] : memref<10000x128xf32, #tpu.memory_space<hbm>> -> memref<10000x128xf32, #tpu.memory_space<hbm>>
    tpu.enqueue_indirect_dma source(%dma_start3A_85 : memref<10000x128xf32, #tpu.memory_space<hbm>>) target(%arg10 : memref<128x128xf32, #tpu.memory_space<vmem>>) offsets(%dma_start3A_82 : memref<128xi32, #tpu.memory_space<vmem>>) semaphore(%arg14 : memref<!tpu.dma_semaphore, #tpu.memory_space<semaphore_mem>>)
    %dma_start3A_86 = arith.constant 256 : i32
    %dma_start3A_87 = tpu.memref_slice %arg9[%dma_start3A_86] : memref<10240xi32, #tpu.memory_space<vmem>> -> memref<128xi32, #tpu.memory_space<vmem>>
    %dma_start3A_88 = arith.constant 0 : i32
    %dma_start3A_89 = arith.constant 0 : i32
    %dma_start3A_90 = tpu.memref_slice %arg3[%dma_start3A_88, %dma_start3A_89] : memref<10000x128xf32, #tpu.memory_space<hbm>> -> memref<10000x128xf32, #tpu.memory_space<hbm>>
    tpu.enqueue_indirect_dma source(%dma_start3A_90 : memref<10000x128xf32, #tpu.memory_space<hbm>>) target(%arg11 : memref<128x128xf32, #tpu.memory_space<vmem>>) offsets(%dma_start3A_87 : memref<128xi32, #tpu.memory_space<vmem>>) semaphore(%arg14 : memref<!tpu.dma_semaphore, #tpu.memory_space<semaphore_mem>>)
    %scan3A = arith.constant 0 : i32
    %scan3A_91 = arith.constant 38 : i32
    %scan3A_92 = arith.addi %scan3A, %scan3A_91 : i32
    %scan3A_93 = arith.constant 1 : i32
    scf.for %scan3A_189 = %scan3A to %scan3A_92 step %scan3A_93  : i32 {
      %mul3A_190 = arith.constant 1 : i32
      %mul3A_191 = arith.muli %scan3A_189, %mul3A_190 : i32
      %add3A_192 = arith.constant 1 : i32
      %add3A_193 = arith.addi %add3A_192, %mul3A_191 : i32
      %mul3A_194 = arith.constant 2 : i32
      %mul3A_195 = arith.muli %mul3A_194, %add3A_193 : i32
      %dma_wait3A_196 = arith.constant 0 : i32
      %dma_wait3A_197 = arith.constant 0 : i32
      %dma_wait3A_198 = tpu.memref_slice %arg2[%dma_wait3A_196, %dma_wait3A_197] : memref<10000x128xf32, #tpu.memory_space<hbm>> -> memref<128x128xf32, #tpu.memory_space<hbm>>
      %dma_wait3A_199 = arith.constant 0 : i32
      %dma_wait3A_200 = arith.constant 0 : i32
      %dma_wait3A_201 = tpu.memref_slice %arg2[%dma_wait3A_199, %dma_wait3A_200] : memref<10000x128xf32, #tpu.memory_space<hbm>> -> memref<128x128xf32, #tpu.memory_space<hbm>>
      tpu.wait_dma2 semaphore(%arg14 : memref<!tpu.dma_semaphore, #tpu.memory_space<semaphore_mem>>) src(%dma_wait3A_201 : memref<128x128xf32, #tpu.memory_space<hbm>>) dst(%arg10 : memref<128x128xf32, #tpu.memory_space<vmem>>)
      %dma_wait3A_202 = arith.constant 0 : i32
      %dma_wait3A_203 = arith.constant 0 : i32
      %dma_wait3A_204 = tpu.memref_slice %arg3[%dma_wait3A_202, %dma_wait3A_203] : memref<10000x128xf32, #tpu.memory_space<hbm>> -> memref<128x128xf32, #tpu.memory_space<hbm>>
      %dma_wait3A_205 = arith.constant 0 : i32
      %dma_wait3A_206 = arith.constant 0 : i32
      %dma_wait3A_207 = tpu.memref_slice %arg3[%dma_wait3A_205, %dma_wait3A_206] : memref<10000x128xf32, #tpu.memory_space<hbm>> -> memref<128x128xf32, #tpu.memory_space<hbm>>
      tpu.wait_dma2 semaphore(%arg14 : memref<!tpu.dma_semaphore, #tpu.memory_space<semaphore_mem>>) src(%dma_wait3A_207 : memref<128x128xf32, #tpu.memory_space<hbm>>) dst(%arg11 : memref<128x128xf32, #tpu.memory_space<vmem>>)
      %mul3A_208 = arith.constant 128 : i32
      %mul3A_209 = arith.muli %mul3A_195, %mul3A_208 : i32
      %add3A_210 = arith.addi %mul3A_2, %mul3A_209 : i32
      %dma_start3A_211 = arith.constant 0 : i32
      %dma_start3A_212 = tpu.memref_slice %arg6[%add3A_210, %dma_start3A_211] : memref<327680x128xf32, #tpu.memory_space<hbm>> -> memref<128x128xf32, #tpu.memory_space<hbm>>
      %dma_start3A_213 = arith.constant 0 : i32
      %dma_start3A_214 = tpu.memref_slice %arg6[%add3A_210, %dma_start3A_213] : memref<327680x128xf32, #tpu.memory_space<hbm>> -> memref<128x128xf32, #tpu.memory_space<hbm>>
      tpu.enqueue_dma source(%arg10 : memref<128x128xf32, #tpu.memory_space<vmem>>) target(%dma_start3A_214 : memref<128x128xf32, #tpu.memory_space<hbm>>) target_semaphore(%arg16 : memref<!tpu.dma_semaphore, #tpu.memory_space<semaphore_mem>>)
      %mul3A_215 = arith.constant 128 : i32
      %mul3A_216 = arith.muli %mul3A_195, %mul3A_215 : i32
      %add3A_217 = arith.addi %mul3A_2, %mul3A_216 : i32
      %dma_start3A_218 = arith.constant 0 : i32
      %dma_start3A_219 = tpu.memref_slice %arg7[%add3A_217, %dma_start3A_218] : memref<327680x128xf32, #tpu.memory_space<hbm>> -> memref<128x128xf32, #tpu.memory_space<hbm>>
      %dma_start3A_220 = arith.constant 0 : i32
      %dma_start3A_221 = tpu.memref_slice %arg7[%add3A_217, %dma_start3A_220] : memref<327680x128xf32, #tpu.memory_space<hbm>> -> memref<128x128xf32, #tpu.memory_space<hbm>>
      tpu.enqueue_dma source(%arg11 : memref<128x128xf32, #tpu.memory_space<vmem>>) target(%dma_start3A_221 : memref<128x128xf32, #tpu.memory_space<hbm>>) target_semaphore(%arg16 : memref<!tpu.dma_semaphore, #tpu.memory_space<semaphore_mem>>)
      %sub3A = arith.constant 1 : i32
      %sub3A_222 = arith.subi %mul3A_195, %sub3A : i32
      %mul3A_223 = arith.constant 128 : i32
      %mul3A_224 = arith.muli %sub3A_222, %mul3A_223 : i32
      %add3A_225 = arith.addi %mul3A_2, %mul3A_224 : i32
      %dma_wait3A_226 = arith.constant 0 : i32
      %dma_wait3A_227 = tpu.memref_slice %arg6[%add3A_225, %dma_wait3A_226] : memref<327680x128xf32, #tpu.memory_space<hbm>> -> memref<128x128xf32, #tpu.memory_space<hbm>>
      %dma_wait3A_228 = arith.constant 0 : i32
      %dma_wait3A_229 = tpu.memref_slice %arg6[%add3A_225, %dma_wait3A_228] : memref<327680x128xf32, #tpu.memory_space<hbm>> -> memref<128x128xf32, #tpu.memory_space<hbm>>
      tpu.wait_dma2 semaphore(%arg17 : memref<!tpu.dma_semaphore, #tpu.memory_space<semaphore_mem>>) src(%arg12 : memref<128x128xf32, #tpu.memory_space<vmem>>) dst(%dma_wait3A_229 : memref<128x128xf32, #tpu.memory_space<hbm>>)
      %mul3A_230 = arith.constant 128 : i32
      %mul3A_231 = arith.muli %sub3A_222, %mul3A_230 : i32
      %add3A_232 = arith.addi %mul3A_2, %mul3A_231 : i32
      %dma_wait3A_233 = arith.constant 0 : i32
      %dma_wait3A_234 = tpu.memref_slice %arg7[%add3A_232, %dma_wait3A_233] : memref<327680x128xf32, #tpu.memory_space<hbm>> -> memref<128x128xf32, #tpu.memory_space<hbm>>
      %dma_wait3A_235 = arith.constant 0 : i32
      %dma_wait3A_236 = tpu.memref_slice %arg7[%add3A_232, %dma_wait3A_235] : memref<327680x128xf32, #tpu.memory_space<hbm>> -> memref<128x128xf32, #tpu.memory_space<hbm>>
      tpu.wait_dma2 semaphore(%arg17 : memref<!tpu.dma_semaphore, #tpu.memory_space<semaphore_mem>>) src(%arg13 : memref<128x128xf32, #tpu.memory_space<vmem>>) dst(%dma_wait3A_236 : memref<128x128xf32, #tpu.memory_space<hbm>>)
      %add3A_237 = arith.constant 1 : i32
      %add3A_238 = arith.addi %mul3A_195, %add3A_237 : i32
      %mul3A_239 = arith.constant 128 : i32
      %mul3A_240 = arith.muli %add3A_238, %mul3A_239 : i32
      %dma_start3A_241 = tpu.memref_slice %arg8[%mul3A_240] : memref<10240xi32, #tpu.memory_space<vmem>> -> memref<128xi32, #tpu.memory_space<vmem>>
      %dma_start3A_242 = arith.constant 0 : i32
      %dma_start3A_243 = arith.constant 0 : i32
      %dma_start3A_244 = tpu.memref_slice %arg2[%dma_start3A_242, %dma_start3A_243] : memref<10000x128xf32, #tpu.memory_space<hbm>> -> memref<10000x128xf32, #tpu.memory_space<hbm>>
      tpu.enqueue_indirect_dma source(%dma_start3A_244 : memref<10000x128xf32, #tpu.memory_space<hbm>>) target(%arg12 : memref<128x128xf32, #tpu.memory_space<vmem>>) offsets(%dma_start3A_241 : memref<128xi32, #tpu.memory_space<vmem>>) semaphore(%arg15 : memref<!tpu.dma_semaphore, #tpu.memory_space<semaphore_mem>>)
      %mul3A_245 = arith.constant 128 : i32
      %mul3A_246 = arith.muli %add3A_238, %mul3A_245 : i32
      %dma_start3A_247 = tpu.memref_slice %arg9[%mul3A_246] : memref<10240xi32, #tpu.memory_space<vmem>> -> memref<128xi32, #tpu.memory_space<vmem>>
      %dma_start3A_248 = arith.constant 0 : i32
      %dma_start3A_249 = arith.constant 0 : i32
      %dma_start3A_250 = tpu.memref_slice %arg3[%dma_start3A_248, %dma_start3A_249] : memref<10000x128xf32, #tpu.memory_space<hbm>> -> memref<10000x128xf32, #tpu.memory_space<hbm>>
      tpu.enqueue_indirect_dma source(%dma_start3A_250 : memref<10000x128xf32, #tpu.memory_space<hbm>>) target(%arg13 : memref<128x128xf32, #tpu.memory_space<vmem>>) offsets(%dma_start3A_247 : memref<128xi32, #tpu.memory_space<vmem>>) semaphore(%arg15 : memref<!tpu.dma_semaphore, #tpu.memory_space<semaphore_mem>>)
      %dma_wait3A_251 = arith.constant 0 : i32
      %dma_wait3A_252 = arith.constant 0 : i32
      %dma_wait3A_253 = tpu.memref_slice %arg2[%dma_wait3A_251, %dma_wait3A_252] : memref<10000x128xf32, #tpu.memory_space<hbm>> -> memref<128x128xf32, #tpu.memory_space<hbm>>
      %dma_wait3A_254 = arith.constant 0 : i32
      %dma_wait3A_255 = arith.constant 0 : i32
      %dma_wait3A_256 = tpu.memref_slice %arg2[%dma_wait3A_254, %dma_wait3A_255] : memref<10000x128xf32, #tpu.memory_space<hbm>> -> memref<128x128xf32, #tpu.memory_space<hbm>>
      tpu.wait_dma2 semaphore(%arg15 : memref<!tpu.dma_semaphore, #tpu.memory_space<semaphore_mem>>) src(%dma_wait3A_256 : memref<128x128xf32, #tpu.memory_space<hbm>>) dst(%arg12 : memref<128x128xf32, #tpu.memory_space<vmem>>)
      %dma_wait3A_257 = arith.constant 0 : i32
      %dma_wait3A_258 = arith.constant 0 : i32
      %dma_wait3A_259 = tpu.memref_slice %arg3[%dma_wait3A_257, %dma_wait3A_258] : memref<10000x128xf32, #tpu.memory_space<hbm>> -> memref<128x128xf32, #tpu.memory_space<hbm>>
      %dma_wait3A_260 = arith.constant 0 : i32
      %dma_wait3A_261 = arith.constant 0 : i32
      %dma_wait3A_262 = tpu.memref_slice %arg3[%dma_wait3A_260, %dma_wait3A_261] : memref<10000x128xf32, #tpu.memory_space<hbm>> -> memref<128x128xf32, #tpu.memory_space<hbm>>
      tpu.wait_dma2 semaphore(%arg15 : memref<!tpu.dma_semaphore, #tpu.memory_space<semaphore_mem>>) src(%dma_wait3A_262 : memref<128x128xf32, #tpu.memory_space<hbm>>) dst(%arg13 : memref<128x128xf32, #tpu.memory_space<vmem>>)
      %add3A_263 = arith.constant 1 : i32
      %add3A_264 = arith.addi %mul3A_195, %add3A_263 : i32
      %mul3A_265 = arith.constant 128 : i32
      %mul3A_266 = arith.muli %add3A_264, %mul3A_265 : i32
      %add3A_267 = arith.addi %mul3A_2, %mul3A_266 : i32
      %dma_start3A_268 = arith.constant 0 : i32
      %dma_start3A_269 = tpu.memref_slice %arg6[%add3A_267, %dma_start3A_268] : memref<327680x128xf32, #tpu.memory_space<hbm>> -> memref<128x128xf32, #tpu.memory_space<hbm>>
      %dma_start3A_270 = arith.constant 0 : i32
      %dma_start3A_271 = tpu.memref_slice %arg6[%add3A_267, %dma_start3A_270] : memref<327680x128xf32, #tpu.memory_space<hbm>> -> memref<128x128xf32, #tpu.memory_space<hbm>>
      tpu.enqueue_dma source(%arg12 : memref<128x128xf32, #tpu.memory_space<vmem>>) target(%dma_start3A_271 : memref<128x128xf32, #tpu.memory_space<hbm>>) target_semaphore(%arg17 : memref<!tpu.dma_semaphore, #tpu.memory_space<semaphore_mem>>)
      %mul3A_272 = arith.constant 128 : i32
      %mul3A_273 = arith.muli %add3A_264, %mul3A_272 : i32
      %add3A_274 = arith.addi %mul3A_2, %mul3A_273 : i32
      %dma_start3A_275 = arith.constant 0 : i32
      %dma_start3A_276 = tpu.memref_slice %arg7[%add3A_274, %dma_start3A_275] : memref<327680x128xf32, #tpu.memory_space<hbm>> -> memref<128x128xf32, #tpu.memory_space<hbm>>
      %dma_start3A_277 = arith.constant 0 : i32
      %dma_start3A_278 = tpu.memref_slice %arg7[%add3A_274, %dma_start3A_277] : memref<327680x128xf32, #tpu.memory_space<hbm>> -> memref<128x128xf32, #tpu.memory_space<hbm>>
      tpu.enqueue_dma source(%arg13 : memref<128x128xf32, #tpu.memory_space<vmem>>) target(%dma_start3A_278 : memref<128x128xf32, #tpu.memory_space<hbm>>) target_semaphore(%arg17 : memref<!tpu.dma_semaphore, #tpu.memory_space<semaphore_mem>>)
      %mul3A_279 = arith.constant 128 : i32
      %mul3A_280 = arith.muli %mul3A_195, %mul3A_279 : i32
      %add3A_281 = arith.addi %mul3A_2, %mul3A_280 : i32
      %dma_wait3A_282 = arith.constant 0 : i32
      %dma_wait3A_283 = tpu.memref_slice %arg6[%add3A_281, %dma_wait3A_282] : memref<327680x128xf32, #tpu.memory_space<hbm>> -> memref<128x128xf32, #tpu.memory_space<hbm>>
      %dma_wait3A_284 = arith.constant 0 : i32
      %dma_wait3A_285 = tpu.memref_slice %arg6[%add3A_281, %dma_wait3A_284] : memref<327680x128xf32, #tpu.memory_space<hbm>> -> memref<128x128xf32, #tpu.memory_space<hbm>>
      tpu.wait_dma2 semaphore(%arg16 : memref<!tpu.dma_semaphore, #tpu.memory_space<semaphore_mem>>) src(%arg10 : memref<128x128xf32, #tpu.memory_space<vmem>>) dst(%dma_wait3A_285 : memref<128x128xf32, #tpu.memory_space<hbm>>)
      %mul3A_286 = arith.constant 128 : i32
      %mul3A_287 = arith.muli %mul3A_195, %mul3A_286 : i32
      %add3A_288 = arith.addi %mul3A_2, %mul3A_287 : i32
      %dma_wait3A_289 = arith.constant 0 : i32
      %dma_wait3A_290 = tpu.memref_slice %arg7[%add3A_288, %dma_wait3A_289] : memref<327680x128xf32, #tpu.memory_space<hbm>> -> memref<128x128xf32, #tpu.memory_space<hbm>>
      %dma_wait3A_291 = arith.constant 0 : i32
      %dma_wait3A_292 = tpu.memref_slice %arg7[%add3A_288, %dma_wait3A_291] : memref<327680x128xf32, #tpu.memory_space<hbm>> -> memref<128x128xf32, #tpu.memory_space<hbm>>
      tpu.wait_dma2 semaphore(%arg16 : memref<!tpu.dma_semaphore, #tpu.memory_space<semaphore_mem>>) src(%arg11 : memref<128x128xf32, #tpu.memory_space<vmem>>) dst(%dma_wait3A_292 : memref<128x128xf32, #tpu.memory_space<hbm>>)
      %add3A_293 = arith.constant 2 : i32
      %add3A_294 = arith.addi %mul3A_195, %add3A_293 : i32
      %mul3A_295 = arith.constant 128 : i32
      %mul3A_296 = arith.muli %add3A_294, %mul3A_295 : i32
      %dma_start3A_297 = tpu.memref_slice %arg8[%mul3A_296] : memref<10240xi32, #tpu.memory_space<vmem>> -> memref<128xi32, #tpu.memory_space<vmem>>
      %dma_start3A_298 = arith.constant 0 : i32
      %dma_start3A_299 = arith.constant 0 : i32
      %dma_start3A_300 = tpu.memref_slice %arg2[%dma_start3A_298, %dma_start3A_299] : memref<10000x128xf32, #tpu.memory_space<hbm>> -> memref<10000x128xf32, #tpu.memory_space<hbm>>
      tpu.enqueue_indirect_dma source(%dma_start3A_300 : memref<10000x128xf32, #tpu.memory_space<hbm>>) target(%arg10 : memref<128x128xf32, #tpu.memory_space<vmem>>) offsets(%dma_start3A_297 : memref<128xi32, #tpu.memory_space<vmem>>) semaphore(%arg14 : memref<!tpu.dma_semaphore, #tpu.memory_space<semaphore_mem>>)
      %mul3A_301 = arith.constant 128 : i32
      %mul3A_302 = arith.muli %add3A_294, %mul3A_301 : i32
      %dma_start3A_303 = tpu.memref_slice %arg9[%mul3A_302] : memref<10240xi32, #tpu.memory_space<vmem>> -> memref<128xi32, #tpu.memory_space<vmem>>
      %dma_start3A_304 = arith.constant 0 : i32
      %dma_start3A_305 = arith.constant 0 : i32
      %dma_start3A_306 = tpu.memref_slice %arg3[%dma_start3A_304, %dma_start3A_305] : memref<10000x128xf32, #tpu.memory_space<hbm>> -> memref<10000x128xf32, #tpu.memory_space<hbm>>
      tpu.enqueue_indirect_dma source(%dma_start3A_306 : memref<10000x128xf32, #tpu.memory_space<hbm>>) target(%arg11 : memref<128x128xf32, #tpu.memory_space<vmem>>) offsets(%dma_start3A_303 : memref<128xi32, #tpu.memory_space<vmem>>) semaphore(%arg14 : memref<!tpu.dma_semaphore, #tpu.memory_space<semaphore_mem>>)
    }
    %scan3A_94 = arith.constant 38 : i32
    %dma_wait3A_95 = arith.constant 0 : i32
    %dma_wait3A_96 = arith.constant 0 : i32
    %dma_wait3A_97 = tpu.memref_slice %arg2[%dma_wait3A_95, %dma_wait3A_96] : memref<10000x128xf32, #tpu.memory_space<hbm>> -> memref<128x128xf32, #tpu.memory_space<hbm>>
    %dma_wait3A_98 = arith.constant 0 : i32
    %dma_wait3A_99 = arith.constant 0 : i32
    %dma_wait3A_100 = tpu.memref_slice %arg2[%dma_wait3A_98, %dma_wait3A_99] : memref<10000x128xf32, #tpu.memory_space<hbm>> -> memref<128x128xf32, #tpu.memory_space<hbm>>
    tpu.wait_dma2 semaphore(%arg14 : memref<!tpu.dma_semaphore, #tpu.memory_space<semaphore_mem>>) src(%dma_wait3A_100 : memref<128x128xf32, #tpu.memory_space<hbm>>) dst(%arg10 : memref<128x128xf32, #tpu.memory_space<vmem>>)
    %dma_wait3A_101 = arith.constant 0 : i32
    %dma_wait3A_102 = arith.constant 0 : i32
    %dma_wait3A_103 = tpu.memref_slice %arg3[%dma_wait3A_101, %dma_wait3A_102] : memref<10000x128xf32, #tpu.memory_space<hbm>> -> memref<128x128xf32, #tpu.memory_space<hbm>>
    %dma_wait3A_104 = arith.constant 0 : i32
    %dma_wait3A_105 = arith.constant 0 : i32
    %dma_wait3A_106 = tpu.memref_slice %arg3[%dma_wait3A_104, %dma_wait3A_105] : memref<10000x128xf32, #tpu.memory_space<hbm>> -> memref<128x128xf32, #tpu.memory_space<hbm>>
    tpu.wait_dma2 semaphore(%arg14 : memref<!tpu.dma_semaphore, #tpu.memory_space<semaphore_mem>>) src(%dma_wait3A_106 : memref<128x128xf32, #tpu.memory_space<hbm>>) dst(%arg11 : memref<128x128xf32, #tpu.memory_space<vmem>>)
    %add3A_107 = arith.constant 9984 : i32
    %add3A_108 = arith.addi %mul3A_2, %add3A_107 : i32
    %dma_start3A_109 = arith.constant 0 : i32
    %dma_start3A_110 = tpu.memref_slice %arg6[%add3A_108, %dma_start3A_109] : memref<327680x128xf32, #tpu.memory_space<hbm>> -> memref<128x128xf32, #tpu.memory_space<hbm>>
    %dma_start3A_111 = arith.constant 0 : i32
    %dma_start3A_112 = tpu.memref_slice %arg6[%add3A_108, %dma_start3A_111] : memref<327680x128xf32, #tpu.memory_space<hbm>> -> memref<128x128xf32, #tpu.memory_space<hbm>>
    tpu.enqueue_dma source(%arg10 : memref<128x128xf32, #tpu.memory_space<vmem>>) target(%dma_start3A_112 : memref<128x128xf32, #tpu.memory_space<hbm>>) target_semaphore(%arg16 : memref<!tpu.dma_semaphore, #tpu.memory_space<semaphore_mem>>)
    %add3A_113 = arith.constant 9984 : i32
    %add3A_114 = arith.addi %mul3A_2, %add3A_113 : i32
    %dma_start3A_115 = arith.constant 0 : i32
    %dma_start3A_116 = tpu.memref_slice %arg7[%add3A_114, %dma_start3A_115] : memref<327680x128xf32, #tpu.memory_space<hbm>> -> memref<128x128xf32, #tpu.memory_space<hbm>>
    %dma_start3A_117 = arith.constant 0 : i32
    %dma_start3A_118 = tpu.memref_slice %arg7[%add3A_114, %dma_start3A_117] : memref<327680x128xf32, #tpu.memory_space<hbm>> -> memref<128x128xf32, #tpu.memory_space<hbm>>
    tpu.enqueue_dma source(%arg11 : memref<128x128xf32, #tpu.memory_space<vmem>>) target(%dma_start3A_118 : memref<128x128xf32, #tpu.memory_space<hbm>>) target_semaphore(%arg16 : memref<!tpu.dma_semaphore, #tpu.memory_space<semaphore_mem>>)
    %add3A_119 = arith.constant 9856 : i32
    %add3A_120 = arith.addi %mul3A_2, %add3A_119 : i32
    %dma_wait3A_121 = arith.constant 0 : i32
    %dma_wait3A_122 = tpu.memref_slice %arg6[%add3A_120, %dma_wait3A_121] : memref<327680x128xf32, #tpu.memory_space<hbm>> -> memref<128x128xf32, #tpu.memory_space<hbm>>
    %dma_wait3A_123 = arith.constant 0 : i32
    %dma_wait3A_124 = tpu.memref_slice %arg6[%add3A_120, %dma_wait3A_123] : memref<327680x128xf32, #tpu.memory_space<hbm>> -> memref<128x128xf32, #tpu.memory_space<hbm>>
    tpu.wait_dma2 semaphore(%arg17 : memref<!tpu.dma_semaphore, #tpu.memory_space<semaphore_mem>>) src(%arg12 : memref<128x128xf32, #tpu.memory_space<vmem>>) dst(%dma_wait3A_124 : memref<128x128xf32, #tpu.memory_space<hbm>>)
    %add3A_125 = arith.constant 9856 : i32
    %add3A_126 = arith.addi %mul3A_2, %add3A_125 : i32
    %dma_wait3A_127 = arith.constant 0 : i32
    %dma_wait3A_128 = tpu.memref_slice %arg7[%add3A_126, %dma_wait3A_127] : memref<327680x128xf32, #tpu.memory_space<hbm>> -> memref<128x128xf32, #tpu.memory_space<hbm>>
    %dma_wait3A_129 = arith.constant 0 : i32
    %dma_wait3A_130 = tpu.memref_slice %arg7[%add3A_126, %dma_wait3A_129] : memref<327680x128xf32, #tpu.memory_space<hbm>> -> memref<128x128xf32, #tpu.memory_space<hbm>>
    tpu.wait_dma2 semaphore(%arg17 : memref<!tpu.dma_semaphore, #tpu.memory_space<semaphore_mem>>) src(%arg13 : memref<128x128xf32, #tpu.memory_space<vmem>>) dst(%dma_wait3A_130 : memref<128x128xf32, #tpu.memory_space<hbm>>)
    %dma_start3A_131 = arith.constant 10112 : i32
    %dma_start3A_132 = tpu.memref_slice %arg8[%dma_start3A_131] : memref<10240xi32, #tpu.memory_space<vmem>> -> memref<128xi32, #tpu.memory_space<vmem>>
    %dma_start3A_133 = arith.constant 0 : i32
    %dma_start3A_134 = arith.constant 0 : i32
    %dma_start3A_135 = tpu.memref_slice %arg2[%dma_start3A_133, %dma_start3A_134] : memref<10000x128xf32, #tpu.memory_space<hbm>> -> memref<10000x128xf32, #tpu.memory_space<hbm>>
    tpu.enqueue_indirect_dma source(%dma_start3A_135 : memref<10000x128xf32, #tpu.memory_space<hbm>>) target(%arg12 : memref<128x128xf32, #tpu.memory_space<vmem>>) offsets(%dma_start3A_132 : memref<128xi32, #tpu.memory_space<vmem>>) semaphore(%arg15 : memref<!tpu.dma_semaphore, #tpu.memory_space<semaphore_mem>>)
    %dma_start3A_136 = arith.constant 10112 : i32
    %dma_start3A_137 = tpu.memref_slice %arg9[%dma_start3A_136] : memref<10240xi32, #tpu.memory_space<vmem>> -> memref<128xi32, #tpu.memory_space<vmem>>
    %dma_start3A_138 = arith.constant 0 : i32
    %dma_start3A_139 = arith.constant 0 : i32
    %dma_start3A_140 = tpu.memref_slice %arg3[%dma_start3A_138, %dma_start3A_139] : memref<10000x128xf32, #tpu.memory_space<hbm>> -> memref<10000x128xf32, #tpu.memory_space<hbm>>
    tpu.enqueue_indirect_dma source(%dma_start3A_140 : memref<10000x128xf32, #tpu.memory_space<hbm>>) target(%arg13 : memref<128x128xf32, #tpu.memory_space<vmem>>) offsets(%dma_start3A_137 : memref<128xi32, #tpu.memory_space<vmem>>) semaphore(%arg15 : memref<!tpu.dma_semaphore, #tpu.memory_space<semaphore_mem>>)
    %dma_wait3A_141 = arith.constant 0 : i32
    %dma_wait3A_142 = arith.constant 0 : i32
    %dma_wait3A_143 = tpu.memref_slice %arg2[%dma_wait3A_141, %dma_wait3A_142] : memref<10000x128xf32, #tpu.memory_space<hbm>> -> memref<128x128xf32, #tpu.memory_space<hbm>>
    %dma_wait3A_144 = arith.constant 0 : i32
    %dma_wait3A_145 = arith.constant 0 : i32
    %dma_wait3A_146 = tpu.memref_slice %arg2[%dma_wait3A_144, %dma_wait3A_145] : memref<10000x128xf32, #tpu.memory_space<hbm>> -> memref<128x128xf32, #tpu.memory_space<hbm>>
    tpu.wait_dma2 semaphore(%arg15 : memref<!tpu.dma_semaphore, #tpu.memory_space<semaphore_mem>>) src(%dma_wait3A_146 : memref<128x128xf32, #tpu.memory_space<hbm>>) dst(%arg12 : memref<128x128xf32, #tpu.memory_space<vmem>>)
    %dma_wait3A_147 = arith.constant 0 : i32
    %dma_wait3A_148 = arith.constant 0 : i32
    %dma_wait3A_149 = tpu.memref_slice %arg3[%dma_wait3A_147, %dma_wait3A_148] : memref<10000x128xf32, #tpu.memory_space<hbm>> -> memref<128x128xf32, #tpu.memory_space<hbm>>
    %dma_wait3A_150 = arith.constant 0 : i32
    %dma_wait3A_151 = arith.constant 0 : i32
    %dma_wait3A_152 = tpu.memref_slice %arg3[%dma_wait3A_150, %dma_wait3A_151] : memref<10000x128xf32, #tpu.memory_space<hbm>> -> memref<128x128xf32, #tpu.memory_space<hbm>>
    tpu.wait_dma2 semaphore(%arg15 : memref<!tpu.dma_semaphore, #tpu.memory_space<semaphore_mem>>) src(%dma_wait3A_152 : memref<128x128xf32, #tpu.memory_space<hbm>>) dst(%arg13 : memref<128x128xf32, #tpu.memory_space<vmem>>)
    %add3A_153 = arith.constant 10112 : i32
    %add3A_154 = arith.addi %mul3A_2, %add3A_153 : i32
    %dma_start3A_155 = arith.constant 0 : i32
    %dma_start3A_156 = tpu.memref_slice %arg6[%add3A_154, %dma_start3A_155] : memref<327680x128xf32, #tpu.memory_space<hbm>> -> memref<128x128xf32, #tpu.memory_space<hbm>>
    %dma_start3A_157 = arith.constant 0 : i32
    %dma_start3A_158 = tpu.memref_slice %arg6[%add3A_154, %dma_start3A_157] : memref<327680x128xf32, #tpu.memory_space<hbm>> -> memref<128x128xf32, #tpu.memory_space<hbm>>
    tpu.enqueue_dma source(%arg12 : memref<128x128xf32, #tpu.memory_space<vmem>>) target(%dma_start3A_158 : memref<128x128xf32, #tpu.memory_space<hbm>>) target_semaphore(%arg17 : memref<!tpu.dma_semaphore, #tpu.memory_space<semaphore_mem>>)
    %add3A_159 = arith.constant 10112 : i32
    %add3A_160 = arith.addi %mul3A_2, %add3A_159 : i32
    %dma_start3A_161 = arith.constant 0 : i32
    %dma_start3A_162 = tpu.memref_slice %arg7[%add3A_160, %dma_start3A_161] : memref<327680x128xf32, #tpu.memory_space<hbm>> -> memref<128x128xf32, #tpu.memory_space<hbm>>
    %dma_start3A_163 = arith.constant 0 : i32
    %dma_start3A_164 = tpu.memref_slice %arg7[%add3A_160, %dma_start3A_163] : memref<327680x128xf32, #tpu.memory_space<hbm>> -> memref<128x128xf32, #tpu.memory_space<hbm>>
    tpu.enqueue_dma source(%arg13 : memref<128x128xf32, #tpu.memory_space<vmem>>) target(%dma_start3A_164 : memref<128x128xf32, #tpu.memory_space<hbm>>) target_semaphore(%arg17 : memref<!tpu.dma_semaphore, #tpu.memory_space<semaphore_mem>>)
    %add3A_165 = arith.constant 9984 : i32
    %add3A_166 = arith.addi %mul3A_2, %add3A_165 : i32
    %dma_wait3A_167 = arith.constant 0 : i32
    %dma_wait3A_168 = tpu.memref_slice %arg6[%add3A_166, %dma_wait3A_167] : memref<327680x128xf32, #tpu.memory_space<hbm>> -> memref<128x128xf32, #tpu.memory_space<hbm>>
    %dma_wait3A_169 = arith.constant 0 : i32
    %dma_wait3A_170 = tpu.memref_slice %arg6[%add3A_166, %dma_wait3A_169] : memref<327680x128xf32, #tpu.memory_space<hbm>> -> memref<128x128xf32, #tpu.memory_space<hbm>>
    tpu.wait_dma2 semaphore(%arg16 : memref<!tpu.dma_semaphore, #tpu.memory_space<semaphore_mem>>) src(%arg10 : memref<128x128xf32, #tpu.memory_space<vmem>>) dst(%dma_wait3A_170 : memref<128x128xf32, #tpu.memory_space<hbm>>)
    %add3A_171 = arith.constant 9984 : i32
    %add3A_172 = arith.addi %mul3A_2, %add3A_171 : i32
    %dma_wait3A_173 = arith.constant 0 : i32
    %dma_wait3A_174 = tpu.memref_slice %arg7[%add3A_172, %dma_wait3A_173] : memref<327680x128xf32, #tpu.memory_space<hbm>> -> memref<128x128xf32, #tpu.memory_space<hbm>>
    %dma_wait3A_175 = arith.constant 0 : i32
    %dma_wait3A_176 = tpu.memref_slice %arg7[%add3A_172, %dma_wait3A_175] : memref<327680x128xf32, #tpu.memory_space<hbm>> -> memref<128x128xf32, #tpu.memory_space<hbm>>
    tpu.wait_dma2 semaphore(%arg16 : memref<!tpu.dma_semaphore, #tpu.memory_space<semaphore_mem>>) src(%arg11 : memref<128x128xf32, #tpu.memory_space<vmem>>) dst(%dma_wait3A_176 : memref<128x128xf32, #tpu.memory_space<hbm>>)
    %add3A_177 = arith.constant 10112 : i32
    %add3A_178 = arith.addi %mul3A_2, %add3A_177 : i32
    %dma_wait3A_179 = arith.constant 0 : i32
    %dma_wait3A_180 = tpu.memref_slice %arg6[%add3A_178, %dma_wait3A_179] : memref<327680x128xf32, #tpu.memory_space<hbm>> -> memref<128x128xf32, #tpu.memory_space<hbm>>
    %dma_wait3A_181 = arith.constant 0 : i32
    %dma_wait3A_182 = tpu.memref_slice %arg6[%add3A_178, %dma_wait3A_181] : memref<327680x128xf32, #tpu.memory_space<hbm>> -> memref<128x128xf32, #tpu.memory_space<hbm>>
    tpu.wait_dma2 semaphore(%arg17 : memref<!tpu.dma_semaphore, #tpu.memory_space<semaphore_mem>>) src(%arg12 : memref<128x128xf32, #tpu.memory_space<vmem>>) dst(%dma_wait3A_182 : memref<128x128xf32, #tpu.memory_space<hbm>>)
    %add3A_183 = arith.constant 10112 : i32
    %add3A_184 = arith.addi %mul3A_2, %add3A_183 : i32
    %dma_wait3A_185 = arith.constant 0 : i32
    %dma_wait3A_186 = tpu.memref_slice %arg7[%add3A_184, %dma_wait3A_185] : memref<327680x128xf32, #tpu.memory_space<hbm>> -> memref<128x128xf32, #tpu.memory_space<hbm>>
    %dma_wait3A_187 = arith.constant 0 : i32
    %dma_wait3A_188 = tpu.memref_slice %arg7[%add3A_184, %dma_wait3A_187] : memref<327680x128xf32, #tpu.memory_space<hbm>> -> memref<128x128xf32, #tpu.memory_space<hbm>>
    tpu.wait_dma2 semaphore(%arg17 : memref<!tpu.dma_semaphore, #tpu.memory_space<semaphore_mem>>) src(%arg13 : memref<128x128xf32, #tpu.memory_space<vmem>>) dst(%dma_wait3A_188 : memref<128x128xf32, #tpu.memory_space<hbm>>)
    return
  }
}

#map = affine_map<(d0, d1) -> (0)>
module attributes {stable_mosaic.version = 14 : i64} {
  func.func @_alpha_body(%arg0: i32, %arg1: i32, %arg2: memref<1310720xf32, #tpu.memory_space<hbm>>, %arg3: memref<1310720xi32, #tpu.memory_space<hbm>>, %arg4: memref<40960xf32, #tpu.memory_space<hbm>>, %arg5: memref<1310720xf32, #tpu.memory_space<hbm>>, %arg6: memref<40960xf32, #tpu.memory_space<vmem>>, %arg7: memref<8192xf32, #tpu.memory_space<vmem>>, %arg8: memref<8192xi32, #tpu.memory_space<vmem>>, %arg9: memref<8192xf32, #tpu.memory_space<vmem>>) attributes {dimension_semantics = [#tpu.dimension_semantics<core_parallel>, #tpu.dimension_semantics<subcore_parallel>], iteration_bounds = array<i64: 2, 16>, scalar_prefetch = 0 : i64, scratch_operands = 4 : i64, tpu.core_type = #tpu.core_type<sc_vector_subcore>, window_params = [{transform_indices = #map}, {transform_indices = #map}, {transform_indices = #map}, {transform_indices = #map}]} {
    %mul3A = arith.constant 2 : i32
    %mul3A_0 = arith.muli %arg1, %mul3A : i32
    %add3A = arith.addi %mul3A_0, %arg0 : i32
    %mul3A_1 = arith.constant 40960 : i32
    %mul3A_2 = arith.muli %add3A, %mul3A_1 : i32
    "tpu.region"() ({
      %run_scoped3A = tpu.sem_alloc : memref<!tpu.dma_semaphore, #tpu.memory_space<semaphore_mem>>
      tpu.enqueue_dma source(%arg4 : memref<40960xf32, #tpu.memory_space<hbm>>) target(%arg6 : memref<40960xf32, #tpu.memory_space<vmem>>) target_semaphore(%run_scoped3A : memref<!tpu.dma_semaphore, #tpu.memory_space<semaphore_mem>>)
      tpu.wait_dma2 semaphore(%run_scoped3A : memref<!tpu.dma_semaphore, #tpu.memory_space<semaphore_mem>>) src(%arg4 : memref<40960xf32, #tpu.memory_space<hbm>>) dst(%arg6 : memref<40960xf32, #tpu.memory_space<vmem>>)
      tpu.yield
    }) : () -> ()
    %scan3A = arith.constant 0 : i32
    %scan3A_3 = arith.constant 5 : i32
    %scan3A_4 = arith.addi %scan3A, %scan3A_3 : i32
    %scan3A_5 = arith.constant 1 : i32
    scf.for %scan3A_7 = %scan3A to %scan3A_4 step %scan3A_5  : i32 {
      %mul3A_8 = arith.constant 8192 : i32
      %mul3A_9 = arith.muli %scan3A_7, %mul3A_8 : i32
      %add3A_10 = arith.constant 0 : i32
      %add3A_11 = arith.addi %add3A_10, %mul3A_9 : i32
      %add3A_12 = arith.addi %mul3A_2, %add3A_11 : i32
      "tpu.region"() ({
        %run_scoped3A = tpu.sem_alloc : memref<!tpu.dma_semaphore, #tpu.memory_space<semaphore_mem>>
        %dma_start3A = tpu.memref_slice %arg2[%add3A_12] : memref<1310720xf32, #tpu.memory_space<hbm>> -> memref<8192xf32, #tpu.memory_space<hbm>>
        %dma_start3A_20 = tpu.memref_slice %arg2[%add3A_12] : memref<1310720xf32, #tpu.memory_space<hbm>> -> memref<8192xf32, #tpu.memory_space<hbm>>
        tpu.enqueue_dma source(%dma_start3A_20 : memref<8192xf32, #tpu.memory_space<hbm>>) target(%arg7 : memref<8192xf32, #tpu.memory_space<vmem>>) target_semaphore(%run_scoped3A : memref<!tpu.dma_semaphore, #tpu.memory_space<semaphore_mem>>)
        %dma_wait3A = tpu.memref_slice %arg2[%add3A_12] : memref<1310720xf32, #tpu.memory_space<hbm>> -> memref<8192xf32, #tpu.memory_space<hbm>>
        %dma_wait3A_21 = tpu.memref_slice %arg2[%add3A_12] : memref<1310720xf32, #tpu.memory_space<hbm>> -> memref<8192xf32, #tpu.memory_space<hbm>>
        tpu.wait_dma2 semaphore(%run_scoped3A : memref<!tpu.dma_semaphore, #tpu.memory_space<semaphore_mem>>) src(%dma_wait3A_21 : memref<8192xf32, #tpu.memory_space<hbm>>) dst(%arg7 : memref<8192xf32, #tpu.memory_space<vmem>>)
        tpu.yield
      }) : () -> ()
      %add3A_13 = arith.addi %mul3A_2, %add3A_11 : i32
      "tpu.region"() ({
        %run_scoped3A = tpu.sem_alloc : memref<!tpu.dma_semaphore, #tpu.memory_space<semaphore_mem>>
        %dma_start3A = tpu.memref_slice %arg3[%add3A_13] : memref<1310720xi32, #tpu.memory_space<hbm>> -> memref<8192xi32, #tpu.memory_space<hbm>>
        %dma_start3A_20 = tpu.memref_slice %arg3[%add3A_13] : memref<1310720xi32, #tpu.memory_space<hbm>> -> memref<8192xi32, #tpu.memory_space<hbm>>
        tpu.enqueue_dma source(%dma_start3A_20 : memref<8192xi32, #tpu.memory_space<hbm>>) target(%arg8 : memref<8192xi32, #tpu.memory_space<vmem>>) target_semaphore(%run_scoped3A : memref<!tpu.dma_semaphore, #tpu.memory_space<semaphore_mem>>)
        %dma_wait3A = tpu.memref_slice %arg3[%add3A_13] : memref<1310720xi32, #tpu.memory_space<hbm>> -> memref<8192xi32, #tpu.memory_space<hbm>>
        %dma_wait3A_21 = tpu.memref_slice %arg3[%add3A_13] : memref<1310720xi32, #tpu.memory_space<hbm>> -> memref<8192xi32, #tpu.memory_space<hbm>>
        tpu.wait_dma2 semaphore(%run_scoped3A : memref<!tpu.dma_semaphore, #tpu.memory_space<semaphore_mem>>) src(%dma_wait3A_21 : memref<8192xi32, #tpu.memory_space<hbm>>) dst(%arg8 : memref<8192xi32, #tpu.memory_space<vmem>>)
        tpu.yield
      }) : () -> ()
      %scan3A_14 = arith.constant 0 : i32
      %scan3A_15 = arith.constant 512 : i32
      %scan3A_16 = arith.addi %scan3A_14, %scan3A_15 : i32
      %scan3A_17 = arith.constant 1 : i32
      scf.for %scan3A_20 = %scan3A_14 to %scan3A_16 step %scan3A_17  : i32 {
        %mul3A_21 = arith.constant 16 : i32
        %mul3A_22 = arith.muli %scan3A_20, %mul3A_21 : i32
        %add3A_23 = arith.constant 0 : i32
        %add3A_24 = arith.addi %add3A_23, %mul3A_22 : i32
        %get3A = arith.index_cast %add3A_24 : i32 to index
        %get3A_25 = tpu.vector_load %arg7[%get3A] {strides = array<i32>} : memref<8192xf32, #tpu.memory_space<vmem>>, vector<16xf32>,
        %get3A_26 = arith.index_cast %add3A_24 : i32 to index
        %get3A_27 = tpu.vector_load %arg8[%get3A_26] {strides = array<i32>} : memref<8192xi32, #tpu.memory_space<vmem>>, vector<16xi32>,
        %gather3A = tpu.vector_load_idx %arg6[%get3A_27] : memref<40960xf32, #tpu.memory_space<vmem>>[vector<16xi32>], vector<16xf32>,
        %add3A_28 = arith.constant 1.000000e-16 : f32
        %add3A_29 = vector.broadcast %add3A_28 : f32 to vector<16xf32>
        %add3A_30 = arith.addf %gather3A, %add3A_29 : vector<16xf32>
        %div3A = arith.divf %get3A_25, %add3A_30 : vector<16xf32>
        %swap3A = arith.index_cast %add3A_24 : i32 to index
        %swap3A_31 = tpu.vector_load %arg9[%swap3A] {strides = array<i32>} : memref<8192xf32, #tpu.memory_space<vmem>>, vector<16xf32>,
        tpu.vector_store %arg9[%swap3A], %div3A {strides = array<i32>} : memref<8192xf32, #tpu.memory_space<vmem>>, vector<16xf32>,
      }
      %scan3A_18 = arith.constant 512 : i32
      %add3A_19 = arith.addi %mul3A_2, %add3A_11 : i32
      "tpu.region"() ({
        %run_scoped3A = tpu.sem_alloc : memref<!tpu.dma_semaphore, #tpu.memory_space<semaphore_mem>>
        %dma_start3A = tpu.memref_slice %arg5[%add3A_19] : memref<1310720xf32, #tpu.memory_space<hbm>> -> memref<8192xf32, #tpu.memory_space<hbm>>
        %dma_start3A_20 = tpu.memref_slice %arg5[%add3A_19] : memref<1310720xf32, #tpu.memory_space<hbm>> -> memref<8192xf32, #tpu.memory_space<hbm>>
        tpu.enqueue_dma source(%arg9 : memref<8192xf32, #tpu.memory_space<vmem>>) target(%dma_start3A_20 : memref<8192xf32, #tpu.memory_space<hbm>>) target_semaphore(%run_scoped3A : memref<!tpu.dma_semaphore, #tpu.memory_space<semaphore_mem>>)
        %dma_wait3A = tpu.memref_slice %arg5[%add3A_19] : memref<1310720xf32, #tpu.memory_space<hbm>> -> memref<8192xf32, #tpu.memory_space<hbm>>
        %dma_wait3A_21 = tpu.memref_slice %arg5[%add3A_19] : memref<1310720xf32, #tpu.memory_space<hbm>> -> memref<8192xf32, #tpu.memory_space<hbm>>
        tpu.wait_dma2 semaphore(%run_scoped3A : memref<!tpu.dma_semaphore, #tpu.memory_space<semaphore_mem>>) src(%arg9 : memref<8192xf32, #tpu.memory_space<vmem>>) dst(%dma_wait3A_21 : memref<8192xf32, #tpu.memory_space<hbm>>)
        tpu.yield
      }) : () -> ()
    }
    %scan3A_6 = arith.constant 5 : i32
    return
  }
}

#map = affine_map<(d0, d1) -> (0, 0)>
#map1 = affine_map<(d0, d1) -> (0)>
module attributes {stable_mosaic.version = 14 : i64} {
  func.func @_gather_v_body(%arg0: i32, %arg1: i32, %arg2: memref<10000x128xf32, #tpu.memory_space<hbm>>, %arg3: memref<327680xi32, #tpu.memory_space<hbm>>, %arg4: memref<327680x128xf32, #tpu.memory_space<hbm>>, %arg5: memref<10240xi32, #tpu.memory_space<vmem>>, %arg6: memref<128x128xf32, #tpu.memory_space<vmem>>, %arg7: memref<128x128xf32, #tpu.memory_space<vmem>>, %arg8: memref<!tpu.dma_semaphore, #tpu.memory_space<semaphore_mem>>, %arg9: memref<!tpu.dma_semaphore, #tpu.memory_space<semaphore_mem>>, %arg10: memref<!tpu.dma_semaphore, #tpu.memory_space<semaphore_mem>>, %arg11: memref<!tpu.dma_semaphore, #tpu.memory_space<semaphore_mem>>) attributes {dimension_semantics = [#tpu.dimension_semantics<core_parallel>, #tpu.dimension_semantics<subcore_parallel>], iteration_bounds = array<i64: 2, 16>, scalar_prefetch = 0 : i64, scratch_operands = 7 : i64, tpu.core_type = #tpu.core_type<sc_vector_subcore>, window_params = [{transform_indices = #map}, {transform_indices = #map1}, {transform_indices = #map}]} {
    %mul3A = arith.constant 2 : i32
    %mul3A_0 = arith.muli %arg1, %mul3A : i32
    %add3A = arith.addi %mul3A_0, %arg0 : i32
    %mul3A_1 = arith.constant 10240 : i32
    %mul3A_2 = arith.muli %add3A, %mul3A_1 : i32
    "tpu.region"() ({
      %run_scoped3A = tpu.sem_alloc : memref<!tpu.dma_semaphore, #tpu.memory_space<semaphore_mem>>
      %dma_start3A_97 = tpu.memref_slice %arg3[%mul3A_2] : memref<327680xi32, #tpu.memory_space<hbm>> -> memref<10240xi32, #tpu.memory_space<hbm>>
      %dma_start3A_98 = tpu.memref_slice %arg3[%mul3A_2] : memref<327680xi32, #tpu.memory_space<hbm>> -> memref<10240xi32, #tpu.memory_space<hbm>>
      tpu.enqueue_dma source(%dma_start3A_98 : memref<10240xi32, #tpu.memory_space<hbm>>) target(%arg5 : memref<10240xi32, #tpu.memory_space<vmem>>) target_semaphore(%run_scoped3A : memref<!tpu.dma_semaphore, #tpu.memory_space<semaphore_mem>>)
      %dma_wait3A_99 = tpu.memref_slice %arg3[%mul3A_2] : memref<327680xi32, #tpu.memory_space<hbm>> -> memref<10240xi32, #tpu.memory_space<hbm>>
      %dma_wait3A_100 = tpu.memref_slice %arg3[%mul3A_2] : memref<327680xi32, #tpu.memory_space<hbm>> -> memref<10240xi32, #tpu.memory_space<hbm>>
      tpu.wait_dma2 semaphore(%run_scoped3A : memref<!tpu.dma_semaphore, #tpu.memory_space<semaphore_mem>>) src(%dma_wait3A_100 : memref<10240xi32, #tpu.memory_space<hbm>>) dst(%arg5 : memref<10240xi32, #tpu.memory_space<vmem>>)
      tpu.yield
    }) : () -> ()
    %dma_start3A = arith.constant 0 : i32
    %dma_start3A_3 = tpu.memref_slice %arg5[%dma_start3A] : memref<10240xi32, #tpu.memory_space<vmem>> -> memref<128xi32, #tpu.memory_space<vmem>>
    %dma_start3A_4 = arith.constant 0 : i32
    %dma_start3A_5 = arith.constant 0 : i32
    %dma_start3A_6 = tpu.memref_slice %arg2[%dma_start3A_4, %dma_start3A_5] : memref<10000x128xf32, #tpu.memory_space<hbm>> -> memref<10000x128xf32, #tpu.memory_space<hbm>>
    tpu.enqueue_indirect_dma source(%dma_start3A_6 : memref<10000x128xf32, #tpu.memory_space<hbm>>) target(%arg6 : memref<128x128xf32, #tpu.memory_space<vmem>>) offsets(%dma_start3A_3 : memref<128xi32, #tpu.memory_space<vmem>>) semaphore(%arg8 : memref<!tpu.dma_semaphore, #tpu.memory_space<semaphore_mem>>)
    %dma_wait3A = arith.constant 0 : i32
    %dma_wait3A_7 = arith.constant 0 : i32
    %dma_wait3A_8 = tpu.memref_slice %arg2[%dma_wait3A, %dma_wait3A_7] : memref<10000x128xf32, #tpu.memory_space<hbm>> -> memref<128x128xf32, #tpu.memory_space<hbm>>
    %dma_wait3A_9 = arith.constant 0 : i32
    %dma_wait3A_10 = arith.constant 0 : i32
    %dma_wait3A_11 = tpu.memref_slice %arg2[%dma_wait3A_9, %dma_wait3A_10] : memref<10000x128xf32, #tpu.memory_space<hbm>> -> memref<128x128xf32, #tpu.memory_space<hbm>>
    tpu.wait_dma2 semaphore(%arg8 : memref<!tpu.dma_semaphore, #tpu.memory_space<semaphore_mem>>) src(%dma_wait3A_11 : memref<128x128xf32, #tpu.memory_space<hbm>>) dst(%arg6 : memref<128x128xf32, #tpu.memory_space<vmem>>)
    %add3A_12 = arith.constant 0 : i32
    %add3A_13 = arith.addi %mul3A_2, %add3A_12 : i32
    %dma_start3A_14 = arith.constant 0 : i32
    %dma_start3A_15 = tpu.memref_slice %arg4[%add3A_13, %dma_start3A_14] : memref<327680x128xf32, #tpu.memory_space<hbm>> -> memref<128x128xf32, #tpu.memory_space<hbm>>
    %dma_start3A_16 = arith.constant 0 : i32
    %dma_start3A_17 = tpu.memref_slice %arg4[%add3A_13, %dma_start3A_16] : memref<327680x128xf32, #tpu.memory_space<hbm>> -> memref<128x128xf32, #tpu.memory_space<hbm>>
    tpu.enqueue_dma source(%arg6 : memref<128x128xf32, #tpu.memory_space<vmem>>) target(%dma_start3A_17 : memref<128x128xf32, #tpu.memory_space<hbm>>) target_semaphore(%arg10 : memref<!tpu.dma_semaphore, #tpu.memory_space<semaphore_mem>>)
    %dma_start3A_18 = arith.constant 128 : i32
    %dma_start3A_19 = tpu.memref_slice %arg5[%dma_start3A_18] : memref<10240xi32, #tpu.memory_space<vmem>> -> memref<128xi32, #tpu.memory_space<vmem>>
    %dma_start3A_20 = arith.constant 0 : i32
    %dma_start3A_21 = arith.constant 0 : i32
    %dma_start3A_22 = tpu.memref_slice %arg2[%dma_start3A_20, %dma_start3A_21] : memref<10000x128xf32, #tpu.memory_space<hbm>> -> memref<10000x128xf32, #tpu.memory_space<hbm>>
    tpu.enqueue_indirect_dma source(%dma_start3A_22 : memref<10000x128xf32, #tpu.memory_space<hbm>>) target(%arg7 : memref<128x128xf32, #tpu.memory_space<vmem>>) offsets(%dma_start3A_19 : memref<128xi32, #tpu.memory_space<vmem>>) semaphore(%arg9 : memref<!tpu.dma_semaphore, #tpu.memory_space<semaphore_mem>>)
    %dma_wait3A_23 = arith.constant 0 : i32
    %dma_wait3A_24 = arith.constant 0 : i32
    %dma_wait3A_25 = tpu.memref_slice %arg2[%dma_wait3A_23, %dma_wait3A_24] : memref<10000x128xf32, #tpu.memory_space<hbm>> -> memref<128x128xf32, #tpu.memory_space<hbm>>
    %dma_wait3A_26 = arith.constant 0 : i32
    %dma_wait3A_27 = arith.constant 0 : i32
    %dma_wait3A_28 = tpu.memref_slice %arg2[%dma_wait3A_26, %dma_wait3A_27] : memref<10000x128xf32, #tpu.memory_space<hbm>> -> memref<128x128xf32, #tpu.memory_space<hbm>>
    tpu.wait_dma2 semaphore(%arg9 : memref<!tpu.dma_semaphore, #tpu.memory_space<semaphore_mem>>) src(%dma_wait3A_28 : memref<128x128xf32, #tpu.memory_space<hbm>>) dst(%arg7 : memref<128x128xf32, #tpu.memory_space<vmem>>)
    %add3A_29 = arith.constant 128 : i32
    %add3A_30 = arith.addi %mul3A_2, %add3A_29 : i32
    %dma_start3A_31 = arith.constant 0 : i32
    %dma_start3A_32 = tpu.memref_slice %arg4[%add3A_30, %dma_start3A_31] : memref<327680x128xf32, #tpu.memory_space<hbm>> -> memref<128x128xf32, #tpu.memory_space<hbm>>
    %dma_start3A_33 = arith.constant 0 : i32
    %dma_start3A_34 = tpu.memref_slice %arg4[%add3A_30, %dma_start3A_33] : memref<327680x128xf32, #tpu.memory_space<hbm>> -> memref<128x128xf32, #tpu.memory_space<hbm>>
    tpu.enqueue_dma source(%arg7 : memref<128x128xf32, #tpu.memory_space<vmem>>) target(%dma_start3A_34 : memref<128x128xf32, #tpu.memory_space<hbm>>) target_semaphore(%arg11 : memref<!tpu.dma_semaphore, #tpu.memory_space<semaphore_mem>>)
    %add3A_35 = arith.constant 0 : i32
    %add3A_36 = arith.addi %mul3A_2, %add3A_35 : i32
    %dma_wait3A_37 = arith.constant 0 : i32
    %dma_wait3A_38 = tpu.memref_slice %arg4[%add3A_36, %dma_wait3A_37] : memref<327680x128xf32, #tpu.memory_space<hbm>> -> memref<128x128xf32, #tpu.memory_space<hbm>>
    %dma_wait3A_39 = arith.constant 0 : i32
    %dma_wait3A_40 = tpu.memref_slice %arg4[%add3A_36, %dma_wait3A_39] : memref<327680x128xf32, #tpu.memory_space<hbm>> -> memref<128x128xf32, #tpu.memory_space<hbm>>
    tpu.wait_dma2 semaphore(%arg10 : memref<!tpu.dma_semaphore, #tpu.memory_space<semaphore_mem>>) src(%arg6 : memref<128x128xf32, #tpu.memory_space<vmem>>) dst(%dma_wait3A_40 : memref<128x128xf32, #tpu.memory_space<hbm>>)
    %dma_start3A_41 = arith.constant 256 : i32
    %dma_start3A_42 = tpu.memref_slice %arg5[%dma_start3A_41] : memref<10240xi32, #tpu.memory_space<vmem>> -> memref<128xi32, #tpu.memory_space<vmem>>
    %dma_start3A_43 = arith.constant 0 : i32
    %dma_start3A_44 = arith.constant 0 : i32
    %dma_start3A_45 = tpu.memref_slice %arg2[%dma_start3A_43, %dma_start3A_44] : memref<10000x128xf32, #tpu.memory_space<hbm>> -> memref<10000x128xf32, #tpu.memory_space<hbm>>
    tpu.enqueue_indirect_dma source(%dma_start3A_45 : memref<10000x128xf32, #tpu.memory_space<hbm>>) target(%arg6 : memref<128x128xf32, #tpu.memory_space<vmem>>) offsets(%dma_start3A_42 : memref<128xi32, #tpu.memory_space<vmem>>) semaphore(%arg8 : memref<!tpu.dma_semaphore, #tpu.memory_space<semaphore_mem>>)
    %scan3A = arith.constant 0 : i32
    %scan3A_46 = arith.constant 38 : i32
    %scan3A_47 = arith.addi %scan3A, %scan3A_46 : i32
    %scan3A_48 = arith.constant 1 : i32
    scf.for %scan3A_97 = %scan3A to %scan3A_47 step %scan3A_48  : i32 {
      %mul3A_98 = arith.constant 1 : i32
      %mul3A_99 = arith.muli %scan3A_97, %mul3A_98 : i32
      %add3A_100 = arith.constant 1 : i32
      %add3A_101 = arith.addi %add3A_100, %mul3A_99 : i32
      %mul3A_102 = arith.constant 2 : i32
      %mul3A_103 = arith.muli %mul3A_102, %add3A_101 : i32
      %dma_wait3A_104 = arith.constant 0 : i32
      %dma_wait3A_105 = arith.constant 0 : i32
      %dma_wait3A_106 = tpu.memref_slice %arg2[%dma_wait3A_104, %dma_wait3A_105] : memref<10000x128xf32, #tpu.memory_space<hbm>> -> memref<128x128xf32, #tpu.memory_space<hbm>>
      %dma_wait3A_107 = arith.constant 0 : i32
      %dma_wait3A_108 = arith.constant 0 : i32
      %dma_wait3A_109 = tpu.memref_slice %arg2[%dma_wait3A_107, %dma_wait3A_108] : memref<10000x128xf32, #tpu.memory_space<hbm>> -> memref<128x128xf32, #tpu.memory_space<hbm>>
      tpu.wait_dma2 semaphore(%arg8 : memref<!tpu.dma_semaphore, #tpu.memory_space<semaphore_mem>>) src(%dma_wait3A_109 : memref<128x128xf32, #tpu.memory_space<hbm>>) dst(%arg6 : memref<128x128xf32, #tpu.memory_space<vmem>>)
      %mul3A_110 = arith.constant 128 : i32
      %mul3A_111 = arith.muli %mul3A_103, %mul3A_110 : i32
      %add3A_112 = arith.addi %mul3A_2, %mul3A_111 : i32
      %dma_start3A_113 = arith.constant 0 : i32
      %dma_start3A_114 = tpu.memref_slice %arg4[%add3A_112, %dma_start3A_113] : memref<327680x128xf32, #tpu.memory_space<hbm>> -> memref<128x128xf32, #tpu.memory_space<hbm>>
      %dma_start3A_115 = arith.constant 0 : i32
      %dma_start3A_116 = tpu.memref_slice %arg4[%add3A_112, %dma_start3A_115] : memref<327680x128xf32, #tpu.memory_space<hbm>> -> memref<128x128xf32, #tpu.memory_space<hbm>>
      tpu.enqueue_dma source(%arg6 : memref<128x128xf32, #tpu.memory_space<vmem>>) target(%dma_start3A_116 : memref<128x128xf32, #tpu.memory_space<hbm>>) target_semaphore(%arg10 : memref<!tpu.dma_semaphore, #tpu.memory_space<semaphore_mem>>)
      %sub3A = arith.constant 1 : i32
      %sub3A_117 = arith.subi %mul3A_103, %sub3A : i32
      %mul3A_118 = arith.constant 128 : i32
      %mul3A_119 = arith.muli %sub3A_117, %mul3A_118 : i32
      %add3A_120 = arith.addi %mul3A_2, %mul3A_119 : i32
      %dma_wait3A_121 = arith.constant 0 : i32
      %dma_wait3A_122 = tpu.memref_slice %arg4[%add3A_120, %dma_wait3A_121] : memref<327680x128xf32, #tpu.memory_space<hbm>> -> memref<128x128xf32, #tpu.memory_space<hbm>>
      %dma_wait3A_123 = arith.constant 0 : i32
      %dma_wait3A_124 = tpu.memref_slice %arg4[%add3A_120, %dma_wait3A_123] : memref<327680x128xf32, #tpu.memory_space<hbm>> -> memref<128x128xf32, #tpu.memory_space<hbm>>
      tpu.wait_dma2 semaphore(%arg11 : memref<!tpu.dma_semaphore, #tpu.memory_space<semaphore_mem>>) src(%arg7 : memref<128x128xf32, #tpu.memory_space<vmem>>) dst(%dma_wait3A_124 : memref<128x128xf32, #tpu.memory_space<hbm>>)
      %add3A_125 = arith.constant 1 : i32
      %add3A_126 = arith.addi %mul3A_103, %add3A_125 : i32
      %mul3A_127 = arith.constant 128 : i32
      %mul3A_128 = arith.muli %add3A_126, %mul3A_127 : i32
      %dma_start3A_129 = tpu.memref_slice %arg5[%mul3A_128] : memref<10240xi32, #tpu.memory_space<vmem>> -> memref<128xi32, #tpu.memory_space<vmem>>
      %dma_start3A_130 = arith.constant 0 : i32
      %dma_start3A_131 = arith.constant 0 : i32
      %dma_start3A_132 = tpu.memref_slice %arg2[%dma_start3A_130, %dma_start3A_131] : memref<10000x128xf32, #tpu.memory_space<hbm>> -> memref<10000x128xf32, #tpu.memory_space<hbm>>
      tpu.enqueue_indirect_dma source(%dma_start3A_132 : memref<10000x128xf32, #tpu.memory_space<hbm>>) target(%arg7 : memref<128x128xf32, #tpu.memory_space<vmem>>) offsets(%dma_start3A_129 : memref<128xi32, #tpu.memory_space<vmem>>) semaphore(%arg9 : memref<!tpu.dma_semaphore, #tpu.memory_space<semaphore_mem>>)
      %dma_wait3A_133 = arith.constant 0 : i32
      %dma_wait3A_134 = arith.constant 0 : i32
      %dma_wait3A_135 = tpu.memref_slice %arg2[%dma_wait3A_133, %dma_wait3A_134] : memref<10000x128xf32, #tpu.memory_space<hbm>> -> memref<128x128xf32, #tpu.memory_space<hbm>>
      %dma_wait3A_136 = arith.constant 0 : i32
      %dma_wait3A_137 = arith.constant 0 : i32
      %dma_wait3A_138 = tpu.memref_slice %arg2[%dma_wait3A_136, %dma_wait3A_137] : memref<10000x128xf32, #tpu.memory_space<hbm>> -> memref<128x128xf32, #tpu.memory_space<hbm>>
      tpu.wait_dma2 semaphore(%arg9 : memref<!tpu.dma_semaphore, #tpu.memory_space<semaphore_mem>>) src(%dma_wait3A_138 : memref<128x128xf32, #tpu.memory_space<hbm>>) dst(%arg7 : memref<128x128xf32, #tpu.memory_space<vmem>>)
      %add3A_139 = arith.constant 1 : i32
      %add3A_140 = arith.addi %mul3A_103, %add3A_139 : i32
      %mul3A_141 = arith.constant 128 : i32
      %mul3A_142 = arith.muli %add3A_140, %mul3A_141 : i32
      %add3A_143 = arith.addi %mul3A_2, %mul3A_142 : i32
      %dma_start3A_144 = arith.constant 0 : i32
      %dma_start3A_145 = tpu.memref_slice %arg4[%add3A_143, %dma_start3A_144] : memref<327680x128xf32, #tpu.memory_space<hbm>> -> memref<128x128xf32, #tpu.memory_space<hbm>>
      %dma_start3A_146 = arith.constant 0 : i32
      %dma_start3A_147 = tpu.memref_slice %arg4[%add3A_143, %dma_start3A_146] : memref<327680x128xf32, #tpu.memory_space<hbm>> -> memref<128x128xf32, #tpu.memory_space<hbm>>
      tpu.enqueue_dma source(%arg7 : memref<128x128xf32, #tpu.memory_space<vmem>>) target(%dma_start3A_147 : memref<128x128xf32, #tpu.memory_space<hbm>>) target_semaphore(%arg11 : memref<!tpu.dma_semaphore, #tpu.memory_space<semaphore_mem>>)
      %mul3A_148 = arith.constant 128 : i32
      %mul3A_149 = arith.muli %mul3A_103, %mul3A_148 : i32
      %add3A_150 = arith.addi %mul3A_2, %mul3A_149 : i32
      %dma_wait3A_151 = arith.constant 0 : i32
      %dma_wait3A_152 = tpu.memref_slice %arg4[%add3A_150, %dma_wait3A_151] : memref<327680x128xf32, #tpu.memory_space<hbm>> -> memref<128x128xf32, #tpu.memory_space<hbm>>
      %dma_wait3A_153 = arith.constant 0 : i32
      %dma_wait3A_154 = tpu.memref_slice %arg4[%add3A_150, %dma_wait3A_153] : memref<327680x128xf32, #tpu.memory_space<hbm>> -> memref<128x128xf32, #tpu.memory_space<hbm>>
      tpu.wait_dma2 semaphore(%arg10 : memref<!tpu.dma_semaphore, #tpu.memory_space<semaphore_mem>>) src(%arg6 : memref<128x128xf32, #tpu.memory_space<vmem>>) dst(%dma_wait3A_154 : memref<128x128xf32, #tpu.memory_space<hbm>>)
      %add3A_155 = arith.constant 2 : i32
      %add3A_156 = arith.addi %mul3A_103, %add3A_155 : i32
      %mul3A_157 = arith.constant 128 : i32
      %mul3A_158 = arith.muli %add3A_156, %mul3A_157 : i32
      %dma_start3A_159 = tpu.memref_slice %arg5[%mul3A_158] : memref<10240xi32, #tpu.memory_space<vmem>> -> memref<128xi32, #tpu.memory_space<vmem>>
      %dma_start3A_160 = arith.constant 0 : i32
      %dma_start3A_161 = arith.constant 0 : i32
      %dma_start3A_162 = tpu.memref_slice %arg2[%dma_start3A_160, %dma_start3A_161] : memref<10000x128xf32, #tpu.memory_space<hbm>> -> memref<10000x128xf32, #tpu.memory_space<hbm>>
      tpu.enqueue_indirect_dma source(%dma_start3A_162 : memref<10000x128xf32, #tpu.memory_space<hbm>>) target(%arg6 : memref<128x128xf32, #tpu.memory_space<vmem>>) offsets(%dma_start3A_159 : memref<128xi32, #tpu.memory_space<vmem>>) semaphore(%arg8 : memref<!tpu.dma_semaphore, #tpu.memory_space<semaphore_mem>>)
    }
    %scan3A_49 = arith.constant 38 : i32
    %dma_wait3A_50 = arith.constant 0 : i32
    %dma_wait3A_51 = arith.constant 0 : i32
    %dma_wait3A_52 = tpu.memref_slice %arg2[%dma_wait3A_50, %dma_wait3A_51] : memref<10000x128xf32, #tpu.memory_space<hbm>> -> memref<128x128xf32, #tpu.memory_space<hbm>>
    %dma_wait3A_53 = arith.constant 0 : i32
    %dma_wait3A_54 = arith.constant 0 : i32
    %dma_wait3A_55 = tpu.memref_slice %arg2[%dma_wait3A_53, %dma_wait3A_54] : memref<10000x128xf32, #tpu.memory_space<hbm>> -> memref<128x128xf32, #tpu.memory_space<hbm>>
    tpu.wait_dma2 semaphore(%arg8 : memref<!tpu.dma_semaphore, #tpu.memory_space<semaphore_mem>>) src(%dma_wait3A_55 : memref<128x128xf32, #tpu.memory_space<hbm>>) dst(%arg6 : memref<128x128xf32, #tpu.memory_space<vmem>>)
    %add3A_56 = arith.constant 9984 : i32
    %add3A_57 = arith.addi %mul3A_2, %add3A_56 : i32
    %dma_start3A_58 = arith.constant 0 : i32
    %dma_start3A_59 = tpu.memref_slice %arg4[%add3A_57, %dma_start3A_58] : memref<327680x128xf32, #tpu.memory_space<hbm>> -> memref<128x128xf32, #tpu.memory_space<hbm>>
    %dma_start3A_60 = arith.constant 0 : i32
    %dma_start3A_61 = tpu.memref_slice %arg4[%add3A_57, %dma_start3A_60] : memref<327680x128xf32, #tpu.memory_space<hbm>> -> memref<128x128xf32, #tpu.memory_space<hbm>>
    tpu.enqueue_dma source(%arg6 : memref<128x128xf32, #tpu.memory_space<vmem>>) target(%dma_start3A_61 : memref<128x128xf32, #tpu.memory_space<hbm>>) target_semaphore(%arg10 : memref<!tpu.dma_semaphore, #tpu.memory_space<semaphore_mem>>)
    %add3A_62 = arith.constant 9856 : i32
    %add3A_63 = arith.addi %mul3A_2, %add3A_62 : i32
    %dma_wait3A_64 = arith.constant 0 : i32
    %dma_wait3A_65 = tpu.memref_slice %arg4[%add3A_63, %dma_wait3A_64] : memref<327680x128xf32, #tpu.memory_space<hbm>> -> memref<128x128xf32, #tpu.memory_space<hbm>>
    %dma_wait3A_66 = arith.constant 0 : i32
    %dma_wait3A_67 = tpu.memref_slice %arg4[%add3A_63, %dma_wait3A_66] : memref<327680x128xf32, #tpu.memory_space<hbm>> -> memref<128x128xf32, #tpu.memory_space<hbm>>
    tpu.wait_dma2 semaphore(%arg11 : memref<!tpu.dma_semaphore, #tpu.memory_space<semaphore_mem>>) src(%arg7 : memref<128x128xf32, #tpu.memory_space<vmem>>) dst(%dma_wait3A_67 : memref<128x128xf32, #tpu.memory_space<hbm>>)
    %dma_start3A_68 = arith.constant 10112 : i32
    %dma_start3A_69 = tpu.memref_slice %arg5[%dma_start3A_68] : memref<10240xi32, #tpu.memory_space<vmem>> -> memref<128xi32, #tpu.memory_space<vmem>>
    %dma_start3A_70 = arith.constant 0 : i32
    %dma_start3A_71 = arith.constant 0 : i32
    %dma_start3A_72 = tpu.memref_slice %arg2[%dma_start3A_70, %dma_start3A_71] : memref<10000x128xf32, #tpu.memory_space<hbm>> -> memref<10000x128xf32, #tpu.memory_space<hbm>>
    tpu.enqueue_indirect_dma source(%dma_start3A_72 : memref<10000x128xf32, #tpu.memory_space<hbm>>) target(%arg7 : memref<128x128xf32, #tpu.memory_space<vmem>>) offsets(%dma_start3A_69 : memref<128xi32, #tpu.memory_space<vmem>>) semaphore(%arg9 : memref<!tpu.dma_semaphore, #tpu.memory_space<semaphore_mem>>)
    %dma_wait3A_73 = arith.constant 0 : i32
    %dma_wait3A_74 = arith.constant 0 : i32
    %dma_wait3A_75 = tpu.memref_slice %arg2[%dma_wait3A_73, %dma_wait3A_74] : memref<10000x128xf32, #tpu.memory_space<hbm>> -> memref<128x128xf32, #tpu.memory_space<hbm>>
    %dma_wait3A_76 = arith.constant 0 : i32
    %dma_wait3A_77 = arith.constant 0 : i32
    %dma_wait3A_78 = tpu.memref_slice %arg2[%dma_wait3A_76, %dma_wait3A_77] : memref<10000x128xf32, #tpu.memory_space<hbm>> -> memref<128x128xf32, #tpu.memory_space<hbm>>
    tpu.wait_dma2 semaphore(%arg9 : memref<!tpu.dma_semaphore, #tpu.memory_space<semaphore_mem>>) src(%dma_wait3A_78 : memref<128x128xf32, #tpu.memory_space<hbm>>) dst(%arg7 : memref<128x128xf32, #tpu.memory_space<vmem>>)
    %add3A_79 = arith.constant 10112 : i32
    %add3A_80 = arith.addi %mul3A_2, %add3A_79 : i32
    %dma_start3A_81 = arith.constant 0 : i32
    %dma_start3A_82 = tpu.memref_slice %arg4[%add3A_80, %dma_start3A_81] : memref<327680x128xf32, #tpu.memory_space<hbm>> -> memref<128x128xf32, #tpu.memory_space<hbm>>
    %dma_start3A_83 = arith.constant 0 : i32
    %dma_start3A_84 = tpu.memref_slice %arg4[%add3A_80, %dma_start3A_83] : memref<327680x128xf32, #tpu.memory_space<hbm>> -> memref<128x128xf32, #tpu.memory_space<hbm>>
    tpu.enqueue_dma source(%arg7 : memref<128x128xf32, #tpu.memory_space<vmem>>) target(%dma_start3A_84 : memref<128x128xf32, #tpu.memory_space<hbm>>) target_semaphore(%arg11 : memref<!tpu.dma_semaphore, #tpu.memory_space<semaphore_mem>>)
    %add3A_85 = arith.constant 9984 : i32
    %add3A_86 = arith.addi %mul3A_2, %add3A_85 : i32
    %dma_wait3A_87 = arith.constant 0 : i32
    %dma_wait3A_88 = tpu.memref_slice %arg4[%add3A_86, %dma_wait3A_87] : memref<327680x128xf32, #tpu.memory_space<hbm>> -> memref<128x128xf32, #tpu.memory_space<hbm>>
    %dma_wait3A_89 = arith.constant 0 : i32
    %dma_wait3A_90 = tpu.memref_slice %arg4[%add3A_86, %dma_wait3A_89] : memref<327680x128xf32, #tpu.memory_space<hbm>> -> memref<128x128xf32, #tpu.memory_space<hbm>>
    tpu.wait_dma2 semaphore(%arg10 : memref<!tpu.dma_semaphore, #tpu.memory_space<semaphore_mem>>) src(%arg6 : memref<128x128xf32, #tpu.memory_space<vmem>>) dst(%dma_wait3A_90 : memref<128x128xf32, #tpu.memory_space<hbm>>)
    %add3A_91 = arith.constant 10112 : i32
    %add3A_92 = arith.addi %mul3A_2, %add3A_91 : i32
    %dma_wait3A_93 = arith.constant 0 : i32
    %dma_wait3A_94 = tpu.memref_slice %arg4[%add3A_92, %dma_wait3A_93] : memref<327680x128xf32, #tpu.memory_space<hbm>> -> memref<128x128xf32, #tpu.memory_space<hbm>>
    %dma_wait3A_95 = arith.constant 0 : i32
    %dma_wait3A_96 = tpu.memref_slice %arg4[%add3A_92, %dma_wait3A_95] : memref<327680x128xf32, #tpu.memory_space<hbm>> -> memref<128x128xf32, #tpu.memory_space<hbm>>
    tpu.wait_dma2 semaphore(%arg11 : memref<!tpu.dma_semaphore, #tpu.memory_space<semaphore_mem>>) src(%arg7 : memref<128x128xf32, #tpu.memory_space<vmem>>) dst(%dma_wait3A_96 : memref<128x128xf32, #tpu.memory_space<hbm>>)
    return
  }
}

#map = affine_map<(d0, d1) -> (0, 0)>
#map1 = affine_map<(d0, d1) -> (0, 0, 0)>
module attributes {stable_mosaic.version = 14 : i64} {
  func.func @_scatter_body(%arg0: i32, %arg1: i32, %arg2: memref<327680x128xf32, #tpu.memory_space<hbm>>, %arg3: memref<32x80x128xi32, #tpu.memory_space<hbm>>, %arg4: memref<128x128xf32, #tpu.memory_space<hbm>>, %arg5: memref<2x10240x128xf32, #tpu.memory_space<hbm>>, %arg6: memref<80x128xi32, #tpu.memory_space<vmem>>, %arg7: memref<128x128xf32, #tpu.memory_space<vmem>>, %arg8: memref<128x128xf32, #tpu.memory_space<vmem>>, %arg9: memref<!tpu.dma_semaphore, #tpu.memory_space<semaphore_mem>>, %arg10: memref<!tpu.dma_semaphore, #tpu.memory_space<semaphore_mem>>, %arg11: memref<10240x128xf32, #tpu.memory_space<vmem_shared>>) attributes {dimension_semantics = [#tpu.dimension_semantics<core_parallel>, #tpu.dimension_semantics<subcore_parallel>], iteration_bounds = array<i64: 2, 16>, scalar_prefetch = 0 : i64, scratch_operands = 6 : i64, tpu.core_type = #tpu.core_type<sc_vector_subcore>, window_params = [{transform_indices = #map}, {transform_indices = #map1}, {transform_indices = #map}, {transform_indices = #map1}]} {
    %mul3A = arith.constant 2 : i32
    %mul3A_0 = arith.muli %arg1, %mul3A : i32
    %add3A = arith.addi %mul3A_0, %arg0 : i32
    %mul3A_1 = arith.constant 10240 : i32
    %mul3A_2 = arith.muli %add3A, %mul3A_1 : i32
    %scan3A = arith.constant 0 : i32
    %scan3A_3 = arith.constant 5 : i32
    %scan3A_4 = arith.addi %scan3A, %scan3A_3 : i32
    %scan3A_5 = arith.constant 1 : i32
    scf.for %scan3A_23 = %scan3A to %scan3A_4 step %scan3A_5  : i32 {
      %mul3A_24 = arith.constant 1 : i32
      %mul3A_25 = arith.muli %scan3A_23, %mul3A_24 : i32
      %add3A_26 = arith.constant 0 : i32
      %add3A_27 = arith.addi %add3A_26, %mul3A_25 : i32
      %mul3A_28 = arith.constant 5 : i32
      %mul3A_29 = arith.muli %arg1, %mul3A_28 : i32
      %add3A_30 = arith.addi %mul3A_29, %add3A_27 : i32
      %mul3A_31 = arith.constant 128 : i32
      %mul3A_32 = arith.muli %add3A_30, %mul3A_31 : i32
      "tpu.region"() ({
        %run_scoped3A = tpu.sem_alloc : memref<!tpu.dma_semaphore, #tpu.memory_space<semaphore_mem>>
        %dma_start3A_33 = arith.constant 0 : i32
        %dma_start3A_34 = tpu.memref_slice %arg11[%mul3A_32, %dma_start3A_33] : memref<10240x128xf32, #tpu.memory_space<vmem_shared>> -> memref<128x128xf32, #tpu.memory_space<vmem_shared>>
        tpu.enqueue_dma source(%arg4 : memref<128x128xf32, #tpu.memory_space<hbm>>) target(%dma_start3A_34 : memref<128x128xf32, #tpu.memory_space<vmem_shared>>) target_semaphore(%run_scoped3A : memref<!tpu.dma_semaphore, #tpu.memory_space<semaphore_mem>>)
        %dma_wait3A = arith.constant 0 : i32
        %dma_wait3A_35 = tpu.memref_slice %arg11[%mul3A_32, %dma_wait3A] : memref<10240x128xf32, #tpu.memory_space<vmem_shared>> -> memref<128x128xf32, #tpu.memory_space<vmem_shared>>
        tpu.wait_dma2 semaphore(%run_scoped3A : memref<!tpu.dma_semaphore, #tpu.memory_space<semaphore_mem>>) src(%arg4 : memref<128x128xf32, #tpu.memory_space<hbm>>) dst(%dma_wait3A_35 : memref<128x128xf32, #tpu.memory_space<vmem_shared>>)
        tpu.yield
      }) : () -> ()
    }
    %scan3A_6 = arith.constant 5 : i32
    %barrier3A = arith.constant 0 : index
    tpu.barrier barrier_id(%barrier3A)
    "tpu.region"() ({
      %run_scoped3A = tpu.sem_alloc : memref<!tpu.dma_semaphore, #tpu.memory_space<semaphore_mem>>
      %dma_start3A_23 = arith.constant 0 : i32
      %dma_start3A_24 = arith.constant 0 : i32
      %dma_start3A_25 = tpu.memref_slice %arg3[%add3A, %dma_start3A_23, %dma_start3A_24] : memref<32x80x128xi32, #tpu.memory_space<hbm>> -> memref<1x80x128xi32, #tpu.memory_space<hbm>>
      %dma_start3A_26 = tpu.memref_squeeze %dma_start3A_25 : memref<1x80x128xi32, #tpu.memory_space<hbm>> -> memref<80x128xi32, #tpu.memory_space<hbm>>
      %dma_start3A_27 = arith.constant 0 : i32
      %dma_start3A_28 = arith.constant 0 : i32
      %dma_start3A_29 = tpu.memref_slice %arg3[%add3A, %dma_start3A_27, %dma_start3A_28] : memref<32x80x128xi32, #tpu.memory_space<hbm>> -> memref<1x80x128xi32, #tpu.memory_space<hbm>>
      %dma_start3A_30 = tpu.memref_squeeze %dma_start3A_29 : memref<1x80x128xi32, #tpu.memory_space<hbm>> -> memref<80x128xi32, #tpu.memory_space<hbm>>
      tpu.enqueue_dma source(%dma_start3A_30 : memref<80x128xi32, #tpu.memory_space<hbm>>) target(%arg6 : memref<80x128xi32, #tpu.memory_space<vmem>>) target_semaphore(%run_scoped3A : memref<!tpu.dma_semaphore, #tpu.memory_space<semaphore_mem>>)
      %dma_wait3A = arith.constant 0 : i32
      %dma_wait3A_31 = arith.constant 0 : i32
      %dma_wait3A_32 = tpu.memref_slice %arg3[%add3A, %dma_wait3A, %dma_wait3A_31] : memref<32x80x128xi32, #tpu.memory_space<hbm>> -> memref<1x80x128xi32, #tpu.memory_space<hbm>>
      %dma_wait3A_33 = tpu.memref_squeeze %dma_wait3A_32 : memref<1x80x128xi32, #tpu.memory_space<hbm>> -> memref<80x128xi32, #tpu.memory_space<hbm>>
      %dma_wait3A_34 = arith.constant 0 : i32
      %dma_wait3A_35 = arith.constant 0 : i32
      %dma_wait3A_36 = tpu.memref_slice %arg3[%add3A, %dma_wait3A_34, %dma_wait3A_35] : memref<32x80x128xi32, #tpu.memory_space<hbm>> -> memref<1x80x128xi32, #tpu.memory_space<hbm>>
      %dma_wait3A_37 = tpu.memref_squeeze %dma_wait3A_36 : memref<1x80x128xi32, #tpu.memory_space<hbm>> -> memref<80x128xi32, #tpu.memory_space<hbm>>
      tpu.wait_dma2 semaphore(%run_scoped3A : memref<!tpu.dma_semaphore, #tpu.memory_space<semaphore_mem>>) src(%dma_wait3A_37 : memref<80x128xi32, #tpu.memory_space<hbm>>) dst(%arg6 : memref<80x128xi32, #tpu.memory_space<vmem>>)
      tpu.yield
    }) : () -> ()
    %add3A_7 = arith.constant 0 : i32
    %add3A_8 = arith.addi %mul3A_2, %add3A_7 : i32
    %dma_start3A = arith.constant 0 : i32
    %dma_start3A_9 = tpu.memref_slice %arg2[%add3A_8, %dma_start3A] : memref<327680x128xf32, #tpu.memory_space<hbm>> -> memref<128x128xf32, #tpu.memory_space<hbm>>
    %dma_start3A_10 = arith.constant 0 : i32
    %dma_start3A_11 = tpu.memref_slice %arg2[%add3A_8, %dma_start3A_10] : memref<327680x128xf32, #tpu.memory_space<hbm>> -> memref<128x128xf32, #tpu.memory_space<hbm>>
    tpu.enqueue_dma source(%dma_start3A_11 : memref<128x128xf32, #tpu.memory_space<hbm>>) target(%arg7 : memref<128x128xf32, #tpu.memory_space<vmem>>) target_semaphore(%arg9 : memref<!tpu.dma_semaphore, #tpu.memory_space<semaphore_mem>>)
    %scan3A_12 = arith.constant 0 : i32
    %scan3A_13 = arith.constant 40 : i32
    %scan3A_14 = arith.addi %scan3A_12, %scan3A_13 : i32
    %scan3A_15 = arith.constant 1 : i32
    scf.for %scan3A_23 = %scan3A_12 to %scan3A_14 step %scan3A_15  : i32 {
      %mul3A_24 = arith.constant 1 : i32
      %mul3A_25 = arith.muli %scan3A_23, %mul3A_24 : i32
      %add3A_26 = arith.constant 0 : i32
      %add3A_27 = arith.addi %add3A_26, %mul3A_25 : i32
      %mul3A_28 = arith.constant 2 : i32
      %mul3A_29 = arith.muli %mul3A_28, %add3A_27 : i32
      %dma_wait3A = arith.constant 0 : i32
      %dma_wait3A_30 = arith.constant 0 : i32
      %dma_wait3A_31 = tpu.memref_slice %arg2[%dma_wait3A, %dma_wait3A_30] : memref<327680x128xf32, #tpu.memory_space<hbm>> -> memref<128x128xf32, #tpu.memory_space<hbm>>
      %dma_wait3A_32 = arith.constant 0 : i32
      %dma_wait3A_33 = arith.constant 0 : i32
      %dma_wait3A_34 = tpu.memref_slice %arg2[%dma_wait3A_32, %dma_wait3A_33] : memref<327680x128xf32, #tpu.memory_space<hbm>> -> memref<128x128xf32, #tpu.memory_space<hbm>>
      tpu.wait_dma2 semaphore(%arg9 : memref<!tpu.dma_semaphore, #tpu.memory_space<semaphore_mem>>) src(%dma_wait3A_34 : memref<128x128xf32, #tpu.memory_space<hbm>>) dst(%arg7 : memref<128x128xf32, #tpu.memory_space<vmem>>)
      %add3A_35 = arith.constant 1 : i32
      %add3A_36 = arith.addi %mul3A_29, %add3A_35 : i32
      %mul3A_37 = arith.constant 128 : i32
      %mul3A_38 = arith.muli %add3A_36, %mul3A_37 : i32
      %add3A_39 = arith.addi %mul3A_2, %mul3A_38 : i32
      %dma_start3A_40 = arith.constant 0 : i32
      %dma_start3A_41 = tpu.memref_slice %arg2[%add3A_39, %dma_start3A_40] : memref<327680x128xf32, #tpu.memory_space<hbm>> -> memref<128x128xf32, #tpu.memory_space<hbm>>
      %dma_start3A_42 = arith.constant 0 : i32
      %dma_start3A_43 = tpu.memref_slice %arg2[%add3A_39, %dma_start3A_42] : memref<327680x128xf32, #tpu.memory_space<hbm>> -> memref<128x128xf32, #tpu.memory_space<hbm>>
      tpu.enqueue_dma source(%dma_start3A_43 : memref<128x128xf32, #tpu.memory_space<hbm>>) target(%arg8 : memref<128x128xf32, #tpu.memory_space<vmem>>) target_semaphore(%arg10 : memref<!tpu.dma_semaphore, #tpu.memory_space<semaphore_mem>>)
      "tpu.region"() ({
        %run_scoped3A = tpu.sem_alloc : memref<!tpu.dma_semaphore, #tpu.memory_space<semaphore_mem>>
        %dma_start3A_56 = arith.constant 0 : i32
        %dma_start3A_57 = tpu.memref_slice %arg6[%mul3A_29, %dma_start3A_56] : memref<80x128xi32, #tpu.memory_space<vmem>> -> memref<1x128xi32, #tpu.memory_space<vmem>>
        %dma_start3A_58 = tpu.memref_squeeze %dma_start3A_57 : memref<1x128xi32, #tpu.memory_space<vmem>> -> memref<128xi32, #tpu.memory_space<vmem>>
        %dma_start3A_59 = arith.constant 0 : i32
        %dma_start3A_60 = arith.constant 0 : i32
        %dma_start3A_61 = tpu.memref_slice %arg11[%dma_start3A_59, %dma_start3A_60] : memref<10240x128xf32, #tpu.memory_space<vmem_shared>> -> memref<10240x128xf32, #tpu.memory_space<vmem_shared>>
        tpu.enqueue_indirect_dma source(%arg7 : memref<128x128xf32, #tpu.memory_space<vmem>>) target(%dma_start3A_61 : memref<10240x128xf32, #tpu.memory_space<vmem_shared>>) offsets(%dma_start3A_58 : memref<128xi32, #tpu.memory_space<vmem>>) semaphore(%run_scoped3A : memref<!tpu.dma_semaphore, #tpu.memory_space<semaphore_mem>>) {add = true}
        %dma_wait3A_62 = arith.constant 0 : i32
        %dma_wait3A_63 = tpu.memref_slice %arg6[%mul3A_29, %dma_wait3A_62] : memref<80x128xi32, #tpu.memory_space<vmem>> -> memref<1x128xi32, #tpu.memory_space<vmem>>
        %dma_wait3A_64 = tpu.memref_squeeze %dma_wait3A_63 : memref<1x128xi32, #tpu.memory_space<vmem>> -> memref<128xi32, #tpu.memory_space<vmem>>
        %dma_wait3A_65 = arith.constant 0 : i32
        %dma_wait3A_66 = arith.constant 0 : i32
        %dma_wait3A_67 = tpu.memref_slice %arg11[%dma_wait3A_65, %dma_wait3A_66] : memref<10240x128xf32, #tpu.memory_space<vmem_shared>> -> memref<10240x128xf32, #tpu.memory_space<vmem_shared>>
        tpu.wait_indirect_dma semaphore(%run_scoped3A : memref<!tpu.dma_semaphore, #tpu.memory_space<semaphore_mem>>) src(%arg7 : memref<128x128xf32, #tpu.memory_space<vmem>>) dst(%dma_wait3A_67 : memref<10240x128xf32, #tpu.memory_space<vmem_shared>>)
        tpu.yield
      }) : () -> ()
      %dma_wait3A_44 = arith.constant 0 : i32
      %dma_wait3A_45 = arith.constant 0 : i32
      %dma_wait3A_46 = tpu.memref_slice %arg2[%dma_wait3A_44, %dma_wait3A_45] : memref<327680x128xf32, #tpu.memory_space<hbm>> -> memref<128x128xf32, #tpu.memory_space<hbm>>
      %dma_wait3A_47 = arith.constant 0 : i32
      %dma_wait3A_48 = arith.constant 0 : i32
      %dma_wait3A_49 = tpu.memref_slice %arg2[%dma_wait3A_47, %dma_wait3A_48] : memref<327680x128xf32, #tpu.memory_space<hbm>> -> memref<128x128xf32, #tpu.memory_space<hbm>>
      tpu.wait_dma2 semaphore(%arg10 : memref<!tpu.dma_semaphore, #tpu.memory_space<semaphore_mem>>) src(%dma_wait3A_49 : memref<128x128xf32, #tpu.memory_space<hbm>>) dst(%arg8 : memref<128x128xf32, #tpu.memory_space<vmem>>)
      %add3A_50 = arith.constant 2 : i32
      %add3A_51 = arith.addi %mul3A_29, %add3A_50 : i32
      %lt3A = arith.constant 80 : i32
      %lt3A_52 = arith.cmpi slt, %add3A_51, %lt3A : i32
      %convert_element_type3A = arith.extui %lt3A_52 : i1 to i32
      %cond3A = arith.constant 0 : i32
      %cond3A_53 = arith.cmpi ne, %convert_element_type3A, %cond3A : i32
      scf.if %cond3A_53 {
        %add3A_56 = arith.constant 2 : i32
        %add3A_57 = arith.addi %mul3A_29, %add3A_56 : i32
        %mul3A_58 = arith.constant 128 : i32
        %mul3A_59 = arith.muli %add3A_57, %mul3A_58 : i32
        %add3A_60 = arith.addi %mul3A_2, %mul3A_59 : i32
        %dma_start3A_61 = arith.constant 0 : i32
        %dma_start3A_62 = tpu.memref_slice %arg2[%add3A_60, %dma_start3A_61] : memref<327680x128xf32, #tpu.memory_space<hbm>> -> memref<128x128xf32, #tpu.memory_space<hbm>>
        %dma_start3A_63 = arith.constant 0 : i32
        %dma_start3A_64 = tpu.memref_slice %arg2[%add3A_60, %dma_start3A_63] : memref<327680x128xf32, #tpu.memory_space<hbm>> -> memref<128x128xf32, #tpu.memory_space<hbm>>
        tpu.enqueue_dma source(%dma_start3A_64 : memref<128x128xf32, #tpu.memory_space<hbm>>) target(%arg7 : memref<128x128xf32, #tpu.memory_space<vmem>>) target_semaphore(%arg9 : memref<!tpu.dma_semaphore, #tpu.memory_space<semaphore_mem>>)
      } else {
      }
      %add3A_54 = arith.constant 1 : i32
      %add3A_55 = arith.addi %mul3A_29, %add3A_54 : i32
      "tpu.region"() ({
        %run_scoped3A = tpu.sem_alloc : memref<!tpu.dma_semaphore, #tpu.memory_space<semaphore_mem>>
        %dma_start3A_56 = arith.constant 0 : i32
        %dma_start3A_57 = tpu.memref_slice %arg6[%add3A_55, %dma_start3A_56] : memref<80x128xi32, #tpu.memory_space<vmem>> -> memref<1x128xi32, #tpu.memory_space<vmem>>
        %dma_start3A_58 = tpu.memref_squeeze %dma_start3A_57 : memref<1x128xi32, #tpu.memory_space<vmem>> -> memref<128xi32, #tpu.memory_space<vmem>>
        %dma_start3A_59 = arith.constant 0 : i32
        %dma_start3A_60 = arith.constant 0 : i32
        %dma_start3A_61 = tpu.memref_slice %arg11[%dma_start3A_59, %dma_start3A_60] : memref<10240x128xf32, #tpu.memory_space<vmem_shared>> -> memref<10240x128xf32, #tpu.memory_space<vmem_shared>>
        tpu.enqueue_indirect_dma source(%arg8 : memref<128x128xf32, #tpu.memory_space<vmem>>) target(%dma_start3A_61 : memref<10240x128xf32, #tpu.memory_space<vmem_shared>>) offsets(%dma_start3A_58 : memref<128xi32, #tpu.memory_space<vmem>>) semaphore(%run_scoped3A : memref<!tpu.dma_semaphore, #tpu.memory_space<semaphore_mem>>) {add = true}
        %dma_wait3A_62 = arith.constant 0 : i32
        %dma_wait3A_63 = tpu.memref_slice %arg6[%add3A_55, %dma_wait3A_62] : memref<80x128xi32, #tpu.memory_space<vmem>> -> memref<1x128xi32, #tpu.memory_space<vmem>>
        %dma_wait3A_64 = tpu.memref_squeeze %dma_wait3A_63 : memref<1x128xi32, #tpu.memory_space<vmem>> -> memref<128xi32, #tpu.memory_space<vmem>>
        %dma_wait3A_65 = arith.constant 0 : i32
        %dma_wait3A_66 = arith.constant 0 : i32
        %dma_wait3A_67 = tpu.memref_slice %arg11[%dma_wait3A_65, %dma_wait3A_66] : memref<10240x128xf32, #tpu.memory_space<vmem_shared>> -> memref<10240x128xf32, #tpu.memory_space<vmem_shared>>
        tpu.wait_indirect_dma semaphore(%run_scoped3A : memref<!tpu.dma_semaphore, #tpu.memory_space<semaphore_mem>>) src(%arg8 : memref<128x128xf32, #tpu.memory_space<vmem>>) dst(%dma_wait3A_67 : memref<10240x128xf32, #tpu.memory_space<vmem_shared>>)
        tpu.yield
      }) : () -> ()
    }
    %scan3A_16 = arith.constant 40 : i32
    %barrier3A_17 = arith.constant 0 : index
    tpu.barrier barrier_id(%barrier3A_17)
    %scan3A_18 = arith.constant 0 : i32
    %scan3A_19 = arith.constant 5 : i32
    %scan3A_20 = arith.addi %scan3A_18, %scan3A_19 : i32
    %scan3A_21 = arith.constant 1 : i32
    scf.for %scan3A_23 = %scan3A_18 to %scan3A_20 step %scan3A_21  : i32 {
      %mul3A_24 = arith.constant 1 : i32
      %mul3A_25 = arith.muli %scan3A_23, %mul3A_24 : i32
      %add3A_26 = arith.constant 0 : i32
      %add3A_27 = arith.addi %add3A_26, %mul3A_25 : i32
      %mul3A_28 = arith.constant 5 : i32
      %mul3A_29 = arith.muli %arg1, %mul3A_28 : i32
      %add3A_30 = arith.addi %mul3A_29, %add3A_27 : i32
      %mul3A_31 = arith.constant 128 : i32
      %mul3A_32 = arith.muli %add3A_30, %mul3A_31 : i32
      "tpu.region"() ({
        %run_scoped3A = tpu.sem_alloc : memref<!tpu.dma_semaphore, #tpu.memory_space<semaphore_mem>>
        %dma_start3A_33 = arith.constant 0 : i32
        %dma_start3A_34 = arith.constant 0 : i32
        %dma_start3A_35 = tpu.memref_slice %arg5[%arg0, %dma_start3A_33, %dma_start3A_34] : memref<2x10240x128xf32, #tpu.memory_space<hbm>> -> memref<1x10240x128xf32, #tpu.memory_space<hbm>>
        %dma_start3A_36 = tpu.memref_squeeze %dma_start3A_35 : memref<1x10240x128xf32, #tpu.memory_space<hbm>> -> memref<10240x128xf32, #tpu.memory_space<hbm>>
        %dma_start3A_37 = arith.constant 0 : i32
        %dma_start3A_38 = tpu.memref_slice %dma_start3A_36[%mul3A_32, %dma_start3A_37] : memref<10240x128xf32, #tpu.memory_space<hbm>> -> memref<128x128xf32, #tpu.memory_space<hbm>>
        %dma_start3A_39 = arith.constant 0 : i32
        %dma_start3A_40 = tpu.memref_slice %arg11[%mul3A_32, %dma_start3A_39] : memref<10240x128xf32, #tpu.memory_space<vmem_shared>> -> memref<128x128xf32, #tpu.memory_space<vmem_shared>>
        tpu.enqueue_dma source(%dma_start3A_40 : memref<128x128xf32, #tpu.memory_space<vmem_shared>>) target(%dma_start3A_38 : memref<128x128xf32, #tpu.memory_space<hbm>>) target_semaphore(%run_scoped3A : memref<!tpu.dma_semaphore, #tpu.memory_space<semaphore_mem>>)
        %dma_wait3A = arith.constant 0 : i32
        %dma_wait3A_41 = arith.constant 0 : i32
        %dma_wait3A_42 = tpu.memref_slice %arg5[%arg0, %dma_wait3A, %dma_wait3A_41] : memref<2x10240x128xf32, #tpu.memory_space<hbm>> -> memref<1x10240x128xf32, #tpu.memory_space<hbm>>
        %dma_wait3A_43 = tpu.memref_squeeze %dma_wait3A_42 : memref<1x10240x128xf32, #tpu.memory_space<hbm>> -> memref<10240x128xf32, #tpu.memory_space<hbm>>
        %dma_wait3A_44 = arith.constant 0 : i32
        %dma_wait3A_45 = tpu.memref_slice %dma_wait3A_43[%mul3A_32, %dma_wait3A_44] : memref<10240x128xf32, #tpu.memory_space<hbm>> -> memref<128x128xf32, #tpu.memory_space<hbm>>
        %dma_wait3A_46 = arith.constant 0 : i32
        %dma_wait3A_47 = tpu.memref_slice %arg11[%mul3A_32, %dma_wait3A_46] : memref<10240x128xf32, #tpu.memory_space<vmem_shared>> -> memref<128x128xf32, #tpu.memory_space<vmem_shared>>
        tpu.wait_dma2 semaphore(%run_scoped3A : memref<!tpu.dma_semaphore, #tpu.memory_space<semaphore_mem>>) src(%dma_wait3A_47 : memref<128x128xf32, #tpu.memory_space<vmem_shared>>) dst(%dma_wait3A_45 : memref<128x128xf32, #tpu.memory_space<hbm>>)
        tpu.yield
      }) : () -> ()
    }
    %scan3A_22 = arith.constant 5 : i32
    return
  }
}

#map = affine_map<(d0, d1) -> (0, 0)>
#map1 = affine_map<(d0, d1) -> (0)>
module attributes {stable_mosaic.version = 14 : i64} {
  func.func @_gather_qk_body(%arg0: i32, %arg1: i32, %arg2: memref<10000x128xf32, #tpu.memory_space<hbm>>, %arg3: memref<10000x128xf32, #tpu.memory_space<hbm>>, %arg4: memref<327680xi32, #tpu.memory_space<hbm>>, %arg5: memref<327680xi32, #tpu.memory_space<hbm>>, %arg6: memref<327680x128xf32, #tpu.memory_space<hbm>>, %arg7: memref<327680x128xf32, #tpu.memory_space<hbm>>, %arg8: memref<10240xi32, #tpu.memory_space<vmem>>, %arg9: memref<10240xi32, #tpu.memory_space<vmem>>, %arg10: memref<128x128xf32, #tpu.memory_space<vmem>>, %arg11: memref<128x128xf32, #tpu.memory_space<vmem>>, %arg12: memref<128x128xf32, #tpu.memory_space<vmem>>, %arg13: memref<128x128xf32, #tpu.memory_space<vmem>>, %arg14: memref<!tpu.dma_semaphore, #tpu.memory_space<semaphore_mem>>, %arg15: memref<!tpu.dma_semaphore, #tpu.memory_space<semaphore_mem>>, %arg16: memref<!tpu.dma_semaphore, #tpu.memory_space<semaphore_mem>>, %arg17: memref<!tpu.dma_semaphore, #tpu.memory_space<semaphore_mem>>) attributes {dimension_semantics = [#tpu.dimension_semantics<core_parallel>, #tpu.dimension_semantics<subcore_parallel>], iteration_bounds = array<i64: 2, 16>, scalar_prefetch = 0 : i64, scratch_operands = 10 : i64, tpu.core_type = #tpu.core_type<sc_vector_subcore>, window_params = [{transform_indices = #map}, {transform_indices = #map}, {transform_indices = #map1}, {transform_indices = #map1}, {transform_indices = #map}, {transform_indices = #map}]} {
    %mul3A = arith.constant 2 : i32
    %mul3A_0 = arith.muli %arg1, %mul3A : i32
    %add3A = arith.addi %mul3A_0, %arg0 : i32
    %mul3A_1 = arith.constant 10240 : i32
    %mul3A_2 = arith.muli %add3A, %mul3A_1 : i32
    "tpu.region"() ({
      %run_scoped3A = tpu.sem_alloc : memref<!tpu.dma_semaphore, #tpu.memory_space<semaphore_mem>>
      %dma_start3A_189 = tpu.memref_slice %arg4[%mul3A_2] : memref<327680xi32, #tpu.memory_space<hbm>> -> memref<10240xi32, #tpu.memory_space<hbm>>
      %dma_start3A_190 = tpu.memref_slice %arg4[%mul3A_2] : memref<327680xi32, #tpu.memory_space<hbm>> -> memref<10240xi32, #tpu.memory_space<hbm>>
      tpu.enqueue_dma source(%dma_start3A_190 : memref<10240xi32, #tpu.memory_space<hbm>>) target(%arg8 : memref<10240xi32, #tpu.memory_space<vmem>>) target_semaphore(%run_scoped3A : memref<!tpu.dma_semaphore, #tpu.memory_space<semaphore_mem>>)
      %dma_wait3A_191 = tpu.memref_slice %arg4[%mul3A_2] : memref<327680xi32, #tpu.memory_space<hbm>> -> memref<10240xi32, #tpu.memory_space<hbm>>
      %dma_wait3A_192 = tpu.memref_slice %arg4[%mul3A_2] : memref<327680xi32, #tpu.memory_space<hbm>> -> memref<10240xi32, #tpu.memory_space<hbm>>
      tpu.wait_dma2 semaphore(%run_scoped3A : memref<!tpu.dma_semaphore, #tpu.memory_space<semaphore_mem>>) src(%dma_wait3A_192 : memref<10240xi32, #tpu.memory_space<hbm>>) dst(%arg8 : memref<10240xi32, #tpu.memory_space<vmem>>)
      tpu.yield
    }) : () -> ()
    "tpu.region"() ({
      %run_scoped3A = tpu.sem_alloc : memref<!tpu.dma_semaphore, #tpu.memory_space<semaphore_mem>>
      %dma_start3A_189 = tpu.memref_slice %arg5[%mul3A_2] : memref<327680xi32, #tpu.memory_space<hbm>> -> memref<10240xi32, #tpu.memory_space<hbm>>
      %dma_start3A_190 = tpu.memref_slice %arg5[%mul3A_2] : memref<327680xi32, #tpu.memory_space<hbm>> -> memref<10240xi32, #tpu.memory_space<hbm>>
      tpu.enqueue_dma source(%dma_start3A_190 : memref<10240xi32, #tpu.memory_space<hbm>>) target(%arg9 : memref<10240xi32, #tpu.memory_space<vmem>>) target_semaphore(%run_scoped3A : memref<!tpu.dma_semaphore, #tpu.memory_space<semaphore_mem>>)
      %dma_wait3A_191 = tpu.memref_slice %arg5[%mul3A_2] : memref<327680xi32, #tpu.memory_space<hbm>> -> memref<10240xi32, #tpu.memory_space<hbm>>
      %dma_wait3A_192 = tpu.memref_slice %arg5[%mul3A_2] : memref<327680xi32, #tpu.memory_space<hbm>> -> memref<10240xi32, #tpu.memory_space<hbm>>
      tpu.wait_dma2 semaphore(%run_scoped3A : memref<!tpu.dma_semaphore, #tpu.memory_space<semaphore_mem>>) src(%dma_wait3A_192 : memref<10240xi32, #tpu.memory_space<hbm>>) dst(%arg9 : memref<10240xi32, #tpu.memory_space<vmem>>)
      tpu.yield
    }) : () -> ()
    %dma_start3A = arith.constant 0 : i32
    %dma_start3A_3 = tpu.memref_slice %arg8[%dma_start3A] : memref<10240xi32, #tpu.memory_space<vmem>> -> memref<128xi32, #tpu.memory_space<vmem>>
    %dma_start3A_4 = arith.constant 0 : i32
    %dma_start3A_5 = arith.constant 0 : i32
    %dma_start3A_6 = tpu.memref_slice %arg2[%dma_start3A_4, %dma_start3A_5] : memref<10000x128xf32, #tpu.memory_space<hbm>> -> memref<10000x128xf32, #tpu.memory_space<hbm>>
    tpu.enqueue_indirect_dma source(%dma_start3A_6 : memref<10000x128xf32, #tpu.memory_space<hbm>>) target(%arg10 : memref<128x128xf32, #tpu.memory_space<vmem>>) offsets(%dma_start3A_3 : memref<128xi32, #tpu.memory_space<vmem>>) semaphore(%arg14 : memref<!tpu.dma_semaphore, #tpu.memory_space<semaphore_mem>>)
    %dma_start3A_7 = arith.constant 0 : i32
    %dma_start3A_8 = tpu.memref_slice %arg9[%dma_start3A_7] : memref<10240xi32, #tpu.memory_space<vmem>> -> memref<128xi32, #tpu.memory_space<vmem>>
    %dma_start3A_9 = arith.constant 0 : i32
    %dma_start3A_10 = arith.constant 0 : i32
    %dma_start3A_11 = tpu.memref_slice %arg3[%dma_start3A_9, %dma_start3A_10] : memref<10000x128xf32, #tpu.memory_space<hbm>> -> memref<10000x128xf32, #tpu.memory_space<hbm>>
    tpu.enqueue_indirect_dma source(%dma_start3A_11 : memref<10000x128xf32, #tpu.memory_space<hbm>>) target(%arg11 : memref<128x128xf32, #tpu.memory_space<vmem>>) offsets(%dma_start3A_8 : memref<128xi32, #tpu.memory_space<vmem>>) semaphore(%arg14 : memref<!tpu.dma_semaphore, #tpu.memory_space<semaphore_mem>>)
    %dma_wait3A = arith.constant 0 : i32
    %dma_wait3A_12 = arith.constant 0 : i32
    %dma_wait3A_13 = tpu.memref_slice %arg2[%dma_wait3A, %dma_wait3A_12] : memref<10000x128xf32, #tpu.memory_space<hbm>> -> memref<128x128xf32, #tpu.memory_space<hbm>>
    %dma_wait3A_14 = arith.constant 0 : i32
    %dma_wait3A_15 = arith.constant 0 : i32
    %dma_wait3A_16 = tpu.memref_slice %arg2[%dma_wait3A_14, %dma_wait3A_15] : memref<10000x128xf32, #tpu.memory_space<hbm>> -> memref<128x128xf32, #tpu.memory_space<hbm>>
    tpu.wait_dma2 semaphore(%arg14 : memref<!tpu.dma_semaphore, #tpu.memory_space<semaphore_mem>>) src(%dma_wait3A_16 : memref<128x128xf32, #tpu.memory_space<hbm>>) dst(%arg10 : memref<128x128xf32, #tpu.memory_space<vmem>>)
    %dma_wait3A_17 = arith.constant 0 : i32
    %dma_wait3A_18 = arith.constant 0 : i32
    %dma_wait3A_19 = tpu.memref_slice %arg3[%dma_wait3A_17, %dma_wait3A_18] : memref<10000x128xf32, #tpu.memory_space<hbm>> -> memref<128x128xf32, #tpu.memory_space<hbm>>
    %dma_wait3A_20 = arith.constant 0 : i32
    %dma_wait3A_21 = arith.constant 0 : i32
    %dma_wait3A_22 = tpu.memref_slice %arg3[%dma_wait3A_20, %dma_wait3A_21] : memref<10000x128xf32, #tpu.memory_space<hbm>> -> memref<128x128xf32, #tpu.memory_space<hbm>>
    tpu.wait_dma2 semaphore(%arg14 : memref<!tpu.dma_semaphore, #tpu.memory_space<semaphore_mem>>) src(%dma_wait3A_22 : memref<128x128xf32, #tpu.memory_space<hbm>>) dst(%arg11 : memref<128x128xf32, #tpu.memory_space<vmem>>)
    %add3A_23 = arith.constant 0 : i32
    %add3A_24 = arith.addi %mul3A_2, %add3A_23 : i32
    %dma_start3A_25 = arith.constant 0 : i32
    %dma_start3A_26 = tpu.memref_slice %arg6[%add3A_24, %dma_start3A_25] : memref<327680x128xf32, #tpu.memory_space<hbm>> -> memref<128x128xf32, #tpu.memory_space<hbm>>
    %dma_start3A_27 = arith.constant 0 : i32
    %dma_start3A_28 = tpu.memref_slice %arg6[%add3A_24, %dma_start3A_27] : memref<327680x128xf32, #tpu.memory_space<hbm>> -> memref<128x128xf32, #tpu.memory_space<hbm>>
    tpu.enqueue_dma source(%arg10 : memref<128x128xf32, #tpu.memory_space<vmem>>) target(%dma_start3A_28 : memref<128x128xf32, #tpu.memory_space<hbm>>) target_semaphore(%arg16 : memref<!tpu.dma_semaphore, #tpu.memory_space<semaphore_mem>>)
    %add3A_29 = arith.constant 0 : i32
    %add3A_30 = arith.addi %mul3A_2, %add3A_29 : i32
    %dma_start3A_31 = arith.constant 0 : i32
    %dma_start3A_32 = tpu.memref_slice %arg7[%add3A_30, %dma_start3A_31] : memref<327680x128xf32, #tpu.memory_space<hbm>> -> memref<128x128xf32, #tpu.memory_space<hbm>>
    %dma_start3A_33 = arith.constant 0 : i32
    %dma_start3A_34 = tpu.memref_slice %arg7[%add3A_30, %dma_start3A_33] : memref<327680x128xf32, #tpu.memory_space<hbm>> -> memref<128x128xf32, #tpu.memory_space<hbm>>
    tpu.enqueue_dma source(%arg11 : memref<128x128xf32, #tpu.memory_space<vmem>>) target(%dma_start3A_34 : memref<128x128xf32, #tpu.memory_space<hbm>>) target_semaphore(%arg16 : memref<!tpu.dma_semaphore, #tpu.memory_space<semaphore_mem>>)
    %dma_start3A_35 = arith.constant 128 : i32
    %dma_start3A_36 = tpu.memref_slice %arg8[%dma_start3A_35] : memref<10240xi32, #tpu.memory_space<vmem>> -> memref<128xi32, #tpu.memory_space<vmem>>
    %dma_start3A_37 = arith.constant 0 : i32
    %dma_start3A_38 = arith.constant 0 : i32
    %dma_start3A_39 = tpu.memref_slice %arg2[%dma_start3A_37, %dma_start3A_38] : memref<10000x128xf32, #tpu.memory_space<hbm>> -> memref<10000x128xf32, #tpu.memory_space<hbm>>
    tpu.enqueue_indirect_dma source(%dma_start3A_39 : memref<10000x128xf32, #tpu.memory_space<hbm>>) target(%arg12 : memref<128x128xf32, #tpu.memory_space<vmem>>) offsets(%dma_start3A_36 : memref<128xi32, #tpu.memory_space<vmem>>) semaphore(%arg15 : memref<!tpu.dma_semaphore, #tpu.memory_space<semaphore_mem>>)
    %dma_start3A_40 = arith.constant 128 : i32
    %dma_start3A_41 = tpu.memref_slice %arg9[%dma_start3A_40] : memref<10240xi32, #tpu.memory_space<vmem>> -> memref<128xi32, #tpu.memory_space<vmem>>
    %dma_start3A_42 = arith.constant 0 : i32
    %dma_start3A_43 = arith.constant 0 : i32
    %dma_start3A_44 = tpu.memref_slice %arg3[%dma_start3A_42, %dma_start3A_43] : memref<10000x128xf32, #tpu.memory_space<hbm>> -> memref<10000x128xf32, #tpu.memory_space<hbm>>
    tpu.enqueue_indirect_dma source(%dma_start3A_44 : memref<10000x128xf32, #tpu.memory_space<hbm>>) target(%arg13 : memref<128x128xf32, #tpu.memory_space<vmem>>) offsets(%dma_start3A_41 : memref<128xi32, #tpu.memory_space<vmem>>) semaphore(%arg15 : memref<!tpu.dma_semaphore, #tpu.memory_space<semaphore_mem>>)
    %dma_wait3A_45 = arith.constant 0 : i32
    %dma_wait3A_46 = arith.constant 0 : i32
    %dma_wait3A_47 = tpu.memref_slice %arg2[%dma_wait3A_45, %dma_wait3A_46] : memref<10000x128xf32, #tpu.memory_space<hbm>> -> memref<128x128xf32, #tpu.memory_space<hbm>>
    %dma_wait3A_48 = arith.constant 0 : i32
    %dma_wait3A_49 = arith.constant 0 : i32
    %dma_wait3A_50 = tpu.memref_slice %arg2[%dma_wait3A_48, %dma_wait3A_49] : memref<10000x128xf32, #tpu.memory_space<hbm>> -> memref<128x128xf32, #tpu.memory_space<hbm>>
    tpu.wait_dma2 semaphore(%arg15 : memref<!tpu.dma_semaphore, #tpu.memory_space<semaphore_mem>>) src(%dma_wait3A_50 : memref<128x128xf32, #tpu.memory_space<hbm>>) dst(%arg12 : memref<128x128xf32, #tpu.memory_space<vmem>>)
    %dma_wait3A_51 = arith.constant 0 : i32
    %dma_wait3A_52 = arith.constant 0 : i32
    %dma_wait3A_53 = tpu.memref_slice %arg3[%dma_wait3A_51, %dma_wait3A_52] : memref<10000x128xf32, #tpu.memory_space<hbm>> -> memref<128x128xf32, #tpu.memory_space<hbm>>
    %dma_wait3A_54 = arith.constant 0 : i32
    %dma_wait3A_55 = arith.constant 0 : i32
    %dma_wait3A_56 = tpu.memref_slice %arg3[%dma_wait3A_54, %dma_wait3A_55] : memref<10000x128xf32, #tpu.memory_space<hbm>> -> memref<128x128xf32, #tpu.memory_space<hbm>>
    tpu.wait_dma2 semaphore(%arg15 : memref<!tpu.dma_semaphore, #tpu.memory_space<semaphore_mem>>) src(%dma_wait3A_56 : memref<128x128xf32, #tpu.memory_space<hbm>>) dst(%arg13 : memref<128x128xf32, #tpu.memory_space<vmem>>)
    %add3A_57 = arith.constant 128 : i32
    %add3A_58 = arith.addi %mul3A_2, %add3A_57 : i32
    %dma_start3A_59 = arith.constant 0 : i32
    %dma_start3A_60 = tpu.memref_slice %arg6[%add3A_58, %dma_start3A_59] : memref<327680x128xf32, #tpu.memory_space<hbm>> -> memref<128x128xf32, #tpu.memory_space<hbm>>
    %dma_start3A_61 = arith.constant 0 : i32
    %dma_start3A_62 = tpu.memref_slice %arg6[%add3A_58, %dma_start3A_61] : memref<327680x128xf32, #tpu.memory_space<hbm>> -> memref<128x128xf32, #tpu.memory_space<hbm>>
    tpu.enqueue_dma source(%arg12 : memref<128x128xf32, #tpu.memory_space<vmem>>) target(%dma_start3A_62 : memref<128x128xf32, #tpu.memory_space<hbm>>) target_semaphore(%arg17 : memref<!tpu.dma_semaphore, #tpu.memory_space<semaphore_mem>>)
    %add3A_63 = arith.constant 128 : i32
    %add3A_64 = arith.addi %mul3A_2, %add3A_63 : i32
    %dma_start3A_65 = arith.constant 0 : i32
    %dma_start3A_66 = tpu.memref_slice %arg7[%add3A_64, %dma_start3A_65] : memref<327680x128xf32, #tpu.memory_space<hbm>> -> memref<128x128xf32, #tpu.memory_space<hbm>>
    %dma_start3A_67 = arith.constant 0 : i32
    %dma_start3A_68 = tpu.memref_slice %arg7[%add3A_64, %dma_start3A_67] : memref<327680x128xf32, #tpu.memory_space<hbm>> -> memref<128x128xf32, #tpu.memory_space<hbm>>
    tpu.enqueue_dma source(%arg13 : memref<128x128xf32, #tpu.memory_space<vmem>>) target(%dma_start3A_68 : memref<128x128xf32, #tpu.memory_space<hbm>>) target_semaphore(%arg17 : memref<!tpu.dma_semaphore, #tpu.memory_space<semaphore_mem>>)
    %add3A_69 = arith.constant 0 : i32
    %add3A_70 = arith.addi %mul3A_2, %add3A_69 : i32
    %dma_wait3A_71 = arith.constant 0 : i32
    %dma_wait3A_72 = tpu.memref_slice %arg6[%add3A_70, %dma_wait3A_71] : memref<327680x128xf32, #tpu.memory_space<hbm>> -> memref<128x128xf32, #tpu.memory_space<hbm>>
    %dma_wait3A_73 = arith.constant 0 : i32
    %dma_wait3A_74 = tpu.memref_slice %arg6[%add3A_70, %dma_wait3A_73] : memref<327680x128xf32, #tpu.memory_space<hbm>> -> memref<128x128xf32, #tpu.memory_space<hbm>>
    tpu.wait_dma2 semaphore(%arg16 : memref<!tpu.dma_semaphore, #tpu.memory_space<semaphore_mem>>) src(%arg10 : memref<128x128xf32, #tpu.memory_space<vmem>>) dst(%dma_wait3A_74 : memref<128x128xf32, #tpu.memory_space<hbm>>)
    %add3A_75 = arith.constant 0 : i32
    %add3A_76 = arith.addi %mul3A_2, %add3A_75 : i32
    %dma_wait3A_77 = arith.constant 0 : i32
    %dma_wait3A_78 = tpu.memref_slice %arg7[%add3A_76, %dma_wait3A_77] : memref<327680x128xf32, #tpu.memory_space<hbm>> -> memref<128x128xf32, #tpu.memory_space<hbm>>
    %dma_wait3A_79 = arith.constant 0 : i32
    %dma_wait3A_80 = tpu.memref_slice %arg7[%add3A_76, %dma_wait3A_79] : memref<327680x128xf32, #tpu.memory_space<hbm>> -> memref<128x128xf32, #tpu.memory_space<hbm>>
    tpu.wait_dma2 semaphore(%arg16 : memref<!tpu.dma_semaphore, #tpu.memory_space<semaphore_mem>>) src(%arg11 : memref<128x128xf32, #tpu.memory_space<vmem>>) dst(%dma_wait3A_80 : memref<128x128xf32, #tpu.memory_space<hbm>>)
    %dma_start3A_81 = arith.constant 256 : i32
    %dma_start3A_82 = tpu.memref_slice %arg8[%dma_start3A_81] : memref<10240xi32, #tpu.memory_space<vmem>> -> memref<128xi32, #tpu.memory_space<vmem>>
    %dma_start3A_83 = arith.constant 0 : i32
    %dma_start3A_84 = arith.constant 0 : i32
    %dma_start3A_85 = tpu.memref_slice %arg2[%dma_start3A_83, %dma_start3A_84] : memref<10000x128xf32, #tpu.memory_space<hbm>> -> memref<10000x128xf32, #tpu.memory_space<hbm>>
    tpu.enqueue_indirect_dma source(%dma_start3A_85 : memref<10000x128xf32, #tpu.memory_space<hbm>>) target(%arg10 : memref<128x128xf32, #tpu.memory_space<vmem>>) offsets(%dma_start3A_82 : memref<128xi32, #tpu.memory_space<vmem>>) semaphore(%arg14 : memref<!tpu.dma_semaphore, #tpu.memory_space<semaphore_mem>>)
    %dma_start3A_86 = arith.constant 256 : i32
    %dma_start3A_87 = tpu.memref_slice %arg9[%dma_start3A_86] : memref<10240xi32, #tpu.memory_space<vmem>> -> memref<128xi32, #tpu.memory_space<vmem>>
    %dma_start3A_88 = arith.constant 0 : i32
    %dma_start3A_89 = arith.constant 0 : i32
    %dma_start3A_90 = tpu.memref_slice %arg3[%dma_start3A_88, %dma_start3A_89] : memref<10000x128xf32, #tpu.memory_space<hbm>> -> memref<10000x128xf32, #tpu.memory_space<hbm>>
    tpu.enqueue_indirect_dma source(%dma_start3A_90 : memref<10000x128xf32, #tpu.memory_space<hbm>>) target(%arg11 : memref<128x128xf32, #tpu.memory_space<vmem>>) offsets(%dma_start3A_87 : memref<128xi32, #tpu.memory_space<vmem>>) semaphore(%arg14 : memref<!tpu.dma_semaphore, #tpu.memory_space<semaphore_mem>>)
    %scan3A = arith.constant 0 : i32
    %scan3A_91 = arith.constant 38 : i32
    %scan3A_92 = arith.addi %scan3A, %scan3A_91 : i32
    %scan3A_93 = arith.constant 1 : i32
    scf.for %scan3A_189 = %scan3A to %scan3A_92 step %scan3A_93  : i32 {
      %mul3A_190 = arith.constant 1 : i32
      %mul3A_191 = arith.muli %scan3A_189, %mul3A_190 : i32
      %add3A_192 = arith.constant 1 : i32
      %add3A_193 = arith.addi %add3A_192, %mul3A_191 : i32
      %mul3A_194 = arith.constant 2 : i32
      %mul3A_195 = arith.muli %mul3A_194, %add3A_193 : i32
      %dma_wait3A_196 = arith.constant 0 : i32
      %dma_wait3A_197 = arith.constant 0 : i32
      %dma_wait3A_198 = tpu.memref_slice %arg2[%dma_wait3A_196, %dma_wait3A_197] : memref<10000x128xf32, #tpu.memory_space<hbm>> -> memref<128x128xf32, #tpu.memory_space<hbm>>
      %dma_wait3A_199 = arith.constant 0 : i32
      %dma_wait3A_200 = arith.constant 0 : i32
      %dma_wait3A_201 = tpu.memref_slice %arg2[%dma_wait3A_199, %dma_wait3A_200] : memref<10000x128xf32, #tpu.memory_space<hbm>> -> memref<128x128xf32, #tpu.memory_space<hbm>>
      tpu.wait_dma2 semaphore(%arg14 : memref<!tpu.dma_semaphore, #tpu.memory_space<semaphore_mem>>) src(%dma_wait3A_201 : memref<128x128xf32, #tpu.memory_space<hbm>>) dst(%arg10 : memref<128x128xf32, #tpu.memory_space<vmem>>)
      %dma_wait3A_202 = arith.constant 0 : i32
      %dma_wait3A_203 = arith.constant 0 : i32
      %dma_wait3A_204 = tpu.memref_slice %arg3[%dma_wait3A_202, %dma_wait3A_203] : memref<10000x128xf32, #tpu.memory_space<hbm>> -> memref<128x128xf32, #tpu.memory_space<hbm>>
      %dma_wait3A_205 = arith.constant 0 : i32
      %dma_wait3A_206 = arith.constant 0 : i32
      %dma_wait3A_207 = tpu.memref_slice %arg3[%dma_wait3A_205, %dma_wait3A_206] : memref<10000x128xf32, #tpu.memory_space<hbm>> -> memref<128x128xf32, #tpu.memory_space<hbm>>
      tpu.wait_dma2 semaphore(%arg14 : memref<!tpu.dma_semaphore, #tpu.memory_space<semaphore_mem>>) src(%dma_wait3A_207 : memref<128x128xf32, #tpu.memory_space<hbm>>) dst(%arg11 : memref<128x128xf32, #tpu.memory_space<vmem>>)
      %mul3A_208 = arith.constant 128 : i32
      %mul3A_209 = arith.muli %mul3A_195, %mul3A_208 : i32
      %add3A_210 = arith.addi %mul3A_2, %mul3A_209 : i32
      %dma_start3A_211 = arith.constant 0 : i32
      %dma_start3A_212 = tpu.memref_slice %arg6[%add3A_210, %dma_start3A_211] : memref<327680x128xf32, #tpu.memory_space<hbm>> -> memref<128x128xf32, #tpu.memory_space<hbm>>
      %dma_start3A_213 = arith.constant 0 : i32
      %dma_start3A_214 = tpu.memref_slice %arg6[%add3A_210, %dma_start3A_213] : memref<327680x128xf32, #tpu.memory_space<hbm>> -> memref<128x128xf32, #tpu.memory_space<hbm>>
      tpu.enqueue_dma source(%arg10 : memref<128x128xf32, #tpu.memory_space<vmem>>) target(%dma_start3A_214 : memref<128x128xf32, #tpu.memory_space<hbm>>) target_semaphore(%arg16 : memref<!tpu.dma_semaphore, #tpu.memory_space<semaphore_mem>>)
      %mul3A_215 = arith.constant 128 : i32
      %mul3A_216 = arith.muli %mul3A_195, %mul3A_215 : i32
      %add3A_217 = arith.addi %mul3A_2, %mul3A_216 : i32
      %dma_start3A_218 = arith.constant 0 : i32
      %dma_start3A_219 = tpu.memref_slice %arg7[%add3A_217, %dma_start3A_218] : memref<327680x128xf32, #tpu.memory_space<hbm>> -> memref<128x128xf32, #tpu.memory_space<hbm>>
      %dma_start3A_220 = arith.constant 0 : i32
      %dma_start3A_221 = tpu.memref_slice %arg7[%add3A_217, %dma_start3A_220] : memref<327680x128xf32, #tpu.memory_space<hbm>> -> memref<128x128xf32, #tpu.memory_space<hbm>>
      tpu.enqueue_dma source(%arg11 : memref<128x128xf32, #tpu.memory_space<vmem>>) target(%dma_start3A_221 : memref<128x128xf32, #tpu.memory_space<hbm>>) target_semaphore(%arg16 : memref<!tpu.dma_semaphore, #tpu.memory_space<semaphore_mem>>)
      %sub3A = arith.constant 1 : i32
      %sub3A_222 = arith.subi %mul3A_195, %sub3A : i32
      %mul3A_223 = arith.constant 128 : i32
      %mul3A_224 = arith.muli %sub3A_222, %mul3A_223 : i32
      %add3A_225 = arith.addi %mul3A_2, %mul3A_224 : i32
      %dma_wait3A_226 = arith.constant 0 : i32
      %dma_wait3A_227 = tpu.memref_slice %arg6[%add3A_225, %dma_wait3A_226] : memref<327680x128xf32, #tpu.memory_space<hbm>> -> memref<128x128xf32, #tpu.memory_space<hbm>>
      %dma_wait3A_228 = arith.constant 0 : i32
      %dma_wait3A_229 = tpu.memref_slice %arg6[%add3A_225, %dma_wait3A_228] : memref<327680x128xf32, #tpu.memory_space<hbm>> -> memref<128x128xf32, #tpu.memory_space<hbm>>
      tpu.wait_dma2 semaphore(%arg17 : memref<!tpu.dma_semaphore, #tpu.memory_space<semaphore_mem>>) src(%arg12 : memref<128x128xf32, #tpu.memory_space<vmem>>) dst(%dma_wait3A_229 : memref<128x128xf32, #tpu.memory_space<hbm>>)
      %mul3A_230 = arith.constant 128 : i32
      %mul3A_231 = arith.muli %sub3A_222, %mul3A_230 : i32
      %add3A_232 = arith.addi %mul3A_2, %mul3A_231 : i32
      %dma_wait3A_233 = arith.constant 0 : i32
      %dma_wait3A_234 = tpu.memref_slice %arg7[%add3A_232, %dma_wait3A_233] : memref<327680x128xf32, #tpu.memory_space<hbm>> -> memref<128x128xf32, #tpu.memory_space<hbm>>
      %dma_wait3A_235 = arith.constant 0 : i32
      %dma_wait3A_236 = tpu.memref_slice %arg7[%add3A_232, %dma_wait3A_235] : memref<327680x128xf32, #tpu.memory_space<hbm>> -> memref<128x128xf32, #tpu.memory_space<hbm>>
      tpu.wait_dma2 semaphore(%arg17 : memref<!tpu.dma_semaphore, #tpu.memory_space<semaphore_mem>>) src(%arg13 : memref<128x128xf32, #tpu.memory_space<vmem>>) dst(%dma_wait3A_236 : memref<128x128xf32, #tpu.memory_space<hbm>>)
      %add3A_237 = arith.constant 1 : i32
      %add3A_238 = arith.addi %mul3A_195, %add3A_237 : i32
      %mul3A_239 = arith.constant 128 : i32
      %mul3A_240 = arith.muli %add3A_238, %mul3A_239 : i32
      %dma_start3A_241 = tpu.memref_slice %arg8[%mul3A_240] : memref<10240xi32, #tpu.memory_space<vmem>> -> memref<128xi32, #tpu.memory_space<vmem>>
      %dma_start3A_242 = arith.constant 0 : i32
      %dma_start3A_243 = arith.constant 0 : i32
      %dma_start3A_244 = tpu.memref_slice %arg2[%dma_start3A_242, %dma_start3A_243] : memref<10000x128xf32, #tpu.memory_space<hbm>> -> memref<10000x128xf32, #tpu.memory_space<hbm>>
      tpu.enqueue_indirect_dma source(%dma_start3A_244 : memref<10000x128xf32, #tpu.memory_space<hbm>>) target(%arg12 : memref<128x128xf32, #tpu.memory_space<vmem>>) offsets(%dma_start3A_241 : memref<128xi32, #tpu.memory_space<vmem>>) semaphore(%arg15 : memref<!tpu.dma_semaphore, #tpu.memory_space<semaphore_mem>>)
      %mul3A_245 = arith.constant 128 : i32
      %mul3A_246 = arith.muli %add3A_238, %mul3A_245 : i32
      %dma_start3A_247 = tpu.memref_slice %arg9[%mul3A_246] : memref<10240xi32, #tpu.memory_space<vmem>> -> memref<128xi32, #tpu.memory_space<vmem>>
      %dma_start3A_248 = arith.constant 0 : i32
      %dma_start3A_249 = arith.constant 0 : i32
      %dma_start3A_250 = tpu.memref_slice %arg3[%dma_start3A_248, %dma_start3A_249] : memref<10000x128xf32, #tpu.memory_space<hbm>> -> memref<10000x128xf32, #tpu.memory_space<hbm>>
      tpu.enqueue_indirect_dma source(%dma_start3A_250 : memref<10000x128xf32, #tpu.memory_space<hbm>>) target(%arg13 : memref<128x128xf32, #tpu.memory_space<vmem>>) offsets(%dma_start3A_247 : memref<128xi32, #tpu.memory_space<vmem>>) semaphore(%arg15 : memref<!tpu.dma_semaphore, #tpu.memory_space<semaphore_mem>>)
      %dma_wait3A_251 = arith.constant 0 : i32
      %dma_wait3A_252 = arith.constant 0 : i32
      %dma_wait3A_253 = tpu.memref_slice %arg2[%dma_wait3A_251, %dma_wait3A_252] : memref<10000x128xf32, #tpu.memory_space<hbm>> -> memref<128x128xf32, #tpu.memory_space<hbm>>
      %dma_wait3A_254 = arith.constant 0 : i32
      %dma_wait3A_255 = arith.constant 0 : i32
      %dma_wait3A_256 = tpu.memref_slice %arg2[%dma_wait3A_254, %dma_wait3A_255] : memref<10000x128xf32, #tpu.memory_space<hbm>> -> memref<128x128xf32, #tpu.memory_space<hbm>>
      tpu.wait_dma2 semaphore(%arg15 : memref<!tpu.dma_semaphore, #tpu.memory_space<semaphore_mem>>) src(%dma_wait3A_256 : memref<128x128xf32, #tpu.memory_space<hbm>>) dst(%arg12 : memref<128x128xf32, #tpu.memory_space<vmem>>)
      %dma_wait3A_257 = arith.constant 0 : i32
      %dma_wait3A_258 = arith.constant 0 : i32
      %dma_wait3A_259 = tpu.memref_slice %arg3[%dma_wait3A_257, %dma_wait3A_258] : memref<10000x128xf32, #tpu.memory_space<hbm>> -> memref<128x128xf32, #tpu.memory_space<hbm>>
      %dma_wait3A_260 = arith.constant 0 : i32
      %dma_wait3A_261 = arith.constant 0 : i32
      %dma_wait3A_262 = tpu.memref_slice %arg3[%dma_wait3A_260, %dma_wait3A_261] : memref<10000x128xf32, #tpu.memory_space<hbm>> -> memref<128x128xf32, #tpu.memory_space<hbm>>
      tpu.wait_dma2 semaphore(%arg15 : memref<!tpu.dma_semaphore, #tpu.memory_space<semaphore_mem>>) src(%dma_wait3A_262 : memref<128x128xf32, #tpu.memory_space<hbm>>) dst(%arg13 : memref<128x128xf32, #tpu.memory_space<vmem>>)
      %add3A_263 = arith.constant 1 : i32
      %add3A_264 = arith.addi %mul3A_195, %add3A_263 : i32
      %mul3A_265 = arith.constant 128 : i32
      %mul3A_266 = arith.muli %add3A_264, %mul3A_265 : i32
      %add3A_267 = arith.addi %mul3A_2, %mul3A_266 : i32
      %dma_start3A_268 = arith.constant 0 : i32
      %dma_start3A_269 = tpu.memref_slice %arg6[%add3A_267, %dma_start3A_268] : memref<327680x128xf32, #tpu.memory_space<hbm>> -> memref<128x128xf32, #tpu.memory_space<hbm>>
      %dma_start3A_270 = arith.constant 0 : i32
      %dma_start3A_271 = tpu.memref_slice %arg6[%add3A_267, %dma_start3A_270] : memref<327680x128xf32, #tpu.memory_space<hbm>> -> memref<128x128xf32, #tpu.memory_space<hbm>>
      tpu.enqueue_dma source(%arg12 : memref<128x128xf32, #tpu.memory_space<vmem>>) target(%dma_start3A_271 : memref<128x128xf32, #tpu.memory_space<hbm>>) target_semaphore(%arg17 : memref<!tpu.dma_semaphore, #tpu.memory_space<semaphore_mem>>)
      %mul3A_272 = arith.constant 128 : i32
      %mul3A_273 = arith.muli %add3A_264, %mul3A_272 : i32
      %add3A_274 = arith.addi %mul3A_2, %mul3A_273 : i32
      %dma_start3A_275 = arith.constant 0 : i32
      %dma_start3A_276 = tpu.memref_slice %arg7[%add3A_274, %dma_start3A_275] : memref<327680x128xf32, #tpu.memory_space<hbm>> -> memref<128x128xf32, #tpu.memory_space<hbm>>
      %dma_start3A_277 = arith.constant 0 : i32
      %dma_start3A_278 = tpu.memref_slice %arg7[%add3A_274, %dma_start3A_277] : memref<327680x128xf32, #tpu.memory_space<hbm>> -> memref<128x128xf32, #tpu.memory_space<hbm>>
      tpu.enqueue_dma source(%arg13 : memref<128x128xf32, #tpu.memory_space<vmem>>) target(%dma_start3A_278 : memref<128x128xf32, #tpu.memory_space<hbm>>) target_semaphore(%arg17 : memref<!tpu.dma_semaphore, #tpu.memory_space<semaphore_mem>>)
      %mul3A_279 = arith.constant 128 : i32
      %mul3A_280 = arith.muli %mul3A_195, %mul3A_279 : i32
      %add3A_281 = arith.addi %mul3A_2, %mul3A_280 : i32
      %dma_wait3A_282 = arith.constant 0 : i32
      %dma_wait3A_283 = tpu.memref_slice %arg6[%add3A_281, %dma_wait3A_282] : memref<327680x128xf32, #tpu.memory_space<hbm>> -> memref<128x128xf32, #tpu.memory_space<hbm>>
      %dma_wait3A_284 = arith.constant 0 : i32
      %dma_wait3A_285 = tpu.memref_slice %arg6[%add3A_281, %dma_wait3A_284] : memref<327680x128xf32, #tpu.memory_space<hbm>> -> memref<128x128xf32, #tpu.memory_space<hbm>>
      tpu.wait_dma2 semaphore(%arg16 : memref<!tpu.dma_semaphore, #tpu.memory_space<semaphore_mem>>) src(%arg10 : memref<128x128xf32, #tpu.memory_space<vmem>>) dst(%dma_wait3A_285 : memref<128x128xf32, #tpu.memory_space<hbm>>)
      %mul3A_286 = arith.constant 128 : i32
      %mul3A_287 = arith.muli %mul3A_195, %mul3A_286 : i32
      %add3A_288 = arith.addi %mul3A_2, %mul3A_287 : i32
      %dma_wait3A_289 = arith.constant 0 : i32
      %dma_wait3A_290 = tpu.memref_slice %arg7[%add3A_288, %dma_wait3A_289] : memref<327680x128xf32, #tpu.memory_space<hbm>> -> memref<128x128xf32, #tpu.memory_space<hbm>>
      %dma_wait3A_291 = arith.constant 0 : i32
      %dma_wait3A_292 = tpu.memref_slice %arg7[%add3A_288, %dma_wait3A_291] : memref<327680x128xf32, #tpu.memory_space<hbm>> -> memref<128x128xf32, #tpu.memory_space<hbm>>
      tpu.wait_dma2 semaphore(%arg16 : memref<!tpu.dma_semaphore, #tpu.memory_space<semaphore_mem>>) src(%arg11 : memref<128x128xf32, #tpu.memory_space<vmem>>) dst(%dma_wait3A_292 : memref<128x128xf32, #tpu.memory_space<hbm>>)
      %add3A_293 = arith.constant 2 : i32
      %add3A_294 = arith.addi %mul3A_195, %add3A_293 : i32
      %mul3A_295 = arith.constant 128 : i32
      %mul3A_296 = arith.muli %add3A_294, %mul3A_295 : i32
      %dma_start3A_297 = tpu.memref_slice %arg8[%mul3A_296] : memref<10240xi32, #tpu.memory_space<vmem>> -> memref<128xi32, #tpu.memory_space<vmem>>
      %dma_start3A_298 = arith.constant 0 : i32
      %dma_start3A_299 = arith.constant 0 : i32
      %dma_start3A_300 = tpu.memref_slice %arg2[%dma_start3A_298, %dma_start3A_299] : memref<10000x128xf32, #tpu.memory_space<hbm>> -> memref<10000x128xf32, #tpu.memory_space<hbm>>
      tpu.enqueue_indirect_dma source(%dma_start3A_300 : memref<10000x128xf32, #tpu.memory_space<hbm>>) target(%arg10 : memref<128x128xf32, #tpu.memory_space<vmem>>) offsets(%dma_start3A_297 : memref<128xi32, #tpu.memory_space<vmem>>) semaphore(%arg14 : memref<!tpu.dma_semaphore, #tpu.memory_space<semaphore_mem>>)
      %mul3A_301 = arith.constant 128 : i32
      %mul3A_302 = arith.muli %add3A_294, %mul3A_301 : i32
      %dma_start3A_303 = tpu.memref_slice %arg9[%mul3A_302] : memref<10240xi32, #tpu.memory_space<vmem>> -> memref<128xi32, #tpu.memory_space<vmem>>
      %dma_start3A_304 = arith.constant 0 : i32
      %dma_start3A_305 = arith.constant 0 : i32
      %dma_start3A_306 = tpu.memref_slice %arg3[%dma_start3A_304, %dma_start3A_305] : memref<10000x128xf32, #tpu.memory_space<hbm>> -> memref<10000x128xf32, #tpu.memory_space<hbm>>
      tpu.enqueue_indirect_dma source(%dma_start3A_306 : memref<10000x128xf32, #tpu.memory_space<hbm>>) target(%arg11 : memref<128x128xf32, #tpu.memory_space<vmem>>) offsets(%dma_start3A_303 : memref<128xi32, #tpu.memory_space<vmem>>) semaphore(%arg14 : memref<!tpu.dma_semaphore, #tpu.memory_space<semaphore_mem>>)
    }
    %scan3A_94 = arith.constant 38 : i32
    %dma_wait3A_95 = arith.constant 0 : i32
    %dma_wait3A_96 = arith.constant 0 : i32
    %dma_wait3A_97 = tpu.memref_slice %arg2[%dma_wait3A_95, %dma_wait3A_96] : memref<10000x128xf32, #tpu.memory_space<hbm>> -> memref<128x128xf32, #tpu.memory_space<hbm>>
    %dma_wait3A_98 = arith.constant 0 : i32
    %dma_wait3A_99 = arith.constant 0 : i32
    %dma_wait3A_100 = tpu.memref_slice %arg2[%dma_wait3A_98, %dma_wait3A_99] : memref<10000x128xf32, #tpu.memory_space<hbm>> -> memref<128x128xf32, #tpu.memory_space<hbm>>
    tpu.wait_dma2 semaphore(%arg14 : memref<!tpu.dma_semaphore, #tpu.memory_space<semaphore_mem>>) src(%dma_wait3A_100 : memref<128x128xf32, #tpu.memory_space<hbm>>) dst(%arg10 : memref<128x128xf32, #tpu.memory_space<vmem>>)
    %dma_wait3A_101 = arith.constant 0 : i32
    %dma_wait3A_102 = arith.constant 0 : i32
    %dma_wait3A_103 = tpu.memref_slice %arg3[%dma_wait3A_101, %dma_wait3A_102] : memref<10000x128xf32, #tpu.memory_space<hbm>> -> memref<128x128xf32, #tpu.memory_space<hbm>>
    %dma_wait3A_104 = arith.constant 0 : i32
    %dma_wait3A_105 = arith.constant 0 : i32
    %dma_wait3A_106 = tpu.memref_slice %arg3[%dma_wait3A_104, %dma_wait3A_105] : memref<10000x128xf32, #tpu.memory_space<hbm>> -> memref<128x128xf32, #tpu.memory_space<hbm>>
    tpu.wait_dma2 semaphore(%arg14 : memref<!tpu.dma_semaphore, #tpu.memory_space<semaphore_mem>>) src(%dma_wait3A_106 : memref<128x128xf32, #tpu.memory_space<hbm>>) dst(%arg11 : memref<128x128xf32, #tpu.memory_space<vmem>>)
    %add3A_107 = arith.constant 9984 : i32
    %add3A_108 = arith.addi %mul3A_2, %add3A_107 : i32
    %dma_start3A_109 = arith.constant 0 : i32
    %dma_start3A_110 = tpu.memref_slice %arg6[%add3A_108, %dma_start3A_109] : memref<327680x128xf32, #tpu.memory_space<hbm>> -> memref<128x128xf32, #tpu.memory_space<hbm>>
    %dma_start3A_111 = arith.constant 0 : i32
    %dma_start3A_112 = tpu.memref_slice %arg6[%add3A_108, %dma_start3A_111] : memref<327680x128xf32, #tpu.memory_space<hbm>> -> memref<128x128xf32, #tpu.memory_space<hbm>>
    tpu.enqueue_dma source(%arg10 : memref<128x128xf32, #tpu.memory_space<vmem>>) target(%dma_start3A_112 : memref<128x128xf32, #tpu.memory_space<hbm>>) target_semaphore(%arg16 : memref<!tpu.dma_semaphore, #tpu.memory_space<semaphore_mem>>)
    %add3A_113 = arith.constant 9984 : i32
    %add3A_114 = arith.addi %mul3A_2, %add3A_113 : i32
    %dma_start3A_115 = arith.constant 0 : i32
    %dma_start3A_116 = tpu.memref_slice %arg7[%add3A_114, %dma_start3A_115] : memref<327680x128xf32, #tpu.memory_space<hbm>> -> memref<128x128xf32, #tpu.memory_space<hbm>>
    %dma_start3A_117 = arith.constant 0 : i32
    %dma_start3A_118 = tpu.memref_slice %arg7[%add3A_114, %dma_start3A_117] : memref<327680x128xf32, #tpu.memory_space<hbm>> -> memref<128x128xf32, #tpu.memory_space<hbm>>
    tpu.enqueue_dma source(%arg11 : memref<128x128xf32, #tpu.memory_space<vmem>>) target(%dma_start3A_118 : memref<128x128xf32, #tpu.memory_space<hbm>>) target_semaphore(%arg16 : memref<!tpu.dma_semaphore, #tpu.memory_space<semaphore_mem>>)
    %add3A_119 = arith.constant 9856 : i32
    %add3A_120 = arith.addi %mul3A_2, %add3A_119 : i32
    %dma_wait3A_121 = arith.constant 0 : i32
    %dma_wait3A_122 = tpu.memref_slice %arg6[%add3A_120, %dma_wait3A_121] : memref<327680x128xf32, #tpu.memory_space<hbm>> -> memref<128x128xf32, #tpu.memory_space<hbm>>
    %dma_wait3A_123 = arith.constant 0 : i32
    %dma_wait3A_124 = tpu.memref_slice %arg6[%add3A_120, %dma_wait3A_123] : memref<327680x128xf32, #tpu.memory_space<hbm>> -> memref<128x128xf32, #tpu.memory_space<hbm>>
    tpu.wait_dma2 semaphore(%arg17 : memref<!tpu.dma_semaphore, #tpu.memory_space<semaphore_mem>>) src(%arg12 : memref<128x128xf32, #tpu.memory_space<vmem>>) dst(%dma_wait3A_124 : memref<128x128xf32, #tpu.memory_space<hbm>>)
    %add3A_125 = arith.constant 9856 : i32
    %add3A_126 = arith.addi %mul3A_2, %add3A_125 : i32
    %dma_wait3A_127 = arith.constant 0 : i32
    %dma_wait3A_128 = tpu.memref_slice %arg7[%add3A_126, %dma_wait3A_127] : memref<327680x128xf32, #tpu.memory_space<hbm>> -> memref<128x128xf32, #tpu.memory_space<hbm>>
    %dma_wait3A_129 = arith.constant 0 : i32
    %dma_wait3A_130 = tpu.memref_slice %arg7[%add3A_126, %dma_wait3A_129] : memref<327680x128xf32, #tpu.memory_space<hbm>> -> memref<128x128xf32, #tpu.memory_space<hbm>>
    tpu.wait_dma2 semaphore(%arg17 : memref<!tpu.dma_semaphore, #tpu.memory_space<semaphore_mem>>) src(%arg13 : memref<128x128xf32, #tpu.memory_space<vmem>>) dst(%dma_wait3A_130 : memref<128x128xf32, #tpu.memory_space<hbm>>)
    %dma_start3A_131 = arith.constant 10112 : i32
    %dma_start3A_132 = tpu.memref_slice %arg8[%dma_start3A_131] : memref<10240xi32, #tpu.memory_space<vmem>> -> memref<128xi32, #tpu.memory_space<vmem>>
    %dma_start3A_133 = arith.constant 0 : i32
    %dma_start3A_134 = arith.constant 0 : i32
    %dma_start3A_135 = tpu.memref_slice %arg2[%dma_start3A_133, %dma_start3A_134] : memref<10000x128xf32, #tpu.memory_space<hbm>> -> memref<10000x128xf32, #tpu.memory_space<hbm>>
    tpu.enqueue_indirect_dma source(%dma_start3A_135 : memref<10000x128xf32, #tpu.memory_space<hbm>>) target(%arg12 : memref<128x128xf32, #tpu.memory_space<vmem>>) offsets(%dma_start3A_132 : memref<128xi32, #tpu.memory_space<vmem>>) semaphore(%arg15 : memref<!tpu.dma_semaphore, #tpu.memory_space<semaphore_mem>>)
    %dma_start3A_136 = arith.constant 10112 : i32
    %dma_start3A_137 = tpu.memref_slice %arg9[%dma_start3A_136] : memref<10240xi32, #tpu.memory_space<vmem>> -> memref<128xi32, #tpu.memory_space<vmem>>
    %dma_start3A_138 = arith.constant 0 : i32
    %dma_start3A_139 = arith.constant 0 : i32
    %dma_start3A_140 = tpu.memref_slice %arg3[%dma_start3A_138, %dma_start3A_139] : memref<10000x128xf32, #tpu.memory_space<hbm>> -> memref<10000x128xf32, #tpu.memory_space<hbm>>
    tpu.enqueue_indirect_dma source(%dma_start3A_140 : memref<10000x128xf32, #tpu.memory_space<hbm>>) target(%arg13 : memref<128x128xf32, #tpu.memory_space<vmem>>) offsets(%dma_start3A_137 : memref<128xi32, #tpu.memory_space<vmem>>) semaphore(%arg15 : memref<!tpu.dma_semaphore, #tpu.memory_space<semaphore_mem>>)
    %dma_wait3A_141 = arith.constant 0 : i32
    %dma_wait3A_142 = arith.constant 0 : i32
    %dma_wait3A_143 = tpu.memref_slice %arg2[%dma_wait3A_141, %dma_wait3A_142] : memref<10000x128xf32, #tpu.memory_space<hbm>> -> memref<128x128xf32, #tpu.memory_space<hbm>>
    %dma_wait3A_144 = arith.constant 0 : i32
    %dma_wait3A_145 = arith.constant 0 : i32
    %dma_wait3A_146 = tpu.memref_slice %arg2[%dma_wait3A_144, %dma_wait3A_145] : memref<10000x128xf32, #tpu.memory_space<hbm>> -> memref<128x128xf32, #tpu.memory_space<hbm>>
    tpu.wait_dma2 semaphore(%arg15 : memref<!tpu.dma_semaphore, #tpu.memory_space<semaphore_mem>>) src(%dma_wait3A_146 : memref<128x128xf32, #tpu.memory_space<hbm>>) dst(%arg12 : memref<128x128xf32, #tpu.memory_space<vmem>>)
    %dma_wait3A_147 = arith.constant 0 : i32
    %dma_wait3A_148 = arith.constant 0 : i32
    %dma_wait3A_149 = tpu.memref_slice %arg3[%dma_wait3A_147, %dma_wait3A_148] : memref<10000x128xf32, #tpu.memory_space<hbm>> -> memref<128x128xf32, #tpu.memory_space<hbm>>
    %dma_wait3A_150 = arith.constant 0 : i32
    %dma_wait3A_151 = arith.constant 0 : i32
    %dma_wait3A_152 = tpu.memref_slice %arg3[%dma_wait3A_150, %dma_wait3A_151] : memref<10000x128xf32, #tpu.memory_space<hbm>> -> memref<128x128xf32, #tpu.memory_space<hbm>>
    tpu.wait_dma2 semaphore(%arg15 : memref<!tpu.dma_semaphore, #tpu.memory_space<semaphore_mem>>) src(%dma_wait3A_152 : memref<128x128xf32, #tpu.memory_space<hbm>>) dst(%arg13 : memref<128x128xf32, #tpu.memory_space<vmem>>)
    %add3A_153 = arith.constant 10112 : i32
    %add3A_154 = arith.addi %mul3A_2, %add3A_153 : i32
    %dma_start3A_155 = arith.constant 0 : i32
    %dma_start3A_156 = tpu.memref_slice %arg6[%add3A_154, %dma_start3A_155] : memref<327680x128xf32, #tpu.memory_space<hbm>> -> memref<128x128xf32, #tpu.memory_space<hbm>>
    %dma_start3A_157 = arith.constant 0 : i32
    %dma_start3A_158 = tpu.memref_slice %arg6[%add3A_154, %dma_start3A_157] : memref<327680x128xf32, #tpu.memory_space<hbm>> -> memref<128x128xf32, #tpu.memory_space<hbm>>
    tpu.enqueue_dma source(%arg12 : memref<128x128xf32, #tpu.memory_space<vmem>>) target(%dma_start3A_158 : memref<128x128xf32, #tpu.memory_space<hbm>>) target_semaphore(%arg17 : memref<!tpu.dma_semaphore, #tpu.memory_space<semaphore_mem>>)
    %add3A_159 = arith.constant 10112 : i32
    %add3A_160 = arith.addi %mul3A_2, %add3A_159 : i32
    %dma_start3A_161 = arith.constant 0 : i32
    %dma_start3A_162 = tpu.memref_slice %arg7[%add3A_160, %dma_start3A_161] : memref<327680x128xf32, #tpu.memory_space<hbm>> -> memref<128x128xf32, #tpu.memory_space<hbm>>
    %dma_start3A_163 = arith.constant 0 : i32
    %dma_start3A_164 = tpu.memref_slice %arg7[%add3A_160, %dma_start3A_163] : memref<327680x128xf32, #tpu.memory_space<hbm>> -> memref<128x128xf32, #tpu.memory_space<hbm>>
    tpu.enqueue_dma source(%arg13 : memref<128x128xf32, #tpu.memory_space<vmem>>) target(%dma_start3A_164 : memref<128x128xf32, #tpu.memory_space<hbm>>) target_semaphore(%arg17 : memref<!tpu.dma_semaphore, #tpu.memory_space<semaphore_mem>>)
    %add3A_165 = arith.constant 9984 : i32
    %add3A_166 = arith.addi %mul3A_2, %add3A_165 : i32
    %dma_wait3A_167 = arith.constant 0 : i32
    %dma_wait3A_168 = tpu.memref_slice %arg6[%add3A_166, %dma_wait3A_167] : memref<327680x128xf32, #tpu.memory_space<hbm>> -> memref<128x128xf32, #tpu.memory_space<hbm>>
    %dma_wait3A_169 = arith.constant 0 : i32
    %dma_wait3A_170 = tpu.memref_slice %arg6[%add3A_166, %dma_wait3A_169] : memref<327680x128xf32, #tpu.memory_space<hbm>> -> memref<128x128xf32, #tpu.memory_space<hbm>>
    tpu.wait_dma2 semaphore(%arg16 : memref<!tpu.dma_semaphore, #tpu.memory_space<semaphore_mem>>) src(%arg10 : memref<128x128xf32, #tpu.memory_space<vmem>>) dst(%dma_wait3A_170 : memref<128x128xf32, #tpu.memory_space<hbm>>)
    %add3A_171 = arith.constant 9984 : i32
    %add3A_172 = arith.addi %mul3A_2, %add3A_171 : i32
    %dma_wait3A_173 = arith.constant 0 : i32
    %dma_wait3A_174 = tpu.memref_slice %arg7[%add3A_172, %dma_wait3A_173] : memref<327680x128xf32, #tpu.memory_space<hbm>> -> memref<128x128xf32, #tpu.memory_space<hbm>>
    %dma_wait3A_175 = arith.constant 0 : i32
    %dma_wait3A_176 = tpu.memref_slice %arg7[%add3A_172, %dma_wait3A_175] : memref<327680x128xf32, #tpu.memory_space<hbm>> -> memref<128x128xf32, #tpu.memory_space<hbm>>
    tpu.wait_dma2 semaphore(%arg16 : memref<!tpu.dma_semaphore, #tpu.memory_space<semaphore_mem>>) src(%arg11 : memref<128x128xf32, #tpu.memory_space<vmem>>) dst(%dma_wait3A_176 : memref<128x128xf32, #tpu.memory_space<hbm>>)
    %add3A_177 = arith.constant 10112 : i32
    %add3A_178 = arith.addi %mul3A_2, %add3A_177 : i32
    %dma_wait3A_179 = arith.constant 0 : i32
    %dma_wait3A_180 = tpu.memref_slice %arg6[%add3A_178, %dma_wait3A_179] : memref<327680x128xf32, #tpu.memory_space<hbm>> -> memref<128x128xf32, #tpu.memory_space<hbm>>
    %dma_wait3A_181 = arith.constant 0 : i32
    %dma_wait3A_182 = tpu.memref_slice %arg6[%add3A_178, %dma_wait3A_181] : memref<327680x128xf32, #tpu.memory_space<hbm>> -> memref<128x128xf32, #tpu.memory_space<hbm>>
    tpu.wait_dma2 semaphore(%arg17 : memref<!tpu.dma_semaphore, #tpu.memory_space<semaphore_mem>>) src(%arg12 : memref<128x128xf32, #tpu.memory_space<vmem>>) dst(%dma_wait3A_182 : memref<128x128xf32, #tpu.memory_space<hbm>>)
    %add3A_183 = arith.constant 10112 : i32
    %add3A_184 = arith.addi %mul3A_2, %add3A_183 : i32
    %dma_wait3A_185 = arith.constant 0 : i32
    %dma_wait3A_186 = tpu.memref_slice %arg7[%add3A_184, %dma_wait3A_185] : memref<327680x128xf32, #tpu.memory_space<hbm>> -> memref<128x128xf32, #tpu.memory_space<hbm>>
    %dma_wait3A_187 = arith.constant 0 : i32
    %dma_wait3A_188 = tpu.memref_slice %arg7[%add3A_184, %dma_wait3A_187] : memref<327680x128xf32, #tpu.memory_space<hbm>> -> memref<128x128xf32, #tpu.memory_space<hbm>>
    tpu.wait_dma2 semaphore(%arg17 : memref<!tpu.dma_semaphore, #tpu.memory_space<semaphore_mem>>) src(%arg13 : memref<128x128xf32, #tpu.memory_space<vmem>>) dst(%dma_wait3A_188 : memref<128x128xf32, #tpu.memory_space<hbm>>)
    return
  }
}

#map = affine_map<(d0, d1) -> (0)>
#map1 = affine_map<(d0, d1) -> (0, 0)>
module attributes {stable_mosaic.version = 14 : i64} {
  func.func @_segsum_body(%arg0: i32, %arg1: i32, %arg2: memref<1310720xf32, #tpu.memory_space<hbm>>, %arg3: memref<1310720xi32, #tpu.memory_space<hbm>>, %arg4: memref<32x40960xf32, #tpu.memory_space<hbm>>, %arg5: memref<40960xf32, #tpu.memory_space<vmem>>, %arg6: memref<8192xf32, #tpu.memory_space<vmem>>, %arg7: memref<8192xi32, #tpu.memory_space<vmem>>) attributes {dimension_semantics = [#tpu.dimension_semantics<core_parallel>, #tpu.dimension_semantics<subcore_parallel>], iteration_bounds = array<i64: 2, 16>, scalar_prefetch = 0 : i64, scratch_operands = 3 : i64, tpu.core_type = #tpu.core_type<sc_vector_subcore>, window_params = [{transform_indices = #map}, {transform_indices = #map}, {transform_indices = #map1}]} {
    %mul3A = arith.constant 2 : i32
    %mul3A_0 = arith.muli %arg1, %mul3A : i32
    %add3A = arith.addi %mul3A_0, %arg0 : i32
    %mul3A_1 = arith.constant 40960 : i32
    %mul3A_2 = arith.muli %add3A, %mul3A_1 : i32
    %scan3A = arith.constant 0 : i32
    %scan3A_3 = arith.constant 2560 : i32
    %scan3A_4 = arith.addi %scan3A, %scan3A_3 : i32
    %scan3A_5 = arith.constant 1 : i32
    scf.for %scan3A_12 = %scan3A to %scan3A_4 step %scan3A_5  : i32 {
      %mul3A_13 = arith.constant 16 : i32
      %mul3A_14 = arith.muli %scan3A_12, %mul3A_13 : i32
      %add3A_15 = arith.constant 0 : i32
      %add3A_16 = arith.addi %add3A_15, %mul3A_14 : i32
      %broadcast_in_dim3A = arith.constant 0.000000e+00 : f32
      %broadcast_in_dim3A_17 = vector.broadcast %broadcast_in_dim3A : f32 to vector<16xf32>
      %swap3A = arith.index_cast %add3A_16 : i32 to index
      %swap3A_18 = tpu.vector_load %arg5[%swap3A] {strides = array<i32>} : memref<40960xf32, #tpu.memory_space<vmem>>, vector<16xf32>,
      tpu.vector_store %arg5[%swap3A], %broadcast_in_dim3A_17 {strides = array<i32>} : memref<40960xf32, #tpu.memory_space<vmem>>, vector<16xf32>,
    }
    %scan3A_6 = arith.constant 2560 : i32
    %scan3A_7 = arith.constant 0 : i32
    %scan3A_8 = arith.constant 5 : i32
    %scan3A_9 = arith.addi %scan3A_7, %scan3A_8 : i32
    %scan3A_10 = arith.constant 1 : i32
    scf.for %scan3A_12 = %scan3A_7 to %scan3A_9 step %scan3A_10  : i32 {
      %mul3A_13 = arith.constant 8192 : i32
      %mul3A_14 = arith.muli %scan3A_12, %mul3A_13 : i32
      %add3A_15 = arith.constant 0 : i32
      %add3A_16 = arith.addi %add3A_15, %mul3A_14 : i32
      %add3A_17 = arith.addi %mul3A_2, %add3A_16 : i32
      "tpu.region"() ({
        %run_scoped3A = tpu.sem_alloc : memref<!tpu.dma_semaphore, #tpu.memory_space<semaphore_mem>>
        %dma_start3A = tpu.memref_slice %arg2[%add3A_17] : memref<1310720xf32, #tpu.memory_space<hbm>> -> memref<8192xf32, #tpu.memory_space<hbm>>
        %dma_start3A_24 = tpu.memref_slice %arg2[%add3A_17] : memref<1310720xf32, #tpu.memory_space<hbm>> -> memref<8192xf32, #tpu.memory_space<hbm>>
        tpu.enqueue_dma source(%dma_start3A_24 : memref<8192xf32, #tpu.memory_space<hbm>>) target(%arg6 : memref<8192xf32, #tpu.memory_space<vmem>>) target_semaphore(%run_scoped3A : memref<!tpu.dma_semaphore, #tpu.memory_space<semaphore_mem>>)
        %dma_wait3A = tpu.memref_slice %arg2[%add3A_17] : memref<1310720xf32, #tpu.memory_space<hbm>> -> memref<8192xf32, #tpu.memory_space<hbm>>
        %dma_wait3A_25 = tpu.memref_slice %arg2[%add3A_17] : memref<1310720xf32, #tpu.memory_space<hbm>> -> memref<8192xf32, #tpu.memory_space<hbm>>
        tpu.wait_dma2 semaphore(%run_scoped3A : memref<!tpu.dma_semaphore, #tpu.memory_space<semaphore_mem>>) src(%dma_wait3A_25 : memref<8192xf32, #tpu.memory_space<hbm>>) dst(%arg6 : memref<8192xf32, #tpu.memory_space<vmem>>)
        tpu.yield
      }) : () -> ()
      %add3A_18 = arith.addi %mul3A_2, %add3A_16 : i32
      "tpu.region"() ({
        %run_scoped3A = tpu.sem_alloc : memref<!tpu.dma_semaphore, #tpu.memory_space<semaphore_mem>>
        %dma_start3A = tpu.memref_slice %arg3[%add3A_18] : memref<1310720xi32, #tpu.memory_space<hbm>> -> memref<8192xi32, #tpu.memory_space<hbm>>
        %dma_start3A_24 = tpu.memref_slice %arg3[%add3A_18] : memref<1310720xi32, #tpu.memory_space<hbm>> -> memref<8192xi32, #tpu.memory_space<hbm>>
        tpu.enqueue_dma source(%dma_start3A_24 : memref<8192xi32, #tpu.memory_space<hbm>>) target(%arg7 : memref<8192xi32, #tpu.memory_space<vmem>>) target_semaphore(%run_scoped3A : memref<!tpu.dma_semaphore, #tpu.memory_space<semaphore_mem>>)
        %dma_wait3A = tpu.memref_slice %arg3[%add3A_18] : memref<1310720xi32, #tpu.memory_space<hbm>> -> memref<8192xi32, #tpu.memory_space<hbm>>
        %dma_wait3A_25 = tpu.memref_slice %arg3[%add3A_18] : memref<1310720xi32, #tpu.memory_space<hbm>> -> memref<8192xi32, #tpu.memory_space<hbm>>
        tpu.wait_dma2 semaphore(%run_scoped3A : memref<!tpu.dma_semaphore, #tpu.memory_space<semaphore_mem>>) src(%dma_wait3A_25 : memref<8192xi32, #tpu.memory_space<hbm>>) dst(%arg7 : memref<8192xi32, #tpu.memory_space<vmem>>)
        tpu.yield
      }) : () -> ()
      %scan3A_19 = arith.constant 0 : i32
      %scan3A_20 = arith.constant 512 : i32
      %scan3A_21 = arith.addi %scan3A_19, %scan3A_20 : i32
      %scan3A_22 = arith.constant 1 : i32
      scf.for %scan3A_24 = %scan3A_19 to %scan3A_21 step %scan3A_22  : i32 {
        %mul3A_25 = arith.constant 16 : i32
        %mul3A_26 = arith.muli %scan3A_24, %mul3A_25 : i32
        %add3A_27 = arith.constant 0 : i32
        %add3A_28 = arith.addi %add3A_27, %mul3A_26 : i32
        %get3A = arith.index_cast %add3A_28 : i32 to index
        %get3A_29 = tpu.vector_load %arg6[%get3A] {strides = array<i32>} : memref<8192xf32, #tpu.memory_space<vmem>>, vector<16xf32>,
        %get3A_30 = arith.index_cast %add3A_28 : i32 to index
        %get3A_31 = tpu.vector_load %arg7[%get3A_30] {strides = array<i32>} : memref<8192xi32, #tpu.memory_space<vmem>>, vector<16xi32>,
        tpu.vector_store_idx %arg5[%get3A_31], %get3A_29 {add = true} : memref<40960xf32, #tpu.memory_space<vmem>>[vector<16xi32>], vector<16xf32>,
      }
      %scan3A_23 = arith.constant 512 : i32
    }
    %scan3A_11 = arith.constant 5 : i32
    "tpu.region"() ({
      %run_scoped3A = tpu.sem_alloc : memref<!tpu.dma_semaphore, #tpu.memory_space<semaphore_mem>>
      %dma_start3A = arith.constant 0 : i32
      %dma_start3A_12 = tpu.memref_slice %arg4[%add3A, %dma_start3A] : memref<32x40960xf32, #tpu.memory_space<hbm>> -> memref<1x40960xf32, #tpu.memory_space<hbm>>
      %dma_start3A_13 = tpu.memref_squeeze %dma_start3A_12 : memref<1x40960xf32, #tpu.memory_space<hbm>> -> memref<40960xf32, #tpu.memory_space<hbm>>
      %dma_start3A_14 = arith.constant 0 : i32
      %dma_start3A_15 = tpu.memref_slice %arg4[%add3A, %dma_start3A_14] : memref<32x40960xf32, #tpu.memory_space<hbm>> -> memref<1x40960xf32, #tpu.memory_space<hbm>>
      %dma_start3A_16 = tpu.memref_squeeze %dma_start3A_15 : memref<1x40960xf32, #tpu.memory_space<hbm>> -> memref<40960xf32, #tpu.memory_space<hbm>>
      tpu.enqueue_dma source(%arg5 : memref<40960xf32, #tpu.memory_space<vmem>>) target(%dma_start3A_16 : memref<40960xf32, #tpu.memory_space<hbm>>) target_semaphore(%run_scoped3A : memref<!tpu.dma_semaphore, #tpu.memory_space<semaphore_mem>>)
      %dma_wait3A = arith.constant 0 : i32
      %dma_wait3A_17 = tpu.memref_slice %arg4[%add3A, %dma_wait3A] : memref<32x40960xf32, #tpu.memory_space<hbm>> -> memref<1x40960xf32, #tpu.memory_space<hbm>>
      %dma_wait3A_18 = tpu.memref_squeeze %dma_wait3A_17 : memref<1x40960xf32, #tpu.memory_space<hbm>> -> memref<40960xf32, #tpu.memory_space<hbm>>
      %dma_wait3A_19 = arith.constant 0 : i32
      %dma_wait3A_20 = tpu.memref_slice %arg4[%add3A, %dma_wait3A_19] : memref<32x40960xf32, #tpu.memory_space<hbm>> -> memref<1x40960xf32, #tpu.memory_space<hbm>>
      %dma_wait3A_21 = tpu.memref_squeeze %dma_wait3A_20 : memref<1x40960xf32, #tpu.memory_space<hbm>> -> memref<40960xf32, #tpu.memory_space<hbm>>
      tpu.wait_dma2 semaphore(%run_scoped3A : memref<!tpu.dma_semaphore, #tpu.memory_space<semaphore_mem>>) src(%arg5 : memref<40960xf32, #tpu.memory_space<vmem>>) dst(%dma_wait3A_21 : memref<40960xf32, #tpu.memory_space<hbm>>)
      tpu.yield
    }) : () -> ()
    return
  }
}

#map = affine_map<(d0, d1) -> (0)>
module attributes {stable_mosaic.version = 14 : i64} {
  func.func @_alpha_body(%arg0: i32, %arg1: i32, %arg2: memref<1310720xf32, #tpu.memory_space<hbm>>, %arg3: memref<1310720xi32, #tpu.memory_space<hbm>>, %arg4: memref<40960xf32, #tpu.memory_space<hbm>>, %arg5: memref<1310720xf32, #tpu.memory_space<hbm>>, %arg6: memref<40960xf32, #tpu.memory_space<vmem>>, %arg7: memref<8192xf32, #tpu.memory_space<vmem>>, %arg8: memref<8192xi32, #tpu.memory_space<vmem>>, %arg9: memref<8192xf32, #tpu.memory_space<vmem>>) attributes {dimension_semantics = [#tpu.dimension_semantics<core_parallel>, #tpu.dimension_semantics<subcore_parallel>], iteration_bounds = array<i64: 2, 16>, scalar_prefetch = 0 : i64, scratch_operands = 4 : i64, tpu.core_type = #tpu.core_type<sc_vector_subcore>, window_params = [{transform_indices = #map}, {transform_indices = #map}, {transform_indices = #map}, {transform_indices = #map}]} {
    %mul3A = arith.constant 2 : i32
    %mul3A_0 = arith.muli %arg1, %mul3A : i32
    %add3A = arith.addi %mul3A_0, %arg0 : i32
    %mul3A_1 = arith.constant 40960 : i32
    %mul3A_2 = arith.muli %add3A, %mul3A_1 : i32
    "tpu.region"() ({
      %run_scoped3A = tpu.sem_alloc : memref<!tpu.dma_semaphore, #tpu.memory_space<semaphore_mem>>
      tpu.enqueue_dma source(%arg4 : memref<40960xf32, #tpu.memory_space<hbm>>) target(%arg6 : memref<40960xf32, #tpu.memory_space<vmem>>) target_semaphore(%run_scoped3A : memref<!tpu.dma_semaphore, #tpu.memory_space<semaphore_mem>>)
      tpu.wait_dma2 semaphore(%run_scoped3A : memref<!tpu.dma_semaphore, #tpu.memory_space<semaphore_mem>>) src(%arg4 : memref<40960xf32, #tpu.memory_space<hbm>>) dst(%arg6 : memref<40960xf32, #tpu.memory_space<vmem>>)
      tpu.yield
    }) : () -> ()
    %scan3A = arith.constant 0 : i32
    %scan3A_3 = arith.constant 5 : i32
    %scan3A_4 = arith.addi %scan3A, %scan3A_3 : i32
    %scan3A_5 = arith.constant 1 : i32
    scf.for %scan3A_7 = %scan3A to %scan3A_4 step %scan3A_5  : i32 {
      %mul3A_8 = arith.constant 8192 : i32
      %mul3A_9 = arith.muli %scan3A_7, %mul3A_8 : i32
      %add3A_10 = arith.constant 0 : i32
      %add3A_11 = arith.addi %add3A_10, %mul3A_9 : i32
      %add3A_12 = arith.addi %mul3A_2, %add3A_11 : i32
      "tpu.region"() ({
        %run_scoped3A = tpu.sem_alloc : memref<!tpu.dma_semaphore, #tpu.memory_space<semaphore_mem>>
        %dma_start3A = tpu.memref_slice %arg2[%add3A_12] : memref<1310720xf32, #tpu.memory_space<hbm>> -> memref<8192xf32, #tpu.memory_space<hbm>>
        %dma_start3A_20 = tpu.memref_slice %arg2[%add3A_12] : memref<1310720xf32, #tpu.memory_space<hbm>> -> memref<8192xf32, #tpu.memory_space<hbm>>
        tpu.enqueue_dma source(%dma_start3A_20 : memref<8192xf32, #tpu.memory_space<hbm>>) target(%arg7 : memref<8192xf32, #tpu.memory_space<vmem>>) target_semaphore(%run_scoped3A : memref<!tpu.dma_semaphore, #tpu.memory_space<semaphore_mem>>)
        %dma_wait3A = tpu.memref_slice %arg2[%add3A_12] : memref<1310720xf32, #tpu.memory_space<hbm>> -> memref<8192xf32, #tpu.memory_space<hbm>>
        %dma_wait3A_21 = tpu.memref_slice %arg2[%add3A_12] : memref<1310720xf32, #tpu.memory_space<hbm>> -> memref<8192xf32, #tpu.memory_space<hbm>>
        tpu.wait_dma2 semaphore(%run_scoped3A : memref<!tpu.dma_semaphore, #tpu.memory_space<semaphore_mem>>) src(%dma_wait3A_21 : memref<8192xf32, #tpu.memory_space<hbm>>) dst(%arg7 : memref<8192xf32, #tpu.memory_space<vmem>>)
        tpu.yield
      }) : () -> ()
      %add3A_13 = arith.addi %mul3A_2, %add3A_11 : i32
      "tpu.region"() ({
        %run_scoped3A = tpu.sem_alloc : memref<!tpu.dma_semaphore, #tpu.memory_space<semaphore_mem>>
        %dma_start3A = tpu.memref_slice %arg3[%add3A_13] : memref<1310720xi32, #tpu.memory_space<hbm>> -> memref<8192xi32, #tpu.memory_space<hbm>>
        %dma_start3A_20 = tpu.memref_slice %arg3[%add3A_13] : memref<1310720xi32, #tpu.memory_space<hbm>> -> memref<8192xi32, #tpu.memory_space<hbm>>
        tpu.enqueue_dma source(%dma_start3A_20 : memref<8192xi32, #tpu.memory_space<hbm>>) target(%arg8 : memref<8192xi32, #tpu.memory_space<vmem>>) target_semaphore(%run_scoped3A : memref<!tpu.dma_semaphore, #tpu.memory_space<semaphore_mem>>)
        %dma_wait3A = tpu.memref_slice %arg3[%add3A_13] : memref<1310720xi32, #tpu.memory_space<hbm>> -> memref<8192xi32, #tpu.memory_space<hbm>>
        %dma_wait3A_21 = tpu.memref_slice %arg3[%add3A_13] : memref<1310720xi32, #tpu.memory_space<hbm>> -> memref<8192xi32, #tpu.memory_space<hbm>>
        tpu.wait_dma2 semaphore(%run_scoped3A : memref<!tpu.dma_semaphore, #tpu.memory_space<semaphore_mem>>) src(%dma_wait3A_21 : memref<8192xi32, #tpu.memory_space<hbm>>) dst(%arg8 : memref<8192xi32, #tpu.memory_space<vmem>>)
        tpu.yield
      }) : () -> ()
      %scan3A_14 = arith.constant 0 : i32
      %scan3A_15 = arith.constant 512 : i32
      %scan3A_16 = arith.addi %scan3A_14, %scan3A_15 : i32
      %scan3A_17 = arith.constant 1 : i32
      scf.for %scan3A_20 = %scan3A_14 to %scan3A_16 step %scan3A_17  : i32 {
        %mul3A_21 = arith.constant 16 : i32
        %mul3A_22 = arith.muli %scan3A_20, %mul3A_21 : i32
        %add3A_23 = arith.constant 0 : i32
        %add3A_24 = arith.addi %add3A_23, %mul3A_22 : i32
        %get3A = arith.index_cast %add3A_24 : i32 to index
        %get3A_25 = tpu.vector_load %arg7[%get3A] {strides = array<i32>} : memref<8192xf32, #tpu.memory_space<vmem>>, vector<16xf32>,
        %get3A_26 = arith.index_cast %add3A_24 : i32 to index
        %get3A_27 = tpu.vector_load %arg8[%get3A_26] {strides = array<i32>} : memref<8192xi32, #tpu.memory_space<vmem>>, vector<16xi32>,
        %gather3A = tpu.vector_load_idx %arg6[%get3A_27] : memref<40960xf32, #tpu.memory_space<vmem>>[vector<16xi32>], vector<16xf32>,
        %add3A_28 = arith.constant 1.000000e-16 : f32
        %add3A_29 = vector.broadcast %add3A_28 : f32 to vector<16xf32>
        %add3A_30 = arith.addf %gather3A, %add3A_29 : vector<16xf32>
        %div3A = arith.divf %get3A_25, %add3A_30 : vector<16xf32>
        %swap3A = arith.index_cast %add3A_24 : i32 to index
        %swap3A_31 = tpu.vector_load %arg9[%swap3A] {strides = array<i32>} : memref<8192xf32, #tpu.memory_space<vmem>>, vector<16xf32>,
        tpu.vector_store %arg9[%swap3A], %div3A {strides = array<i32>} : memref<8192xf32, #tpu.memory_space<vmem>>, vector<16xf32>,
      }
      %scan3A_18 = arith.constant 512 : i32
      %add3A_19 = arith.addi %mul3A_2, %add3A_11 : i32
      "tpu.region"() ({
        %run_scoped3A = tpu.sem_alloc : memref<!tpu.dma_semaphore, #tpu.memory_space<semaphore_mem>>
        %dma_start3A = tpu.memref_slice %arg5[%add3A_19] : memref<1310720xf32, #tpu.memory_space<hbm>> -> memref<8192xf32, #tpu.memory_space<hbm>>
        %dma_start3A_20 = tpu.memref_slice %arg5[%add3A_19] : memref<1310720xf32, #tpu.memory_space<hbm>> -> memref<8192xf32, #tpu.memory_space<hbm>>
        tpu.enqueue_dma source(%arg9 : memref<8192xf32, #tpu.memory_space<vmem>>) target(%dma_start3A_20 : memref<8192xf32, #tpu.memory_space<hbm>>) target_semaphore(%run_scoped3A : memref<!tpu.dma_semaphore, #tpu.memory_space<semaphore_mem>>)
        %dma_wait3A = tpu.memref_slice %arg5[%add3A_19] : memref<1310720xf32, #tpu.memory_space<hbm>> -> memref<8192xf32, #tpu.memory_space<hbm>>
        %dma_wait3A_21 = tpu.memref_slice %arg5[%add3A_19] : memref<1310720xf32, #tpu.memory_space<hbm>> -> memref<8192xf32, #tpu.memory_space<hbm>>
        tpu.wait_dma2 semaphore(%run_scoped3A : memref<!tpu.dma_semaphore, #tpu.memory_space<semaphore_mem>>) src(%arg9 : memref<8192xf32, #tpu.memory_space<vmem>>) dst(%dma_wait3A_21 : memref<8192xf32, #tpu.memory_space<hbm>>)
        tpu.yield
      }) : () -> ()
    }
    %scan3A_6 = arith.constant 5 : i32
    return
  }
}

#map = affine_map<(d0, d1) -> (0, 0)>
#map1 = affine_map<(d0, d1) -> (0)>
module attributes {stable_mosaic.version = 14 : i64} {
  func.func @_gather_v_body(%arg0: i32, %arg1: i32, %arg2: memref<10000x128xf32, #tpu.memory_space<hbm>>, %arg3: memref<327680xi32, #tpu.memory_space<hbm>>, %arg4: memref<327680x128xf32, #tpu.memory_space<hbm>>, %arg5: memref<10240xi32, #tpu.memory_space<vmem>>, %arg6: memref<128x128xf32, #tpu.memory_space<vmem>>, %arg7: memref<128x128xf32, #tpu.memory_space<vmem>>, %arg8: memref<!tpu.dma_semaphore, #tpu.memory_space<semaphore_mem>>, %arg9: memref<!tpu.dma_semaphore, #tpu.memory_space<semaphore_mem>>, %arg10: memref<!tpu.dma_semaphore, #tpu.memory_space<semaphore_mem>>, %arg11: memref<!tpu.dma_semaphore, #tpu.memory_space<semaphore_mem>>) attributes {dimension_semantics = [#tpu.dimension_semantics<core_parallel>, #tpu.dimension_semantics<subcore_parallel>], iteration_bounds = array<i64: 2, 16>, scalar_prefetch = 0 : i64, scratch_operands = 7 : i64, tpu.core_type = #tpu.core_type<sc_vector_subcore>, window_params = [{transform_indices = #map}, {transform_indices = #map1}, {transform_indices = #map}]} {
    %mul3A = arith.constant 2 : i32
    %mul3A_0 = arith.muli %arg1, %mul3A : i32
    %add3A = arith.addi %mul3A_0, %arg0 : i32
    %mul3A_1 = arith.constant 10240 : i32
    %mul3A_2 = arith.muli %add3A, %mul3A_1 : i32
    "tpu.region"() ({
      %run_scoped3A = tpu.sem_alloc : memref<!tpu.dma_semaphore, #tpu.memory_space<semaphore_mem>>
      %dma_start3A_97 = tpu.memref_slice %arg3[%mul3A_2] : memref<327680xi32, #tpu.memory_space<hbm>> -> memref<10240xi32, #tpu.memory_space<hbm>>
      %dma_start3A_98 = tpu.memref_slice %arg3[%mul3A_2] : memref<327680xi32, #tpu.memory_space<hbm>> -> memref<10240xi32, #tpu.memory_space<hbm>>
      tpu.enqueue_dma source(%dma_start3A_98 : memref<10240xi32, #tpu.memory_space<hbm>>) target(%arg5 : memref<10240xi32, #tpu.memory_space<vmem>>) target_semaphore(%run_scoped3A : memref<!tpu.dma_semaphore, #tpu.memory_space<semaphore_mem>>)
      %dma_wait3A_99 = tpu.memref_slice %arg3[%mul3A_2] : memref<327680xi32, #tpu.memory_space<hbm>> -> memref<10240xi32, #tpu.memory_space<hbm>>
      %dma_wait3A_100 = tpu.memref_slice %arg3[%mul3A_2] : memref<327680xi32, #tpu.memory_space<hbm>> -> memref<10240xi32, #tpu.memory_space<hbm>>
      tpu.wait_dma2 semaphore(%run_scoped3A : memref<!tpu.dma_semaphore, #tpu.memory_space<semaphore_mem>>) src(%dma_wait3A_100 : memref<10240xi32, #tpu.memory_space<hbm>>) dst(%arg5 : memref<10240xi32, #tpu.memory_space<vmem>>)
      tpu.yield
    }) : () -> ()
    %dma_start3A = arith.constant 0 : i32
    %dma_start3A_3 = tpu.memref_slice %arg5[%dma_start3A] : memref<10240xi32, #tpu.memory_space<vmem>> -> memref<128xi32, #tpu.memory_space<vmem>>
    %dma_start3A_4 = arith.constant 0 : i32
    %dma_start3A_5 = arith.constant 0 : i32
    %dma_start3A_6 = tpu.memref_slice %arg2[%dma_start3A_4, %dma_start3A_5] : memref<10000x128xf32, #tpu.memory_space<hbm>> -> memref<10000x128xf32, #tpu.memory_space<hbm>>
    tpu.enqueue_indirect_dma source(%dma_start3A_6 : memref<10000x128xf32, #tpu.memory_space<hbm>>) target(%arg6 : memref<128x128xf32, #tpu.memory_space<vmem>>) offsets(%dma_start3A_3 : memref<128xi32, #tpu.memory_space<vmem>>) semaphore(%arg8 : memref<!tpu.dma_semaphore, #tpu.memory_space<semaphore_mem>>)
    %dma_wait3A = arith.constant 0 : i32
    %dma_wait3A_7 = arith.constant 0 : i32
    %dma_wait3A_8 = tpu.memref_slice %arg2[%dma_wait3A, %dma_wait3A_7] : memref<10000x128xf32, #tpu.memory_space<hbm>> -> memref<128x128xf32, #tpu.memory_space<hbm>>
    %dma_wait3A_9 = arith.constant 0 : i32
    %dma_wait3A_10 = arith.constant 0 : i32
    %dma_wait3A_11 = tpu.memref_slice %arg2[%dma_wait3A_9, %dma_wait3A_10] : memref<10000x128xf32, #tpu.memory_space<hbm>> -> memref<128x128xf32, #tpu.memory_space<hbm>>
    tpu.wait_dma2 semaphore(%arg8 : memref<!tpu.dma_semaphore, #tpu.memory_space<semaphore_mem>>) src(%dma_wait3A_11 : memref<128x128xf32, #tpu.memory_space<hbm>>) dst(%arg6 : memref<128x128xf32, #tpu.memory_space<vmem>>)
    %add3A_12 = arith.constant 0 : i32
    %add3A_13 = arith.addi %mul3A_2, %add3A_12 : i32
    %dma_start3A_14 = arith.constant 0 : i32
    %dma_start3A_15 = tpu.memref_slice %arg4[%add3A_13, %dma_start3A_14] : memref<327680x128xf32, #tpu.memory_space<hbm>> -> memref<128x128xf32, #tpu.memory_space<hbm>>
    %dma_start3A_16 = arith.constant 0 : i32
    %dma_start3A_17 = tpu.memref_slice %arg4[%add3A_13, %dma_start3A_16] : memref<327680x128xf32, #tpu.memory_space<hbm>> -> memref<128x128xf32, #tpu.memory_space<hbm>>
    tpu.enqueue_dma source(%arg6 : memref<128x128xf32, #tpu.memory_space<vmem>>) target(%dma_start3A_17 : memref<128x128xf32, #tpu.memory_space<hbm>>) target_semaphore(%arg10 : memref<!tpu.dma_semaphore, #tpu.memory_space<semaphore_mem>>)
    %dma_start3A_18 = arith.constant 128 : i32
    %dma_start3A_19 = tpu.memref_slice %arg5[%dma_start3A_18] : memref<10240xi32, #tpu.memory_space<vmem>> -> memref<128xi32, #tpu.memory_space<vmem>>
    %dma_start3A_20 = arith.constant 0 : i32
    %dma_start3A_21 = arith.constant 0 : i32
    %dma_start3A_22 = tpu.memref_slice %arg2[%dma_start3A_20, %dma_start3A_21] : memref<10000x128xf32, #tpu.memory_space<hbm>> -> memref<10000x128xf32, #tpu.memory_space<hbm>>
    tpu.enqueue_indirect_dma source(%dma_start3A_22 : memref<10000x128xf32, #tpu.memory_space<hbm>>) target(%arg7 : memref<128x128xf32, #tpu.memory_space<vmem>>) offsets(%dma_start3A_19 : memref<128xi32, #tpu.memory_space<vmem>>) semaphore(%arg9 : memref<!tpu.dma_semaphore, #tpu.memory_space<semaphore_mem>>)
    %dma_wait3A_23 = arith.constant 0 : i32
    %dma_wait3A_24 = arith.constant 0 : i32
    %dma_wait3A_25 = tpu.memref_slice %arg2[%dma_wait3A_23, %dma_wait3A_24] : memref<10000x128xf32, #tpu.memory_space<hbm>> -> memref<128x128xf32, #tpu.memory_space<hbm>>
    %dma_wait3A_26 = arith.constant 0 : i32
    %dma_wait3A_27 = arith.constant 0 : i32
    %dma_wait3A_28 = tpu.memref_slice %arg2[%dma_wait3A_26, %dma_wait3A_27] : memref<10000x128xf32, #tpu.memory_space<hbm>> -> memref<128x128xf32, #tpu.memory_space<hbm>>
    tpu.wait_dma2 semaphore(%arg9 : memref<!tpu.dma_semaphore, #tpu.memory_space<semaphore_mem>>) src(%dma_wait3A_28 : memref<128x128xf32, #tpu.memory_space<hbm>>) dst(%arg7 : memref<128x128xf32, #tpu.memory_space<vmem>>)
    %add3A_29 = arith.constant 128 : i32
    %add3A_30 = arith.addi %mul3A_2, %add3A_29 : i32
    %dma_start3A_31 = arith.constant 0 : i32
    %dma_start3A_32 = tpu.memref_slice %arg4[%add3A_30, %dma_start3A_31] : memref<327680x128xf32, #tpu.memory_space<hbm>> -> memref<128x128xf32, #tpu.memory_space<hbm>>
    %dma_start3A_33 = arith.constant 0 : i32
    %dma_start3A_34 = tpu.memref_slice %arg4[%add3A_30, %dma_start3A_33] : memref<327680x128xf32, #tpu.memory_space<hbm>> -> memref<128x128xf32, #tpu.memory_space<hbm>>
    tpu.enqueue_dma source(%arg7 : memref<128x128xf32, #tpu.memory_space<vmem>>) target(%dma_start3A_34 : memref<128x128xf32, #tpu.memory_space<hbm>>) target_semaphore(%arg11 : memref<!tpu.dma_semaphore, #tpu.memory_space<semaphore_mem>>)
    %add3A_35 = arith.constant 0 : i32
    %add3A_36 = arith.addi %mul3A_2, %add3A_35 : i32
    %dma_wait3A_37 = arith.constant 0 : i32
    %dma_wait3A_38 = tpu.memref_slice %arg4[%add3A_36, %dma_wait3A_37] : memref<327680x128xf32, #tpu.memory_space<hbm>> -> memref<128x128xf32, #tpu.memory_space<hbm>>
    %dma_wait3A_39 = arith.constant 0 : i32
    %dma_wait3A_40 = tpu.memref_slice %arg4[%add3A_36, %dma_wait3A_39] : memref<327680x128xf32, #tpu.memory_space<hbm>> -> memref<128x128xf32, #tpu.memory_space<hbm>>
    tpu.wait_dma2 semaphore(%arg10 : memref<!tpu.dma_semaphore, #tpu.memory_space<semaphore_mem>>) src(%arg6 : memref<128x128xf32, #tpu.memory_space<vmem>>) dst(%dma_wait3A_40 : memref<128x128xf32, #tpu.memory_space<hbm>>)
    %dma_start3A_41 = arith.constant 256 : i32
    %dma_start3A_42 = tpu.memref_slice %arg5[%dma_start3A_41] : memref<10240xi32, #tpu.memory_space<vmem>> -> memref<128xi32, #tpu.memory_space<vmem>>
    %dma_start3A_43 = arith.constant 0 : i32
    %dma_start3A_44 = arith.constant 0 : i32
    %dma_start3A_45 = tpu.memref_slice %arg2[%dma_start3A_43, %dma_start3A_44] : memref<10000x128xf32, #tpu.memory_space<hbm>> -> memref<10000x128xf32, #tpu.memory_space<hbm>>
    tpu.enqueue_indirect_dma source(%dma_start3A_45 : memref<10000x128xf32, #tpu.memory_space<hbm>>) target(%arg6 : memref<128x128xf32, #tpu.memory_space<vmem>>) offsets(%dma_start3A_42 : memref<128xi32, #tpu.memory_space<vmem>>) semaphore(%arg8 : memref<!tpu.dma_semaphore, #tpu.memory_space<semaphore_mem>>)
    %scan3A = arith.constant 0 : i32
    %scan3A_46 = arith.constant 38 : i32
    %scan3A_47 = arith.addi %scan3A, %scan3A_46 : i32
    %scan3A_48 = arith.constant 1 : i32
    scf.for %scan3A_97 = %scan3A to %scan3A_47 step %scan3A_48  : i32 {
      %mul3A_98 = arith.constant 1 : i32
      %mul3A_99 = arith.muli %scan3A_97, %mul3A_98 : i32
      %add3A_100 = arith.constant 1 : i32
      %add3A_101 = arith.addi %add3A_100, %mul3A_99 : i32
      %mul3A_102 = arith.constant 2 : i32
      %mul3A_103 = arith.muli %mul3A_102, %add3A_101 : i32
      %dma_wait3A_104 = arith.constant 0 : i32
      %dma_wait3A_105 = arith.constant 0 : i32
      %dma_wait3A_106 = tpu.memref_slice %arg2[%dma_wait3A_104, %dma_wait3A_105] : memref<10000x128xf32, #tpu.memory_space<hbm>> -> memref<128x128xf32, #tpu.memory_space<hbm>>
      %dma_wait3A_107 = arith.constant 0 : i32
      %dma_wait3A_108 = arith.constant 0 : i32
      %dma_wait3A_109 = tpu.memref_slice %arg2[%dma_wait3A_107, %dma_wait3A_108] : memref<10000x128xf32, #tpu.memory_space<hbm>> -> memref<128x128xf32, #tpu.memory_space<hbm>>
      tpu.wait_dma2 semaphore(%arg8 : memref<!tpu.dma_semaphore, #tpu.memory_space<semaphore_mem>>) src(%dma_wait3A_109 : memref<128x128xf32, #tpu.memory_space<hbm>>) dst(%arg6 : memref<128x128xf32, #tpu.memory_space<vmem>>)
      %mul3A_110 = arith.constant 128 : i32
      %mul3A_111 = arith.muli %mul3A_103, %mul3A_110 : i32
      %add3A_112 = arith.addi %mul3A_2, %mul3A_111 : i32
      %dma_start3A_113 = arith.constant 0 : i32
      %dma_start3A_114 = tpu.memref_slice %arg4[%add3A_112, %dma_start3A_113] : memref<327680x128xf32, #tpu.memory_space<hbm>> -> memref<128x128xf32, #tpu.memory_space<hbm>>
      %dma_start3A_115 = arith.constant 0 : i32
      %dma_start3A_116 = tpu.memref_slice %arg4[%add3A_112, %dma_start3A_115] : memref<327680x128xf32, #tpu.memory_space<hbm>> -> memref<128x128xf32, #tpu.memory_space<hbm>>
      tpu.enqueue_dma source(%arg6 : memref<128x128xf32, #tpu.memory_space<vmem>>) target(%dma_start3A_116 : memref<128x128xf32, #tpu.memory_space<hbm>>) target_semaphore(%arg10 : memref<!tpu.dma_semaphore, #tpu.memory_space<semaphore_mem>>)
      %sub3A = arith.constant 1 : i32
      %sub3A_117 = arith.subi %mul3A_103, %sub3A : i32
      %mul3A_118 = arith.constant 128 : i32
      %mul3A_119 = arith.muli %sub3A_117, %mul3A_118 : i32
      %add3A_120 = arith.addi %mul3A_2, %mul3A_119 : i32
      %dma_wait3A_121 = arith.constant 0 : i32
      %dma_wait3A_122 = tpu.memref_slice %arg4[%add3A_120, %dma_wait3A_121] : memref<327680x128xf32, #tpu.memory_space<hbm>> -> memref<128x128xf32, #tpu.memory_space<hbm>>
      %dma_wait3A_123 = arith.constant 0 : i32
      %dma_wait3A_124 = tpu.memref_slice %arg4[%add3A_120, %dma_wait3A_123] : memref<327680x128xf32, #tpu.memory_space<hbm>> -> memref<128x128xf32, #tpu.memory_space<hbm>>
      tpu.wait_dma2 semaphore(%arg11 : memref<!tpu.dma_semaphore, #tpu.memory_space<semaphore_mem>>) src(%arg7 : memref<128x128xf32, #tpu.memory_space<vmem>>) dst(%dma_wait3A_124 : memref<128x128xf32, #tpu.memory_space<hbm>>)
      %add3A_125 = arith.constant 1 : i32
      %add3A_126 = arith.addi %mul3A_103, %add3A_125 : i32
      %mul3A_127 = arith.constant 128 : i32
      %mul3A_128 = arith.muli %add3A_126, %mul3A_127 : i32
      %dma_start3A_129 = tpu.memref_slice %arg5[%mul3A_128] : memref<10240xi32, #tpu.memory_space<vmem>> -> memref<128xi32, #tpu.memory_space<vmem>>
      %dma_start3A_130 = arith.constant 0 : i32
      %dma_start3A_131 = arith.constant 0 : i32
      %dma_start3A_132 = tpu.memref_slice %arg2[%dma_start3A_130, %dma_start3A_131] : memref<10000x128xf32, #tpu.memory_space<hbm>> -> memref<10000x128xf32, #tpu.memory_space<hbm>>
      tpu.enqueue_indirect_dma source(%dma_start3A_132 : memref<10000x128xf32, #tpu.memory_space<hbm>>) target(%arg7 : memref<128x128xf32, #tpu.memory_space<vmem>>) offsets(%dma_start3A_129 : memref<128xi32, #tpu.memory_space<vmem>>) semaphore(%arg9 : memref<!tpu.dma_semaphore, #tpu.memory_space<semaphore_mem>>)
      %dma_wait3A_133 = arith.constant 0 : i32
      %dma_wait3A_134 = arith.constant 0 : i32
      %dma_wait3A_135 = tpu.memref_slice %arg2[%dma_wait3A_133, %dma_wait3A_134] : memref<10000x128xf32, #tpu.memory_space<hbm>> -> memref<128x128xf32, #tpu.memory_space<hbm>>
      %dma_wait3A_136 = arith.constant 0 : i32
      %dma_wait3A_137 = arith.constant 0 : i32
      %dma_wait3A_138 = tpu.memref_slice %arg2[%dma_wait3A_136, %dma_wait3A_137] : memref<10000x128xf32, #tpu.memory_space<hbm>> -> memref<128x128xf32, #tpu.memory_space<hbm>>
      tpu.wait_dma2 semaphore(%arg9 : memref<!tpu.dma_semaphore, #tpu.memory_space<semaphore_mem>>) src(%dma_wait3A_138 : memref<128x128xf32, #tpu.memory_space<hbm>>) dst(%arg7 : memref<128x128xf32, #tpu.memory_space<vmem>>)
      %add3A_139 = arith.constant 1 : i32
      %add3A_140 = arith.addi %mul3A_103, %add3A_139 : i32
      %mul3A_141 = arith.constant 128 : i32
      %mul3A_142 = arith.muli %add3A_140, %mul3A_141 : i32
      %add3A_143 = arith.addi %mul3A_2, %mul3A_142 : i32
      %dma_start3A_144 = arith.constant 0 : i32
      %dma_start3A_145 = tpu.memref_slice %arg4[%add3A_143, %dma_start3A_144] : memref<327680x128xf32, #tpu.memory_space<hbm>> -> memref<128x128xf32, #tpu.memory_space<hbm>>
      %dma_start3A_146 = arith.constant 0 : i32
      %dma_start3A_147 = tpu.memref_slice %arg4[%add3A_143, %dma_start3A_146] : memref<327680x128xf32, #tpu.memory_space<hbm>> -> memref<128x128xf32, #tpu.memory_space<hbm>>
      tpu.enqueue_dma source(%arg7 : memref<128x128xf32, #tpu.memory_space<vmem>>) target(%dma_start3A_147 : memref<128x128xf32, #tpu.memory_space<hbm>>) target_semaphore(%arg11 : memref<!tpu.dma_semaphore, #tpu.memory_space<semaphore_mem>>)
      %mul3A_148 = arith.constant 128 : i32
      %mul3A_149 = arith.muli %mul3A_103, %mul3A_148 : i32
      %add3A_150 = arith.addi %mul3A_2, %mul3A_149 : i32
      %dma_wait3A_151 = arith.constant 0 : i32
      %dma_wait3A_152 = tpu.memref_slice %arg4[%add3A_150, %dma_wait3A_151] : memref<327680x128xf32, #tpu.memory_space<hbm>> -> memref<128x128xf32, #tpu.memory_space<hbm>>
      %dma_wait3A_153 = arith.constant 0 : i32
      %dma_wait3A_154 = tpu.memref_slice %arg4[%add3A_150, %dma_wait3A_153] : memref<327680x128xf32, #tpu.memory_space<hbm>> -> memref<128x128xf32, #tpu.memory_space<hbm>>
      tpu.wait_dma2 semaphore(%arg10 : memref<!tpu.dma_semaphore, #tpu.memory_space<semaphore_mem>>) src(%arg6 : memref<128x128xf32, #tpu.memory_space<vmem>>) dst(%dma_wait3A_154 : memref<128x128xf32, #tpu.memory_space<hbm>>)
      %add3A_155 = arith.constant 2 : i32
      %add3A_156 = arith.addi %mul3A_103, %add3A_155 : i32
      %mul3A_157 = arith.constant 128 : i32
      %mul3A_158 = arith.muli %add3A_156, %mul3A_157 : i32
      %dma_start3A_159 = tpu.memref_slice %arg5[%mul3A_158] : memref<10240xi32, #tpu.memory_space<vmem>> -> memref<128xi32, #tpu.memory_space<vmem>>
      %dma_start3A_160 = arith.constant 0 : i32
      %dma_start3A_161 = arith.constant 0 : i32
      %dma_start3A_162 = tpu.memref_slice %arg2[%dma_start3A_160, %dma_start3A_161] : memref<10000x128xf32, #tpu.memory_space<hbm>> -> memref<10000x128xf32, #tpu.memory_space<hbm>>
      tpu.enqueue_indirect_dma source(%dma_start3A_162 : memref<10000x128xf32, #tpu.memory_space<hbm>>) target(%arg6 : memref<128x128xf32, #tpu.memory_space<vmem>>) offsets(%dma_start3A_159 : memref<128xi32, #tpu.memory_space<vmem>>) semaphore(%arg8 : memref<!tpu.dma_semaphore, #tpu.memory_space<semaphore_mem>>)
    }
    %scan3A_49 = arith.constant 38 : i32
    %dma_wait3A_50 = arith.constant 0 : i32
    %dma_wait3A_51 = arith.constant 0 : i32
    %dma_wait3A_52 = tpu.memref_slice %arg2[%dma_wait3A_50, %dma_wait3A_51] : memref<10000x128xf32, #tpu.memory_space<hbm>> -> memref<128x128xf32, #tpu.memory_space<hbm>>
    %dma_wait3A_53 = arith.constant 0 : i32
    %dma_wait3A_54 = arith.constant 0 : i32
    %dma_wait3A_55 = tpu.memref_slice %arg2[%dma_wait3A_53, %dma_wait3A_54] : memref<10000x128xf32, #tpu.memory_space<hbm>> -> memref<128x128xf32, #tpu.memory_space<hbm>>
    tpu.wait_dma2 semaphore(%arg8 : memref<!tpu.dma_semaphore, #tpu.memory_space<semaphore_mem>>) src(%dma_wait3A_55 : memref<128x128xf32, #tpu.memory_space<hbm>>) dst(%arg6 : memref<128x128xf32, #tpu.memory_space<vmem>>)
    %add3A_56 = arith.constant 9984 : i32
    %add3A_57 = arith.addi %mul3A_2, %add3A_56 : i32
    %dma_start3A_58 = arith.constant 0 : i32
    %dma_start3A_59 = tpu.memref_slice %arg4[%add3A_57, %dma_start3A_58] : memref<327680x128xf32, #tpu.memory_space<hbm>> -> memref<128x128xf32, #tpu.memory_space<hbm>>
    %dma_start3A_60 = arith.constant 0 : i32
    %dma_start3A_61 = tpu.memref_slice %arg4[%add3A_57, %dma_start3A_60] : memref<327680x128xf32, #tpu.memory_space<hbm>> -> memref<128x128xf32, #tpu.memory_space<hbm>>
    tpu.enqueue_dma source(%arg6 : memref<128x128xf32, #tpu.memory_space<vmem>>) target(%dma_start3A_61 : memref<128x128xf32, #tpu.memory_space<hbm>>) target_semaphore(%arg10 : memref<!tpu.dma_semaphore, #tpu.memory_space<semaphore_mem>>)
    %add3A_62 = arith.constant 9856 : i32
    %add3A_63 = arith.addi %mul3A_2, %add3A_62 : i32
    %dma_wait3A_64 = arith.constant 0 : i32
    %dma_wait3A_65 = tpu.memref_slice %arg4[%add3A_63, %dma_wait3A_64] : memref<327680x128xf32, #tpu.memory_space<hbm>> -> memref<128x128xf32, #tpu.memory_space<hbm>>
    %dma_wait3A_66 = arith.constant 0 : i32
    %dma_wait3A_67 = tpu.memref_slice %arg4[%add3A_63, %dma_wait3A_66] : memref<327680x128xf32, #tpu.memory_space<hbm>> -> memref<128x128xf32, #tpu.memory_space<hbm>>
    tpu.wait_dma2 semaphore(%arg11 : memref<!tpu.dma_semaphore, #tpu.memory_space<semaphore_mem>>) src(%arg7 : memref<128x128xf32, #tpu.memory_space<vmem>>) dst(%dma_wait3A_67 : memref<128x128xf32, #tpu.memory_space<hbm>>)
    %dma_start3A_68 = arith.constant 10112 : i32
    %dma_start3A_69 = tpu.memref_slice %arg5[%dma_start3A_68] : memref<10240xi32, #tpu.memory_space<vmem>> -> memref<128xi32, #tpu.memory_space<vmem>>
    %dma_start3A_70 = arith.constant 0 : i32
    %dma_start3A_71 = arith.constant 0 : i32
    %dma_start3A_72 = tpu.memref_slice %arg2[%dma_start3A_70, %dma_start3A_71] : memref<10000x128xf32, #tpu.memory_space<hbm>> -> memref<10000x128xf32, #tpu.memory_space<hbm>>
    tpu.enqueue_indirect_dma source(%dma_start3A_72 : memref<10000x128xf32, #tpu.memory_space<hbm>>) target(%arg7 : memref<128x128xf32, #tpu.memory_space<vmem>>) offsets(%dma_start3A_69 : memref<128xi32, #tpu.memory_space<vmem>>) semaphore(%arg9 : memref<!tpu.dma_semaphore, #tpu.memory_space<semaphore_mem>>)
    %dma_wait3A_73 = arith.constant 0 : i32
    %dma_wait3A_74 = arith.constant 0 : i32
    %dma_wait3A_75 = tpu.memref_slice %arg2[%dma_wait3A_73, %dma_wait3A_74] : memref<10000x128xf32, #tpu.memory_space<hbm>> -> memref<128x128xf32, #tpu.memory_space<hbm>>
    %dma_wait3A_76 = arith.constant 0 : i32
    %dma_wait3A_77 = arith.constant 0 : i32
    %dma_wait3A_78 = tpu.memref_slice %arg2[%dma_wait3A_76, %dma_wait3A_77] : memref<10000x128xf32, #tpu.memory_space<hbm>> -> memref<128x128xf32, #tpu.memory_space<hbm>>
    tpu.wait_dma2 semaphore(%arg9 : memref<!tpu.dma_semaphore, #tpu.memory_space<semaphore_mem>>) src(%dma_wait3A_78 : memref<128x128xf32, #tpu.memory_space<hbm>>) dst(%arg7 : memref<128x128xf32, #tpu.memory_space<vmem>>)
    %add3A_79 = arith.constant 10112 : i32
    %add3A_80 = arith.addi %mul3A_2, %add3A_79 : i32
    %dma_start3A_81 = arith.constant 0 : i32
    %dma_start3A_82 = tpu.memref_slice %arg4[%add3A_80, %dma_start3A_81] : memref<327680x128xf32, #tpu.memory_space<hbm>> -> memref<128x128xf32, #tpu.memory_space<hbm>>
    %dma_start3A_83 = arith.constant 0 : i32
    %dma_start3A_84 = tpu.memref_slice %arg4[%add3A_80, %dma_start3A_83] : memref<327680x128xf32, #tpu.memory_space<hbm>> -> memref<128x128xf32, #tpu.memory_space<hbm>>
    tpu.enqueue_dma source(%arg7 : memref<128x128xf32, #tpu.memory_space<vmem>>) target(%dma_start3A_84 : memref<128x128xf32, #tpu.memory_space<hbm>>) target_semaphore(%arg11 : memref<!tpu.dma_semaphore, #tpu.memory_space<semaphore_mem>>)
    %add3A_85 = arith.constant 9984 : i32
    %add3A_86 = arith.addi %mul3A_2, %add3A_85 : i32
    %dma_wait3A_87 = arith.constant 0 : i32
    %dma_wait3A_88 = tpu.memref_slice %arg4[%add3A_86, %dma_wait3A_87] : memref<327680x128xf32, #tpu.memory_space<hbm>> -> memref<128x128xf32, #tpu.memory_space<hbm>>
    %dma_wait3A_89 = arith.constant 0 : i32
    %dma_wait3A_90 = tpu.memref_slice %arg4[%add3A_86, %dma_wait3A_89] : memref<327680x128xf32, #tpu.memory_space<hbm>> -> memref<128x128xf32, #tpu.memory_space<hbm>>
    tpu.wait_dma2 semaphore(%arg10 : memref<!tpu.dma_semaphore, #tpu.memory_space<semaphore_mem>>) src(%arg6 : memref<128x128xf32, #tpu.memory_space<vmem>>) dst(%dma_wait3A_90 : memref<128x128xf32, #tpu.memory_space<hbm>>)
    %add3A_91 = arith.constant 10112 : i32
    %add3A_92 = arith.addi %mul3A_2, %add3A_91 : i32
    %dma_wait3A_93 = arith.constant 0 : i32
    %dma_wait3A_94 = tpu.memref_slice %arg4[%add3A_92, %dma_wait3A_93] : memref<327680x128xf32, #tpu.memory_space<hbm>> -> memref<128x128xf32, #tpu.memory_space<hbm>>
    %dma_wait3A_95 = arith.constant 0 : i32
    %dma_wait3A_96 = tpu.memref_slice %arg4[%add3A_92, %dma_wait3A_95] : memref<327680x128xf32, #tpu.memory_space<hbm>> -> memref<128x128xf32, #tpu.memory_space<hbm>>
    tpu.wait_dma2 semaphore(%arg11 : memref<!tpu.dma_semaphore, #tpu.memory_space<semaphore_mem>>) src(%arg7 : memref<128x128xf32, #tpu.memory_space<vmem>>) dst(%dma_wait3A_96 : memref<128x128xf32, #tpu.memory_space<hbm>>)
    return
  }
}

#map = affine_map<(d0, d1) -> (0, 0)>
#map1 = affine_map<(d0, d1) -> (0, 0, 0)>
module attributes {stable_mosaic.version = 14 : i64} {
  func.func @_scatter_body(%arg0: i32, %arg1: i32, %arg2: memref<327680x128xf32, #tpu.memory_space<hbm>>, %arg3: memref<32x80x128xi32, #tpu.memory_space<hbm>>, %arg4: memref<128x128xf32, #tpu.memory_space<hbm>>, %arg5: memref<2x10240x128xf32, #tpu.memory_space<hbm>>, %arg6: memref<80x128xi32, #tpu.memory_space<vmem>>, %arg7: memref<128x128xf32, #tpu.memory_space<vmem>>, %arg8: memref<128x128xf32, #tpu.memory_space<vmem>>, %arg9: memref<!tpu.dma_semaphore, #tpu.memory_space<semaphore_mem>>, %arg10: memref<!tpu.dma_semaphore, #tpu.memory_space<semaphore_mem>>, %arg11: memref<10240x128xf32, #tpu.memory_space<vmem_shared>>) attributes {dimension_semantics = [#tpu.dimension_semantics<core_parallel>, #tpu.dimension_semantics<subcore_parallel>], iteration_bounds = array<i64: 2, 16>, scalar_prefetch = 0 : i64, scratch_operands = 6 : i64, tpu.core_type = #tpu.core_type<sc_vector_subcore>, window_params = [{transform_indices = #map}, {transform_indices = #map1}, {transform_indices = #map}, {transform_indices = #map1}]} {
    %mul3A = arith.constant 2 : i32
    %mul3A_0 = arith.muli %arg1, %mul3A : i32
    %add3A = arith.addi %mul3A_0, %arg0 : i32
    %mul3A_1 = arith.constant 10240 : i32
    %mul3A_2 = arith.muli %add3A, %mul3A_1 : i32
    %scan3A = arith.constant 0 : i32
    %scan3A_3 = arith.constant 5 : i32
    %scan3A_4 = arith.addi %scan3A, %scan3A_3 : i32
    %scan3A_5 = arith.constant 1 : i32
    scf.for %scan3A_23 = %scan3A to %scan3A_4 step %scan3A_5  : i32 {
      %mul3A_24 = arith.constant 1 : i32
      %mul3A_25 = arith.muli %scan3A_23, %mul3A_24 : i32
      %add3A_26 = arith.constant 0 : i32
      %add3A_27 = arith.addi %add3A_26, %mul3A_25 : i32
      %mul3A_28 = arith.constant 5 : i32
      %mul3A_29 = arith.muli %arg1, %mul3A_28 : i32
      %add3A_30 = arith.addi %mul3A_29, %add3A_27 : i32
      %mul3A_31 = arith.constant 128 : i32
      %mul3A_32 = arith.muli %add3A_30, %mul3A_31 : i32
      "tpu.region"() ({
        %run_scoped3A = tpu.sem_alloc : memref<!tpu.dma_semaphore, #tpu.memory_space<semaphore_mem>>
        %dma_start3A_33 = arith.constant 0 : i32
        %dma_start3A_34 = tpu.memref_slice %arg11[%mul3A_32, %dma_start3A_33] : memref<10240x128xf32, #tpu.memory_space<vmem_shared>> -> memref<128x128xf32, #tpu.memory_space<vmem_shared>>
        tpu.enqueue_dma source(%arg4 : memref<128x128xf32, #tpu.memory_space<hbm>>) target(%dma_start3A_34 : memref<128x128xf32, #tpu.memory_space<vmem_shared>>) target_semaphore(%run_scoped3A : memref<!tpu.dma_semaphore, #tpu.memory_space<semaphore_mem>>)
        %dma_wait3A = arith.constant 0 : i32
        %dma_wait3A_35 = tpu.memref_slice %arg11[%mul3A_32, %dma_wait3A] : memref<10240x128xf32, #tpu.memory_space<vmem_shared>> -> memref<128x128xf32, #tpu.memory_space<vmem_shared>>
        tpu.wait_dma2 semaphore(%run_scoped3A : memref<!tpu.dma_semaphore, #tpu.memory_space<semaphore_mem>>) src(%arg4 : memref<128x128xf32, #tpu.memory_space<hbm>>) dst(%dma_wait3A_35 : memref<128x128xf32, #tpu.memory_space<vmem_shared>>)
        tpu.yield
      }) : () -> ()
    }
    %scan3A_6 = arith.constant 5 : i32
    %barrier3A = arith.constant 0 : index
    tpu.barrier barrier_id(%barrier3A)
    "tpu.region"() ({
      %run_scoped3A = tpu.sem_alloc : memref<!tpu.dma_semaphore, #tpu.memory_space<semaphore_mem>>
      %dma_start3A_23 = arith.constant 0 : i32
      %dma_start3A_24 = arith.constant 0 : i32
      %dma_start3A_25 = tpu.memref_slice %arg3[%add3A, %dma_start3A_23, %dma_start3A_24] : memref<32x80x128xi32, #tpu.memory_space<hbm>> -> memref<1x80x128xi32, #tpu.memory_space<hbm>>
      %dma_start3A_26 = tpu.memref_squeeze %dma_start3A_25 : memref<1x80x128xi32, #tpu.memory_space<hbm>> -> memref<80x128xi32, #tpu.memory_space<hbm>>
      %dma_start3A_27 = arith.constant 0 : i32
      %dma_start3A_28 = arith.constant 0 : i32
      %dma_start3A_29 = tpu.memref_slice %arg3[%add3A, %dma_start3A_27, %dma_start3A_28] : memref<32x80x128xi32, #tpu.memory_space<hbm>> -> memref<1x80x128xi32, #tpu.memory_space<hbm>>
      %dma_start3A_30 = tpu.memref_squeeze %dma_start3A_29 : memref<1x80x128xi32, #tpu.memory_space<hbm>> -> memref<80x128xi32, #tpu.memory_space<hbm>>
      tpu.enqueue_dma source(%dma_start3A_30 : memref<80x128xi32, #tpu.memory_space<hbm>>) target(%arg6 : memref<80x128xi32, #tpu.memory_space<vmem>>) target_semaphore(%run_scoped3A : memref<!tpu.dma_semaphore, #tpu.memory_space<semaphore_mem>>)
      %dma_wait3A = arith.constant 0 : i32
      %dma_wait3A_31 = arith.constant 0 : i32
      %dma_wait3A_32 = tpu.memref_slice %arg3[%add3A, %dma_wait3A, %dma_wait3A_31] : memref<32x80x128xi32, #tpu.memory_space<hbm>> -> memref<1x80x128xi32, #tpu.memory_space<hbm>>
      %dma_wait3A_33 = tpu.memref_squeeze %dma_wait3A_32 : memref<1x80x128xi32, #tpu.memory_space<hbm>> -> memref<80x128xi32, #tpu.memory_space<hbm>>
      %dma_wait3A_34 = arith.constant 0 : i32
      %dma_wait3A_35 = arith.constant 0 : i32
      %dma_wait3A_36 = tpu.memref_slice %arg3[%add3A, %dma_wait3A_34, %dma_wait3A_35] : memref<32x80x128xi32, #tpu.memory_space<hbm>> -> memref<1x80x128xi32, #tpu.memory_space<hbm>>
      %dma_wait3A_37 = tpu.memref_squeeze %dma_wait3A_36 : memref<1x80x128xi32, #tpu.memory_space<hbm>> -> memref<80x128xi32, #tpu.memory_space<hbm>>
      tpu.wait_dma2 semaphore(%run_scoped3A : memref<!tpu.dma_semaphore, #tpu.memory_space<semaphore_mem>>) src(%dma_wait3A_37 : memref<80x128xi32, #tpu.memory_space<hbm>>) dst(%arg6 : memref<80x128xi32, #tpu.memory_space<vmem>>)
      tpu.yield
    }) : () -> ()
    %add3A_7 = arith.constant 0 : i32
    %add3A_8 = arith.addi %mul3A_2, %add3A_7 : i32
    %dma_start3A = arith.constant 0 : i32
    %dma_start3A_9 = tpu.memref_slice %arg2[%add3A_8, %dma_start3A] : memref<327680x128xf32, #tpu.memory_space<hbm>> -> memref<128x128xf32, #tpu.memory_space<hbm>>
    %dma_start3A_10 = arith.constant 0 : i32
    %dma_start3A_11 = tpu.memref_slice %arg2[%add3A_8, %dma_start3A_10] : memref<327680x128xf32, #tpu.memory_space<hbm>> -> memref<128x128xf32, #tpu.memory_space<hbm>>
    tpu.enqueue_dma source(%dma_start3A_11 : memref<128x128xf32, #tpu.memory_space<hbm>>) target(%arg7 : memref<128x128xf32, #tpu.memory_space<vmem>>) target_semaphore(%arg9 : memref<!tpu.dma_semaphore, #tpu.memory_space<semaphore_mem>>)
    %scan3A_12 = arith.constant 0 : i32
    %scan3A_13 = arith.constant 40 : i32
    %scan3A_14 = arith.addi %scan3A_12, %scan3A_13 : i32
    %scan3A_15 = arith.constant 1 : i32
    scf.for %scan3A_23 = %scan3A_12 to %scan3A_14 step %scan3A_15  : i32 {
      %mul3A_24 = arith.constant 1 : i32
      %mul3A_25 = arith.muli %scan3A_23, %mul3A_24 : i32
      %add3A_26 = arith.constant 0 : i32
      %add3A_27 = arith.addi %add3A_26, %mul3A_25 : i32
      %mul3A_28 = arith.constant 2 : i32
      %mul3A_29 = arith.muli %mul3A_28, %add3A_27 : i32
      %dma_wait3A = arith.constant 0 : i32
      %dma_wait3A_30 = arith.constant 0 : i32
      %dma_wait3A_31 = tpu.memref_slice %arg2[%dma_wait3A, %dma_wait3A_30] : memref<327680x128xf32, #tpu.memory_space<hbm>> -> memref<128x128xf32, #tpu.memory_space<hbm>>
      %dma_wait3A_32 = arith.constant 0 : i32
      %dma_wait3A_33 = arith.constant 0 : i32
      %dma_wait3A_34 = tpu.memref_slice %arg2[%dma_wait3A_32, %dma_wait3A_33] : memref<327680x128xf32, #tpu.memory_space<hbm>> -> memref<128x128xf32, #tpu.memory_space<hbm>>
      tpu.wait_dma2 semaphore(%arg9 : memref<!tpu.dma_semaphore, #tpu.memory_space<semaphore_mem>>) src(%dma_wait3A_34 : memref<128x128xf32, #tpu.memory_space<hbm>>) dst(%arg7 : memref<128x128xf32, #tpu.memory_space<vmem>>)
      %add3A_35 = arith.constant 1 : i32
      %add3A_36 = arith.addi %mul3A_29, %add3A_35 : i32
      %mul3A_37 = arith.constant 128 : i32
      %mul3A_38 = arith.muli %add3A_36, %mul3A_37 : i32
      %add3A_39 = arith.addi %mul3A_2, %mul3A_38 : i32
      %dma_start3A_40 = arith.constant 0 : i32
      %dma_start3A_41 = tpu.memref_slice %arg2[%add3A_39, %dma_start3A_40] : memref<327680x128xf32, #tpu.memory_space<hbm>> -> memref<128x128xf32, #tpu.memory_space<hbm>>
      %dma_start3A_42 = arith.constant 0 : i32
      %dma_start3A_43 = tpu.memref_slice %arg2[%add3A_39, %dma_start3A_42] : memref<327680x128xf32, #tpu.memory_space<hbm>> -> memref<128x128xf32, #tpu.memory_space<hbm>>
      tpu.enqueue_dma source(%dma_start3A_43 : memref<128x128xf32, #tpu.memory_space<hbm>>) target(%arg8 : memref<128x128xf32, #tpu.memory_space<vmem>>) target_semaphore(%arg10 : memref<!tpu.dma_semaphore, #tpu.memory_space<semaphore_mem>>)
      "tpu.region"() ({
        %run_scoped3A = tpu.sem_alloc : memref<!tpu.dma_semaphore, #tpu.memory_space<semaphore_mem>>
        %dma_start3A_56 = arith.constant 0 : i32
        %dma_start3A_57 = tpu.memref_slice %arg6[%mul3A_29, %dma_start3A_56] : memref<80x128xi32, #tpu.memory_space<vmem>> -> memref<1x128xi32, #tpu.memory_space<vmem>>
        %dma_start3A_58 = tpu.memref_squeeze %dma_start3A_57 : memref<1x128xi32, #tpu.memory_space<vmem>> -> memref<128xi32, #tpu.memory_space<vmem>>
        %dma_start3A_59 = arith.constant 0 : i32
        %dma_start3A_60 = arith.constant 0 : i32
        %dma_start3A_61 = tpu.memref_slice %arg11[%dma_start3A_59, %dma_start3A_60] : memref<10240x128xf32, #tpu.memory_space<vmem_shared>> -> memref<10240x128xf32, #tpu.memory_space<vmem_shared>>
        tpu.enqueue_indirect_dma source(%arg7 : memref<128x128xf32, #tpu.memory_space<vmem>>) target(%dma_start3A_61 : memref<10240x128xf32, #tpu.memory_space<vmem_shared>>) offsets(%dma_start3A_58 : memref<128xi32, #tpu.memory_space<vmem>>) semaphore(%run_scoped3A : memref<!tpu.dma_semaphore, #tpu.memory_space<semaphore_mem>>) {add = true}
        %dma_wait3A_62 = arith.constant 0 : i32
        %dma_wait3A_63 = tpu.memref_slice %arg6[%mul3A_29, %dma_wait3A_62] : memref<80x128xi32, #tpu.memory_space<vmem>> -> memref<1x128xi32, #tpu.memory_space<vmem>>
        %dma_wait3A_64 = tpu.memref_squeeze %dma_wait3A_63 : memref<1x128xi32, #tpu.memory_space<vmem>> -> memref<128xi32, #tpu.memory_space<vmem>>
        %dma_wait3A_65 = arith.constant 0 : i32
        %dma_wait3A_66 = arith.constant 0 : i32
        %dma_wait3A_67 = tpu.memref_slice %arg11[%dma_wait3A_65, %dma_wait3A_66] : memref<10240x128xf32, #tpu.memory_space<vmem_shared>> -> memref<10240x128xf32, #tpu.memory_space<vmem_shared>>
        tpu.wait_indirect_dma semaphore(%run_scoped3A : memref<!tpu.dma_semaphore, #tpu.memory_space<semaphore_mem>>) src(%arg7 : memref<128x128xf32, #tpu.memory_space<vmem>>) dst(%dma_wait3A_67 : memref<10240x128xf32, #tpu.memory_space<vmem_shared>>)
        tpu.yield
      }) : () -> ()
      %dma_wait3A_44 = arith.constant 0 : i32
      %dma_wait3A_45 = arith.constant 0 : i32
      %dma_wait3A_46 = tpu.memref_slice %arg2[%dma_wait3A_44, %dma_wait3A_45] : memref<327680x128xf32, #tpu.memory_space<hbm>> -> memref<128x128xf32, #tpu.memory_space<hbm>>
      %dma_wait3A_47 = arith.constant 0 : i32
      %dma_wait3A_48 = arith.constant 0 : i32
      %dma_wait3A_49 = tpu.memref_slice %arg2[%dma_wait3A_47, %dma_wait3A_48] : memref<327680x128xf32, #tpu.memory_space<hbm>> -> memref<128x128xf32, #tpu.memory_space<hbm>>
      tpu.wait_dma2 semaphore(%arg10 : memref<!tpu.dma_semaphore, #tpu.memory_space<semaphore_mem>>) src(%dma_wait3A_49 : memref<128x128xf32, #tpu.memory_space<hbm>>) dst(%arg8 : memref<128x128xf32, #tpu.memory_space<vmem>>)
      %add3A_50 = arith.constant 2 : i32
      %add3A_51 = arith.addi %mul3A_29, %add3A_50 : i32
      %lt3A = arith.constant 80 : i32
      %lt3A_52 = arith.cmpi slt, %add3A_51, %lt3A : i32
      %convert_element_type3A = arith.extui %lt3A_52 : i1 to i32
      %cond3A = arith.constant 0 : i32
      %cond3A_53 = arith.cmpi ne, %convert_element_type3A, %cond3A : i32
      scf.if %cond3A_53 {
        %add3A_56 = arith.constant 2 : i32
        %add3A_57 = arith.addi %mul3A_29, %add3A_56 : i32
        %mul3A_58 = arith.constant 128 : i32
        %mul3A_59 = arith.muli %add3A_57, %mul3A_58 : i32
        %add3A_60 = arith.addi %mul3A_2, %mul3A_59 : i32
        %dma_start3A_61 = arith.constant 0 : i32
        %dma_start3A_62 = tpu.memref_slice %arg2[%add3A_60, %dma_start3A_61] : memref<327680x128xf32, #tpu.memory_space<hbm>> -> memref<128x128xf32, #tpu.memory_space<hbm>>
        %dma_start3A_63 = arith.constant 0 : i32
        %dma_start3A_64 = tpu.memref_slice %arg2[%add3A_60, %dma_start3A_63] : memref<327680x128xf32, #tpu.memory_space<hbm>> -> memref<128x128xf32, #tpu.memory_space<hbm>>
        tpu.enqueue_dma source(%dma_start3A_64 : memref<128x128xf32, #tpu.memory_space<hbm>>) target(%arg7 : memref<128x128xf32, #tpu.memory_space<vmem>>) target_semaphore(%arg9 : memref<!tpu.dma_semaphore, #tpu.memory_space<semaphore_mem>>)
      } else {
      }
      %add3A_54 = arith.constant 1 : i32
      %add3A_55 = arith.addi %mul3A_29, %add3A_54 : i32
      "tpu.region"() ({
        %run_scoped3A = tpu.sem_alloc : memref<!tpu.dma_semaphore, #tpu.memory_space<semaphore_mem>>
        %dma_start3A_56 = arith.constant 0 : i32
        %dma_start3A_57 = tpu.memref_slice %arg6[%add3A_55, %dma_start3A_56] : memref<80x128xi32, #tpu.memory_space<vmem>> -> memref<1x128xi32, #tpu.memory_space<vmem>>
        %dma_start3A_58 = tpu.memref_squeeze %dma_start3A_57 : memref<1x128xi32, #tpu.memory_space<vmem>> -> memref<128xi32, #tpu.memory_space<vmem>>
        %dma_start3A_59 = arith.constant 0 : i32
        %dma_start3A_60 = arith.constant 0 : i32
        %dma_start3A_61 = tpu.memref_slice %arg11[%dma_start3A_59, %dma_start3A_60] : memref<10240x128xf32, #tpu.memory_space<vmem_shared>> -> memref<10240x128xf32, #tpu.memory_space<vmem_shared>>
        tpu.enqueue_indirect_dma source(%arg8 : memref<128x128xf32, #tpu.memory_space<vmem>>) target(%dma_start3A_61 : memref<10240x128xf32, #tpu.memory_space<vmem_shared>>) offsets(%dma_start3A_58 : memref<128xi32, #tpu.memory_space<vmem>>) semaphore(%run_scoped3A : memref<!tpu.dma_semaphore, #tpu.memory_space<semaphore_mem>>) {add = true}
        %dma_wait3A_62 = arith.constant 0 : i32
        %dma_wait3A_63 = tpu.memref_slice %arg6[%add3A_55, %dma_wait3A_62] : memref<80x128xi32, #tpu.memory_space<vmem>> -> memref<1x128xi32, #tpu.memory_space<vmem>>
        %dma_wait3A_64 = tpu.memref_squeeze %dma_wait3A_63 : memref<1x128xi32, #tpu.memory_space<vmem>> -> memref<128xi32, #tpu.memory_space<vmem>>
        %dma_wait3A_65 = arith.constant 0 : i32
        %dma_wait3A_66 = arith.constant 0 : i32
        %dma_wait3A_67 = tpu.memref_slice %arg11[%dma_wait3A_65, %dma_wait3A_66] : memref<10240x128xf32, #tpu.memory_space<vmem_shared>> -> memref<10240x128xf32, #tpu.memory_space<vmem_shared>>
        tpu.wait_indirect_dma semaphore(%run_scoped3A : memref<!tpu.dma_semaphore, #tpu.memory_space<semaphore_mem>>) src(%arg8 : memref<128x128xf32, #tpu.memory_space<vmem>>) dst(%dma_wait3A_67 : memref<10240x128xf32, #tpu.memory_space<vmem_shared>>)
        tpu.yield
      }) : () -> ()
    }
    %scan3A_16 = arith.constant 40 : i32
    %barrier3A_17 = arith.constant 0 : index
    tpu.barrier barrier_id(%barrier3A_17)
    %scan3A_18 = arith.constant 0 : i32
    %scan3A_19 = arith.constant 5 : i32
    %scan3A_20 = arith.addi %scan3A_18, %scan3A_19 : i32
    %scan3A_21 = arith.constant 1 : i32
    scf.for %scan3A_23 = %scan3A_18 to %scan3A_20 step %scan3A_21  : i32 {
      %mul3A_24 = arith.constant 1 : i32
      %mul3A_25 = arith.muli %scan3A_23, %mul3A_24 : i32
      %add3A_26 = arith.constant 0 : i32
      %add3A_27 = arith.addi %add3A_26, %mul3A_25 : i32
      %mul3A_28 = arith.constant 5 : i32
      %mul3A_29 = arith.muli %arg1, %mul3A_28 : i32
      %add3A_30 = arith.addi %mul3A_29, %add3A_27 : i32
      %mul3A_31 = arith.constant 128 : i32
      %mul3A_32 = arith.muli %add3A_30, %mul3A_31 : i32
      "tpu.region"() ({
        %run_scoped3A = tpu.sem_alloc : memref<!tpu.dma_semaphore, #tpu.memory_space<semaphore_mem>>
        %dma_start3A_33 = arith.constant 0 : i32
        %dma_start3A_34 = arith.constant 0 : i32
        %dma_start3A_35 = tpu.memref_slice %arg5[%arg0, %dma_start3A_33, %dma_start3A_34] : memref<2x10240x128xf32, #tpu.memory_space<hbm>> -> memref<1x10240x128xf32, #tpu.memory_space<hbm>>
        %dma_start3A_36 = tpu.memref_squeeze %dma_start3A_35 : memref<1x10240x128xf32, #tpu.memory_space<hbm>> -> memref<10240x128xf32, #tpu.memory_space<hbm>>
        %dma_start3A_37 = arith.constant 0 : i32
        %dma_start3A_38 = tpu.memref_slice %dma_start3A_36[%mul3A_32, %dma_start3A_37] : memref<10240x128xf32, #tpu.memory_space<hbm>> -> memref<128x128xf32, #tpu.memory_space<hbm>>
        %dma_start3A_39 = arith.constant 0 : i32
        %dma_start3A_40 = tpu.memref_slice %arg11[%mul3A_32, %dma_start3A_39] : memref<10240x128xf32, #tpu.memory_space<vmem_shared>> -> memref<128x128xf32, #tpu.memory_space<vmem_shared>>
        tpu.enqueue_dma source(%dma_start3A_40 : memref<128x128xf32, #tpu.memory_space<vmem_shared>>) target(%dma_start3A_38 : memref<128x128xf32, #tpu.memory_space<hbm>>) target_semaphore(%run_scoped3A : memref<!tpu.dma_semaphore, #tpu.memory_space<semaphore_mem>>)
        %dma_wait3A = arith.constant 0 : i32
        %dma_wait3A_41 = arith.constant 0 : i32
        %dma_wait3A_42 = tpu.memref_slice %arg5[%arg0, %dma_wait3A, %dma_wait3A_41] : memref<2x10240x128xf32, #tpu.memory_space<hbm>> -> memref<1x10240x128xf32, #tpu.memory_space<hbm>>
        %dma_wait3A_43 = tpu.memref_squeeze %dma_wait3A_42 : memref<1x10240x128xf32, #tpu.memory_space<hbm>> -> memref<10240x128xf32, #tpu.memory_space<hbm>>
        %dma_wait3A_44 = arith.constant 0 : i32
        %dma_wait3A_45 = tpu.memref_slice %dma_wait3A_43[%mul3A_32, %dma_wait3A_44] : memref<10240x128xf32, #tpu.memory_space<hbm>> -> memref<128x128xf32, #tpu.memory_space<hbm>>
        %dma_wait3A_46 = arith.constant 0 : i32
        %dma_wait3A_47 = tpu.memref_slice %arg11[%mul3A_32, %dma_wait3A_46] : memref<10240x128xf32, #tpu.memory_space<vmem_shared>> -> memref<128x128xf32, #tpu.memory_space<vmem_shared>>
        tpu.wait_dma2 semaphore(%run_scoped3A : memref<!tpu.dma_semaphore, #tpu.memory_space<semaphore_mem>>) src(%dma_wait3A_47 : memref<128x128xf32, #tpu.memory_space<vmem_shared>>) dst(%dma_wait3A_45 : memref<128x128xf32, #tpu.memory_space<hbm>>)
        tpu.yield
      }) : () -> ()
    }
    %scan3A_22 = arith.constant 5 : i32
    return
  }
}

module attributes {stable_mosaic.version = 14 : i64} {
  func.func @_dense_body(%arg0: i32, %arg1: memref<1000x128xf32, #tpu.memory_space<vmem>>, %arg2: memref<128x128xf32, #tpu.memory_space<vmem>>, %arg3: memref<1x128xf32, #tpu.memory_space<vmem>>, %arg4: memref<1000x128xf32, #tpu.memory_space<vmem>>) attributes {dimension_semantics = [#tpu.dimension_semantics<arbitrary>], iteration_bounds = array<i64: 10>, scalar_prefetch = 0 : i64, scratch_operands = 0 : i64, tpu.core_type = #tpu.core_type<tc>, window_params = [{transform_indices = @transform_0, window_bounds = array<i64: 1000, 128>}, {pipeline_mode = #tpu.pipeline_mode<synchronous>, transform_indices = @transform_1, window_bounds = array<i64: 128, 128>}, {pipeline_mode = #tpu.pipeline_mode<synchronous>, transform_indices = @transform_2, window_bounds = array<i64: 1, 128>}, {transform_indices = @transform_3, window_bounds = array<i64: 1000, 128>}]} {
    %get3A = arith.constant 0 : index
    %get3A_0 = arith.constant 0 : index
    %get3A_1 = vector.load %arg1[%get3A, %get3A_0] : memref<1000x128xf32, #tpu.memory_space<vmem>>, vector<1000x128xf32>
    %get3A_2 = arith.constant 0 : index
    %get3A_3 = arith.constant 0 : index
    %get3A_4 = vector.load %arg2[%get3A_2, %get3A_3] : memref<128x128xf32, #tpu.memory_space<vmem>>, vector<128x128xf32>
    %dot_general3A = arith.constant dense<0.000000e+00> : vector<1000x128xf32>
    %dot_general3A_5 = tpu.matmul %get3A_1, %get3A_4, %dot_general3A {dimension_numbers = #tpu.dot_dimension_numbers<[1], [0], [0], [1], [0, 0, 1, 1], [], []>, precision = #tpu.contract_precision<fp32>, transpose_lhs_hint = false} : vector<1000x128xf32>, vector<128x128xf32>, vector<1000x128xf32> -> vector<1000x128xf32>
    %get3A_6 = arith.constant 0 : index
    %get3A_7 = arith.constant 0 : index
    %get3A_8 = vector.load %arg3[%get3A_6, %get3A_7] : memref<1x128xf32, #tpu.memory_space<vmem>>, vector<1x128xf32>
    %add3A = vector.broadcast %get3A_8 : vector<1x128xf32> to vector<1000x128xf32>
    %add3A_9 = arith.addf %dot_general3A_5, %add3A : vector<1000x128xf32>
    %swap3A = arith.constant 0 : index
    %swap3A_10 = arith.constant 0 : index
    %swap3A_11 = vector.load %arg4[%swap3A, %swap3A_10] : memref<1000x128xf32, #tpu.memory_space<vmem>>, vector<1000x128xf32>
    tpu.vector_store %arg4[%swap3A, %swap3A_10], %add3A_9 {strides = array<i32>} : memref<1000x128xf32, #tpu.memory_space<vmem>>, vector<1000x128xf32>,
    return
  }
  func.func @transform_0(%arg0: i32) -> (i32, i32) {
    %c0_i32 = arith.constant 0 : i32
    %c0_i32_0 = arith.constant 0 : i32
    return %arg0, %c0_i32 : i32, i32
  }
  func.func @transform_1(%arg0: i32) -> (i32, i32) {
    %c0_i32 = arith.constant 0 : i32
    %c0_i32_0 = arith.constant 0 : i32
    %c0_i32_1 = arith.constant 0 : i32
    return %c0_i32, %c0_i32_0 : i32, i32
  }
  func.func @transform_2(%arg0: i32) -> (i32, i32) {
    %c0_i32 = arith.constant 0 : i32
    %c0_i32_0 = arith.constant 0 : i32
    %c0_i32_1 = arith.constant 0 : i32
    return %c0_i32, %c0_i32_0 : i32, i32
  }
  func.func @transform_3(%arg0: i32) -> (i32, i32) {
    %c0_i32 = arith.constant 0 : i32
    %c0_i32_0 = arith.constant 0 : i32
    return %arg0, %c0_i32 : i32, i32
  }
}

module attributes {stable_mosaic.version = 14 : i64} {
  func.func @_qkv_body(%arg0: i32, %arg1: memref<1000x128xf32, #tpu.memory_space<vmem>>, %arg2: memref<128x128xf32, #tpu.memory_space<vmem>>, %arg3: memref<1x128xf32, #tpu.memory_space<vmem>>, %arg4: memref<128x128xf32, #tpu.memory_space<vmem>>, %arg5: memref<1x128xf32, #tpu.memory_space<vmem>>, %arg6: memref<128x128xf32, #tpu.memory_space<vmem>>, %arg7: memref<1x128xf32, #tpu.memory_space<vmem>>, %arg8: memref<1000x128xf32, #tpu.memory_space<vmem>>, %arg9: memref<1000x128xf32, #tpu.memory_space<vmem>>, %arg10: memref<1000x128xf32, #tpu.memory_space<vmem>>) attributes {dimension_semantics = [#tpu.dimension_semantics<arbitrary>], iteration_bounds = array<i64: 10>, scalar_prefetch = 0 : i64, scratch_operands = 0 : i64, tpu.core_type = #tpu.core_type<tc>, window_params = [{transform_indices = @transform_0, window_bounds = array<i64: 1000, 128>}, {pipeline_mode = #tpu.pipeline_mode<synchronous>, transform_indices = @transform_1, window_bounds = array<i64: 128, 128>}, {pipeline_mode = #tpu.pipeline_mode<synchronous>, transform_indices = @transform_2, window_bounds = array<i64: 1, 128>}, {pipeline_mode = #tpu.pipeline_mode<synchronous>, transform_indices = @transform_3, window_bounds = array<i64: 128, 128>}, {pipeline_mode = #tpu.pipeline_mode<synchronous>, transform_indices = @transform_4, window_bounds = array<i64: 1, 128>}, {pipeline_mode = #tpu.pipeline_mode<synchronous>, transform_indices = @transform_5, window_bounds = array<i64: 128, 128>}, {pipeline_mode = #tpu.pipeline_mode<synchronous>, transform_indices = @transform_6, window_bounds = array<i64: 1, 128>}, {transform_indices = @transform_7, window_bounds = array<i64: 1000, 128>}, {transform_indices = @transform_8, window_bounds = array<i64: 1000, 128>}, {transform_indices = @transform_9, window_bounds = array<i64: 1000, 128>}]} {
    %get3A = arith.constant 0 : index
    %get3A_0 = arith.constant 0 : index
    %get3A_1 = vector.load %arg1[%get3A, %get3A_0] : memref<1000x128xf32, #tpu.memory_space<vmem>>, vector<1000x128xf32>
    %get3A_2 = arith.constant 0 : index
    %get3A_3 = arith.constant 0 : index
    %get3A_4 = vector.load %arg2[%get3A_2, %get3A_3] : memref<128x128xf32, #tpu.memory_space<vmem>>, vector<128x128xf32>
    %dot_general3A = arith.constant dense<0.000000e+00> : vector<1000x128xf32>
    %dot_general3A_5 = tpu.matmul %get3A_1, %get3A_4, %dot_general3A {dimension_numbers = #tpu.dot_dimension_numbers<[1], [0], [0], [1], [0, 0, 1, 1], [], []>, precision = #tpu.contract_precision<fp32>, transpose_lhs_hint = false} : vector<1000x128xf32>, vector<128x128xf32>, vector<1000x128xf32> -> vector<1000x128xf32>
    %get3A_6 = arith.constant 0 : index
    %get3A_7 = arith.constant 0 : index
    %get3A_8 = vector.load %arg3[%get3A_6, %get3A_7] : memref<1x128xf32, #tpu.memory_space<vmem>>, vector<1x128xf32>
    %add3A = vector.broadcast %get3A_8 : vector<1x128xf32> to vector<1000x128xf32>
    %add3A_9 = arith.addf %dot_general3A_5, %add3A : vector<1000x128xf32>
    %swap3A = arith.constant 0 : index
    %swap3A_10 = arith.constant 0 : index
    %swap3A_11 = vector.load %arg8[%swap3A, %swap3A_10] : memref<1000x128xf32, #tpu.memory_space<vmem>>, vector<1000x128xf32>
    tpu.vector_store %arg8[%swap3A, %swap3A_10], %add3A_9 {strides = array<i32>} : memref<1000x128xf32, #tpu.memory_space<vmem>>, vector<1000x128xf32>,
    %get3A_12 = arith.constant 0 : index
    %get3A_13 = arith.constant 0 : index
    %get3A_14 = vector.load %arg4[%get3A_12, %get3A_13] : memref<128x128xf32, #tpu.memory_space<vmem>>, vector<128x128xf32>
    %dot_general3A_15 = arith.constant dense<0.000000e+00> : vector<1000x128xf32>
    %dot_general3A_16 = tpu.matmul %get3A_1, %get3A_14, %dot_general3A_15 {dimension_numbers = #tpu.dot_dimension_numbers<[1], [0], [0], [1], [0, 0, 1, 1], [], []>, precision = #tpu.contract_precision<fp32>, transpose_lhs_hint = false} : vector<1000x128xf32>, vector<128x128xf32>, vector<1000x128xf32> -> vector<1000x128xf32>
    %get3A_17 = arith.constant 0 : index
    %get3A_18 = arith.constant 0 : index
    %get3A_19 = vector.load %arg5[%get3A_17, %get3A_18] : memref<1x128xf32, #tpu.memory_space<vmem>>, vector<1x128xf32>
    %add3A_20 = vector.broadcast %get3A_19 : vector<1x128xf32> to vector<1000x128xf32>
    %add3A_21 = arith.addf %dot_general3A_16, %add3A_20 : vector<1000x128xf32>
    %swap3A_22 = arith.constant 0 : index
    %swap3A_23 = arith.constant 0 : index
    %swap3A_24 = vector.load %arg9[%swap3A_22, %swap3A_23] : memref<1000x128xf32, #tpu.memory_space<vmem>>, vector<1000x128xf32>
    tpu.vector_store %arg9[%swap3A_22, %swap3A_23], %add3A_21 {strides = array<i32>} : memref<1000x128xf32, #tpu.memory_space<vmem>>, vector<1000x128xf32>,
    %get3A_25 = arith.constant 0 : index
    %get3A_26 = arith.constant 0 : index
    %get3A_27 = vector.load %arg6[%get3A_25, %get3A_26] : memref<128x128xf32, #tpu.memory_space<vmem>>, vector<128x128xf32>
    %dot_general3A_28 = arith.constant dense<0.000000e+00> : vector<1000x128xf32>
    %dot_general3A_29 = tpu.matmul %get3A_1, %get3A_27, %dot_general3A_28 {dimension_numbers = #tpu.dot_dimension_numbers<[1], [0], [0], [1], [0, 0, 1, 1], [], []>, precision = #tpu.contract_precision<fp32>, transpose_lhs_hint = false} : vector<1000x128xf32>, vector<128x128xf32>, vector<1000x128xf32> -> vector<1000x128xf32>
    %get3A_30 = arith.constant 0 : index
    %get3A_31 = arith.constant 0 : index
    %get3A_32 = vector.load %arg7[%get3A_30, %get3A_31] : memref<1x128xf32, #tpu.memory_space<vmem>>, vector<1x128xf32>
    %add3A_33 = vector.broadcast %get3A_32 : vector<1x128xf32> to vector<1000x128xf32>
    %add3A_34 = arith.addf %dot_general3A_29, %add3A_33 : vector<1000x128xf32>
    %swap3A_35 = arith.constant 0 : index
    %swap3A_36 = arith.constant 0 : index
    %swap3A_37 = vector.load %arg10[%swap3A_35, %swap3A_36] : memref<1000x128xf32, #tpu.memory_space<vmem>>, vector<1000x128xf32>
    tpu.vector_store %arg10[%swap3A_35, %swap3A_36], %add3A_34 {strides = array<i32>} : memref<1000x128xf32, #tpu.memory_space<vmem>>, vector<1000x128xf32>,
    return
  }
  func.func @transform_0(%arg0: i32) -> (i32, i32) {
    %c0_i32 = arith.constant 0 : i32
    %c0_i32_0 = arith.constant 0 : i32
    return %arg0, %c0_i32 : i32, i32
  }
  func.func @transform_1(%arg0: i32) -> (i32, i32) {
    %c0_i32 = arith.constant 0 : i32
    %c0_i32_0 = arith.constant 0 : i32
    %c0_i32_1 = arith.constant 0 : i32
    return %c0_i32, %c0_i32_0 : i32, i32
  }
  func.func @transform_2(%arg0: i32) -> (i32, i32) {
    %c0_i32 = arith.constant 0 : i32
    %c0_i32_0 = arith.constant 0 : i32
    %c0_i32_1 = arith.constant 0 : i32
    return %c0_i32, %c0_i32_0 : i32, i32
  }
  func.func @transform_3(%arg0: i32) -> (i32, i32) {
    %c0_i32 = arith.constant 0 : i32
    %c0_i32_0 = arith.constant 0 : i32
    %c0_i32_1 = arith.constant 0 : i32
    return %c0_i32, %c0_i32_0 : i32, i32
  }
  func.func @transform_4(%arg0: i32) -> (i32, i32) {
    %c0_i32 = arith.constant 0 : i32
    %c0_i32_0 = arith.constant 0 : i32
    %c0_i32_1 = arith.constant 0 : i32
    return %c0_i32, %c0_i32_0 : i32, i32
  }
  func.func @transform_5(%arg0: i32) -> (i32, i32) {
    %c0_i32 = arith.constant 0 : i32
    %c0_i32_0 = arith.constant 0 : i32
    %c0_i32_1 = arith.constant 0 : i32
    return %c0_i32, %c0_i32_0 : i32, i32
  }
  func.func @transform_6(%arg0: i32) -> (i32, i32) {
    %c0_i32 = arith.constant 0 : i32
    %c0_i32_0 = arith.constant 0 : i32
    %c0_i32_1 = arith.constant 0 : i32
    return %c0_i32, %c0_i32_0 : i32, i32
  }
  func.func @transform_7(%arg0: i32) -> (i32, i32) {
    %c0_i32 = arith.constant 0 : i32
    %c0_i32_0 = arith.constant 0 : i32
    return %arg0, %c0_i32 : i32, i32
  }
  func.func @transform_8(%arg0: i32) -> (i32, i32) {
    %c0_i32 = arith.constant 0 : i32
    %c0_i32_0 = arith.constant 0 : i32
    return %arg0, %c0_i32 : i32, i32
  }
  func.func @transform_9(%arg0: i32) -> (i32, i32) {
    %c0_i32 = arith.constant 0 : i32
    %c0_i32_0 = arith.constant 0 : i32
    return %arg0, %c0_i32 : i32, i32
  }
}

module attributes {stable_mosaic.version = 14 : i64} {
  func.func @_edge_body(%arg0: i32, %arg1: memref<1024x128xf32, #tpu.memory_space<vmem>>, %arg2: memref<1024x128xf32, #tpu.memory_space<vmem>>, %arg3: memref<1024x16xf32, #tpu.memory_space<vmem>>, %arg4: memref<1024x1xf32, #tpu.memory_space<vmem>>, %arg5: memref<16x128xf32, #tpu.memory_space<vmem>>, %arg6: memref<8x128xf32, #tpu.memory_space<vmem>>, %arg7: memref<128x4xf32, #tpu.memory_space<vmem>>, %arg8: memref<8x64xf32, #tpu.memory_space<vmem>>, %arg9: memref<4x64xf32, #tpu.memory_space<vmem>>, %arg10: memref<64x4xf32, #tpu.memory_space<vmem>>, %arg11: memref<1024x4xf32, #tpu.memory_space<vmem>>, %arg12: memref<1x1xf32, #tpu.memory_space<vmem>>) attributes {dimension_semantics = [#tpu.dimension_semantics<arbitrary>], iteration_bounds = array<i64: 320>, scalar_prefetch = 0 : i64, scratch_operands = 0 : i64, tpu.core_type = #tpu.core_type<tc>, window_params = [{transform_indices = @transform_0, window_bounds = array<i64: 1024, 128>}, {transform_indices = @transform_1, window_bounds = array<i64: 1024, 128>}, {transform_indices = @transform_2, window_bounds = array<i64: 1024, 16>}, {transform_indices = @transform_3, window_bounds = array<i64: 1024, 1>}, {pipeline_mode = #tpu.pipeline_mode<synchronous>, transform_indices = @transform_4, window_bounds = array<i64: 16, 128>}, {pipeline_mode = #tpu.pipeline_mode<synchronous>, transform_indices = @transform_5, window_bounds = array<i64: 8, 128>}, {pipeline_mode = #tpu.pipeline_mode<synchronous>, transform_indices = @transform_6, window_bounds = array<i64: 128, 4>}, {pipeline_mode = #tpu.pipeline_mode<synchronous>, transform_indices = @transform_7, window_bounds = array<i64: 8, 64>}, {pipeline_mode = #tpu.pipeline_mode<synchronous>, transform_indices = @transform_8, window_bounds = array<i64: 4, 64>}, {pipeline_mode = #tpu.pipeline_mode<synchronous>, transform_indices = @transform_9, window_bounds = array<i64: 64, 4>}, {transform_indices = @transform_10, window_bounds = array<i64: 1024, 4>}, {pipeline_mode = #tpu.pipeline_mode<synchronous>, transform_indices = @transform_11, window_bounds = array<i64: 1, 1>}]} {
    %get3A = arith.constant 0 : index
    %get3A_0 = arith.constant 0 : index
    %get3A_1 = vector.load %arg3[%get3A, %get3A_0] : memref<1024x16xf32, #tpu.memory_space<vmem>>, vector<1024x16xf32>
    %get3A_2 = arith.constant 0 : index
    %get3A_3 = arith.constant 0 : index
    %get3A_4 = vector.load %arg5[%get3A_2, %get3A_3] : memref<16x128xf32, #tpu.memory_space<vmem>>, vector<16x128xf32>
    %dot_general3A = arith.constant dense<0.000000e+00> : vector<1024x128xf32>
    %dot_general3A_5 = tpu.matmul %get3A_1, %get3A_4, %dot_general3A {dimension_numbers = #tpu.dot_dimension_numbers<[1], [0], [0], [1], [0, 0, 1, 1], [], []>, precision = #tpu.contract_precision<fp32>, transpose_lhs_hint = false} : vector<1024x16xf32>, vector<16x128xf32>, vector<1024x128xf32> -> vector<1024x128xf32>
    %get3A_6 = arith.constant 0 : index
    %get3A_7 = arith.constant 0 : index
    %get3A_8 = vector.load %arg6[%get3A_6, %get3A_7] : memref<8x128xf32, #tpu.memory_space<vmem>>, vector<1x128xf32>
    %add3A = vector.broadcast %get3A_8 : vector<1x128xf32> to vector<1024x128xf32>
    %add3A_9 = arith.addf %dot_general3A_5, %add3A : vector<1024x128xf32>
    %get3A_10 = arith.constant 0 : index
    %get3A_11 = arith.constant 0 : index
    %get3A_12 = vector.load %arg4[%get3A_10, %get3A_11] : memref<1024x1xf32, #tpu.memory_space<vmem>>, vector<1024x1xf32>
    %get3A_13 = arith.constant 1 : index
    %get3A_14 = arith.constant 0 : index
    %get3A_15 = vector.load %arg6[%get3A_13, %get3A_14] : memref<8x128xf32, #tpu.memory_space<vmem>>, vector<1x128xf32>
    %mul3A = vector.broadcast %get3A_12 : vector<1024x1xf32> to vector<1024x128xf32>
    %mul3A_16 = vector.broadcast %get3A_15 : vector<1x128xf32> to vector<1024x128xf32>
    %mul3A_17 = arith.mulf %mul3A, %mul3A_16 : vector<1024x128xf32>
    %add3A_18 = arith.addf %add3A_9, %mul3A_17 : vector<1024x128xf32>
    %get3A_19 = arith.constant 0 : index
    %get3A_20 = arith.constant 0 : index
    %get3A_21 = vector.load %arg2[%get3A_19, %get3A_20] : memref<1024x128xf32, #tpu.memory_space<vmem>>, vector<1024x128xf32>
    %add3A_22 = arith.addf %get3A_21, %add3A_18 : vector<1024x128xf32>
    %get3A_23 = arith.constant 0 : index
    %get3A_24 = arith.constant 0 : index
    %get3A_25 = vector.load %arg1[%get3A_23, %get3A_24] : memref<1024x128xf32, #tpu.memory_space<vmem>>, vector<1024x128xf32>
    %get3A_26 = arith.constant 0 : index
    %get3A_27 = arith.constant 0 : index
    %get3A_28 = vector.load %arg7[%get3A_26, %get3A_27] : memref<128x4xf32, #tpu.memory_space<vmem>>, vector<128x4xf32>
    %mul3A_29 = arith.mulf %get3A_25, %add3A_22 : vector<1024x128xf32>
    %dot_general3A_30 = arith.constant dense<0.000000e+00> : vector<1024x4xf32>
    %dot_general3A_31 = tpu.matmul %mul3A_29, %get3A_28, %dot_general3A_30 {dimension_numbers = #tpu.dot_dimension_numbers<[1], [0], [0], [1], [0, 0, 1, 1], [], []>, precision = #tpu.contract_precision<fp32>, transpose_lhs_hint = false} : vector<1024x128xf32>, vector<128x4xf32>, vector<1024x4xf32> -> vector<1024x4xf32>
    %mul3A_32 = arith.mulf %get3A_25, %get3A_25 : vector<1024x128xf32>
    %dot_general3A_33 = arith.constant dense<0.000000e+00> : vector<1024x4xf32>
    %dot_general3A_34 = tpu.matmul %mul3A_32, %get3A_28, %dot_general3A_33 {dimension_numbers = #tpu.dot_dimension_numbers<[1], [0], [0], [1], [0, 0, 1, 1], [], []>, precision = #tpu.contract_precision<fp32>, transpose_lhs_hint = false} : vector<1024x128xf32>, vector<128x4xf32>, vector<1024x4xf32> -> vector<1024x4xf32>
    %mul3A_35 = arith.mulf %add3A_22, %add3A_22 : vector<1024x128xf32>
    %dot_general3A_36 = arith.constant dense<0.000000e+00> : vector<1024x4xf32>
    %dot_general3A_37 = tpu.matmul %mul3A_35, %get3A_28, %dot_general3A_36 {dimension_numbers = #tpu.dot_dimension_numbers<[1], [0], [0], [1], [0, 0, 1, 1], [], []>, precision = #tpu.contract_precision<fp32>, transpose_lhs_hint = false} : vector<1024x128xf32>, vector<128x4xf32>, vector<1024x4xf32> -> vector<1024x4xf32>
    %sqrt3A = math.sqrt %dot_general3A_34 : vector<1024x4xf32>
    %sqrt3A_38 = math.sqrt %dot_general3A_37 : vector<1024x4xf32>
    %max3A = arith.constant 9.99999993E-9 : f32
    %max3A_39 = vector.broadcast %max3A : f32 to vector<1024x4xf32>
    %max3A_40 = arith.maximumf %sqrt3A, %max3A_39 : vector<1024x4xf32>
    %max3A_41 = arith.constant 9.99999993E-9 : f32
    %max3A_42 = vector.broadcast %max3A_41 : f32 to vector<1024x4xf32>
    %max3A_43 = arith.maximumf %sqrt3A_38, %max3A_42 : vector<1024x4xf32>
    %mul3A_44 = arith.mulf %max3A_40, %max3A_43 : vector<1024x4xf32>
    %div3A = arith.divf %dot_general3A_31, %mul3A_44 : vector<1024x4xf32>
    %get3A_45 = arith.constant 0 : index
    %get3A_46 = arith.constant 0 : index
    %get3A_47 = vector.load %arg9[%get3A_45, %get3A_46] : memref<4x64xf32, #tpu.memory_space<vmem>>, vector<4x64xf32>
    %dot_general3A_48 = arith.constant dense<0.000000e+00> : vector<1024x64xf32>
    %dot_general3A_49 = tpu.matmul %div3A, %get3A_47, %dot_general3A_48 {dimension_numbers = #tpu.dot_dimension_numbers<[1], [0], [0], [1], [0, 0, 1, 1], [], []>, precision = #tpu.contract_precision<fp32>, transpose_lhs_hint = false} : vector<1024x4xf32>, vector<4x64xf32>, vector<1024x64xf32> -> vector<1024x64xf32>
    %dot_general3A_50 = arith.constant dense<0.000000e+00> : vector<1024x64xf32>
    %dot_general3A_51 = tpu.matmul %sqrt3A, %get3A_47, %dot_general3A_50 {dimension_numbers = #tpu.dot_dimension_numbers<[1], [0], [0], [1], [0, 0, 1, 1], [], []>, precision = #tpu.contract_precision<fp32>, transpose_lhs_hint = false} : vector<1024x4xf32>, vector<4x64xf32>, vector<1024x64xf32> -> vector<1024x64xf32>
    %dot_general3A_52 = arith.constant dense<0.000000e+00> : vector<1024x64xf32>
    %dot_general3A_53 = tpu.matmul %sqrt3A_38, %get3A_47, %dot_general3A_52 {dimension_numbers = #tpu.dot_dimension_numbers<[1], [0], [0], [1], [0, 0, 1, 1], [], []>, precision = #tpu.contract_precision<fp32>, transpose_lhs_hint = false} : vector<1024x4xf32>, vector<4x64xf32>, vector<1024x64xf32> -> vector<1024x64xf32>
    %get3A_54 = arith.constant 0 : index
    %get3A_55 = arith.constant 0 : index
    %get3A_56 = vector.load %arg8[%get3A_54, %get3A_55] : memref<8x64xf32, #tpu.memory_space<vmem>>, vector<8x64xf32>
    %slice3A = vector.extract_strided_slice %get3A_56 {offsets = [0, 0], sizes = [1, 64], strides = [1, 1]} : vector<8x64xf32> to vector<1x64xf32>
    %mul3A_57 = vector.broadcast %slice3A : vector<1x64xf32> to vector<1024x64xf32>
    %mul3A_58 = arith.mulf %dot_general3A_49, %mul3A_57 : vector<1024x64xf32>
    %slice3A_59 = vector.extract_strided_slice %get3A_56 {offsets = [1, 0], sizes = [1, 64], strides = [1, 1]} : vector<8x64xf32> to vector<1x64xf32>
    %mul3A_60 = vector.broadcast %slice3A_59 : vector<1x64xf32> to vector<1024x64xf32>
    %mul3A_61 = arith.mulf %dot_general3A_51, %mul3A_60 : vector<1024x64xf32>
    %add3A_62 = arith.addf %mul3A_58, %mul3A_61 : vector<1024x64xf32>
    %slice3A_63 = vector.extract_strided_slice %get3A_56 {offsets = [2, 0], sizes = [1, 64], strides = [1, 1]} : vector<8x64xf32> to vector<1x64xf32>
    %mul3A_64 = vector.broadcast %slice3A_63 : vector<1x64xf32> to vector<1024x64xf32>
    %mul3A_65 = arith.mulf %dot_general3A_53, %mul3A_64 : vector<1024x64xf32>
    %add3A_66 = arith.addf %add3A_62, %mul3A_65 : vector<1024x64xf32>
    %slice3A_67 = vector.extract_strided_slice %get3A_56 {offsets = [3, 0], sizes = [1, 64], strides = [1, 1]} : vector<8x64xf32> to vector<1x64xf32>
    %add3A_68 = vector.broadcast %slice3A_67 : vector<1x64xf32> to vector<1024x64xf32>
    %add3A_69 = arith.addf %add3A_66, %add3A_68 : vector<1024x64xf32>
    %mul3A_70 = arith.constant 5.000000e-01 : f32
    %mul3A_71 = vector.broadcast %mul3A_70 : f32 to vector<1024x64xf32>
    %mul3A_72 = arith.mulf %mul3A_71, %add3A_69 : vector<1024x64xf32>
    %mul3A_73 = arith.constant 0.707106769 : f32
    %mul3A_74 = vector.broadcast %mul3A_73 : f32 to vector<1024x64xf32>
    %mul3A_75 = arith.mulf %add3A_69, %mul3A_74 : vector<1024x64xf32>
    %erf3A = math.erf %mul3A_75 : vector<1024x64xf32>
    %add3A_76 = arith.constant 1.000000e+00 : f32
    %add3A_77 = vector.broadcast %add3A_76 : f32 to vector<1024x64xf32>
    %add3A_78 = arith.addf %add3A_77, %erf3A : vector<1024x64xf32>
    %mul3A_79 = arith.mulf %mul3A_72, %add3A_78 : vector<1024x64xf32>
    %slice3A_80 = vector.extract_strided_slice %get3A_56 {offsets = [4, 0], sizes = [1, 64], strides = [1, 1]} : vector<8x64xf32> to vector<1x64xf32>
    %mul3A_81 = vector.broadcast %slice3A_80 : vector<1x64xf32> to vector<1024x64xf32>
    %mul3A_82 = arith.mulf %mul3A_79, %mul3A_81 : vector<1024x64xf32>
    %get3A_83 = arith.constant 0 : index
    %get3A_84 = arith.constant 0 : index
    %get3A_85 = vector.load %arg10[%get3A_83, %get3A_84] : memref<64x4xf32, #tpu.memory_space<vmem>>, vector<64x4xf32>
    %dot_general3A_86 = arith.constant dense<0.000000e+00> : vector<1024x4xf32>
    %dot_general3A_87 = tpu.matmul %mul3A_82, %get3A_85, %dot_general3A_86 {dimension_numbers = #tpu.dot_dimension_numbers<[1], [0], [0], [1], [0, 0, 1, 1], [], []>, precision = #tpu.contract_precision<fp32>, transpose_lhs_hint = false} : vector<1024x64xf32>, vector<64x4xf32>, vector<1024x4xf32> -> vector<1024x4xf32>
    %slice3A_88 = vector.extract_strided_slice %get3A_56 {offsets = [5, 0], sizes = [1, 1], strides = [1, 1]} : vector<8x64xf32> to vector<1x1xf32>
    %add3A_89 = vector.broadcast %slice3A_88 : vector<1x1xf32> to vector<1024x4xf32>
    %add3A_90 = arith.addf %dot_general3A_87, %add3A_89 : vector<1024x4xf32>
    %logistic3A = arith.negf %add3A_90 : vector<1024x4xf32>
    %logistic3A_91 = math.exp %logistic3A : vector<1024x4xf32>
    %logistic3A_92 = arith.constant 1.000000e+00 : f32
    %logistic3A_93 = vector.broadcast %logistic3A_92 : f32 to vector<1024x4xf32>
    %logistic3A_94 = arith.addf %logistic3A_93, %logistic3A_91 : vector<1024x4xf32>
    %logistic3A_95 = arith.divf %logistic3A_93, %logistic3A_94 : vector<1024x4xf32>
    %mul3A_96 = arith.constant 0.176776692 : f32
    %mul3A_97 = vector.broadcast %mul3A_96 : f32 to vector<1024x4xf32>
    %mul3A_98 = arith.mulf %dot_general3A_31, %mul3A_97 : vector<1024x4xf32>
    %mul3A_99 = arith.mulf %mul3A_98, %logistic3A_95 : vector<1024x4xf32>
    %swap3A = arith.constant 0 : index
    %swap3A_100 = arith.constant 0 : index
    %swap3A_101 = vector.load %arg11[%swap3A, %swap3A_100] : memref<1024x4xf32, #tpu.memory_space<vmem>>, vector<1024x4xf32>
    tpu.vector_store %arg11[%swap3A, %swap3A_100], %mul3A_99 {strides = array<i32>} : memref<1024x4xf32, #tpu.memory_space<vmem>>, vector<1024x4xf32>,
    %eq3A = arith.constant 0 : i32
    %eq3A_102 = arith.cmpi eq, %arg0, %eq3A : i32
    %convert_element_type3A = arith.extui %eq3A_102 : i1 to i32
    %cond3A = arith.constant 0 : i32
    %cond3A_103 = arith.cmpi ne, %convert_element_type3A, %cond3A : i32
    scf.if %cond3A_103 {
      %broadcast_in_dim3A = arith.constant -1.000000e+30 : f32
      %broadcast_in_dim3A_116 = vector.broadcast %broadcast_in_dim3A : f32 to vector<1x1xf32>
      %swap3A_117 = arith.constant 0 : index
      %swap3A_118 = arith.constant 0 : index
      %swap3A_119 = vector.load %arg12[%swap3A_117, %swap3A_118] : memref<1x1xf32, #tpu.memory_space<vmem>>, vector<1x1xf32>
      tpu.vector_store %arg12[%swap3A_117, %swap3A_118], %broadcast_in_dim3A_116 {strides = array<i32>} : memref<1x1xf32, #tpu.memory_space<vmem>>, vector<1x1xf32>,
    } else {
    }
    %get3A_104 = arith.constant 0 : index
    %get3A_105 = arith.constant 0 : index
    %get3A_106 = vector.load %arg12[%get3A_104, %get3A_105] : memref<1x1xf32, #tpu.memory_space<vmem>>, vector<1x1xf32>
    %reduce_max3A = vector.shape_cast %mul3A_99 : vector<1024x4xf32> to vector<1x1024x4xf32>
    %reduce_max3A_107 = arith.constant dense<0xFF800000> : vector<1xf32>
    %reduce_max3A_108 = vector.multi_reduction <maximumf>, %reduce_max3A, %reduce_max3A_107 [1, 2] : vector<1x1024x4xf32> to vector<1xf32>
    %reduce_max3A_109 = vector.shape_cast %reduce_max3A_108 : vector<1xf32> to vector<1x1x1xf32>
    %reduce_max3A_110 = vector.extract %reduce_max3A_109[0, 0, 0] : f32 from vector<1x1x1xf32>
    %max3A_111 = vector.broadcast %reduce_max3A_110 : f32 to vector<1x1xf32>
    %max3A_112 = arith.maximumf %get3A_106, %max3A_111 : vector<1x1xf32>
    %swap3A_113 = arith.constant 0 : index
    %swap3A_114 = arith.constant 0 : index
    %swap3A_115 = vector.load %arg12[%swap3A_113, %swap3A_114] : memref<1x1xf32, #tpu.memory_space<vmem>>, vector<1x1xf32>
    tpu.vector_store %arg12[%swap3A_113, %swap3A_114], %max3A_112 {strides = array<i32>} : memref<1x1xf32, #tpu.memory_space<vmem>>, vector<1x1xf32>,
    return
  }
  func.func @transform_0(%arg0: i32) -> (i32, i32) {
    %c0_i32 = arith.constant 0 : i32
    %c0_i32_0 = arith.constant 0 : i32
    return %arg0, %c0_i32 : i32, i32
  }
  func.func @transform_1(%arg0: i32) -> (i32, i32) {
    %c0_i32 = arith.constant 0 : i32
    %c0_i32_0 = arith.constant 0 : i32
    return %arg0, %c0_i32 : i32, i32
  }
  func.func @transform_2(%arg0: i32) -> (i32, i32) {
    %c0_i32 = arith.constant 0 : i32
    %c0_i32_0 = arith.constant 0 : i32
    return %arg0, %c0_i32 : i32, i32
  }
  func.func @transform_3(%arg0: i32) -> (i32, i32) {
    %c0_i32 = arith.constant 0 : i32
    %c0_i32_0 = arith.constant 0 : i32
    return %arg0, %c0_i32 : i32, i32
  }
  func.func @transform_4(%arg0: i32) -> (i32, i32) {
    %c0_i32 = arith.constant 0 : i32
    %c0_i32_0 = arith.constant 0 : i32
    %c0_i32_1 = arith.constant 0 : i32
    return %c0_i32, %c0_i32_0 : i32, i32
  }
  func.func @transform_5(%arg0: i32) -> (i32, i32) {
    %c0_i32 = arith.constant 0 : i32
    %c0_i32_0 = arith.constant 0 : i32
    %c0_i32_1 = arith.constant 0 : i32
    return %c0_i32, %c0_i32_0 : i32, i32
  }
  func.func @transform_6(%arg0: i32) -> (i32, i32) {
    %c0_i32 = arith.constant 0 : i32
    %c0_i32_0 = arith.constant 0 : i32
    %c0_i32_1 = arith.constant 0 : i32
    return %c0_i32, %c0_i32_0 : i32, i32
  }
  func.func @transform_7(%arg0: i32) -> (i32, i32) {
    %c0_i32 = arith.constant 0 : i32
    %c0_i32_0 = arith.constant 0 : i32
    %c0_i32_1 = arith.constant 0 : i32
    return %c0_i32, %c0_i32_0 : i32, i32
  }
  func.func @transform_8(%arg0: i32) -> (i32, i32) {
    %c0_i32 = arith.constant 0 : i32
    %c0_i32_0 = arith.constant 0 : i32
    %c0_i32_1 = arith.constant 0 : i32
    return %c0_i32, %c0_i32_0 : i32, i32
  }
  func.func @transform_9(%arg0: i32) -> (i32, i32) {
    %c0_i32 = arith.constant 0 : i32
    %c0_i32_0 = arith.constant 0 : i32
    %c0_i32_1 = arith.constant 0 : i32
    return %c0_i32, %c0_i32_0 : i32, i32
  }
  func.func @transform_10(%arg0: i32) -> (i32, i32) {
    %c0_i32 = arith.constant 0 : i32
    %c0_i32_0 = arith.constant 0 : i32
    return %arg0, %c0_i32 : i32, i32
  }
  func.func @transform_11(%arg0: i32) -> (i32, i32) {
    %c0_i32 = arith.constant 0 : i32
    %c0_i32_0 = arith.constant 0 : i32
    %c0_i32_1 = arith.constant 0 : i32
    return %c0_i32, %c0_i32_0 : i32, i32
  }
}

module attributes {stable_mosaic.version = 14 : i64} {
  func.func @_exp_body(%arg0: i32, %arg1: memref<2048x4xf32, #tpu.memory_space<vmem>>, %arg2: memref<1x1xf32, #tpu.memory_space<vmem>>, %arg3: memref<2048x4xf32, #tpu.memory_space<vmem>>) attributes {dimension_semantics = [#tpu.dimension_semantics<arbitrary>], iteration_bounds = array<i64: 160>, scalar_prefetch = 0 : i64, scratch_operands = 0 : i64, tpu.core_type = #tpu.core_type<tc>, window_params = [{transform_indices = @transform_0, window_bounds = array<i64: 2048, 4>}, {pipeline_mode = #tpu.pipeline_mode<synchronous>, transform_indices = @transform_1, window_bounds = array<i64: 1, 1>}, {transform_indices = @transform_2, window_bounds = array<i64: 2048, 4>}]} {
    %get3A = arith.constant 0 : index
    %get3A_0 = arith.constant 0 : index
    %get3A_1 = vector.load %arg1[%get3A, %get3A_0] : memref<2048x4xf32, #tpu.memory_space<vmem>>, vector<2048x4xf32>
    %get3A_2 = arith.constant 0 : index
    %get3A_3 = arith.constant 0 : index
    %get3A_4 = vector.load %arg2[%get3A_2, %get3A_3] : memref<1x1xf32, #tpu.memory_space<vmem>>, vector<1x1xf32>
    %sub3A = vector.broadcast %get3A_4 : vector<1x1xf32> to vector<2048x4xf32>
    %sub3A_5 = arith.subf %get3A_1, %sub3A : vector<2048x4xf32>
    %exp3A = math.exp %sub3A_5 : vector<2048x4xf32>
    %swap3A = arith.constant 0 : index
    %swap3A_6 = arith.constant 0 : index
    %swap3A_7 = vector.load %arg3[%swap3A, %swap3A_6] : memref<2048x4xf32, #tpu.memory_space<vmem>>, vector<2048x4xf32>
    tpu.vector_store %arg3[%swap3A, %swap3A_6], %exp3A {strides = array<i32>} : memref<2048x4xf32, #tpu.memory_space<vmem>>, vector<2048x4xf32>,
    return
  }
  func.func @transform_0(%arg0: i32) -> (i32, i32) {
    %c0_i32 = arith.constant 0 : i32
    %c0_i32_0 = arith.constant 0 : i32
    return %arg0, %c0_i32 : i32, i32
  }
  func.func @transform_1(%arg0: i32) -> (i32, i32) {
    %c0_i32 = arith.constant 0 : i32
    %c0_i32_0 = arith.constant 0 : i32
    %c0_i32_1 = arith.constant 0 : i32
    return %c0_i32, %c0_i32_0 : i32, i32
  }
  func.func @transform_2(%arg0: i32) -> (i32, i32) {
    %c0_i32 = arith.constant 0 : i32
    %c0_i32_0 = arith.constant 0 : i32
    return %arg0, %c0_i32 : i32, i32
  }
}

module attributes {stable_mosaic.version = 14 : i64} {
  func.func @_redsum_body(%arg0: i32, %arg1: memref<32x2048xf32, #tpu.memory_space<vmem>>, %arg2: memref<1x2048xf32, #tpu.memory_space<vmem>>) attributes {dimension_semantics = [#tpu.dimension_semantics<arbitrary>], iteration_bounds = array<i64: 20>, scalar_prefetch = 0 : i64, scratch_operands = 0 : i64, tpu.core_type = #tpu.core_type<tc>, window_params = [{transform_indices = @transform_0, window_bounds = array<i64: 32, 2048>}, {transform_indices = @transform_1, window_bounds = array<i64: 1, 2048>}]} {
    %get3A = arith.constant 0 : index
    %get3A_0 = arith.constant 0 : index
    %get3A_1 = vector.load %arg1[%get3A, %get3A_0] : memref<32x2048xf32, #tpu.memory_space<vmem>>, vector<32x2048xf32>
    %reduce_sum3A = arith.constant dense<0.000000e+00> : vector<2048xf32>
    %reduce_sum3A_2 = vector.multi_reduction <add>, %get3A_1, %reduce_sum3A [0] : vector<32x2048xf32> to vector<2048xf32>
    %broadcast_in_dim3A = vector.shape_cast %reduce_sum3A_2 : vector<2048xf32> to vector<1x2048xf32>
    %swap3A = arith.constant 0 : index
    %swap3A_3 = arith.constant 0 : index
    %swap3A_4 = vector.load %arg2[%swap3A, %swap3A_3] : memref<1x2048xf32, #tpu.memory_space<vmem>>, vector<1x2048xf32>
    tpu.vector_store %arg2[%swap3A, %swap3A_3], %broadcast_in_dim3A {strides = array<i32>} : memref<1x2048xf32, #tpu.memory_space<vmem>>, vector<1x2048xf32>,
    return
  }
  func.func @transform_0(%arg0: i32) -> (i32, i32) {
    %c0_i32 = arith.constant 0 : i32
    %c0_i32_0 = arith.constant 0 : i32
    return %c0_i32, %arg0 : i32, i32
  }
  func.func @transform_1(%arg0: i32) -> (i32, i32) {
    %c0_i32 = arith.constant 0 : i32
    %c0_i32_0 = arith.constant 0 : i32
    return %c0_i32, %arg0 : i32, i32
  }
}

module attributes {stable_mosaic.version = 14 : i64} {
  func.func @_msg_body(%arg0: i32, %arg1: memref<1024x128xf32, #tpu.memory_space<vmem>>, %arg2: memref<1024x4xf32, #tpu.memory_space<vmem>>, %arg3: memref<4x128xf32, #tpu.memory_space<vmem>>, %arg4: memref<1024x128xf32, #tpu.memory_space<vmem>>) attributes {dimension_semantics = [#tpu.dimension_semantics<arbitrary>], iteration_bounds = array<i64: 320>, scalar_prefetch = 0 : i64, scratch_operands = 0 : i64, tpu.core_type = #tpu.core_type<tc>, window_params = [{transform_indices = @transform_0, window_bounds = array<i64: 1024, 128>}, {transform_indices = @transform_1, window_bounds = array<i64: 1024, 4>}, {pipeline_mode = #tpu.pipeline_mode<synchronous>, transform_indices = @transform_2, window_bounds = array<i64: 4, 128>}, {transform_indices = @transform_3, window_bounds = array<i64: 1024, 128>}]} {
    %get3A = arith.constant 0 : index
    %get3A_0 = arith.constant 0 : index
    %get3A_1 = vector.load %arg1[%get3A, %get3A_0] : memref<1024x128xf32, #tpu.memory_space<vmem>>, vector<1024x128xf32>
    %get3A_2 = arith.constant 0 : index
    %get3A_3 = arith.constant 0 : index
    %get3A_4 = vector.load %arg2[%get3A_2, %get3A_3] : memref<1024x4xf32, #tpu.memory_space<vmem>>, vector<1024x4xf32>
    %get3A_5 = arith.constant 0 : index
    %get3A_6 = arith.constant 0 : index
    %get3A_7 = vector.load %arg3[%get3A_5, %get3A_6] : memref<4x128xf32, #tpu.memory_space<vmem>>, vector<4x128xf32>
    %dot_general3A = arith.constant dense<0.000000e+00> : vector<1024x128xf32>
    %dot_general3A_8 = tpu.matmul %get3A_4, %get3A_7, %dot_general3A {dimension_numbers = #tpu.dot_dimension_numbers<[1], [0], [0], [1], [0, 0, 1, 1], [], []>, precision = #tpu.contract_precision<fp32>, transpose_lhs_hint = false} : vector<1024x4xf32>, vector<4x128xf32>, vector<1024x128xf32> -> vector<1024x128xf32>
    %mul3A = arith.mulf %get3A_1, %dot_general3A_8 : vector<1024x128xf32>
    %swap3A = arith.constant 0 : index
    %swap3A_9 = arith.constant 0 : index
    %swap3A_10 = vector.load %arg4[%swap3A, %swap3A_9] : memref<1024x128xf32, #tpu.memory_space<vmem>>, vector<1024x128xf32>
    tpu.vector_store %arg4[%swap3A, %swap3A_9], %mul3A {strides = array<i32>} : memref<1024x128xf32, #tpu.memory_space<vmem>>, vector<1024x128xf32>,
    return
  }
  func.func @transform_0(%arg0: i32) -> (i32, i32) {
    %c0_i32 = arith.constant 0 : i32
    %c0_i32_0 = arith.constant 0 : i32
    return %arg0, %c0_i32 : i32, i32
  }
  func.func @transform_1(%arg0: i32) -> (i32, i32) {
    %c0_i32 = arith.constant 0 : i32
    %c0_i32_0 = arith.constant 0 : i32
    return %arg0, %c0_i32 : i32, i32
  }
  func.func @transform_2(%arg0: i32) -> (i32, i32) {
    %c0_i32 = arith.constant 0 : i32
    %c0_i32_0 = arith.constant 0 : i32
    %c0_i32_1 = arith.constant 0 : i32
    return %c0_i32, %c0_i32_0 : i32, i32
  }
  func.func @transform_3(%arg0: i32) -> (i32, i32) {
    %c0_i32 = arith.constant 0 : i32
    %c0_i32_0 = arith.constant 0 : i32
    return %arg0, %c0_i32 : i32, i32
  }
}

module attributes {stable_mosaic.version = 14 : i64} {
  func.func @_update_body(%arg0: i32, %arg1: memref<1000x128xf32, #tpu.memory_space<vmem>>, %arg2: memref<2x1000x128xf32, #tpu.memory_space<vmem>>, %arg3: memref<128x1xf32, #tpu.memory_space<vmem>>, %arg4: memref<1x1xf32, #tpu.memory_space<vmem>>, %arg5: memref<1x128xf32, #tpu.memory_space<vmem>>, %arg6: memref<1x128xf32, #tpu.memory_space<vmem>>, %arg7: memref<1000x128xf32, #tpu.memory_space<vmem>>) attributes {dimension_semantics = [#tpu.dimension_semantics<arbitrary>], iteration_bounds = array<i64: 10>, scalar_prefetch = 0 : i64, scratch_operands = 0 : i64, tpu.core_type = #tpu.core_type<tc>, window_params = [{transform_indices = @transform_0, window_bounds = array<i64: 1000, 128>}, {transform_indices = @transform_1, window_bounds = array<i64: 2, 1000, 128>}, {pipeline_mode = #tpu.pipeline_mode<synchronous>, transform_indices = @transform_2, window_bounds = array<i64: 128, 1>}, {pipeline_mode = #tpu.pipeline_mode<synchronous>, transform_indices = @transform_3, window_bounds = array<i64: 1, 1>}, {pipeline_mode = #tpu.pipeline_mode<synchronous>, transform_indices = @transform_4, window_bounds = array<i64: 1, 128>}, {pipeline_mode = #tpu.pipeline_mode<synchronous>, transform_indices = @transform_5, window_bounds = array<i64: 1, 128>}, {transform_indices = @transform_6, window_bounds = array<i64: 1000, 128>}]} {
    %get3A = arith.constant 0 : index
    %get3A_0 = arith.constant 0 : index
    %get3A_1 = vector.load %arg1[%get3A, %get3A_0] : memref<1000x128xf32, #tpu.memory_space<vmem>>, vector<1000x128xf32>
    %get3A_2 = arith.constant 0 : index
    %get3A_3 = arith.constant 0 : index
    %get3A_4 = arith.constant 0 : index
    %get3A_5 = vector.load %arg2[%get3A_2, %get3A_3, %get3A_4] : memref<2x1000x128xf32, #tpu.memory_space<vmem>>, vector<1x1000x128xf32>
    %get3A_6 = vector.shape_cast %get3A_5 : vector<1x1000x128xf32> to vector<1000x128xf32>
    %get3A_7 = arith.constant 1 : index
    %get3A_8 = arith.constant 0 : index
    %get3A_9 = arith.constant 0 : index
    %get3A_10 = vector.load %arg2[%get3A_7, %get3A_8, %get3A_9] : memref<2x1000x128xf32, #tpu.memory_space<vmem>>, vector<1x1000x128xf32>
    %get3A_11 = vector.shape_cast %get3A_10 : vector<1x1000x128xf32> to vector<1000x128xf32>
    %add3A = arith.addf %get3A_6, %get3A_11 : vector<1000x128xf32>
    %get3A_12 = arith.constant 0 : index
    %get3A_13 = arith.constant 0 : index
    %get3A_14 = vector.load %arg3[%get3A_12, %get3A_13] : memref<128x1xf32, #tpu.memory_space<vmem>>, vector<128x1xf32>
    %dot_general3A = arith.constant dense<0.000000e+00> : vector<1000x1xf32>
    %dot_general3A_15 = tpu.matmul %get3A_1, %get3A_14, %dot_general3A {dimension_numbers = #tpu.dot_dimension_numbers<[1], [0], [0], [1], [0, 0, 1, 1], [], []>, precision = #tpu.contract_precision<fp32>, transpose_lhs_hint = false} : vector<1000x128xf32>, vector<128x1xf32>, vector<1000x1xf32> -> vector<1000x1xf32>
    %get3A_16 = arith.constant 0 : index
    %get3A_17 = arith.constant 0 : index
    %get3A_18 = vector.load %arg4[%get3A_16, %get3A_17] : memref<1x1xf32, #tpu.memory_space<vmem>>, vector<1x1xf32>
    %add3A_19 = vector.broadcast %get3A_18 : vector<1x1xf32> to vector<1000x1xf32>
    %add3A_20 = arith.addf %dot_general3A_15, %add3A_19 : vector<1000x1xf32>
    %logistic3A = arith.negf %add3A_20 : vector<1000x1xf32>
    %logistic3A_21 = math.exp %logistic3A : vector<1000x1xf32>
    %logistic3A_22 = arith.constant 1.000000e+00 : f32
    %logistic3A_23 = vector.broadcast %logistic3A_22 : f32 to vector<1000x1xf32>
    %logistic3A_24 = arith.addf %logistic3A_23, %logistic3A_21 : vector<1000x1xf32>
    %logistic3A_25 = arith.divf %logistic3A_23, %logistic3A_24 : vector<1000x1xf32>
    %mul3A = vector.broadcast %logistic3A_25 : vector<1000x1xf32> to vector<1000x128xf32>
    %mul3A_26 = arith.mulf %mul3A, %get3A_1 : vector<1000x128xf32>
    %sub3A = arith.constant 1.000000e+00 : f32
    %sub3A_27 = vector.broadcast %sub3A : f32 to vector<1000x1xf32>
    %sub3A_28 = arith.subf %sub3A_27, %logistic3A_25 : vector<1000x1xf32>
    %mul3A_29 = vector.broadcast %sub3A_28 : vector<1000x1xf32> to vector<1000x128xf32>
    %mul3A_30 = arith.mulf %mul3A_29, %add3A : vector<1000x128xf32>
    %add3A_31 = arith.addf %mul3A_26, %mul3A_30 : vector<1000x128xf32>
    %reduce_sum3A = arith.constant dense<0.000000e+00> : vector<1000xf32>
    %reduce_sum3A_32 = vector.multi_reduction <add>, %add3A_31, %reduce_sum3A [1] : vector<1000x128xf32> to vector<1000xf32>
    %broadcast_in_dim3A = vector.shape_cast %reduce_sum3A_32 : vector<1000xf32> to vector<1000x1xf32>
    %div3A = arith.constant 1.280000e+02 : f32
    %div3A_33 = vector.broadcast %div3A : f32 to vector<1000x1xf32>
    %div3A_34 = arith.divf %broadcast_in_dim3A, %div3A_33 : vector<1000x1xf32>
    %sub3A_35 = vector.broadcast %div3A_34 : vector<1000x1xf32> to vector<1000x128xf32>
    %sub3A_36 = arith.subf %add3A_31, %sub3A_35 : vector<1000x128xf32>
    %mul3A_37 = arith.mulf %sub3A_36, %sub3A_36 : vector<1000x128xf32>
    %reduce_sum3A_38 = arith.constant dense<0.000000e+00> : vector<1000xf32>
    %reduce_sum3A_39 = vector.multi_reduction <add>, %mul3A_37, %reduce_sum3A_38 [1] : vector<1000x128xf32> to vector<1000xf32>
    %broadcast_in_dim3A_40 = vector.shape_cast %reduce_sum3A_39 : vector<1000xf32> to vector<1000x1xf32>
    %div3A_41 = arith.constant 1.280000e+02 : f32
    %div3A_42 = vector.broadcast %div3A_41 : f32 to vector<1000x1xf32>
    %div3A_43 = arith.divf %broadcast_in_dim3A_40, %div3A_42 : vector<1000x1xf32>
    %add3A_44 = arith.constant 9.99999974E-6 : f32
    %add3A_45 = vector.broadcast %add3A_44 : f32 to vector<1000x1xf32>
    %add3A_46 = arith.addf %div3A_43, %add3A_45 : vector<1000x1xf32>
    %rsqrt3A = math.rsqrt %add3A_46 : vector<1000x1xf32>
    %mul3A_47 = vector.broadcast %rsqrt3A : vector<1000x1xf32> to vector<1000x128xf32>
    %mul3A_48 = arith.mulf %sub3A_36, %mul3A_47 : vector<1000x128xf32>
    %get3A_49 = arith.constant 0 : index
    %get3A_50 = arith.constant 0 : index
    %get3A_51 = vector.load %arg5[%get3A_49, %get3A_50] : memref<1x128xf32, #tpu.memory_space<vmem>>, vector<1x128xf32>
    %mul3A_52 = vector.broadcast %get3A_51 : vector<1x128xf32> to vector<1000x128xf32>
    %mul3A_53 = arith.mulf %mul3A_48, %mul3A_52 : vector<1000x128xf32>
    %get3A_54 = arith.constant 0 : index
    %get3A_55 = arith.constant 0 : index
    %get3A_56 = vector.load %arg6[%get3A_54, %get3A_55] : memref<1x128xf32, #tpu.memory_space<vmem>>, vector<1x128xf32>
    %add3A_57 = vector.broadcast %get3A_56 : vector<1x128xf32> to vector<1000x128xf32>
    %add3A_58 = arith.addf %mul3A_53, %add3A_57 : vector<1000x128xf32>
    %swap3A = arith.constant 0 : index
    %swap3A_59 = arith.constant 0 : index
    %swap3A_60 = vector.load %arg7[%swap3A, %swap3A_59] : memref<1000x128xf32, #tpu.memory_space<vmem>>, vector<1000x128xf32>
    tpu.vector_store %arg7[%swap3A, %swap3A_59], %add3A_58 {strides = array<i32>} : memref<1000x128xf32, #tpu.memory_space<vmem>>, vector<1000x128xf32>,
    return
  }
  func.func @transform_0(%arg0: i32) -> (i32, i32) {
    %c0_i32 = arith.constant 0 : i32
    %c0_i32_0 = arith.constant 0 : i32
    return %arg0, %c0_i32 : i32, i32
  }
  func.func @transform_1(%arg0: i32) -> (i32, i32, i32) {
    %c0_i32 = arith.constant 0 : i32
    %c0_i32_0 = arith.constant 0 : i32
    %c0_i32_1 = arith.constant 0 : i32
    return %c0_i32, %arg0, %c0_i32_0 : i32, i32, i32
  }
  func.func @transform_2(%arg0: i32) -> (i32, i32) {
    %c0_i32 = arith.constant 0 : i32
    %c0_i32_0 = arith.constant 0 : i32
    %c0_i32_1 = arith.constant 0 : i32
    return %c0_i32, %c0_i32_0 : i32, i32
  }
  func.func @transform_3(%arg0: i32) -> (i32, i32) {
    %c0_i32 = arith.constant 0 : i32
    %c0_i32_0 = arith.constant 0 : i32
    %c0_i32_1 = arith.constant 0 : i32
    return %c0_i32, %c0_i32_0 : i32, i32
  }
  func.func @transform_4(%arg0: i32) -> (i32, i32) {
    %c0_i32 = arith.constant 0 : i32
    %c0_i32_0 = arith.constant 0 : i32
    %c0_i32_1 = arith.constant 0 : i32
    return %c0_i32, %c0_i32_0 : i32, i32
  }
  func.func @transform_5(%arg0: i32) -> (i32, i32) {
    %c0_i32 = arith.constant 0 : i32
    %c0_i32_0 = arith.constant 0 : i32
    %c0_i32_1 = arith.constant 0 : i32
    return %c0_i32, %c0_i32_0 : i32, i32
  }
  func.func @transform_6(%arg0: i32) -> (i32, i32) {
    %c0_i32 = arith.constant 0 : i32
    %c0_i32_0 = arith.constant 0 : i32
    return %arg0, %c0_i32 : i32, i32
  }
}

module attributes {stable_mosaic.version = 14 : i64} {
  func.func @_update_body(%arg0: i32, %arg1: memref<1000x128xf32, #tpu.memory_space<vmem>>, %arg2: memref<2x1000x128xf32, #tpu.memory_space<vmem>>, %arg3: memref<128x1xf32, #tpu.memory_space<vmem>>, %arg4: memref<1x1xf32, #tpu.memory_space<vmem>>, %arg5: memref<1x128xf32, #tpu.memory_space<vmem>>, %arg6: memref<1x128xf32, #tpu.memory_space<vmem>>, %arg7: memref<1000x128xf32, #tpu.memory_space<vmem>>) attributes {dimension_semantics = [#tpu.dimension_semantics<arbitrary>], iteration_bounds = array<i64: 10>, scalar_prefetch = 0 : i64, scratch_operands = 0 : i64, tpu.core_type = #tpu.core_type<tc>, window_params = [{transform_indices = @transform_0, window_bounds = array<i64: 1000, 128>}, {transform_indices = @transform_1, window_bounds = array<i64: 2, 1000, 128>}, {pipeline_mode = #tpu.pipeline_mode<synchronous>, transform_indices = @transform_2, window_bounds = array<i64: 128, 1>}, {pipeline_mode = #tpu.pipeline_mode<synchronous>, transform_indices = @transform_3, window_bounds = array<i64: 1, 1>}, {pipeline_mode = #tpu.pipeline_mode<synchronous>, transform_indices = @transform_4, window_bounds = array<i64: 1, 128>}, {pipeline_mode = #tpu.pipeline_mode<synchronous>, transform_indices = @transform_5, window_bounds = array<i64: 1, 128>}, {transform_indices = @transform_6, window_bounds = array<i64: 1000, 128>}]} {
    %get3A = arith.constant 0 : index
    %get3A_0 = arith.constant 0 : index
    %get3A_1 = vector.load %arg1[%get3A, %get3A_0] : memref<1000x128xf32, #tpu.memory_space<vmem>>, vector<1000x128xf32>
    %get3A_2 = arith.constant 0 : index
    %get3A_3 = arith.constant 0 : index
    %get3A_4 = arith.constant 0 : index
    %get3A_5 = vector.load %arg2[%get3A_2, %get3A_3, %get3A_4] : memref<2x1000x128xf32, #tpu.memory_space<vmem>>, vector<1x1000x128xf32>
    %get3A_6 = vector.shape_cast %get3A_5 : vector<1x1000x128xf32> to vector<1000x128xf32>
    %get3A_7 = arith.constant 1 : index
    %get3A_8 = arith.constant 0 : index
    %get3A_9 = arith.constant 0 : index
    %get3A_10 = vector.load %arg2[%get3A_7, %get3A_8, %get3A_9] : memref<2x1000x128xf32, #tpu.memory_space<vmem>>, vector<1x1000x128xf32>
    %get3A_11 = vector.shape_cast %get3A_10 : vector<1x1000x128xf32> to vector<1000x128xf32>
    %add3A = arith.addf %get3A_6, %get3A_11 : vector<1000x128xf32>
    %get3A_12 = arith.constant 0 : index
    %get3A_13 = arith.constant 0 : index
    %get3A_14 = vector.load %arg3[%get3A_12, %get3A_13] : memref<128x1xf32, #tpu.memory_space<vmem>>, vector<128x1xf32>
    %dot_general3A = arith.constant dense<0.000000e+00> : vector<1000x1xf32>
    %dot_general3A_15 = tpu.matmul %get3A_1, %get3A_14, %dot_general3A {dimension_numbers = #tpu.dot_dimension_numbers<[1], [0], [0], [1], [0, 0, 1, 1], [], []>, precision = #tpu.contract_precision<fp32>, transpose_lhs_hint = false} : vector<1000x128xf32>, vector<128x1xf32>, vector<1000x1xf32> -> vector<1000x1xf32>
    %get3A_16 = arith.constant 0 : index
    %get3A_17 = arith.constant 0 : index
    %get3A_18 = vector.load %arg4[%get3A_16, %get3A_17] : memref<1x1xf32, #tpu.memory_space<vmem>>, vector<1x1xf32>
    %add3A_19 = vector.broadcast %get3A_18 : vector<1x1xf32> to vector<1000x1xf32>
    %add3A_20 = arith.addf %dot_general3A_15, %add3A_19 : vector<1000x1xf32>
    %logistic3A = arith.negf %add3A_20 : vector<1000x1xf32>
    %logistic3A_21 = math.exp %logistic3A : vector<1000x1xf32>
    %logistic3A_22 = arith.constant 1.000000e+00 : f32
    %logistic3A_23 = vector.broadcast %logistic3A_22 : f32 to vector<1000x1xf32>
    %logistic3A_24 = arith.addf %logistic3A_23, %logistic3A_21 : vector<1000x1xf32>
    %logistic3A_25 = arith.divf %logistic3A_23, %logistic3A_24 : vector<1000x1xf32>
    %mul3A = vector.broadcast %logistic3A_25 : vector<1000x1xf32> to vector<1000x128xf32>
    %mul3A_26 = arith.mulf %mul3A, %get3A_1 : vector<1000x128xf32>
    %sub3A = arith.constant 1.000000e+00 : f32
    %sub3A_27 = vector.broadcast %sub3A : f32 to vector<1000x1xf32>
    %sub3A_28 = arith.subf %sub3A_27, %logistic3A_25 : vector<1000x1xf32>
    %mul3A_29 = vector.broadcast %sub3A_28 : vector<1000x1xf32> to vector<1000x128xf32>
    %mul3A_30 = arith.mulf %mul3A_29, %add3A : vector<1000x128xf32>
    %add3A_31 = arith.addf %mul3A_26, %mul3A_30 : vector<1000x128xf32>
    %reduce_sum3A = arith.constant dense<0.000000e+00> : vector<1000xf32>
    %reduce_sum3A_32 = vector.multi_reduction <add>, %add3A_31, %reduce_sum3A [1] : vector<1000x128xf32> to vector<1000xf32>
    %broadcast_in_dim3A = vector.shape_cast %reduce_sum3A_32 : vector<1000xf32> to vector<1000x1xf32>
    %div3A = arith.constant 1.280000e+02 : f32
    %div3A_33 = vector.broadcast %div3A : f32 to vector<1000x1xf32>
    %div3A_34 = arith.divf %broadcast_in_dim3A, %div3A_33 : vector<1000x1xf32>
    %sub3A_35 = vector.broadcast %div3A_34 : vector<1000x1xf32> to vector<1000x128xf32>
    %sub3A_36 = arith.subf %add3A_31, %sub3A_35 : vector<1000x128xf32>
    %mul3A_37 = arith.mulf %sub3A_36, %sub3A_36 : vector<1000x128xf32>
    %reduce_sum3A_38 = arith.constant dense<0.000000e+00> : vector<1000xf32>
    %reduce_sum3A_39 = vector.multi_reduction <add>, %mul3A_37, %reduce_sum3A_38 [1] : vector<1000x128xf32> to vector<1000xf32>
    %broadcast_in_dim3A_40 = vector.shape_cast %reduce_sum3A_39 : vector<1000xf32> to vector<1000x1xf32>
    %div3A_41 = arith.constant 1.280000e+02 : f32
    %div3A_42 = vector.broadcast %div3A_41 : f32 to vector<1000x1xf32>
    %div3A_43 = arith.divf %broadcast_in_dim3A_40, %div3A_42 : vector<1000x1xf32>
    %add3A_44 = arith.constant 9.99999974E-6 : f32
    %add3A_45 = vector.broadcast %add3A_44 : f32 to vector<1000x1xf32>
    %add3A_46 = arith.addf %div3A_43, %add3A_45 : vector<1000x1xf32>
    %rsqrt3A = math.rsqrt %add3A_46 : vector<1000x1xf32>
    %mul3A_47 = vector.broadcast %rsqrt3A : vector<1000x1xf32> to vector<1000x128xf32>
    %mul3A_48 = arith.mulf %sub3A_36, %mul3A_47 : vector<1000x128xf32>
    %get3A_49 = arith.constant 0 : index
    %get3A_50 = arith.constant 0 : index
    %get3A_51 = vector.load %arg5[%get3A_49, %get3A_50] : memref<1x128xf32, #tpu.memory_space<vmem>>, vector<1x128xf32>
    %mul3A_52 = vector.broadcast %get3A_51 : vector<1x128xf32> to vector<1000x128xf32>
    %mul3A_53 = arith.mulf %mul3A_48, %mul3A_52 : vector<1000x128xf32>
    %get3A_54 = arith.constant 0 : index
    %get3A_55 = arith.constant 0 : index
    %get3A_56 = vector.load %arg6[%get3A_54, %get3A_55] : memref<1x128xf32, #tpu.memory_space<vmem>>, vector<1x128xf32>
    %add3A_57 = vector.broadcast %get3A_56 : vector<1x128xf32> to vector<1000x128xf32>
    %add3A_58 = arith.addf %mul3A_53, %add3A_57 : vector<1000x128xf32>
    %swap3A = arith.constant 0 : index
    %swap3A_59 = arith.constant 0 : index
    %swap3A_60 = vector.load %arg7[%swap3A, %swap3A_59] : memref<1000x128xf32, #tpu.memory_space<vmem>>, vector<1000x128xf32>
    tpu.vector_store %arg7[%swap3A, %swap3A_59], %add3A_58 {strides = array<i32>} : memref<1000x128xf32, #tpu.memory_space<vmem>>, vector<1000x128xf32>,
    return
  }
  func.func @transform_0(%arg0: i32) -> (i32, i32) {
    %c0_i32 = arith.constant 0 : i32
    %c0_i32_0 = arith.constant 0 : i32
    return %arg0, %c0_i32 : i32, i32
  }
  func.func @transform_1(%arg0: i32) -> (i32, i32, i32) {
    %c0_i32 = arith.constant 0 : i32
    %c0_i32_0 = arith.constant 0 : i32
    %c0_i32_1 = arith.constant 0 : i32
    return %c0_i32, %arg0, %c0_i32_0 : i32, i32, i32
  }
  func.func @transform_2(%arg0: i32) -> (i32, i32) {
    %c0_i32 = arith.constant 0 : i32
    %c0_i32_0 = arith.constant 0 : i32
    %c0_i32_1 = arith.constant 0 : i32
    return %c0_i32, %c0_i32_0 : i32, i32
  }
  func.func @transform_3(%arg0: i32) -> (i32, i32) {
    %c0_i32 = arith.constant 0 : i32
    %c0_i32_0 = arith.constant 0 : i32
    %c0_i32_1 = arith.constant 0 : i32
    return %c0_i32, %c0_i32_0 : i32, i32
  }
  func.func @transform_4(%arg0: i32) -> (i32, i32) {
    %c0_i32 = arith.constant 0 : i32
    %c0_i32_0 = arith.constant 0 : i32
    %c0_i32_1 = arith.constant 0 : i32
    return %c0_i32, %c0_i32_0 : i32, i32
  }
  func.func @transform_5(%arg0: i32) -> (i32, i32) {
    %c0_i32 = arith.constant 0 : i32
    %c0_i32_0 = arith.constant 0 : i32
    %c0_i32_1 = arith.constant 0 : i32
    return %c0_i32, %c0_i32_0 : i32, i32
  }
  func.func @transform_6(%arg0: i32) -> (i32, i32) {
    %c0_i32 = arith.constant 0 : i32
    %c0_i32_0 = arith.constant 0 : i32
    return %arg0, %c0_i32 : i32, i32
  }
}

</mosaic_0001>

<sc_bundles>
// kernel: kernel.25.cloned.1.call-start
scs
__scs_entry_jumppad:
0x0: {  	(pc) =	sbr.rel $0x88, $3  }
0x1: {  	(tag) =	ssettag $0x0;
	lr =	simm.s32 $0x1  }
0x2: {  	[smem:$0x3F73] =	sst lr;
	_ =	strace $0xD0000000  }
0x3: {  	_ = 	snop  }
0x4: {  	_ = 	snop  }
0x5: {  	_ = 	snop  }
0x6: {  	_ = 	snop  }
0x7: {  	_ = 	snop  }
__scs_overlays_trampoline_lowered:
0x8: {  	[smem:$0x3F82] =	sst s0  }
0x9: {  	[smem:$0x3F83] =	sst s1  }
0xa: {  	[smem:$0x3F84] =	sst s2  }
0xb: {  	[smem:$0x3F85] =	sst s3  }
0xc: {  	[smem:$0x3F86] =	sst s4  }
0xd: {  	[smem:$0x3F87] =	sst s5  }
0xe: {  	[smem:$0x3F88] =	sst s6  }
0xf: {  	[smem:$0x3F89] =	sst s7  }
0x10: {  	[smem:$0x3F8A] =	sst s8  }
0x11: {  	[smem:$0x3F8B] =	sst s9;
	s0 =	simm.s32 @!p0 $0x0  }
0x12: {  	s1 =	sld [smem:$0x3F71];
	s0 =	simm.s32 @p0 $0x1  }
0x13: {  	[smem:$0x3F8C] =	sst s0;
	s0 =	simm.s32 @!p1 $0x0  }
0x14: {  	s2 =	sld [smem:$0x3F70];
	s0 =	simm.s32 @p1 $0x1  }
0x15: {  	[smem:$0x3F8D] =	sst s0;
	s0 =	simm.s32 @!p2 $0x0  }
0x16: {  	s3 =	sld [smem:$0x3FDB];
	s0 =	simm.s32 @p2 $0x1  }
0x17: {  	s4 =	simm.s32 $0x1BF5;
	[smem:$0x3F8F] =	sst s0  }
0x18: {  	s0 =	sld [smem:$0x3F72];
	_ =	swait.ge [sflag:s4], $0x0  }
0x19: {  	s7 =	sld [smem:$0x3F73]  }
0x1a: {  	s8 =	sadd.s32 $0xFFFFE003, lr  }
0x1b: {  	s9 =	sadd.s32 $0xFFFFFEF7, lr;
	s5 =	simm.s32 $0xFFFFFFFF;
	p2 =	slt.u32 s8, $0xFFFFF086  }
0x1c: {  	p1 =	slt.u32 s9, $0xF7A;
	s5 =	simm.s32 @!p2 $0x0  }
0x1d: {  	s5 =	simm.s32 @p1 $0x1;
	p0 =	seq.s32 s7, s2  }
0x1e: {  	s7 =	smul.u32 @!p0 $0xF7A, s2;
	p2 =	seq.s32 @!p0 s5, $0x0  }
0x1f: {  	s9 =	smul.u32 $0xF7A, s1;
	s8 =	simm.s32 @!p0 $0x1BF5;
	p2 =	por !p2, p0  }
0x20: {  	[sflag:s8] =	ssyncset.s32 @!p0 $0xFFFFF086;
	s6 =	sadd.s32 @!p0 s3, s7;
	s7 =	simm.s32 @!p0 $0x108  }
0x21: {  	s3 =	sadd.s32 s3, s9;
	s6 =	sadd.s32 @!p0 $0x88, s6;
	s7 =	simm.s32 @p2 $0x1082  }
0x22: {  	[simem:s7], [sflag:s8] =	dma.local @!p0 [hbm:s6], $0xF7A  }
0x23: {  	s9 =	sor.u32 $0xD0000000, s2;
	s6 =	simm.s32 $0x108;
	_ =	swait.ge @!p0 [sflag:s8], $0x0  }
0x24: {  	s3 =	sadd.s32 $0x88, s3;
	s6 =	simm.s32 @!p1 $0x1082;
	[sflag:s4] =	ssyncset.s32 $0xFFFFF086  }
0x25: {  	[simem:s6], [sflag:s4] =	dma.local [hbm:s3], $0xF7A  }
0x26: {  	[smem:$0x3F73] =	sst s1;
	(tag) =	ssettag s2;
	_ =	strace s9  }
0x27: {  	s1 =	sld [smem:$0x3F83]  }
0x28: {  	s2 =	sld [smem:$0x3F84]  }
0x29: {  	s4 =	sld [smem:$0x3F86]  }
0x2a: {  	p0 =	seq.s32 s5, $0x0;
	s5 =	sld [smem:$0x3F87]  }
0x2b: {  	s6 =	sld [smem:$0x3F88]  }
0x2c: {  	s7 =	sld [smem:$0x3F89]  }
0x2d: {  	s3 =	simm.s32 $0x108;
	s8 =	sld [smem:$0x3F8A]  }
0x2e: {  	s3 =	simm.s32 @!p0 $0x1082;
	s9 =	sld [smem:$0x3F8B]  }
0x2f: {  	lr =	sadd.s32 s0, s3;
	s0 =	sld [smem:$0x3F82]  }
0x30: {  	s3 =	sld [smem:$0x3F85]  }
0x31: {  	[smem:$0x3F8E] =	sst s10  }
0x32: {  	s10 =	sld [smem:$0x3F8C];
	_ =	sdelay $0x3  }
0x33: {  	p0 =	seq.s32 s10, $0x1;
	s10 =	sld [smem:$0x3F8E];
	_ =	sdelay $0x3  }
0x34: {  	[smem:$0x3F8E] =	sst s10  }
0x35: {  	s10 =	sld [smem:$0x3F8D];
	_ =	sdelay $0x3  }
0x36: {  	p1 =	seq.s32 s10, $0x1;
	s10 =	sld [smem:$0x3F8E];
	_ =	sdelay $0x3  }
0x37: {  	[smem:$0x3F8E] =	sst s10  }
0x38: {  	s10 =	sld [smem:$0x3F8F]  }
0x39: {  	_ = 	snop;
	(pc) =	sbr.ind lr, $3  }
0x3a: {  	_ = 	snop  }
0x3b: {  	_ = 	snop  }
0x3c: {  	p2 =	seq.s32 s10, $0x1;
	s10 =	sld [smem:$0x3F8E]  }
0x3d: {  	_ =	shalt  }
0x3e: {  	_ =	shalt  }
0x3f: {  	_ =	shalt  }
0x40: {  	_ =	shalt  }
0x41: {  	_ =	shalt  }
0x42: {  	_ =	shalt  }
0x43: {  	_ =	shalt  }
0x44: {  	_ =	shalt  }
0x45: {  	_ =	shalt  }
0x46: {  	_ =	shalt  }
0x47: {  	_ =	shalt  }
0x48: {  	_ =	shalt  }
0x49: {  	_ =	shalt  }
0x4a: {  	_ =	shalt  }
0x4b: {  	_ =	shalt  }
0x4c: {  	_ =	shalt  }
0x4d: {  	_ =	shalt  }
0x4e: {  	_ =	shalt  }
0x4f: {  	_ =	shalt  }
0x50: {  	_ =	shalt  }
0x51: {  	_ =	shalt  }
0x52: {  	_ =	shalt  }
0x53: {  	_ =	shalt  }
0x54: {  	_ =	shalt  }
0x55: {  	_ =	shalt  }
0x56: {  	_ =	shalt  }
0x57: {  	_ =	shalt  }
0x58: {  	_ =	shalt  }
0x59: {  	_ =	shalt  }
0x5a: {  	_ =	shalt  }
0x5b: {  	_ =	shalt  }
0x5c: {  	_ =	shalt  }
0x5d: {  	_ =	shalt  }
0x5e: {  	_ =	shalt  }
0x5f: {  	_ =	shalt  }
0x60: {  	_ =	shalt  }
0x61: {  	_ =	shalt  }
0x62: {  	_ =	shalt  }
0x63: {  	_ =	shalt  }
0x64: {  	_ =	shalt  }
0x65: {  	_ =	shalt  }
0x66: {  	_ =	shalt  }
0x67: {  	_ =	shalt  }
0x68: {  	_ =	shalt  }
0x69: {  	_ =	shalt  }
0x6a: {  	_ =	shalt  }
0x6b: {  	_ =	shalt  }
0x6c: {  	_ =	shalt  }
0x6d: {  	_ =	shalt  }
0x6e: {  	_ =	shalt  }
0x6f: {  	_ =	shalt  }
0x70: {  	_ =	shalt  }
0x71: {  	_ =	shalt  }
0x72: {  	_ =	shalt  }
0x73: {  	_ =	shalt  }
0x74: {  	_ =	shalt  }
0x75: {  	_ =	shalt  }
0x76: {  	_ =	shalt  }
0x77: {  	_ =	shalt  }
0x78: {  	_ =	shalt  }
0x79: {  	_ =	shalt  }
0x7a: {  	_ =	shalt  }
0x7b: {  	_ =	shalt  }
0x7c: {  	_ =	shalt  }
0x7d: {  	_ =	shalt  }
0x7e: {  	_ =	shalt  }
0x7f: {  	_ =	shalt  }
0x80: {  	_ =	shalt  }
0x81: {  	_ =	shalt  }
0x82: {  	_ =	shalt  }
0x83: {  	_ =	shalt  }
0x84: {  	_ =	shalt  }
0x85: {  	_ =	shalt  }
0x86: {  	_ =	shalt  }
0x87: {  	_ =	shalt  }
.Lfunc_end0:
.L_simem_size_0:
called_computation_lowered:
.L_overlay_start_0:
0x88: {  	s2 =	sld [smem:$0x3FD9]  }
0x89: {  	s3 =	sld [smem:$0x3FFE];
	_ =	sdelay $0x1  }
0x8a: {  	s1 =	srdreg.scid  }
0x8b: {  	s0 =	sand.u32 $0x1, s1  }
0x8c: {  	s16 =	sshll.u32 s0, $0xA;
	s2 =	sadd.s32 s3, s2  }
0x8d: {  	s2 =	sadd.s32 s2, s16  }
0x8e: {  	[smem:$0x3F9A] =	sst s2  }
0x8f: {  	_ = 	snop  }
0x90: {  	(tm) =	ssettm $0x1  }
0x91: {  	s17 =	sld [smem:$0x3FFB];
	_ =	sdelay $0x3  }
0x92: {  	_ =	strace s17  }
0x93: {  	s2 =	sld [smem:$0x3FFC];
	_ =	sdelay $0x3  }
0x94: {  	_ =	strace s2  }
0x95: {  	s2 =	sld [smem:$0x3FFD];
	_ =	sdelay $0x3  }
0x96: {  	_ =	strace s2  }
0x97: {  	_ =	strace $0x8FFFFFFF  }
0x98: {  	s18 =	sld [smem:$0x3FDB];
	_ =	sdelay $0x1  }
0x99: {  	s19 =	simm.s32 $_scs_section_size  }
0x9a: {  	s4 =	simm.s32 $_size__tile_overlayer_lowered;
	s5 =	simm.s32 $_tile_overlayer_lowered  }
0x9b: {  	s22 =	simm.s32 $0x1BFF;
	s21 =	sshll.u32 s5, $0x1;
	s2 =	sadd.s32 s19, s18  }
0x9c: {  	s6 =	simm.s32 $0x0;
	s20 =	sshll.u32 s4, $0x1;
	s4 =	sadd.s32 s21, s2  }
0x9d: {  	[timem:s6], [sflag:s22] =	dma.local [hbm:s4], s20  }
0x9e: {  	_ =	swait.ge [sflag:s22], s20  }
0x9f: {  	s3 =	ssub.s32 $0x0, s20;
	[sflag:s22] =	ssyncset.done $0x0  }
0xa0: {  	[sflag:s22] =	ssyncadd.s32 s3;
	_ =	sdelay $0x1  }
0xa1: {  	s23 =	simm.s32 $0x1B8B  }
0xa2: {  	_ =	swait.ge [sflag:s23], $0x1  }
0xa3: {  	[sflag:s23] =	ssyncset.done $0x0  }
0xa4: {  	s25 =	simm.s32 $0x1B8E;
	s24 =	sld [smem:$0x3FFE];
	[sflag:s23] =	ssyncadd.s32 $0xFFFFFFFF  }
0xa5: {  	s26 =	simm.s32 $execute0_lowered;
	[smem:$0x3FD2] =	sst s25  }
0xa6: {  	s4 =	sshll.u32 s26, $0x1;
	_ =	strace $0x80000046;
	[dreg:$0x1] =	wrdreg $0xFFFFFFFF  }
0xa7: {  	s28 =	simm.s32 $_size_execute0_lowered;
	s2 =	sadd.s32 s2, s4;
	[dreg:$0x0] =	wrdreg $0x0  }
0xa8: {  	s4 =	sshll.u32 s28, $0x1;
	[dreg:$0x2] =	wrdreg s2  }
0xa9: {  	[dreg:$0x3] =	wrdreg s4  }
0xaa: {  	[dreg:$0x4] =	wrdreg $0xC0  }
0xab: {  	_ =	task [dreg:s6], $0x5FFFF  }
0xac: {  	[dreg:$0x1] =	wrdreg $0xFFFFFFFF  }
0xad: {  	[dreg:$0x0] =	wrdreg $0x60  }
0xae: {  	[dreg:$0x2] =	wrdreg s24  }
0xaf: {  	[dreg:$0x3] =	wrdreg $0x9  }
0xb0: {  	_ =	task.clear_ibuf [dreg:s6], $0x4FFFF;
	_ =	strace $0x90000046  }
0xb1: {  	s29 =	simm.s32 $0x9;
	_ =	strace $0x80000048  }
0xb2: {  	_ =	swait.ge [sflag:s29], $0x1  }
0xb3: {  	[sflag:s29] =	ssyncadd.s32 $0xFFFFFFFF  }
0xb4: {  	_ =	strace $0x90000048  }
0xb5: {  	_ =	sfence  }
0xb6: {  	s30 =	sld [smem:$0x0];
	_ =	sdelay $0x2  }
0xb7: {  	s31 =	sshll.u32 s1, $0xD;
	s1 =	sshrl.u32 s1, $0x2  }
0xb8: {  	s3 =	sand.u32 $0x4000, s31;
	s1 =	sadd.s32 s1, s30  }
0xb9: {  	s0 =	sor.u32 s3, s0;
	s1 =	sshll.u32 s1, $0x11  }
0xba: {  	s0 =	sor.u32 s1, s0  }
0xbb: {  	s0 =	sadd.s32 $0x8F2B, s0  }
0xbc: {  	[sflag:s0] =	ssyncadd.remote.s32 $0x1  }
0xbd: {  	_ =	sfence.sel $0xFFFF  }
0xbe: {  	[dreg:$0x0] =	wrdreg $0xFFFFFFFF;
	(pc) =	sbr.abs _section_cstart, $3  }
0xbf: {  	[dreg:$0x1] =	wrdreg $0xFFFFFFFF  }
0xc0: {  	_ =	task.clear_ibuf [dreg:s6], $0x2FFFF;
	_ =	strace $0x9FFFFFFF  }
0xc1: {  	(tm) =	ssettm $0x7FFFFFFF  }
tec
execute0_lowered:
.L_overlay_start_1:
0x0: {  	(tag) =	ssettag $0x1  }
0x1: {  	s0 =	srdreg.scid  }
0x2: {  	s16 =	stileid.u32;
	s1 =	rddreg [dreg:$0x0];
	s2 =	simm.s32 $0x0  }
0x3: {  	s29 =	simm.s32 $0x11000;
	s30 =	simm.s32 $0x2;
	s14 =	smul.u32 $0x280000, s16  }
0x4: {  	s31 =	simm.s32 $0x3;
	s0 =	sand.u32 $0x1, s0;
	s18 =	smul.u32 $0x50000, s16  }
0x5: {  	s28 =	simm.s32 $0x4;
	s3 =	sshll.u32 s16, $0x1;
	s15 =	smul.u32 $0x140000, s0  }
0x6: {  	s5 =	sor.u32 s0, s3;
	s7 =	ssub.s32 $0x2, s0;
	s0 =	smul.u32 $0x28000, s0  }
0x7: {  	[smem:$0x7FF] =	sst s2;
	s4 =	sadd.s32 $0x5D800, s1;
	s6 =	smul.u32 $0x2800, s5  }
0x8: {  	s17 =	sadd.s32 $0xABC00, s1;
	_ =	strace $0x80000047;
	s9 =	smul.u32 $0x28000, s5  }
0x9: {  	s3 =	sadd.s32 $0x36600, s1;
	s8 =	sshrl.u32 s7, $0x1;
	s5 =	smul.u32 $0x140000, s5  }
0xa: {  	s26 =	sadd.s32 s18, s17;
	s7 =	ssub.s32 s7, s8;
	s24 =	sadd.s32 s15, s14  }
0xb: {  	s6 =	sshrl.u32 s6, $0x3;
	s20 =	sadd.s32 s17, s9;
	s22 =	sor.u32 $0x800, s9  }
0xc: {  	s5 =	sshrl.u32 s5, $0x3;
	s25 =	sor.u32 $0x8000, s24;
	s15 =	smax.u32 s7, $0x1  }
0xd: {  	s24 =	simm.s32 $0x9000;
	s6 =	sadd.s32 s6, s1;
	s1 =	sadd.s32 $0x5ABC00, s1  }
0xe: {  	[dreg:$0x4] =	wrdreg s20;
	s23 =	sadd.s32 $0x27000, s5;
	s5 =	sadd.s32 $0x27800, s5  }
0xf: {  	s20 =	simm.s32 $0x5;
	s19 =	sadd.s32 $0x18600, s6;
	s6 =	sadd.s32 $0x2C600, s6  }
0x10: {  	s21 =	sadd.s32 s1, s9;
	s9 =	sadd.s32 s17, s22;
	s10 =	sadd.s32 s1, s22  }
0x11: {  	s11 =	sadd.s32 s17, s23;
	s12 =	sadd.s32 s1, s23;
	s13 =	sadd.s32 s17, s5  }
0x12: {  	s14 =	sadd.s32 s1, s5;
	s5 =	sshrl.u32 s25, $0x3;
	[dreg:$0x2] =	wrdreg s19  }
0x13: {  	s22 =	simm.s32 $0x80;
	s23 =	simm.s32 $0x5000;
	[dreg:$0x3] =	wrdreg s6  }
0x14: {  	s25 =	simm.s32 $0x1;
	[dreg:$0x5] =	wrdreg s21;
	s16 =	sadd.s32 s5, s1  }
0x15: {  	s6 =	sadd.s32 s0, s26;
	s1 =	sadd.s32 s18, s1;
	s17 =	sadd.s32 s5, s17  }
0x16: {  	s21 =	simm.s32 $0x2800;
	s26 =	simm.s32 $0xD000;
	s0 =	sadd.s32 s0, s1  }
0x17: {  	s18 =	sadd.s32 $0x1800, s6;
	s1 =	simm.s32 $0x0;
	s19 =	sadd.s32 $0x1800, s0  }
.LBB2_1:
0x18: {  	s0 =	rddreg [dreg:$0x2]  }
0x19: {  	[tilespmem:s2], [sflag:$0x5] =	stream.linear.gather [hbm4b:s0+s2], $0x2800, $0x38;
	[tilespmem:$0x15000] =	vst v63  }
0x1a: {  	_ =	swait.ge [sflag:s20], $0x2800  }
0x1b: {  	[sflag:s20] =	ssyncset.done $0x0  }
0x1c: {  	s8 =	rddreg [dreg:$0x3];
	[sflag:s20] =	ssyncadd.s32 $0xFFFFD800  }
0x1d: {  	[tilespmem:s21], [sflag:$0x5] =	stream.linear.gather [hbm4b:s8+s2], $0x2800, $0x38;
	[tilespmem:$0x15000] =	vst v63  }
0x1e: {  	_ =	swait.ge [sflag:s20], $0x2800  }
0x1f: {  	[sflag:s20] =	ssyncset.done $0x0  }
0x20: {  	[sflag:s20] =	ssyncadd.s32 $0xFFFFD800  }
0x21: {  	[tilespmem:s23], [sflag:$0x1] =	stream.indirect.gather [hbm4b:s3+s22], $0x80, s2, s22, $0xb8;
	[tilespmem:$0x15000] =	vst v63  }
0x22: {  	_ = 	snop  }
0x23: {  	[tilespmem:s24], [sflag:$0x1] =	stream.indirect.gather [hbm4b:s4+s22], $0x80, s21, s22, $0xb8;
	[tilespmem:$0x15000] =	vst v63  }
0x24: {  	_ =	swait.ge [sflag:s25], $0x4000  }
0x25: {  	[sflag:s25] =	ssyncset.done $0x0  }
0x26: {  	[sflag:s25] =	ssyncadd.s32 $0xFFFFC000  }
0x27: {  	_ =	swait.ge [sflag:s25], $0x4000  }
0x28: {  	[sflag:s25] =	ssyncset.done $0x0  }
0x29: {  	s5 =	rddreg [dreg:$0x4];
	[sflag:s25] =	ssyncadd.s32 $0xFFFFC000  }
0x2a: {  	[hbm4b:s5+s2] =	stream.linear.scatter [tilespmem:s23], [sflag:$0x3], $0x4000, $0x38;
	[tilespmem:$0x15000] =	vst v63  }
0x2b: {  	s6 =	rddreg [dreg:$0x5]  }
0x2c: {  	[hbm4b:s6+s2] =	stream.linear.scatter [tilespmem:s24], [sflag:$0x3], $0x4000, $0x38;
	[tilespmem:$0x15000] =	vst v63  }
0x2d: {  	_ = 	snop  }
0x2e: {  	[tilespmem:s26], [sflag:$0x2] =	stream.indirect.gather [hbm4b:s3+s22], $0x80, s22, s22, $0xb8;
	[tilespmem:$0x15000] =	vst v63  }
0x2f: {  	s7 =	simm.s32 $0x2880  }
0x30: {  	[tilespmem:s29], [sflag:$0x2] =	stream.indirect.gather [hbm4b:s4+s22], $0x80, s7, s22, $0xb8;
	[tilespmem:$0x15000] =	vst v63  }
0x31: {  	_ =	swait.ge [sflag:s30], $0x4000  }
0x32: {  	[sflag:s30] =	ssyncset.done $0x0  }
0x33: {  	[sflag:s30] =	ssyncadd.s32 $0xFFFFC000  }
0x34: {  	_ =	swait.ge [sflag:s30], $0x4000  }
0x35: {  	[sflag:s30] =	ssyncset.done $0x0  }
0x36: {  	[sflag:s30] =	ssyncadd.s32 $0xFFFFC000  }
0x37: {  	[hbm4b:s9+s2] =	stream.linear.scatter [tilespmem:s26], [sflag:$0x4], $0x4000, $0x38;
	[tilespmem:$0x15000] =	vst v63  }
0x38: {  	_ = 	snop  }
0x39: {  	[hbm4b:s10+s2] =	stream.linear.scatter [tilespmem:s29], [sflag:$0x4], $0x4000, $0x38;
	[tilespmem:$0x15000] =	vst v63  }
0x3a: {  	_ =	swait.ge [sflag:s31], $0x4000  }
0x3b: {  	[sflag:s31] =	ssyncset.done $0x0  }
0x3c: {  	[sflag:s31] =	ssyncadd.s32 $0xFFFFC000  }
0x3d: {  	_ =	swait.ge [sflag:s31], $0x4000  }
0x3e: {  	[sflag:s31] =	ssyncset.done $0x0  }
0x3f: {  	s8 =	simm.s32 $0x100;
	[sflag:s31] =	ssyncadd.s32 $0xFFFFC000  }
0x40: {  	[tilespmem:s23], [sflag:$0x1] =	stream.indirect.gather [hbm4b:s3+s22], $0x80, s8, s22, $0xb8;
	[tilespmem:$0x15000] =	vst v63  }
0x41: {  	s5 =	simm.s32 $0x2900  }
0x42: {  	[tilespmem:s24], [sflag:$0x1] =	stream.indirect.gather [hbm4b:s4+s22], $0x80, s5, s22, $0xb8;
	[tilespmem:$0x15000] =	vst v63  }
0x43: {  	_ =	swait.ge [sflag:s25], $0x4000  }
0x44: {  	[sflag:s25] =	ssyncset.done $0x0  }
0x45: {  	[sflag:s25] =	ssyncadd.s32 $0xFFFFC000  }
0x46: {  	_ =	swait.ge [sflag:s25], $0x4000  }
0x47: {  	[sflag:s25] =	ssyncset.done $0x0  }
0x48: {  	s6 =	sadd.s32 $0x0, s17;
	[sflag:s25] =	ssyncadd.s32 $0xFFFFC000  }
0x49: {  	[hbm4b:s6+s2] =	stream.linear.scatter [tilespmem:s23], [sflag:$0x3], $0x4000, $0x38;
	[tilespmem:$0x15000] =	vst v63  }
0x4a: {  	s7 =	sadd.s32 $0x0, s16  }
0x4b: {  	[hbm4b:s7+s2] =	stream.linear.scatter [tilespmem:s24], [sflag:$0x3], $0x4000, $0x38;
	[tilespmem:$0x15000] =	vst v63  }
0x4c: {  	_ =	swait.ge [sflag:s28], $0x4000  }
0x4d: {  	[sflag:s28] =	ssyncset.done $0x0  }
0x4e: {  	[sflag:s28] =	ssyncadd.s32 $0xFFFFC000  }
0x4f: {  	_ =	swait.ge [sflag:s28], $0x4000  }
0x50: {  	[sflag:s28] =	ssyncset.done $0x0  }
0x51: {  	s8 =	simm.s32 $0x180;
	[sflag:s28] =	ssyncadd.s32 $0xFFFFC000  }
0x52: {  	[tilespmem:s26], [sflag:$0x2] =	stream.indirect.gather [hbm4b:s3+s22], $0x80, s8, s22, $0xb8;
	[tilespmem:$0x15000] =	vst v63  }
0x53: {  	s5 =	simm.s32 $0x2980  }
0x54: {  	[tilespmem:s29], [sflag:$0x2] =	stream.indirect.gather [hbm4b:s4+s22], $0x80, s5, s22, $0xb8;
	[tilespmem:$0x15000] =	vst v63  }
0x55: {  	_ =	swait.ge [sflag:s30], $0x4000  }
0x56: {  	[sflag:s30] =	ssyncset.done $0x0  }
0x57: {  	[sflag:s30] =	ssyncadd.s32 $0xFFFFC000  }
0x58: {  	_ =	swait.ge [sflag:s30], $0x4000  }
0x59: {  	[sflag:s30] =	ssyncset.done $0x0  }
0x5a: {  	s6 =	sadd.s32 $0x0, s18;
	[sflag:s30] =	ssyncadd.s32 $0xFFFFC000  }
0x5b: {  	[hbm4b:s6+s2] =	stream.linear.scatter [tilespmem:s26], [sflag:$0x4], $0x4000, $0x38;
	[tilespmem:$0x15000] =	vst v63  }
0x5c: {  	s7 =	sadd.s32 $0x0, s19  }
0x5d: {  	[hbm4b:s7+s2] =	stream.linear.scatter [tilespmem:s29], [sflag:$0x4], $0x4000, $0x38;
	[tilespmem:$0x15000] =	vst v63  }
0x5e: {  	_ =	swait.ge [sflag:s31], $0x4000  }
0x5f: {  	[sflag:s31] =	ssyncset.done $0x0  }
0x60: {  	[sflag:s31] =	ssyncadd.s32 $0xFFFFC000  }
0x61: {  	s0 =	simm.s32 $0x1000;
	_ =	swait.ge [sflag:s31], $0x4000  }
0x62: {  	s8 =	simm.s32 $0x200;
	s5 =	simm.s32 $0x280;
	[sflag:s31] =	ssyncset.done $0x0  }
0x63: {  	s6 =	simm.s32 $0x2A80;
	s7 =	simm.s32 $0x2A00;
	[sflag:s31] =	ssyncadd.s32 $0xFFFFC000  }
0x64: {  	[tilespmem:s23], [sflag:$0x1] =	stream.indirect.gather [hbm4b:s3+s22], $0x80, s8, s22, $0xb8;
	[tilespmem:$0x15000] =	vst v63  }
.LBB2_2:
0x65: {  	[tilespmem:s24], [sflag:$0x1] =	stream.indirect.gather [hbm4b:s4+s22], $0x80, s7, s22, $0xb8;
	[tilespmem:$0x15000] =	vst v63  }
0x66: {  	s7 =	smov.u32 s0  }
0x67: {  	p0 =	sne.s32 s0, $0x25000;
	s0 =	sadd.s32 $0x1000, s0;
	_ =	swait.ge [sflag:s25], $0x4000  }
0x68: {  	[sflag:s25] =	ssyncset.done $0x0  }
0x69: {  	[sflag:s25] =	ssyncadd.s32 $0xFFFFC000  }
0x6a: {  	_ =	swait.ge [sflag:s25], $0x4000  }
0x6b: {  	[sflag:s25] =	ssyncset.done $0x0  }
0x6c: {  	s8 =	sadd.s32 s7, s17;
	[sflag:s25] =	ssyncadd.s32 $0xFFFFC000  }
0x6d: {  	[hbm4b:s8+s2] =	stream.linear.scatter [tilespmem:s23], [sflag:$0x3], $0x4000, $0x38;
	[tilespmem:$0x15000] =	vst v63  }
0x6e: {  	s8 =	sadd.s32 s7, s16  }
0x6f: {  	[hbm4b:s8+s2] =	stream.linear.scatter [tilespmem:s24], [sflag:$0x3], $0x4000, $0x38;
	[tilespmem:$0x15000] =	vst v63  }
0x70: {  	_ =	swait.ge [sflag:s28], $0x4000  }
0x71: {  	[sflag:s28] =	ssyncset.done $0x0  }
0x72: {  	[sflag:s28] =	ssyncadd.s32 $0xFFFFC000  }
0x73: {  	_ =	swait.ge [sflag:s28], $0x4000  }
0x74: {  	[sflag:s28] =	ssyncset.done $0x0  }
0x75: {  	[sflag:s28] =	ssyncadd.s32 $0xFFFFC000  }
0x76: {  	[tilespmem:s26], [sflag:$0x2] =	stream.indirect.gather [hbm4b:s3+s22], $0x80, s5, s22, $0xb8;
	[tilespmem:$0x15000] =	vst v63  }
0x77: {  	_ = 	snop  }
0x78: {  	[tilespmem:s29], [sflag:$0x2] =	stream.indirect.gather [hbm4b:s4+s22], $0x80, s6, s22, $0xb8;
	[tilespmem:$0x15000] =	vst v63  }
0x79: {  	_ =	swait.ge [sflag:s30], $0x4000  }
0x7a: {  	[sflag:s30] =	ssyncset.done $0x0  }
0x7b: {  	[sflag:s30] =	ssyncadd.s32 $0xFFFFC000  }
0x7c: {  	_ =	swait.ge [sflag:s30], $0x4000  }
0x7d: {  	[sflag:s30] =	ssyncset.done $0x0  }
0x7e: {  	s8 =	sadd.s32 s7, s18;
	[sflag:s30] =	ssyncadd.s32 $0xFFFFC000  }
0x7f: {  	[hbm4b:s8+s2] =	stream.linear.scatter [tilespmem:s26], [sflag:$0x4], $0x4000, $0x38;
	[tilespmem:$0x15000] =	vst v63  }
0x80: {  	s7 =	sadd.s32 s7, s19  }
0x81: {  	[hbm4b:s7+s2] =	stream.linear.scatter [tilespmem:s29], [sflag:$0x4], $0x4000, $0x38;
	[tilespmem:$0x15000] =	vst v63  }
0x82: {  	_ =	swait.ge [sflag:s31], $0x4000  }
0x83: {  	[sflag:s31] =	ssyncset.done $0x0  }
0x84: {  	[sflag:s31] =	ssyncadd.s32 $0xFFFFC000  }
.Ltmp0:
0x85: {  	_ =	swait.ge [sflag:s31], $0x4000;
	(pc) =	sbr.rel @p0 .LBB2_2-.Ltmp0, $4  }
0x86: {  	[sflag:s31] =	ssyncset.done $0x0  }
0x87: {  	s7 =	sadd.s32 $0x80, s5;
	[sflag:s31] =	ssyncadd.s32 $0xFFFFC000  }
0x88: {  	[tilespmem:s23], [sflag:$0x1] =	stream.indirect.gather [hbm4b:s3+s22], $0x80, s7, s22, $0xb8;
	[tilespmem:$0x15000] =	vst v63  }
0x89: {  	s5 =	sadd.s32 $0x100, s5;
	s7 =	sadd.s32 $0x80, s6;
	s6 =	sadd.s32 $0x100, s6  }
0x8a: {  	[tilespmem:s24], [sflag:$0x1] =	stream.indirect.gather [hbm4b:s4+s22], $0x80, s7, s22, $0xb8;
	[tilespmem:$0x15000] =	vst v63  }
0x8b: {  	_ =	swait.ge [sflag:s25], $0x4000  }
0x8c: {  	[sflag:s25] =	ssyncset.done $0x0  }
0x8d: {  	[sflag:s25] =	ssyncadd.s32 $0xFFFFC000  }
0x8e: {  	_ =	swait.ge [sflag:s25], $0x4000  }
0x8f: {  	[sflag:s25] =	ssyncset.done $0x0  }
0x90: {  	[sflag:s25] =	ssyncadd.s32 $0xFFFFC000  }
0x91: {  	[hbm4b:s11+s2] =	stream.linear.scatter [tilespmem:s23], [sflag:$0x3], $0x4000, $0x38;
	[tilespmem:$0x15000] =	vst v63  }
0x92: {  	_ = 	snop  }
0x93: {  	[hbm4b:s12+s2] =	stream.linear.scatter [tilespmem:s24], [sflag:$0x3], $0x4000, $0x38;
	[tilespmem:$0x15000] =	vst v63  }
0x94: {  	_ =	swait.ge [sflag:s28], $0x4000  }
0x95: {  	[sflag:s28] =	ssyncset.done $0x0  }
0x96: {  	[sflag:s28] =	ssyncadd.s32 $0xFFFFC000  }
0x97: {  	_ =	swait.ge [sflag:s28], $0x4000  }
0x98: {  	[sflag:s28] =	ssyncset.done $0x0  }
0x99: {  	s0 =	simm.s32 $0x2780;
	[sflag:s28] =	ssyncadd.s32 $0xFFFFC000  }
0x9a: {  	[tilespmem:s26], [sflag:$0x2] =	stream.indirect.gather [hbm4b:s3+s22], $0x80, s0, s22, $0xb8;
	[tilespmem:$0x15000] =	vst v63  }
0x9b: {  	s8 =	simm.s32 $0x4F80  }
0x9c: {  	[tilespmem:s29], [sflag:$0x2] =	stream.indirect.gather [hbm4b:s4+s22], $0x80, s8, s22, $0xb8;
	[tilespmem:$0x15000] =	vst v63  }
0x9d: {  	_ =	swait.ge [sflag:s30], $0x4000  }
0x9e: {  	[sflag:s30] =	ssyncset.done $0x0  }
0x9f: {  	[sflag:s30] =	ssyncadd.s32 $0xFFFFC000  }
0xa0: {  	_ =	swait.ge [sflag:s30], $0x4000  }
0xa1: {  	[sflag:s30] =	ssyncset.done $0x0  }
0xa2: {  	[sflag:s30] =	ssyncadd.s32 $0xFFFFC000  }
0xa3: {  	[hbm4b:s13+s2] =	stream.linear.scatter [tilespmem:s26], [sflag:$0x4], $0x4000, $0x38;
	[tilespmem:$0x15000] =	vst v63  }
0xa4: {  	_ = 	snop  }
0xa5: {  	[hbm4b:s14+s2] =	stream.linear.scatter [tilespmem:s29], [sflag:$0x4], $0x4000, $0x38;
	[tilespmem:$0x15000] =	vst v63  }
0xa6: {  	_ =	swait.ge [sflag:s31], $0x4000  }
0xa7: {  	[sflag:s31] =	ssyncset.done $0x0  }
0xa8: {  	[sflag:s31] =	ssyncadd.s32 $0xFFFFC000  }
0xa9: {  	_ =	swait.ge [sflag:s31], $0x4000  }
0xaa: {  	[sflag:s31] =	ssyncset.done $0x0  }
0xab: {  	s1 =	sadd.s32 $0x1, s1;
	[sflag:s31] =	ssyncadd.s32 $0xFFFFC000  }
0xac: {  	p0 =	sne.s32 s1, s15;
	_ =	swait.ge [sflag:s28], $0x4000  }
.Ltmp1:
0xad: {  	[sflag:s28] =	ssyncset.done $0x0;
	(pc) =	sbr.rel @p0 .LBB2_1-.Ltmp1, $4  }
0xae: {  	[sflag:s28] =	ssyncadd.s32 $0xFFFFC000  }
0xaf: {  	_ =	swait.ge [sflag:s28], $0x4000  }
0xb0: {  	[sflag:s28] =	ssyncset.done $0x0  }
0xb1: {  	[sflag:s28] =	ssyncadd.s32 $0xFFFFC000  }
0xb2: {  	_ =	sfence.sel $0x180000  }
0xb3: {  	[bflag:$0x0] =	sbarrier.arrive $0xFFFF  }
0xb4: {  	_ =	strace $0x90000047  }
0xb5: {  	s0 =	stileid.u32;
	[bflag:$0x2] =	sbarrier.arrive $0xFFFF  }
0xb6: {  	p0 =	sne.s32 s0, $0x0;
	s0 =	rddreg [dreg:$0x1]  }
0xb7: {  	s0 =	sadd.s32 @!p0 $0x100000, s0  }
0xb8: {  	[sflag:s0] =	ssyncadd.tile.s32 @!p0 $0x1;
	_ =	shalt  }
.Lfunc_end2:
_tile_overlayer_lowered:
.L_overlay_start_2:
0xb9: {  	(tag) =	ssettag $0x2  }
0xba: {  	s0 =	rddreg [dreg:$0x0];
	s2 =	stileid.u32  }
0xbb: {  	s1 =	rddreg [dreg:$0x1];
	p0 =	sne.s32 s2, $0x0  }
0xbc: {  	s3 =	rddreg [dreg:$0x2];
	[bflag:$0x3] =	sbarrier.arrive $0xFFFF;
	s2 =	simm.s32 @!p0 $0x1C05  }
0xbd: {  	[timem:s3], [sflag:s2] =	dma.local @!p0 [hbm:s0], s1  }
0xbe: {  	s0 =	simm.s32 @!p0 $0x5  }
0xbf: {  	_ =	swait.ge @!p0 [sflag:s0], s1  }
0xc0: {  	s1 =	ssub.s32 @!p0 $0x0, s1;
	[sflag:s0] =	ssyncset.done @!p0 $0x0  }
0xc1: {  	[sflag:s0] =	ssyncadd.s32 @!p0 s1  }
0xc2: {  	[bflag:$0x3] =	sbarrier.arrive $0xFFFF  }
0xc3: {  	_ =	shalt  }

// kernel: kernel.28.cloned.1.call-start
scs
__scs_entry_jumppad:
0x0: {  	(pc) =	sbr.rel $0x88, $3  }
0x1: {  	(tag) =	ssettag $0x0;
	lr =	simm.s32 $0x1  }
0x2: {  	[smem:$0x3F73] =	sst lr;
	_ =	strace $0xD0000000  }
0x3: {  	_ = 	snop  }
0x4: {  	_ = 	snop  }
0x5: {  	_ = 	snop  }
0x6: {  	_ = 	snop  }
0x7: {  	_ = 	snop  }
__scs_overlays_trampoline_lowered:
0x8: {  	[smem:$0x3F82] =	sst s0  }
0x9: {  	[smem:$0x3F83] =	sst s1  }
0xa: {  	[smem:$0x3F84] =	sst s2  }
0xb: {  	[smem:$0x3F85] =	sst s3  }
0xc: {  	[smem:$0x3F86] =	sst s4  }
0xd: {  	[smem:$0x3F87] =	sst s5  }
0xe: {  	[smem:$0x3F88] =	sst s6  }
0xf: {  	[smem:$0x3F89] =	sst s7  }
0x10: {  	[smem:$0x3F8A] =	sst s8  }
0x11: {  	[smem:$0x3F8B] =	sst s9;
	s0 =	simm.s32 @!p0 $0x0  }
0x12: {  	s1 =	sld [smem:$0x3F71];
	s0 =	simm.s32 @p0 $0x1  }
0x13: {  	[smem:$0x3F8C] =	sst s0;
	s0 =	simm.s32 @!p1 $0x0  }
0x14: {  	s2 =	sld [smem:$0x3F70];
	s0 =	simm.s32 @p1 $0x1  }
0x15: {  	[smem:$0x3F8D] =	sst s0;
	s0 =	simm.s32 @!p2 $0x0  }
0x16: {  	s3 =	sld [smem:$0x3FDB];
	s0 =	simm.s32 @p2 $0x1  }
0x17: {  	s4 =	simm.s32 $0x1BF5;
	[smem:$0x3F8F] =	sst s0  }
0x18: {  	s0 =	sld [smem:$0x3F72];
	_ =	swait.ge [sflag:s4], $0x0  }
0x19: {  	s7 =	sld [smem:$0x3F73]  }
0x1a: {  	s8 =	sadd.s32 $0xFFFFE003, lr  }
0x1b: {  	s9 =	sadd.s32 $0xFFFFFEF7, lr;
	s5 =	simm.s32 $0xFFFFFFFF;
	p2 =	slt.u32 s8, $0xFFFFF086  }
0x1c: {  	p1 =	slt.u32 s9, $0xF7A;
	s5 =	simm.s32 @!p2 $0x0  }
0x1d: {  	s5 =	simm.s32 @p1 $0x1;
	p0 =	seq.s32 s7, s2  }
0x1e: {  	s7 =	smul.u32 @!p0 $0xF7A, s2;
	p2 =	seq.s32 @!p0 s5, $0x0  }
0x1f: {  	s9 =	smul.u32 $0xF7A, s1;
	s8 =	simm.s32 @!p0 $0x1BF5;
	p2 =	por !p2, p0  }
0x20: {  	[sflag:s8] =	ssyncset.s32 @!p0 $0xFFFFF086;
	s6 =	sadd.s32 @!p0 s3, s7;
	s7 =	simm.s32 @!p0 $0x108  }
0x21: {  	s3 =	sadd.s32 s3, s9;
	s6 =	sadd.s32 @!p0 $0x88, s6;
	s7 =	simm.s32 @p2 $0x1082  }
0x22: {  	[simem:s7], [sflag:s8] =	dma.local @!p0 [hbm:s6], $0xF7A  }
0x23: {  	s9 =	sor.u32 $0xD0000000, s2;
	s6 =	simm.s32 $0x108;
	_ =	swait.ge @!p0 [sflag:s8], $0x0  }
0x24: {  	s3 =	sadd.s32 $0x88, s3;
	s6 =	simm.s32 @!p1 $0x1082;
	[sflag:s4] =	ssyncset.s32 $0xFFFFF086  }
0x25: {  	[simem:s6], [sflag:s4] =	dma.local [hbm:s3], $0xF7A  }
0x26: {  	[smem:$0x3F73] =	sst s1;
	(tag) =	ssettag s2;
	_ =	strace s9  }
0x27: {  	s1 =	sld [smem:$0x3F83]  }
0x28: {  	s2 =	sld [smem:$0x3F84]  }
0x29: {  	s4 =	sld [smem:$0x3F86]  }
0x2a: {  	p0 =	seq.s32 s5, $0x0;
	s5 =	sld [smem:$0x3F87]  }
0x2b: {  	s6 =	sld [smem:$0x3F88]  }
0x2c: {  	s7 =	sld [smem:$0x3F89]  }
0x2d: {  	s3 =	simm.s32 $0x108;
	s8 =	sld [smem:$0x3F8A]  }
0x2e: {  	s3 =	simm.s32 @!p0 $0x1082;
	s9 =	sld [smem:$0x3F8B]  }
0x2f: {  	lr =	sadd.s32 s0, s3;
	s0 =	sld [smem:$0x3F82]  }
0x30: {  	s3 =	sld [smem:$0x3F85]  }
0x31: {  	[smem:$0x3F8E] =	sst s10  }
0x32: {  	s10 =	sld [smem:$0x3F8C];
	_ =	sdelay $0x3  }
0x33: {  	p0 =	seq.s32 s10, $0x1;
	s10 =	sld [smem:$0x3F8E];
	_ =	sdelay $0x3  }
0x34: {  	[smem:$0x3F8E] =	sst s10  }
0x35: {  	s10 =	sld [smem:$0x3F8D];
	_ =	sdelay $0x3  }
0x36: {  	p1 =	seq.s32 s10, $0x1;
	s10 =	sld [smem:$0x3F8E];
	_ =	sdelay $0x3  }
0x37: {  	[smem:$0x3F8E] =	sst s10  }
0x38: {  	s10 =	sld [smem:$0x3F8F]  }
0x39: {  	_ = 	snop;
	(pc) =	sbr.ind lr, $3  }
0x3a: {  	_ = 	snop  }
0x3b: {  	_ = 	snop  }
0x3c: {  	p2 =	seq.s32 s10, $0x1;
	s10 =	sld [smem:$0x3F8E]  }
0x3d: {  	_ =	shalt  }
0x3e: {  	_ =	shalt  }
0x3f: {  	_ =	shalt  }
0x40: {  	_ =	shalt  }
0x41: {  	_ =	shalt  }
0x42: {  	_ =	shalt  }
0x43: {  	_ =	shalt  }
0x44: {  	_ =	shalt  }
0x45: {  	_ =	shalt  }
0x46: {  	_ =	shalt  }
0x47: {  	_ =	shalt  }
0x48: {  	_ =	shalt  }
0x49: {  	_ =	shalt  }
0x4a: {  	_ =	shalt  }
0x4b: {  	_ =	shalt  }
0x4c: {  	_ =	shalt  }
0x4d: {  	_ =	shalt  }
0x4e: {  	_ =	shalt  }
0x4f: {  	_ =	shalt  }
0x50: {  	_ =	shalt  }
0x51: {  	_ =	shalt  }
0x52: {  	_ =	shalt  }
0x53: {  	_ =	shalt  }
0x54: {  	_ =	shalt  }
0x55: {  	_ =	shalt  }
0x56: {  	_ =	shalt  }
0x57: {  	_ =	shalt  }
0x58: {  	_ =	shalt  }
0x59: {  	_ =	shalt  }
0x5a: {  	_ =	shalt  }
0x5b: {  	_ =	shalt  }
0x5c: {  	_ =	shalt  }
0x5d: {  	_ =	shalt  }
0x5e: {  	_ =	shalt  }
0x5f: {  	_ =	shalt  }
0x60: {  	_ =	shalt  }
0x61: {  	_ =	shalt  }
0x62: {  	_ =	shalt  }
0x63: {  	_ =	shalt  }
0x64: {  	_ =	shalt  }
0x65: {  	_ =	shalt  }
0x66: {  	_ =	shalt  }
0x67: {  	_ =	shalt  }
0x68: {  	_ =	shalt  }
0x69: {  	_ =	shalt  }
0x6a: {  	_ =	shalt  }
0x6b: {  	_ =	shalt  }
0x6c: {  	_ =	shalt  }
0x6d: {  	_ =	shalt  }
0x6e: {  	_ =	shalt  }
0x6f: {  	_ =	shalt  }
0x70: {  	_ =	shalt  }
0x71: {  	_ =	shalt  }
0x72: {  	_ =	shalt  }
0x73: {  	_ =	shalt  }
0x74: {  	_ =	shalt  }
0x75: {  	_ =	shalt  }
0x76: {  	_ =	shalt  }
0x77: {  	_ =	shalt  }
0x78: {  	_ =	shalt  }
0x79: {  	_ =	shalt  }
0x7a: {  	_ =	shalt  }
0x7b: {  	_ =	shalt  }
0x7c: {  	_ =	shalt  }
0x7d: {  	_ =	shalt  }
0x7e: {  	_ =	shalt  }
0x7f: {  	_ =	shalt  }
0x80: {  	_ =	shalt  }
0x81: {  	_ =	shalt  }
0x82: {  	_ =	shalt  }
0x83: {  	_ =	shalt  }
0x84: {  	_ =	shalt  }
0x85: {  	_ =	shalt  }
0x86: {  	_ =	shalt  }
0x87: {  	_ =	shalt  }
.Lfunc_end0:
.L_simem_size_0:
called_computation.1_lowered:
.L_overlay_start_0:
0x88: {  	s2 =	sld [smem:$0x3FD9]  }
0x89: {  	s3 =	sld [smem:$0x3FFE];
	_ =	sdelay $0x1  }
0x8a: {  	s1 =	srdreg.scid  }
0x8b: {  	s0 =	sand.u32 $0x1, s1  }
0x8c: {  	s17 =	sshll.u32 s0, $0xA;
	s2 =	sadd.s32 s3, s2  }
0x8d: {  	s2 =	sadd.s32 s2, s17  }
0x8e: {  	[smem:$0x3F9A] =	sst s2  }
0x8f: {  	_ = 	snop  }
0x90: {  	(tm) =	ssettm $0x1  }
0x91: {  	s18 =	sld [smem:$0x3FFB];
	_ =	sdelay $0x3  }
0x92: {  	_ =	strace s18  }
0x93: {  	s2 =	sld [smem:$0x3FFC];
	_ =	sdelay $0x3  }
0x94: {  	_ =	strace s2  }
0x95: {  	s2 =	sld [smem:$0x3FFD];
	_ =	sdelay $0x3  }
0x96: {  	_ =	strace s2  }
0x97: {  	_ =	strace $0x8FFFFFFF  }
0x98: {  	s19 =	sld [smem:$0x3FDB];
	_ =	sdelay $0x1  }
0x99: {  	s20 =	simm.s32 $_scs_section_size  }
0x9a: {  	s4 =	simm.s32 $_size__tile_overlayer_lowered;
	s5 =	simm.s32 $_tile_overlayer_lowered  }
0x9b: {  	s6 =	simm.s32 $0x1BFF;
	s21 =	sshll.u32 s5, $0x1;
	s3 =	sadd.s32 s20, s19  }
0x9c: {  	s22 =	simm.s32 $0x0;
	s4 =	sshll.u32 s4, $0x1;
	s5 =	sadd.s32 s21, s3  }
0x9d: {  	[timem:s22], [sflag:s6] =	dma.local [hbm:s5], s4  }
0x9e: {  	_ =	swait.ge [sflag:s6], s4  }
0x9f: {  	s4 =	ssub.s32 $0x0, s4;
	[sflag:s6] =	ssyncset.done $0x0  }
0xa0: {  	[sflag:s6] =	ssyncadd.s32 s4;
	_ =	sdelay $0x1  }
0xa1: {  	s23 =	simm.s32 $0x1B8B  }
0xa2: {  	_ =	swait.ge [sflag:s23], $0x1  }
0xa3: {  	[sflag:s23] =	ssyncset.done $0x0  }
0xa4: {  	[sflag:s23] =	ssyncadd.s32 $0xFFFFFFFF  }
0xa5: {  	s4 =	sld [smem:$0x0]  }
0xa6: {  	s5 =	sand.u32 $0xFFFFFFFE, s1  }
0xa7: {  	p0 =	sne.s32 s1, s5  }
0xa8: {  	s5 =	sshll.u32 @p0 s5, $0xE  }
0xa9: {  	s5 =	sadd.s32 @p0 $0x11B8D, s5;
	s6 =	sshll.u32 @p0 s4, $0x11  }
0xaa: {  	s5 =	sor.u32 @p0 s6, s5  }
0xab: {  	[sflag:s5] =	ssyncadd.remote.s32 @p0 $0x1;
	_ =	sdelay $0x1  }
0xac: {  	s5 =	simm.s32 @p0 $0x1B8D  }
0xad: {  	_ =	swait.eq @p0 [sflag:s5], $0x1  }
0xae: {  	[sflag:s5] =	ssyncadd.s32 @p0 $0xFFFFFFFF  }
0xaf: {  	s6 =	sshll.u32 @!p0 s1, $0xE  }
0xb0: {  	s6 =	sor.u32 @!p0 $0x4000, s6;
	s5 =	simm.s32 @!p0 $0x1B8D  }
0xb1: {  	s4 =	sshll.u32 @!p0 s4, $0x11;
	s6 =	sadd.s32 @!p0 $0x11B8D, s6;
	_ =	swait.eq @!p0 [sflag:s5], $0x1  }
0xb2: {  	s4 =	sor.u32 @!p0 s4, s6;
	[sflag:s5] =	ssyncadd.s32 @!p0 $0xFFFFFFFF  }
0xb3: {  	s25 =	simm.s32 $0x1B8E;
	s24 =	sld [smem:$0x3FFE];
	[sflag:s4] =	ssyncadd.remote.s32 @!p0 $0x1  }
0xb4: {  	s26 =	simm.s32 $execute0_lowered;
	[smem:$0x3FD2] =	sst s25  }
0xb5: {  	s5 =	sshll.u32 s26, $0x1;
	_ =	strace $0x8000004F;
	[dreg:$0x1] =	wrdreg $0xFFFFFFFF  }
0xb6: {  	s28 =	simm.s32 $_size_execute0_lowered;
	s3 =	sadd.s32 s3, s5;
	[dreg:$0x0] =	wrdreg $0x0  }
0xb7: {  	s5 =	sshll.u32 s28, $0x1;
	[dreg:$0x2] =	wrdreg s3  }
0xb8: {  	[dreg:$0x3] =	wrdreg s5  }
0xb9: {  	[dreg:$0x4] =	wrdreg $0xC0  }
0xba: {  	_ =	task [dreg:s22], $0x5FFFF  }
0xbb: {  	[dreg:$0x1] =	wrdreg $0xFFFFFFFF  }
0xbc: {  	[dreg:$0x0] =	wrdreg $0x60  }
0xbd: {  	[dreg:$0x2] =	wrdreg s24  }
0xbe: {  	[dreg:$0x3] =	wrdreg $0x9  }
0xbf: {  	_ =	task.clear_ibuf [dreg:s22], $0x4FFFF;
	_ =	strace $0x9000004F  }
0xc0: {  	s29 =	simm.s32 $0x9;
	_ =	strace $0x80000051  }
0xc1: {  	_ =	swait.ge [sflag:s29], $0x1  }
0xc2: {  	[sflag:s29] =	ssyncadd.s32 $0xFFFFFFFF  }
0xc3: {  	_ =	strace $0x90000051  }
0xc4: {  	_ =	sfence  }
0xc5: {  	s30 =	sld [smem:$0x0];
	_ =	sdelay $0x2  }
0xc6: {  	s31 =	sshll.u32 s1, $0xD;
	s1 =	sshrl.u32 s1, $0x2  }
0xc7: {  	s4 =	sand.u32 $0x4000, s31;
	s1 =	sadd.s32 s1, s30  }
0xc8: {  	s0 =	sor.u32 s4, s0;
	s1 =	sshll.u32 s1, $0x11  }
0xc9: {  	s0 =	sor.u32 s1, s0  }
0xca: {  	s0 =	sadd.s32 $0x8F2B, s0  }
0xcb: {  	[sflag:s0] =	ssyncadd.remote.s32 $0x1  }
0xcc: {  	_ =	sfence.sel $0xFFFF  }
0xcd: {  	[dreg:$0x0] =	wrdreg $0xFFFFFFFF;
	(pc) =	sbr.abs _section_cstart, $3  }
0xce: {  	[dreg:$0x1] =	wrdreg $0xFFFFFFFF  }
0xcf: {  	_ =	task.clear_ibuf [dreg:s22], $0x2FFFF;
	_ =	strace $0x9FFFFFFF  }
0xd0: {  	(tm) =	ssettm $0x7FFFFFFF  }
0xd1: {  	_ =	shalt  }
tec
execute0_lowered:
.L_overlay_start_1:
0x0: {  	(tag) =	ssettag $0x1  }
0x1: {  	s1 =	srdreg.scid;
	s0 =	stileid.u32  }
0x2: {  	s4 =	rddreg [dreg:$0x0];
	s2 =	simm.s32 $0x0;
	s15 =	simm.s32 $0x1  }
0x3: {  	s16 =	simm.s32 $0x6800;
	s17 =	simm.s32 $0x2;
	s18 =	simm.s32 $0x3  }
0x4: {  	s19 =	simm.s32 $0x100;
	s20 =	simm.s32 $0x4;
	s12 =	smul.u32 $0x280000, s0  }
0x5: {  	s21 =	simm.s32 $0x2780;
	s8 =	sand.u32 $0x1, s1;
	s13 =	smul.u32 $0x50000, s0  }
0x6: {  	s22 =	simm.s32 $0x0;
	s3 =	sshll.u32 s0, $0x1;
	s28 =	smul.u32 $0x140000, s8  }
0x7: {  	s1 =	rddreg [dreg:$0x1];
	s5 =	sor.u32 s8, s3;
	s14 =	smul.u32 $0x28000, s8  }
0x8: {  	[smem:$0x7FF] =	sst s2;
	s11 =	sadd.s32 $0xABC00, s4;
	s6 =	smul.u32 $0x2800, s5  }
0x9: {  	_ =	strace $0x80000050;
	s9 =	ssub.s32 $0x2, s8;
	s7 =	smul.u32 $0x28000, s5  }
0xa: {  	s3 =	sadd.s32 $0x84A00, s4;
	s10 =	smul.u32 $0x140000, s5;
	s26 =	sshrl.u32 s9, $0x1  }
0xb: {  	s30 =	sadd.s32 s13, s11;
	s13 =	simm.s32 $0x80;
	s9 =	ssub.s32 s9, s26  }
0xc: {  	s12 =	sadd.s32 s28, s12;
	s31 =	sadd.s32 s14, s30;
	s14 =	simm.s32 $0x2800  }
0xd: {  	s6 =	sshrl.u32 s6, $0x3;
	s10 =	sshrl.u32 s10, $0x3;
	s12 =	sor.u32 $0x8000, s12  }
0xe: {  	s9 =	smax.u32 s9, $0x1;
	s6 =	sadd.s32 s6, s4;
	s4 =	sadd.s32 s11, s7  }
0xf: {  	s10 =	sadd.s32 s11, s10;
	s29 =	sshrl.u32 s12, $0x3;
	s12 =	simm.s32 $0x5  }
0x10: {  	s5 =	sadd.s32 $0x2C600, s6;
	s6 =	sadd.s32 $0x800, s4;
	s7 =	sadd.s32 $0x27000, s10  }
0x11: {  	s8 =	sadd.s32 $0x27800, s10;
	s10 =	sadd.s32 s29, s11;
	s11 =	sadd.s32 $0x1800, s31  }
.LBB2_1:
0x12: {  	[tilespmem:s2], [sflag:$0x5] =	stream.linear.gather [hbm4b:s5+s2], $0x2800, $0x38;
	[tilespmem:$0xA800] =	vst v63  }
0x13: {  	_ =	swait.ge [sflag:s12], $0x2800  }
0x14: {  	[sflag:s12] =	ssyncset.done $0x0  }
0x15: {  	[sflag:s12] =	ssyncadd.s32 $0xFFFFD800  }
0x16: {  	[tilespmem:s14], [sflag:$0x1] =	stream.indirect.gather [hbm4b:s3+s13], $0x80, s2, s13, $0xb8;
	[tilespmem:$0xA800] =	vst v63  }
0x17: {  	_ =	swait.ge [sflag:s15], $0x4000  }
0x18: {  	[sflag:s15] =	ssyncset.done $0x0  }
0x19: {  	[sflag:s15] =	ssyncadd.s32 $0xFFFFC000  }
0x1a: {  	[hbm4b:s4+s2] =	stream.linear.scatter [tilespmem:s14], [sflag:$0x3], $0x4000, $0x38;
	[tilespmem:$0xA800] =	vst v63  }
0x1b: {  	_ = 	snop  }
0x1c: {  	[tilespmem:s16], [sflag:$0x2] =	stream.indirect.gather [hbm4b:s3+s13], $0x80, s13, s13, $0xb8;
	[tilespmem:$0xA800] =	vst v63  }
0x1d: {  	_ =	swait.ge [sflag:s17], $0x4000  }
0x1e: {  	[sflag:s17] =	ssyncset.done $0x0  }
0x1f: {  	[sflag:s17] =	ssyncadd.s32 $0xFFFFC000  }
0x20: {  	[hbm4b:s6+s2] =	stream.linear.scatter [tilespmem:s16], [sflag:$0x4], $0x4000, $0x38;
	[tilespmem:$0xA800] =	vst v63  }
0x21: {  	_ =	swait.ge [sflag:s18], $0x4000  }
0x22: {  	[sflag:s18] =	ssyncset.done $0x0  }
0x23: {  	[sflag:s18] =	ssyncadd.s32 $0xFFFFC000  }
0x24: {  	[tilespmem:s14], [sflag:$0x1] =	stream.indirect.gather [hbm4b:s3+s13], $0x80, s19, s13, $0xb8;
	[tilespmem:$0xA800] =	vst v63  }
0x25: {  	_ =	swait.ge [sflag:s15], $0x4000  }
0x26: {  	[sflag:s15] =	ssyncset.done $0x0  }
0x27: {  	s23 =	sadd.s32 $0x0, s10;
	[sflag:s15] =	ssyncadd.s32 $0xFFFFC000  }
0x28: {  	[hbm4b:s23+s2] =	stream.linear.scatter [tilespmem:s14], [sflag:$0x3], $0x4000, $0x38;
	[tilespmem:$0xA800] =	vst v63  }
0x29: {  	_ =	swait.ge [sflag:s20], $0x4000  }
0x2a: {  	[sflag:s20] =	ssyncset.done $0x0  }
0x2b: {  	s30 =	simm.s32 $0x180;
	[sflag:s20] =	ssyncadd.s32 $0xFFFFC000  }
0x2c: {  	[tilespmem:s16], [sflag:$0x2] =	stream.indirect.gather [hbm4b:s3+s13], $0x80, s30, s13, $0xb8;
	[tilespmem:$0xA800] =	vst v63  }
0x2d: {  	_ =	swait.ge [sflag:s17], $0x4000  }
0x2e: {  	[sflag:s17] =	ssyncset.done $0x0  }
0x2f: {  	s31 =	sadd.s32 $0x0, s11;
	[sflag:s17] =	ssyncadd.s32 $0xFFFFC000  }
0x30: {  	[hbm4b:s31+s2] =	stream.linear.scatter [tilespmem:s16], [sflag:$0x4], $0x4000, $0x38;
	[tilespmem:$0xA800] =	vst v63  }
0x31: {  	_ =	swait.ge [sflag:s18], $0x4000  }
0x32: {  	s24 =	simm.s32 $0x1000;
	[sflag:s18] =	ssyncset.done $0x0  }
0x33: {  	s25 =	simm.s32 $0x300;
	s23 =	simm.s32 $0x200;
	[sflag:s18] =	ssyncadd.s32 $0xFFFFC000  }
.LBB2_2:
0x34: {  	[tilespmem:s14], [sflag:$0x1] =	stream.indirect.gather [hbm4b:s3+s13], $0x80, s23, s13, $0xb8;
	[tilespmem:$0xA800] =	vst v63  }
0x35: {  	s26 =	smov.u32 s24;
	s23 =	smov.u32 s25  }
0x36: {  	p0 =	sne.s32 s24, $0x25000;
	s24 =	sadd.s32 $0x1000, s24;
	_ =	swait.ge [sflag:s15], $0x4000  }
0x37: {  	[sflag:s15] =	ssyncset.done $0x0  }
0x38: {  	s28 =	sadd.s32 s26, s10;
	[sflag:s15] =	ssyncadd.s32 $0xFFFFC000  }
0x39: {  	[hbm4b:s28+s2] =	stream.linear.scatter [tilespmem:s14], [sflag:$0x3], $0x4000, $0x38;
	[tilespmem:$0xA800] =	vst v63  }
0x3a: {  	_ =	swait.ge [sflag:s20], $0x4000  }
0x3b: {  	[sflag:s20] =	ssyncset.done $0x0  }
0x3c: {  	s28 =	sadd.s32 $0xFFFFFF80, s25;
	[sflag:s20] =	ssyncadd.s32 $0xFFFFC000  }
0x3d: {  	[tilespmem:s16], [sflag:$0x2] =	stream.indirect.gather [hbm4b:s3+s13], $0x80, s28, s13, $0xb8;
	[tilespmem:$0xA800] =	vst v63  }
0x3e: {  	_ =	swait.ge [sflag:s17], $0x4000  }
0x3f: {  	[sflag:s17] =	ssyncset.done $0x0  }
.Ltmp0:
0x40: {  	s26 =	sadd.s32 s26, s11;
	[sflag:s17] =	ssyncadd.s32 $0xFFFFC000;
	(pc) =	sbr.rel @p0 .LBB2_2-.Ltmp0, $4  }
0x41: {  	[hbm4b:s26+s2] =	stream.linear.scatter [tilespmem:s16], [sflag:$0x4], $0x4000, $0x38;
	[tilespmem:$0xA800] =	vst v63  }
0x42: {  	_ =	swait.ge [sflag:s18], $0x4000  }
0x43: {  	[sflag:s18] =	ssyncset.done $0x0  }
0x44: {  	s25 =	sadd.s32 $0x100, s25;
	[sflag:s18] =	ssyncadd.s32 $0xFFFFC000  }
0x45: {  	[tilespmem:s14], [sflag:$0x1] =	stream.indirect.gather [hbm4b:s3+s13], $0x80, s23, s13, $0xb8;
	[tilespmem:$0xA800] =	vst v63  }
0x46: {  	_ =	swait.ge [sflag:s15], $0x4000  }
0x47: {  	[sflag:s15] =	ssyncset.done $0x0  }
0x48: {  	[sflag:s15] =	ssyncadd.s32 $0xFFFFC000  }
0x49: {  	[hbm4b:s7+s2] =	stream.linear.scatter [tilespmem:s14], [sflag:$0x3], $0x4000, $0x38;
	[tilespmem:$0xA800] =	vst v63  }
0x4a: {  	_ =	swait.ge [sflag:s20], $0x4000  }
0x4b: {  	[sflag:s20] =	ssyncset.done $0x0  }
0x4c: {  	[sflag:s20] =	ssyncadd.s32 $0xFFFFC000  }
0x4d: {  	[tilespmem:s16], [sflag:$0x2] =	stream.indirect.gather [hbm4b:s3+s13], $0x80, s21, s13, $0xb8;
	[tilespmem:$0xA800] =	vst v63  }
0x4e: {  	_ =	swait.ge [sflag:s17], $0x4000  }
0x4f: {  	[sflag:s17] =	ssyncset.done $0x0  }
0x50: {  	s22 =	sadd.s32 $0x1, s22;
	[sflag:s17] =	ssyncadd.s32 $0xFFFFC000  }
0x51: {  	[hbm4b:s8+s2] =	stream.linear.scatter [tilespmem:s16], [sflag:$0x4], $0x4000, $0x38;
	[tilespmem:$0xA800] =	vst v63  }
0x52: {  	p0 =	sne.s32 s22, s9;
	_ =	swait.ge [sflag:s18], $0x4000  }
.Ltmp1:
0x53: {  	[sflag:s18] =	ssyncset.done $0x0;
	(pc) =	sbr.rel @p0 .LBB2_1-.Ltmp1, $4  }
0x54: {  	[sflag:s18] =	ssyncadd.s32 $0xFFFFC000  }
0x55: {  	_ =	swait.ge [sflag:s20], $0x4000  }
0x56: {  	[sflag:s20] =	ssyncset.done $0x0  }
0x57: {  	[sflag:s20] =	ssyncadd.s32 $0xFFFFC000  }
0x58: {  	_ =	sfence.sel $0x180000  }
0x59: {  	[bflag:$0x0] =	sbarrier.arrive $0xFFFF  }
0x5a: {  	p0 =	sne.s32 s0, $0x0;
	_ =	strace $0x90000050  }
0x5b: {  	s0 =	sadd.s32 @!p0 $0x100000, s1;
	[bflag:$0x2] =	sbarrier.arrive $0xFFFF  }
0x5c: {  	[sflag:s0] =	ssyncadd.tile.s32 @!p0 $0x1;
	_ =	shalt  }
.Lfunc_end2:
_tile_overlayer_lowered:
.L_overlay_start_2:
0x5d: {  	(tag) =	ssettag $0x2  }
0x5e: {  	s0 =	rddreg [dreg:$0x0];
	s2 =	stileid.u32  }
0x5f: {  	s1 =	rddreg [dreg:$0x1];
	p0 =	sne.s32 s2, $0x0  }
0x60: {  	s3 =	rddreg [dreg:$0x2];
	[bflag:$0x3] =	sbarrier.arrive $0xFFFF;
	s2 =	simm.s32 @!p0 $0x1C05  }
0x61: {  	[timem:s3], [sflag:s2] =	dma.local @!p0 [hbm:s0], s1  }
0x62: {  	s0 =	simm.s32 @!p0 $0x5  }
0x63: {  	_ =	swait.ge @!p0 [sflag:s0], s1  }
0x64: {  	s1 =	ssub.s32 @!p0 $0x0, s1;
	[sflag:s0] =	ssyncset.done @!p0 $0x0  }
0x65: {  	[sflag:s0] =	ssyncadd.s32 @!p0 s1  }
0x66: {  	[bflag:$0x3] =	sbarrier.arrive $0xFFFF  }
0x67: {  	_ =	shalt  }

// kernel: kernel.31.cloned.1.call-start
scs
__scs_entry_jumppad:
0x0: {  	(pc) =	sbr.rel $0x88, $3  }
0x1: {  	(tag) =	ssettag $0x0;
	lr =	simm.s32 $0x1  }
0x2: {  	[smem:$0x3F73] =	sst lr;
	_ =	strace $0xD0000000  }
0x3: {  	_ = 	snop  }
0x4: {  	_ = 	snop  }
0x5: {  	_ = 	snop  }
0x6: {  	_ = 	snop  }
0x7: {  	_ = 	snop  }
__scs_overlays_trampoline_lowered:
0x8: {  	[smem:$0x3F82] =	sst s0  }
0x9: {  	[smem:$0x3F83] =	sst s1  }
0xa: {  	[smem:$0x3F84] =	sst s2  }
0xb: {  	[smem:$0x3F85] =	sst s3  }
0xc: {  	[smem:$0x3F86] =	sst s4  }
0xd: {  	[smem:$0x3F87] =	sst s5  }
0xe: {  	[smem:$0x3F88] =	sst s6  }
0xf: {  	[smem:$0x3F89] =	sst s7  }
0x10: {  	[smem:$0x3F8A] =	sst s8  }
0x11: {  	[smem:$0x3F8B] =	sst s9;
	s0 =	simm.s32 @!p0 $0x0  }
0x12: {  	s1 =	sld [smem:$0x3F71];
	s0 =	simm.s32 @p0 $0x1  }
0x13: {  	[smem:$0x3F8C] =	sst s0;
	s0 =	simm.s32 @!p1 $0x0  }
0x14: {  	s2 =	sld [smem:$0x3F70];
	s0 =	simm.s32 @p1 $0x1  }
0x15: {  	[smem:$0x3F8D] =	sst s0;
	s0 =	simm.s32 @!p2 $0x0  }
0x16: {  	s3 =	sld [smem:$0x3FDB];
	s0 =	simm.s32 @p2 $0x1  }
0x17: {  	s4 =	simm.s32 $0x1BF5;
	[smem:$0x3F8F] =	sst s0  }
0x18: {  	s0 =	sld [smem:$0x3F72];
	_ =	swait.ge [sflag:s4], $0x0  }
0x19: {  	s7 =	sld [smem:$0x3F73]  }
0x1a: {  	s8 =	sadd.s32 $0xFFFFE003, lr  }
0x1b: {  	s9 =	sadd.s32 $0xFFFFFEF7, lr;
	s5 =	simm.s32 $0xFFFFFFFF;
	p2 =	slt.u32 s8, $0xFFFFF086  }
0x1c: {  	p1 =	slt.u32 s9, $0xF7A;
	s5 =	simm.s32 @!p2 $0x0  }
0x1d: {  	s5 =	simm.s32 @p1 $0x1;
	p0 =	seq.s32 s7, s2  }
0x1e: {  	s7 =	smul.u32 @!p0 $0xF7A, s2;
	p2 =	seq.s32 @!p0 s5, $0x0  }
0x1f: {  	s9 =	smul.u32 $0xF7A, s1;
	s8 =	simm.s32 @!p0 $0x1BF5;
	p2 =	por !p2, p0  }
0x20: {  	[sflag:s8] =	ssyncset.s32 @!p0 $0xFFFFF086;
	s6 =	sadd.s32 @!p0 s3, s7;
	s7 =	simm.s32 @!p0 $0x108  }
0x21: {  	s3 =	sadd.s32 s3, s9;
	s6 =	sadd.s32 @!p0 $0x88, s6;
	s7 =	simm.s32 @p2 $0x1082  }
0x22: {  	[simem:s7], [sflag:s8] =	dma.local @!p0 [hbm:s6], $0xF7A  }
0x23: {  	s9 =	sor.u32 $0xD0000000, s2;
	s6 =	simm.s32 $0x108;
	_ =	swait.ge @!p0 [sflag:s8], $0x0  }
0x24: {  	s3 =	sadd.s32 $0x88, s3;
	s6 =	simm.s32 @!p1 $0x1082;
	[sflag:s4] =	ssyncset.s32 $0xFFFFF086  }
0x25: {  	[simem:s6], [sflag:s4] =	dma.local [hbm:s3], $0xF7A  }
0x26: {  	[smem:$0x3F73] =	sst s1;
	(tag) =	ssettag s2;
	_ =	strace s9  }
0x27: {  	s1 =	sld [smem:$0x3F83]  }
0x28: {  	s2 =	sld [smem:$0x3F84]  }
0x29: {  	s4 =	sld [smem:$0x3F86]  }
0x2a: {  	p0 =	seq.s32 s5, $0x0;
	s5 =	sld [smem:$0x3F87]  }
0x2b: {  	s6 =	sld [smem:$0x3F88]  }
0x2c: {  	s7 =	sld [smem:$0x3F89]  }
0x2d: {  	s3 =	simm.s32 $0x108;
	s8 =	sld [smem:$0x3F8A]  }
0x2e: {  	s3 =	simm.s32 @!p0 $0x1082;
	s9 =	sld [smem:$0x3F8B]  }
0x2f: {  	lr =	sadd.s32 s0, s3;
	s0 =	sld [smem:$0x3F82]  }
0x30: {  	s3 =	sld [smem:$0x3F85]  }
0x31: {  	[smem:$0x3F8E] =	sst s10  }
0x32: {  	s10 =	sld [smem:$0x3F8C];
	_ =	sdelay $0x3  }
0x33: {  	p0 =	seq.s32 s10, $0x1;
	s10 =	sld [smem:$0x3F8E];
	_ =	sdelay $0x3  }
0x34: {  	[smem:$0x3F8E] =	sst s10  }
0x35: {  	s10 =	sld [smem:$0x3F8D];
	_ =	sdelay $0x3  }
0x36: {  	p1 =	seq.s32 s10, $0x1;
	s10 =	sld [smem:$0x3F8E];
	_ =	sdelay $0x3  }
0x37: {  	[smem:$0x3F8E] =	sst s10  }
0x38: {  	s10 =	sld [smem:$0x3F8F]  }
0x39: {  	_ = 	snop;
	(pc) =	sbr.ind lr, $3  }
0x3a: {  	_ = 	snop  }
0x3b: {  	_ = 	snop  }
0x3c: {  	p2 =	seq.s32 s10, $0x1;
	s10 =	sld [smem:$0x3F8E]  }
0x3d: {  	_ =	shalt  }
0x3e: {  	_ =	shalt  }
0x3f: {  	_ =	shalt  }
0x40: {  	_ =	shalt  }
0x41: {  	_ =	shalt  }
0x42: {  	_ =	shalt  }
0x43: {  	_ =	shalt  }
0x44: {  	_ =	shalt  }
0x45: {  	_ =	shalt  }
0x46: {  	_ =	shalt  }
0x47: {  	_ =	shalt  }
0x48: {  	_ =	shalt  }
0x49: {  	_ =	shalt  }
0x4a: {  	_ =	shalt  }
0x4b: {  	_ =	shalt  }
0x4c: {  	_ =	shalt  }
0x4d: {  	_ =	shalt  }
0x4e: {  	_ =	shalt  }
0x4f: {  	_ =	shalt  }
0x50: {  	_ =	shalt  }
0x51: {  	_ =	shalt  }
0x52: {  	_ =	shalt  }
0x53: {  	_ =	shalt  }
0x54: {  	_ =	shalt  }
0x55: {  	_ =	shalt  }
0x56: {  	_ =	shalt  }
0x57: {  	_ =	shalt  }
0x58: {  	_ =	shalt  }
0x59: {  	_ =	shalt  }
0x5a: {  	_ =	shalt  }
0x5b: {  	_ =	shalt  }
0x5c: {  	_ =	shalt  }
0x5d: {  	_ =	shalt  }
0x5e: {  	_ =	shalt  }
0x5f: {  	_ =	shalt  }
0x60: {  	_ =	shalt  }
0x61: {  	_ =	shalt  }
0x62: {  	_ =	shalt  }
0x63: {  	_ =	shalt  }
0x64: {  	_ =	shalt  }
0x65: {  	_ =	shalt  }
0x66: {  	_ =	shalt  }
0x67: {  	_ =	shalt  }
0x68: {  	_ =	shalt  }
0x69: {  	_ =	shalt  }
0x6a: {  	_ =	shalt  }
0x6b: {  	_ =	shalt  }
0x6c: {  	_ =	shalt  }
0x6d: {  	_ =	shalt  }
0x6e: {  	_ =	shalt  }
0x6f: {  	_ =	shalt  }
0x70: {  	_ =	shalt  }
0x71: {  	_ =	shalt  }
0x72: {  	_ =	shalt  }
0x73: {  	_ =	shalt  }
0x74: {  	_ =	shalt  }
0x75: {  	_ =	shalt  }
0x76: {  	_ =	shalt  }
0x77: {  	_ =	shalt  }
0x78: {  	_ =	shalt  }
0x79: {  	_ =	shalt  }
0x7a: {  	_ =	shalt  }
0x7b: {  	_ =	shalt  }
0x7c: {  	_ =	shalt  }
0x7d: {  	_ =	shalt  }
0x7e: {  	_ =	shalt  }
0x7f: {  	_ =	shalt  }
0x80: {  	_ =	shalt  }
0x81: {  	_ =	shalt  }
0x82: {  	_ =	shalt  }
0x83: {  	_ =	shalt  }
0x84: {  	_ =	shalt  }
0x85: {  	_ =	shalt  }
0x86: {  	_ =	shalt  }
0x87: {  	_ =	shalt  }
.Lfunc_end0:
.L_simem_size_0:
called_computation.2_lowered:
.L_overlay_start_0:
0x88: {  	s2 =	sld [smem:$0x3FD9]  }
0x89: {  	s3 =	sld [smem:$0x3FFE];
	_ =	sdelay $0x1  }
0x8a: {  	s1 =	srdreg.scid  }
0x8b: {  	s0 =	sand.u32 $0x1, s1  }
0x8c: {  	s16 =	sshll.u32 s0, $0xA;
	s2 =	sadd.s32 s3, s2  }
0x8d: {  	s2 =	sadd.s32 s2, s16  }
0x8e: {  	[smem:$0x3F9A] =	sst s2  }
0x8f: {  	_ = 	snop  }
0x90: {  	(tm) =	ssettm $0x1  }
0x91: {  	s17 =	sld [smem:$0x3FFB];
	_ =	sdelay $0x3  }
0x92: {  	_ =	strace s17  }
0x93: {  	s2 =	sld [smem:$0x3FFC];
	_ =	sdelay $0x3  }
0x94: {  	_ =	strace s2  }
0x95: {  	s2 =	sld [smem:$0x3FFD];
	_ =	sdelay $0x3  }
0x96: {  	_ =	strace s2  }
0x97: {  	_ =	strace $0x8FFFFFFF  }
0x98: {  	s18 =	sld [smem:$0x3FDB];
	_ =	sdelay $0x1  }
0x99: {  	s19 =	simm.s32 $_scs_section_size  }
0x9a: {  	s4 =	simm.s32 $_size__tile_overlayer_lowered;
	s5 =	simm.s32 $_tile_overlayer_lowered  }
0x9b: {  	s22 =	simm.s32 $0x1BFF;
	s21 =	sshll.u32 s5, $0x1;
	s2 =	sadd.s32 s19, s18  }
0x9c: {  	s6 =	simm.s32 $0x0;
	s20 =	sshll.u32 s4, $0x1;
	s4 =	sadd.s32 s21, s2  }
0x9d: {  	[timem:s6], [sflag:s22] =	dma.local [hbm:s4], s20  }
0x9e: {  	_ =	swait.ge [sflag:s22], s20  }
0x9f: {  	s3 =	ssub.s32 $0x0, s20;
	[sflag:s22] =	ssyncset.done $0x0  }
0xa0: {  	[sflag:s22] =	ssyncadd.s32 s3;
	_ =	sdelay $0x1  }
0xa1: {  	s23 =	simm.s32 $0x1B8B  }
0xa2: {  	_ =	swait.ge [sflag:s23], $0x1  }
0xa3: {  	[sflag:s23] =	ssyncset.done $0x0  }
0xa4: {  	s25 =	simm.s32 $0x1B8E;
	s24 =	sld [smem:$0x3FFE];
	[sflag:s23] =	ssyncadd.s32 $0xFFFFFFFF  }
0xa5: {  	s26 =	simm.s32 $execute0_lowered;
	[smem:$0x3FD2] =	sst s25  }
0xa6: {  	s4 =	sshll.u32 s26, $0x1;
	_ =	strace $0x80000049;
	[dreg:$0x1] =	wrdreg $0xFFFFFFFF  }
0xa7: {  	s28 =	simm.s32 $_size_execute0_lowered;
	s2 =	sadd.s32 s2, s4;
	[dreg:$0x0] =	wrdreg $0x0  }
0xa8: {  	s4 =	sshll.u32 s28, $0x1;
	[dreg:$0x2] =	wrdreg s2  }
0xa9: {  	[dreg:$0x3] =	wrdreg s4  }
0xaa: {  	[dreg:$0x4] =	wrdreg $0xC0  }
0xab: {  	_ =	task [dreg:s6], $0x5FFFF  }
0xac: {  	[dreg:$0x1] =	wrdreg $0xFFFFFFFF  }
0xad: {  	[dreg:$0x0] =	wrdreg $0x60  }
0xae: {  	[dreg:$0x2] =	wrdreg s24  }
0xaf: {  	[dreg:$0x3] =	wrdreg $0x9  }
0xb0: {  	_ =	task.clear_ibuf [dreg:s6], $0x4FFFF;
	_ =	strace $0x90000049  }
0xb1: {  	s29 =	simm.s32 $0x9;
	_ =	strace $0x8000004B  }
0xb2: {  	_ =	swait.ge [sflag:s29], $0x1  }
0xb3: {  	[sflag:s29] =	ssyncadd.s32 $0xFFFFFFFF  }
0xb4: {  	_ =	strace $0x9000004B  }
0xb5: {  	_ =	sfence  }
0xb6: {  	s30 =	sld [smem:$0x0];
	_ =	sdelay $0x2  }
0xb7: {  	s31 =	sshll.u32 s1, $0xD;
	s1 =	sshrl.u32 s1, $0x2  }
0xb8: {  	s3 =	sand.u32 $0x4000, s31;
	s1 =	sadd.s32 s1, s30  }
0xb9: {  	s0 =	sor.u32 s3, s0;
	s1 =	sshll.u32 s1, $0x11  }
0xba: {  	s0 =	sor.u32 s1, s0  }
0xbb: {  	s0 =	sadd.s32 $0x8F2B, s0  }
0xbc: {  	[sflag:s0] =	ssyncadd.remote.s32 $0x1  }
0xbd: {  	_ =	sfence.sel $0xFFFF  }
0xbe: {  	[dreg:$0x0] =	wrdreg $0xFFFFFFFF;
	(pc) =	sbr.abs _section_cstart, $3  }
0xbf: {  	[dreg:$0x1] =	wrdreg $0xFFFFFFFF  }
0xc0: {  	_ =	task.clear_ibuf [dreg:s6], $0x2FFFF;
	_ =	strace $0x9FFFFFFF  }
0xc1: {  	(tm) =	ssettm $0x7FFFFFFF  }
tec
execute0_lowered:
.L_overlay_start_1:
0x0: {  	(tag) =	ssettag $0x1  }
0x1: {  	s1 =	srdreg.scid  }
0x2: {  	s0 =	stileid.u32;
	s5 =	rddreg [dreg:$0x0];
	s10 =	simm.s32 $0xC000  }
0x3: {  	s11 =	simm.s32 $0x80;
	s12 =	simm.s32 $0x400;
	s13 =	simm.s32 $0x0  }
0x4: {  	s3 =	sand.u32 $0x1, s1;
	s2 =	sshll.u32 s0, $0x1;
	s1 =	rddreg [dreg:$0x1]  }
0x5: {  	s4 =	sshrl.u32 s0, $0x2;
	s6 =	sor.u32 s3, s2;
	s2 =	simm.s32 $0x0  }
0x6: {  	s4 =	smul.u32 $0x50000, s4;
	s31 =	ssub.s32 $0x2, s3;
	s7 =	sshll.u32 s6, $0x7  }
0x7: {  	s3 =	sadd.s32 $0x36600, s5;
	[smem:$0x7FF] =	sst s2;
	s7 =	sand.u32 $0x380, s7  }
0x8: {  	s9 =	sshrl.u32 s31, $0x1;
	_ =	strace $0x8000004A;
	s4 =	sor.u32 s4, s7  }
0x9: {  	s7 =	ssub.s32 s31, s9;
	s9 =	simm.s32 $0x1;
	s8 =	sshrl.u32 s4, $0x3  }
0xa: {  	s4 =	sadd.s32 $0xAAC600, s5;
	s7 =	smax.u32 s7, $0x1;
	s8 =	sadd.s32 s8, s5  }
0xb: {  	v0 =	vimm.f32 $0.0e+00;
	s5 =	smul.u32 $0xA000, s6;
	s6 =	sadd.s32 $0xAD4600, s8;
	s8 =	simm.s32 $0xA000  }
.LBB2_1:
0xc: {  	s14 =	simm.s32 $0x40;
	s15 =	simm.s32 $0x0  }
.LBB2_2:
0xd: {  	p0 =	sne.s32 s14, $0x27FC0;
	[tilespmem:s15+$0x0] =	vst v0;
	s15 =	smov.u32 s14;
	s14 =	sadd.s32 $0x40, s14  }
.Ltmp0:
0xe: {  	(pc) =	sbr.rel @p0 .LBB2_2-.Ltmp0, $2  }
0xf: {  	_ =	sdelay $0x2  }
0x10: {  	s15 =	sshra.s32 s15, $0x2  }
0x11: {  	[tilespmem:s15+$0x0] =	vst v0;
	s14 =	simm.s32 $0x0;
	s15 =	simm.s32 $0x0  }
.LBB2_4:
0x12: {  	s16 =	sshll.u32 s15, $0xD  }
0x13: {  	s16 =	sadd.s32 s5, s16  }
0x14: {  	s16 =	sshrl.u32 s16, $0x3  }
0x15: {  	s17 =	sadd.s32 s3, s16  }
0x16: {  	[tilespmem:s8], [sflag:$0x1] =	stream.linear.gather [hbm4b:s17+s14], $0x2000, $0x38;
	[tilespmem:$0xE000] =	vst v63  }
0x17: {  	_ =	swait.ge [sflag:s9], $0x2000  }
0x18: {  	[sflag:s9] =	ssyncset.done $0x0  }
0x19: {  	s16 =	sadd.s32 s4, s16;
	[sflag:s9] =	ssyncadd.s32 $0xFFFFE000  }
0x1a: {  	[tilespmem:s10], [sflag:$0x1] =	stream.linear.gather [hbm4b:s16+s14], $0x2000, $0x38;
	[tilespmem:$0xE000] =	vst v63  }
0x1b: {  	_ =	swait.ge [sflag:s9], $0x2000  }
0x1c: {  	[sflag:s9] =	ssyncset.done $0x0  }
0x1d: {  	s17 =	simm.s32 $0x0;
	s16 =	simm.s32 $0x40;
	[sflag:s9] =	ssyncadd.s32 $0xFFFFE000  }
.LBB2_5:
0x1e: {  	p0 =	sne.s32 s16, $0x7FC0;
	v1 =	vld [tilespmem:s17+$0xC000];
	_ =	sdelay $0x2  }
0x1f: {  	v2 =	vld [tilespmem:s17+$0xA000]  }
.Ltmp1:
0x20: {  	(pc) =	sbr.rel @p0 .LBB2_5-.Ltmp1, $2  }
0x21: {  	_ =	sdelay $0x2  }
0x22: {  	s17 =	sshra.s32 s16, $0x2;
	s16 =	sadd.s32 $0x40, s16;
	[tilespmem:v1+s2+$0x0] =	vst.idx.add.f32.msk $0xffff, v2  }
0x23: {  	v1 =	vld [tilespmem:s17+$0xC000];
	_ =	sdelay $0x1  }
0x24: {  	s15 =	sadd.s32 $0x1, s15  }
0x25: {  	v2 =	vld [tilespmem:s17+$0xA000];
	p0 =	sne.s32 s15, $0x5  }
.Ltmp2:
0x26: {  	_ = 	snop;
	(pc) =	sbr.rel @p0 .LBB2_4-.Ltmp2, $2  }
0x27: {  	_ =	sdelay $0x2  }
0x28: {  	[tilespmem:v1+s2+$0x0] =	vst.idx.add.f32.msk $0xffff, v2  }
0x29: {  	s13 =	sadd.s32 $0x1, s13  }
0x2a: {  	p0 =	sne.s32 s13, s7  }
.Ltmp3:
0x2b: {  	_ = 	snop;
	(pc) =	sbr.rel @p0 .LBB2_1-.Ltmp3, $4  }
0x2c: {  	[hbm4b:s6+s11] =	stream.strided.scatter [tilespmem:s2], [sflag:$0x1], $0xA000, s12, s11, $0x38;
	[tilespmem:$0xE000] =	vst v63  }
0x2d: {  	_ =	swait.ge [sflag:s9], $0xA000  }
0x2e: {  	[sflag:s9] =	ssyncset.done $0x0  }
0x2f: {  	[sflag:s9] =	ssyncadd.s32 $0xFFFF6000  }
0x30: {  	_ =	sfence.sel $0x180000  }
0x31: {  	[bflag:$0x0] =	sbarrier.arrive $0xFFFF  }
0x32: {  	p0 =	sne.s32 s0, $0x0;
	_ =	strace $0x9000004A  }
0x33: {  	s0 =	sadd.s32 @!p0 $0x100000, s1;
	[bflag:$0x2] =	sbarrier.arrive $0xFFFF  }
0x34: {  	[sflag:s0] =	ssyncadd.tile.s32 @!p0 $0x1;
	_ =	shalt  }
.Lfunc_end2:
_tile_overlayer_lowered:
.L_overlay_start_2:
0x35: {  	(tag) =	ssettag $0x2  }
0x36: {  	s0 =	rddreg [dreg:$0x0];
	s2 =	stileid.u32  }
0x37: {  	s1 =	rddreg [dreg:$0x1];
	p0 =	sne.s32 s2, $0x0  }
0x38: {  	s3 =	rddreg [dreg:$0x2];
	[bflag:$0x3] =	sbarrier.arrive $0xFFFF;
	s2 =	simm.s32 @!p0 $0x1C01  }
0x39: {  	[timem:s3], [sflag:s2] =	dma.local @!p0 [hbm:s0], s1  }
0x3a: {  	s0 =	simm.s32 @!p0 $0x1  }
0x3b: {  	_ =	swait.ge @!p0 [sflag:s0], s1  }
0x3c: {  	s1 =	ssub.s32 @!p0 $0x0, s1;
	[sflag:s0] =	ssyncset.done @!p0 $0x0  }
0x3d: {  	[sflag:s0] =	ssyncadd.s32 @!p0 s1  }
0x3e: {  	[bflag:$0x3] =	sbarrier.arrive $0xFFFF  }
0x3f: {  	_ =	shalt  }

// kernel: kernel.34.cloned.1.call-start
scs
__scs_entry_jumppad:
0x0: {  	(pc) =	sbr.rel $0x88, $3  }
0x1: {  	(tag) =	ssettag $0x0;
	lr =	simm.s32 $0x1  }
0x2: {  	[smem:$0x3F73] =	sst lr;
	_ =	strace $0xD0000000  }
0x3: {  	_ = 	snop  }
0x4: {  	_ = 	snop  }
0x5: {  	_ = 	snop  }
0x6: {  	_ = 	snop  }
0x7: {  	_ = 	snop  }
__scs_overlays_trampoline_lowered:
0x8: {  	[smem:$0x3F82] =	sst s0  }
0x9: {  	[smem:$0x3F83] =	sst s1  }
0xa: {  	[smem:$0x3F84] =	sst s2  }
0xb: {  	[smem:$0x3F85] =	sst s3  }
0xc: {  	[smem:$0x3F86] =	sst s4  }
0xd: {  	[smem:$0x3F87] =	sst s5  }
0xe: {  	[smem:$0x3F88] =	sst s6  }
0xf: {  	[smem:$0x3F89] =	sst s7  }
0x10: {  	[smem:$0x3F8A] =	sst s8  }
0x11: {  	[smem:$0x3F8B] =	sst s9;
	s0 =	simm.s32 @!p0 $0x0  }
0x12: {  	s1 =	sld [smem:$0x3F71];
	s0 =	simm.s32 @p0 $0x1  }
0x13: {  	[smem:$0x3F8C] =	sst s0;
	s0 =	simm.s32 @!p1 $0x0  }
0x14: {  	s2 =	sld [smem:$0x3F70];
	s0 =	simm.s32 @p1 $0x1  }
0x15: {  	[smem:$0x3F8D] =	sst s0;
	s0 =	simm.s32 @!p2 $0x0  }
0x16: {  	s3 =	sld [smem:$0x3FDB];
	s0 =	simm.s32 @p2 $0x1  }
0x17: {  	s4 =	simm.s32 $0x1BF5;
	[smem:$0x3F8F] =	sst s0  }
0x18: {  	s0 =	sld [smem:$0x3F72];
	_ =	swait.ge [sflag:s4], $0x0  }
0x19: {  	s7 =	sld [smem:$0x3F73]  }
0x1a: {  	s8 =	sadd.s32 $0xFFFFE003, lr  }
0x1b: {  	s9 =	sadd.s32 $0xFFFFFEF7, lr;
	s5 =	simm.s32 $0xFFFFFFFF;
	p2 =	slt.u32 s8, $0xFFFFF086  }
0x1c: {  	p1 =	slt.u32 s9, $0xF7A;
	s5 =	simm.s32 @!p2 $0x0  }
0x1d: {  	s5 =	simm.s32 @p1 $0x1;
	p0 =	seq.s32 s7, s2  }
0x1e: {  	s7 =	smul.u32 @!p0 $0xF7A, s2;
	p2 =	seq.s32 @!p0 s5, $0x0  }
0x1f: {  	s9 =	smul.u32 $0xF7A, s1;
	s8 =	simm.s32 @!p0 $0x1BF5;
	p2 =	por !p2, p0  }
0x20: {  	[sflag:s8] =	ssyncset.s32 @!p0 $0xFFFFF086;
	s6 =	sadd.s32 @!p0 s3, s7;
	s7 =	simm.s32 @!p0 $0x108  }
0x21: {  	s3 =	sadd.s32 s3, s9;
	s6 =	sadd.s32 @!p0 $0x88, s6;
	s7 =	simm.s32 @p2 $0x1082  }
0x22: {  	[simem:s7], [sflag:s8] =	dma.local @!p0 [hbm:s6], $0xF7A  }
0x23: {  	s9 =	sor.u32 $0xD0000000, s2;
	s6 =	simm.s32 $0x108;
	_ =	swait.ge @!p0 [sflag:s8], $0x0  }
0x24: {  	s3 =	sadd.s32 $0x88, s3;
	s6 =	simm.s32 @!p1 $0x1082;
	[sflag:s4] =	ssyncset.s32 $0xFFFFF086  }
0x25: {  	[simem:s6], [sflag:s4] =	dma.local [hbm:s3], $0xF7A  }
0x26: {  	[smem:$0x3F73] =	sst s1;
	(tag) =	ssettag s2;
	_ =	strace s9  }
0x27: {  	s1 =	sld [smem:$0x3F83]  }
0x28: {  	s2 =	sld [smem:$0x3F84]  }
0x29: {  	s4 =	sld [smem:$0x3F86]  }
0x2a: {  	p0 =	seq.s32 s5, $0x0;
	s5 =	sld [smem:$0x3F87]  }
0x2b: {  	s6 =	sld [smem:$0x3F88]  }
0x2c: {  	s7 =	sld [smem:$0x3F89]  }
0x2d: {  	s3 =	simm.s32 $0x108;
	s8 =	sld [smem:$0x3F8A]  }
0x2e: {  	s3 =	simm.s32 @!p0 $0x1082;
	s9 =	sld [smem:$0x3F8B]  }
0x2f: {  	lr =	sadd.s32 s0, s3;
	s0 =	sld [smem:$0x3F82]  }
0x30: {  	s3 =	sld [smem:$0x3F85]  }
0x31: {  	[smem:$0x3F8E] =	sst s10  }
0x32: {  	s10 =	sld [smem:$0x3F8C];
	_ =	sdelay $0x3  }
0x33: {  	p0 =	seq.s32 s10, $0x1;
	s10 =	sld [smem:$0x3F8E];
	_ =	sdelay $0x3  }
0x34: {  	[smem:$0x3F8E] =	sst s10  }
0x35: {  	s10 =	sld [smem:$0x3F8D];
	_ =	sdelay $0x3  }
0x36: {  	p1 =	seq.s32 s10, $0x1;
	s10 =	sld [smem:$0x3F8E];
	_ =	sdelay $0x3  }
0x37: {  	[smem:$0x3F8E] =	sst s10  }
0x38: {  	s10 =	sld [smem:$0x3F8F]  }
0x39: {  	_ = 	snop;
	(pc) =	sbr.ind lr, $3  }
0x3a: {  	_ = 	snop  }
0x3b: {  	_ = 	snop  }
0x3c: {  	p2 =	seq.s32 s10, $0x1;
	s10 =	sld [smem:$0x3F8E]  }
0x3d: {  	_ =	shalt  }
0x3e: {  	_ =	shalt  }
0x3f: {  	_ =	shalt  }
0x40: {  	_ =	shalt  }
0x41: {  	_ =	shalt  }
0x42: {  	_ =	shalt  }
0x43: {  	_ =	shalt  }
0x44: {  	_ =	shalt  }
0x45: {  	_ =	shalt  }
0x46: {  	_ =	shalt  }
0x47: {  	_ =	shalt  }
0x48: {  	_ =	shalt  }
0x49: {  	_ =	shalt  }
0x4a: {  	_ =	shalt  }
0x4b: {  	_ =	shalt  }
0x4c: {  	_ =	shalt  }
0x4d: {  	_ =	shalt  }
0x4e: {  	_ =	shalt  }
0x4f: {  	_ =	shalt  }
0x50: {  	_ =	shalt  }
0x51: {  	_ =	shalt  }
0x52: {  	_ =	shalt  }
0x53: {  	_ =	shalt  }
0x54: {  	_ =	shalt  }
0x55: {  	_ =	shalt  }
0x56: {  	_ =	shalt  }
0x57: {  	_ =	shalt  }
0x58: {  	_ =	shalt  }
0x59: {  	_ =	shalt  }
0x5a: {  	_ =	shalt  }
0x5b: {  	_ =	shalt  }
0x5c: {  	_ =	shalt  }
0x5d: {  	_ =	shalt  }
0x5e: {  	_ =	shalt  }
0x5f: {  	_ =	shalt  }
0x60: {  	_ =	shalt  }
0x61: {  	_ =	shalt  }
0x62: {  	_ =	shalt  }
0x63: {  	_ =	shalt  }
0x64: {  	_ =	shalt  }
0x65: {  	_ =	shalt  }
0x66: {  	_ =	shalt  }
0x67: {  	_ =	shalt  }
0x68: {  	_ =	shalt  }
0x69: {  	_ =	shalt  }
0x6a: {  	_ =	shalt  }
0x6b: {  	_ =	shalt  }
0x6c: {  	_ =	shalt  }
0x6d: {  	_ =	shalt  }
0x6e: {  	_ =	shalt  }
0x6f: {  	_ =	shalt  }
0x70: {  	_ =	shalt  }
0x71: {  	_ =	shalt  }
0x72: {  	_ =	shalt  }
0x73: {  	_ =	shalt  }
0x74: {  	_ =	shalt  }
0x75: {  	_ =	shalt  }
0x76: {  	_ =	shalt  }
0x77: {  	_ =	shalt  }
0x78: {  	_ =	shalt  }
0x79: {  	_ =	shalt  }
0x7a: {  	_ =	shalt  }
0x7b: {  	_ =	shalt  }
0x7c: {  	_ =	shalt  }
0x7d: {  	_ =	shalt  }
0x7e: {  	_ =	shalt  }
0x7f: {  	_ =	shalt  }
0x80: {  	_ =	shalt  }
0x81: {  	_ =	shalt  }
0x82: {  	_ =	shalt  }
0x83: {  	_ =	shalt  }
0x84: {  	_ =	shalt  }
0x85: {  	_ =	shalt  }
0x86: {  	_ =	shalt  }
0x87: {  	_ =	shalt  }
.Lfunc_end0:
.L_simem_size_0:
called_computation.3_lowered:
.L_overlay_start_0:
0x88: {  	s2 =	sld [smem:$0x3FD9]  }
0x89: {  	s3 =	sld [smem:$0x3FFE];
	_ =	sdelay $0x1  }
0x8a: {  	s1 =	srdreg.scid  }
0x8b: {  	s0 =	sand.u32 $0x1, s1  }
0x8c: {  	s16 =	sshll.u32 s0, $0xA;
	s2 =	sadd.s32 s3, s2  }
0x8d: {  	s2 =	sadd.s32 s2, s16  }
0x8e: {  	[smem:$0x3F9A] =	sst s2  }
0x8f: {  	_ = 	snop  }
0x90: {  	(tm) =	ssettm $0x1  }
0x91: {  	s17 =	sld [smem:$0x3FFB];
	_ =	sdelay $0x3  }
0x92: {  	_ =	strace s17  }
0x93: {  	s2 =	sld [smem:$0x3FFC];
	_ =	sdelay $0x3  }
0x94: {  	_ =	strace s2  }
0x95: {  	s2 =	sld [smem:$0x3FFD];
	_ =	sdelay $0x3  }
0x96: {  	_ =	strace s2  }
0x97: {  	_ =	strace $0x8FFFFFFF  }
0x98: {  	s18 =	sld [smem:$0x3FDB];
	_ =	sdelay $0x1  }
0x99: {  	s19 =	simm.s32 $_scs_section_size  }
0x9a: {  	s4 =	simm.s32 $_size__tile_overlayer_lowered;
	s5 =	simm.s32 $_tile_overlayer_lowered  }
0x9b: {  	s22 =	simm.s32 $0x1BFF;
	s21 =	sshll.u32 s5, $0x1;
	s2 =	sadd.s32 s19, s18  }
0x9c: {  	s6 =	simm.s32 $0x0;
	s20 =	sshll.u32 s4, $0x1;
	s4 =	sadd.s32 s21, s2  }
0x9d: {  	[timem:s6], [sflag:s22] =	dma.local [hbm:s4], s20  }
0x9e: {  	_ =	swait.ge [sflag:s22], s20  }
0x9f: {  	s3 =	ssub.s32 $0x0, s20;
	[sflag:s22] =	ssyncset.done $0x0  }
0xa0: {  	[sflag:s22] =	ssyncadd.s32 s3;
	_ =	sdelay $0x1  }
0xa1: {  	s23 =	simm.s32 $0x1B8B  }
0xa2: {  	_ =	swait.ge [sflag:s23], $0x1  }
0xa3: {  	[sflag:s23] =	ssyncset.done $0x0  }
0xa4: {  	s25 =	simm.s32 $0x1B8E;
	s24 =	sld [smem:$0x3FFE];
	[sflag:s23] =	ssyncadd.s32 $0xFFFFFFFF  }
0xa5: {  	s26 =	simm.s32 $execute0_lowered;
	[smem:$0x3FD2] =	sst s25  }
0xa6: {  	s4 =	sshll.u32 s26, $0x1;
	_ =	strace $0x8000004C;
	[dreg:$0x1] =	wrdreg $0xFFFFFFFF  }
0xa7: {  	s28 =	simm.s32 $_size_execute0_lowered;
	s2 =	sadd.s32 s2, s4;
	[dreg:$0x0] =	wrdreg $0x0  }
0xa8: {  	s4 =	sshll.u32 s28, $0x1;
	[dreg:$0x2] =	wrdreg s2  }
0xa9: {  	[dreg:$0x3] =	wrdreg s4  }
0xaa: {  	[dreg:$0x4] =	wrdreg $0xC0  }
0xab: {  	_ =	task [dreg:s6], $0x5FFFF  }
0xac: {  	[dreg:$0x1] =	wrdreg $0xFFFFFFFF  }
0xad: {  	[dreg:$0x0] =	wrdreg $0x60  }
0xae: {  	[dreg:$0x2] =	wrdreg s24  }
0xaf: {  	[dreg:$0x3] =	wrdreg $0xA  }
0xb0: {  	_ =	task.clear_ibuf [dreg:s6], $0x4FFFF;
	_ =	strace $0x9000004C  }
0xb1: {  	s29 =	simm.s32 $0xA;
	_ =	strace $0x8000004E  }
0xb2: {  	_ =	swait.ge [sflag:s29], $0x1  }
0xb3: {  	[sflag:s29] =	ssyncadd.s32 $0xFFFFFFFF  }
0xb4: {  	_ =	strace $0x9000004E  }
0xb5: {  	_ =	sfence  }
0xb6: {  	s30 =	sld [smem:$0x0];
	_ =	sdelay $0x2  }
0xb7: {  	s31 =	sshll.u32 s1, $0xD;
	s1 =	sshrl.u32 s1, $0x2  }
0xb8: {  	s3 =	sand.u32 $0x4000, s31;
	s1 =	sadd.s32 s1, s30  }
0xb9: {  	s0 =	sor.u32 s3, s0;
	s1 =	sshll.u32 s1, $0x11  }
0xba: {  	s0 =	sor.u32 s1, s0  }
0xbb: {  	s0 =	sadd.s32 $0x8F2B, s0  }
0xbc: {  	[sflag:s0] =	ssyncadd.remote.s32 $0x1  }
0xbd: {  	_ =	sfence.sel $0xFFFF  }
0xbe: {  	[dreg:$0x0] =	wrdreg $0xFFFFFFFF;
	(pc) =	sbr.abs _section_cstart, $3  }
0xbf: {  	[dreg:$0x1] =	wrdreg $0xFFFFFFFF  }
0xc0: {  	_ =	task.clear_ibuf [dreg:s6], $0x2FFFF;
	_ =	strace $0x9FFFFFFF  }
0xc1: {  	(tm) =	ssettm $0x7FFFFFFF  }
tec
execute0_lowered:
.L_overlay_start_1:
0x0: {  	(tag) =	ssettag $0x1  }
0x1: {  	s6 =	rddreg [dreg:$0x0]  }
0x2: {  	s0 =	rddreg [dreg:$0x1];
	s1 =	simm.s32 $0x0  }
0x3: {  	s4 =	srdreg.scid;
	s2 =	stileid.u32;
	s11 =	simm.s32 $0xC000  }
0x4: {  	s12 =	simm.s32 $0xE000;
	s13 =	simm.s32 $0x0;
	[smem:$0x7FF] =	sst s1  }
0x5: {  	s3 =	sadd.s32 $0x36600, s6;
	s7 =	sand.u32 $0x1, s4;
	s4 =	sadd.s32 $0xAAC600, s6  }
0x6: {  	s9 =	sshll.u32 s2, $0x1;
	s5 =	sadd.s32 $0xE600, s6;
	s8 =	ssub.s32 $0x2, s7  }
0x7: {  	s6 =	sadd.s32 $0xAD4600, s6;
	_ =	strace $0x8000004D;
	s10 =	sshrl.u32 s8, $0x1  }
0x8: {  	s7 =	sor.u32 s7, s9;
	s9 =	simm.s32 $0x1;
	s8 =	ssub.s32 s8, s10  }
0x9: {  	s7 =	smul.u32 $0xA000, s7;
	s10 =	simm.s32 $0xA000;
	s8 =	smax.u32 s8, $0x1  }
.LBB2_1:
0xa: {  	[tilespmem:s1], [sflag:$0x1] =	stream.linear.gather [hbm4b:s5+s1], $0xA000, $0x38;
	[tilespmem:$0x10000] =	vst v63  }
0xb: {  	_ =	swait.ge [sflag:s9], $0xA000  }
0xc: {  	[sflag:s9] =	ssyncset.done $0x0  }
0xd: {  	s14 =	simm.s32 $0x0;
	[sflag:s9] =	ssyncadd.s32 $0xFFFF6000  }
.LBB2_2:
0xe: {  	s15 =	sshll.u32 s14, $0xD  }
0xf: {  	s15 =	sadd.s32 s7, s15  }
0x10: {  	s15 =	sshrl.u32 s15, $0x3  }
0x11: {  	s17 =	simm.s32 $0x0;
	s16 =	sadd.s32 s3, s15  }
0x12: {  	[tilespmem:s10], [sflag:$0x1] =	stream.linear.gather [hbm4b:s16+s17], $0x2000, $0x38;
	[tilespmem:$0x10000] =	vst v63  }
0x13: {  	_ =	swait.ge [sflag:s9], $0x2000  }
0x14: {  	[sflag:s9] =	ssyncset.done $0x0  }
0x15: {  	s31 =	sadd.s32 s4, s15;
	[sflag:s9] =	ssyncadd.s32 $0xFFFFE000  }
0x16: {  	[tilespmem:s11], [sflag:$0x1] =	stream.linear.gather [hbm4b:s31+s17], $0x2000, $0x38;
	[tilespmem:$0x10000] =	vst v63  }
0x17: {  	_ =	swait.ge [sflag:s9], $0x2000  }
0x18: {  	[sflag:s9] =	ssyncset.done $0x0  }
0x19: {  	s16 =	simm.s32 $0x0;
	[sflag:s9] =	ssyncadd.s32 $0xFFFFE000  }
0x1a: {  	v0 =	vld [tilespmem:s16+$0xC000];
	_ =	sdelay $0x7  }
0x1b: {  	v0 =	vld.idx.msk [tilespmem:v0+s1+$0x0], $0xffff;
	_ =	sdelay $0x4  }
0x1c: {  	v0 =	vadd.f32 $1.000000020e-16, v0;
	_ =	sdelay $0x1  }
0x1d: {  	(erf) = vrcp.f32 v0;
	_ =	sdelay $0x3  }
0x1e: {  	s18 =	simm.s32 $0x10;
	s17 =	simm.s32 $0x80;
	v0 =	vld [tilespmem:s16+$0xA000]  }
.LBB2_3:
0x1f: {  	p0 =	sne.s32 s17, $0x7FC0;
	v1 =	vld [tilespmem:s18+$0xC000];
	_ =	sdelay $0x3  }
0x20: {  	v2 =	vpop (erf)  }
0x21: {  	v0 =	vmul.f32 v2, v0;
	_ =	sdelay $0x1  }
0x22: {  	[tilespmem:s16+$0xE000] =	vst v0;
	s16 =	smov.u32 s18  }
0x23: {  	v0 =	vld.idx.msk [tilespmem:v1+s1+$0x0], $0xffff;
	_ =	sdelay $0x5  }
0x24: {  	v0 =	vadd.f32 $1.000000020e-16, v0;
	_ =	sdelay $0x1  }
.Ltmp0:
0x25: {  	(erf) = vrcp.f32 v0;
	(pc) =	sbr.rel @p0 .LBB2_3-.Ltmp0, $2  }
0x26: {  	_ =	sdelay $0x2  }
0x27: {  	s18 =	sshra.s32 s17, $0x2;
	s17 =	sadd.s32 $0x40, s17;
	v0 =	vld [tilespmem:s16+$0xA000]  }
0x28: {  	v1 =	vld [tilespmem:s18+$0xC000];
	_ =	sdelay $0x3  }
0x29: {  	v2 =	vpop (erf)  }
0x2a: {  	v0 =	vmul.f32 v2, v0;
	_ =	sdelay $0x1  }
0x2b: {  	[tilespmem:s16+$0xE000] =	vst v0  }
0x2c: {  	v0 =	vld.idx.msk [tilespmem:v1+s1+$0x0], $0xffff;
	_ =	sdelay $0x4  }
0x2d: {  	v0 =	vadd.f32 $1.000000020e-16, v0;
	_ =	sdelay $0x1  }
0x2e: {  	(erf) = vrcp.f32 v0;
	_ =	sdelay $0x4  }
0x2f: {  	v62 =	vld [tilespmem:s18+$0xA000];
	_ =	sdelay $0x3  }
0x30: {  	v63 =	vpop (erf)  }
0x31: {  	s14 =	sadd.s32 $0x1, s14;
	v0 =	vmul.f32 v63, v62  }
0x32: {  	p0 =	sne.s32 s14, $0x5  }
.Ltmp1:
0x33: {  	s15 =	sadd.s32 s6, s15;
	[tilespmem:s18+$0xE000] =	vst v0;
	(pc) =	sbr.rel @p0 .LBB2_2-.Ltmp1, $4  }
0x34: {  	[hbm4b:s15+s1] =	stream.linear.scatter [tilespmem:s12], [sflag:$0x1], $0x2000, $0x38;
	[tilespmem:$0x10000] =	vst v63  }
0x35: {  	_ =	swait.ge [sflag:s9], $0x2000  }
0x36: {  	[sflag:s9] =	ssyncset.done $0x0  }
0x37: {  	[sflag:s9] =	ssyncadd.s32 $0xFFFFE000  }
0x38: {  	s13 =	sadd.s32 $0x1, s13  }
0x39: {  	p0 =	sne.s32 s13, s8  }
.Ltmp2:
0x3a: {  	_ = 	snop;
	(pc) =	sbr.rel @p0 .LBB2_1-.Ltmp2, $1  }
0x3b: {  	_ =	sdelay $0x3  }
0x3c: {  	_ =	sfence.sel $0x180000  }
0x3d: {  	[bflag:$0x0] =	sbarrier.arrive $0xFFFF  }
0x3e: {  	p0 =	sne.s32 s2, $0x0;
	_ =	strace $0x9000004D  }
0x3f: {  	s0 =	sadd.s32 @!p0 $0x100000, s0;
	[bflag:$0x2] =	sbarrier.arrive $0xFFFF  }
0x40: {  	[sflag:s0] =	ssyncadd.tile.s32 @!p0 $0x1;
	_ =	shalt  }
.Lfunc_end2:
_tile_overlayer_lowered:
.L_overlay_start_2:
0x41: {  	(tag) =	ssettag $0x2  }
0x42: {  	s0 =	rddreg [dreg:$0x0];
	s2 =	stileid.u32  }
0x43: {  	s1 =	rddreg [dreg:$0x1];
	p0 =	sne.s32 s2, $0x0  }
0x44: {  	s3 =	rddreg [dreg:$0x2];
	[bflag:$0x3] =	sbarrier.arrive $0xFFFF;
	s2 =	simm.s32 @!p0 $0x1C01  }
0x45: {  	[timem:s3], [sflag:s2] =	dma.local @!p0 [hbm:s0], s1  }
0x46: {  	s0 =	simm.s32 @!p0 $0x1  }
0x47: {  	_ =	swait.ge @!p0 [sflag:s0], s1  }
0x48: {  	s1 =	ssub.s32 @!p0 $0x0, s1;
	[sflag:s0] =	ssyncset.done @!p0 $0x0  }
0x49: {  	[sflag:s0] =	ssyncadd.s32 @!p0 s1  }
0x4a: {  	[bflag:$0x3] =	sbarrier.arrive $0xFFFF  }
0x4b: {  	_ =	shalt  }

// kernel: kernel.37.cloned.1.call-start
scs
__scs_entry_jumppad:
0x0: {  	(pc) =	sbr.rel $0x88, $3  }
0x1: {  	(tag) =	ssettag $0x0;
	lr =	simm.s32 $0x1  }
0x2: {  	[smem:$0x3F73] =	sst lr;
	_ =	strace $0xD0000000  }
0x3: {  	_ = 	snop  }
0x4: {  	_ = 	snop  }
0x5: {  	_ = 	snop  }
0x6: {  	_ = 	snop  }
0x7: {  	_ = 	snop  }
__scs_overlays_trampoline_lowered:
0x8: {  	[smem:$0x3F82] =	sst s0  }
0x9: {  	[smem:$0x3F83] =	sst s1  }
0xa: {  	[smem:$0x3F84] =	sst s2  }
0xb: {  	[smem:$0x3F85] =	sst s3  }
0xc: {  	[smem:$0x3F86] =	sst s4  }
0xd: {  	[smem:$0x3F87] =	sst s5  }
0xe: {  	[smem:$0x3F88] =	sst s6  }
0xf: {  	[smem:$0x3F89] =	sst s7  }
0x10: {  	[smem:$0x3F8A] =	sst s8  }
0x11: {  	[smem:$0x3F8B] =	sst s9;
	s0 =	simm.s32 @!p0 $0x0  }
0x12: {  	s1 =	sld [smem:$0x3F71];
	s0 =	simm.s32 @p0 $0x1  }
0x13: {  	[smem:$0x3F8C] =	sst s0;
	s0 =	simm.s32 @!p1 $0x0  }
0x14: {  	s2 =	sld [smem:$0x3F70];
	s0 =	simm.s32 @p1 $0x1  }
0x15: {  	[smem:$0x3F8D] =	sst s0;
	s0 =	simm.s32 @!p2 $0x0  }
0x16: {  	s3 =	sld [smem:$0x3FDB];
	s0 =	simm.s32 @p2 $0x1  }
0x17: {  	s4 =	simm.s32 $0x1BF5;
	[smem:$0x3F8F] =	sst s0  }
0x18: {  	s0 =	sld [smem:$0x3F72];
	_ =	swait.ge [sflag:s4], $0x0  }
0x19: {  	s7 =	sld [smem:$0x3F73]  }
0x1a: {  	s8 =	sadd.s32 $0xFFFFE003, lr  }
0x1b: {  	s9 =	sadd.s32 $0xFFFFFEF7, lr;
	s5 =	simm.s32 $0xFFFFFFFF;
	p2 =	slt.u32 s8, $0xFFFFF086  }
0x1c: {  	p1 =	slt.u32 s9, $0xF7A;
	s5 =	simm.s32 @!p2 $0x0  }
0x1d: {  	s5 =	simm.s32 @p1 $0x1;
	p0 =	seq.s32 s7, s2  }
0x1e: {  	s7 =	smul.u32 @!p0 $0xF7A, s2;
	p2 =	seq.s32 @!p0 s5, $0x0  }
0x1f: {  	s9 =	smul.u32 $0xF7A, s1;
	s8 =	simm.s32 @!p0 $0x1BF5;
	p2 =	por !p2, p0  }
0x20: {  	[sflag:s8] =	ssyncset.s32 @!p0 $0xFFFFF086;
	s6 =	sadd.s32 @!p0 s3, s7;
	s7 =	simm.s32 @!p0 $0x108  }
0x21: {  	s3 =	sadd.s32 s3, s9;
	s6 =	sadd.s32 @!p0 $0x88, s6;
	s7 =	simm.s32 @p2 $0x1082  }
0x22: {  	[simem:s7], [sflag:s8] =	dma.local @!p0 [hbm:s6], $0xF7A  }
0x23: {  	s9 =	sor.u32 $0xD0000000, s2;
	s6 =	simm.s32 $0x108;
	_ =	swait.ge @!p0 [sflag:s8], $0x0  }
0x24: {  	s3 =	sadd.s32 $0x88, s3;
	s6 =	simm.s32 @!p1 $0x1082;
	[sflag:s4] =	ssyncset.s32 $0xFFFFF086  }
0x25: {  	[simem:s6], [sflag:s4] =	dma.local [hbm:s3], $0xF7A  }
0x26: {  	[smem:$0x3F73] =	sst s1;
	(tag) =	ssettag s2;
	_ =	strace s9  }
0x27: {  	s1 =	sld [smem:$0x3F83]  }
0x28: {  	s2 =	sld [smem:$0x3F84]  }
0x29: {  	s4 =	sld [smem:$0x3F86]  }
0x2a: {  	p0 =	seq.s32 s5, $0x0;
	s5 =	sld [smem:$0x3F87]  }
0x2b: {  	s6 =	sld [smem:$0x3F88]  }
0x2c: {  	s7 =	sld [smem:$0x3F89]  }
0x2d: {  	s3 =	simm.s32 $0x108;
	s8 =	sld [smem:$0x3F8A]  }
0x2e: {  	s3 =	simm.s32 @!p0 $0x1082;
	s9 =	sld [smem:$0x3F8B]  }
0x2f: {  	lr =	sadd.s32 s0, s3;
	s0 =	sld [smem:$0x3F82]  }
0x30: {  	s3 =	sld [smem:$0x3F85]  }
0x31: {  	[smem:$0x3F8E] =	sst s10  }
0x32: {  	s10 =	sld [smem:$0x3F8C];
	_ =	sdelay $0x3  }
0x33: {  	p0 =	seq.s32 s10, $0x1;
	s10 =	sld [smem:$0x3F8E];
	_ =	sdelay $0x3  }
0x34: {  	[smem:$0x3F8E] =	sst s10  }
0x35: {  	s10 =	sld [smem:$0x3F8D];
	_ =	sdelay $0x3  }
0x36: {  	p1 =	seq.s32 s10, $0x1;
	s10 =	sld [smem:$0x3F8E];
	_ =	sdelay $0x3  }
0x37: {  	[smem:$0x3F8E] =	sst s10  }
0x38: {  	s10 =	sld [smem:$0x3F8F]  }
0x39: {  	_ = 	snop;
	(pc) =	sbr.ind lr, $3  }
0x3a: {  	_ = 	snop  }
0x3b: {  	_ = 	snop  }
0x3c: {  	p2 =	seq.s32 s10, $0x1;
	s10 =	sld [smem:$0x3F8E]  }
0x3d: {  	_ =	shalt  }
0x3e: {  	_ =	shalt  }
0x3f: {  	_ =	shalt  }
0x40: {  	_ =	shalt  }
0x41: {  	_ =	shalt  }
0x42: {  	_ =	shalt  }
0x43: {  	_ =	shalt  }
0x44: {  	_ =	shalt  }
0x45: {  	_ =	shalt  }
0x46: {  	_ =	shalt  }
0x47: {  	_ =	shalt  }
0x48: {  	_ =	shalt  }
0x49: {  	_ =	shalt  }
0x4a: {  	_ =	shalt  }
0x4b: {  	_ =	shalt  }
0x4c: {  	_ =	shalt  }
0x4d: {  	_ =	shalt  }
0x4e: {  	_ =	shalt  }
0x4f: {  	_ =	shalt  }
0x50: {  	_ =	shalt  }
0x51: {  	_ =	shalt  }
0x52: {  	_ =	shalt  }
0x53: {  	_ =	shalt  }
0x54: {  	_ =	shalt  }
0x55: {  	_ =	shalt  }
0x56: {  	_ =	shalt  }
0x57: {  	_ =	shalt  }
0x58: {  	_ =	shalt  }
0x59: {  	_ =	shalt  }
0x5a: {  	_ =	shalt  }
0x5b: {  	_ =	shalt  }
0x5c: {  	_ =	shalt  }
0x5d: {  	_ =	shalt  }
0x5e: {  	_ =	shalt  }
0x5f: {  	_ =	shalt  }
0x60: {  	_ =	shalt  }
0x61: {  	_ =	shalt  }
0x62: {  	_ =	shalt  }
0x63: {  	_ =	shalt  }
0x64: {  	_ =	shalt  }
0x65: {  	_ =	shalt  }
0x66: {  	_ =	shalt  }
0x67: {  	_ =	shalt  }
0x68: {  	_ =	shalt  }
0x69: {  	_ =	shalt  }
0x6a: {  	_ =	shalt  }
0x6b: {  	_ =	shalt  }
0x6c: {  	_ =	shalt  }
0x6d: {  	_ =	shalt  }
0x6e: {  	_ =	shalt  }
0x6f: {  	_ =	shalt  }
0x70: {  	_ =	shalt  }
0x71: {  	_ =	shalt  }
0x72: {  	_ =	shalt  }
0x73: {  	_ =	shalt  }
0x74: {  	_ =	shalt  }
0x75: {  	_ =	shalt  }
0x76: {  	_ =	shalt  }
0x77: {  	_ =	shalt  }
0x78: {  	_ =	shalt  }
0x79: {  	_ =	shalt  }
0x7a: {  	_ =	shalt  }
0x7b: {  	_ =	shalt  }
0x7c: {  	_ =	shalt  }
0x7d: {  	_ =	shalt  }
0x7e: {  	_ =	shalt  }
0x7f: {  	_ =	shalt  }
0x80: {  	_ =	shalt  }
0x81: {  	_ =	shalt  }
0x82: {  	_ =	shalt  }
0x83: {  	_ =	shalt  }
0x84: {  	_ =	shalt  }
0x85: {  	_ =	shalt  }
0x86: {  	_ =	shalt  }
0x87: {  	_ =	shalt  }
.Lfunc_end0:
.L_simem_size_0:
called_computation.4_lowered:
.L_overlay_start_0:
0x88: {  	s2 =	sld [smem:$0x3FD9]  }
0x89: {  	s3 =	sld [smem:$0x3FFE];
	_ =	sdelay $0x1  }
0x8a: {  	s1 =	srdreg.scid  }
0x8b: {  	s0 =	sand.u32 $0x1, s1  }
0x8c: {  	s16 =	sshll.u32 s0, $0xA;
	s2 =	sadd.s32 s3, s2  }
0x8d: {  	s2 =	sadd.s32 s2, s16  }
0x8e: {  	[smem:$0x3F9A] =	sst s2  }
0x8f: {  	_ = 	snop  }
0x90: {  	(tm) =	ssettm $0x1  }
0x91: {  	s17 =	sld [smem:$0x3FFB];
	_ =	sdelay $0x3  }
0x92: {  	_ =	strace s17  }
0x93: {  	s2 =	sld [smem:$0x3FFC];
	_ =	sdelay $0x3  }
0x94: {  	_ =	strace s2  }
0x95: {  	s2 =	sld [smem:$0x3FFD];
	_ =	sdelay $0x3  }
0x96: {  	_ =	strace s2  }
0x97: {  	_ =	strace $0x8FFFFFFF  }
0x98: {  	s18 =	sld [smem:$0x3FDB];
	_ =	sdelay $0x1  }
0x99: {  	s19 =	simm.s32 $_scs_section_size  }
0x9a: {  	s4 =	simm.s32 $_size__tile_overlayer_lowered;
	s5 =	simm.s32 $_tile_overlayer_lowered  }
0x9b: {  	s22 =	simm.s32 $0x1BFF;
	s21 =	sshll.u32 s5, $0x1;
	s2 =	sadd.s32 s19, s18  }
0x9c: {  	s6 =	simm.s32 $0x0;
	s20 =	sshll.u32 s4, $0x1;
	s4 =	sadd.s32 s21, s2  }
0x9d: {  	[timem:s6], [sflag:s22] =	dma.local [hbm:s4], s20  }
0x9e: {  	_ =	swait.ge [sflag:s22], s20  }
0x9f: {  	s3 =	ssub.s32 $0x0, s20;
	[sflag:s22] =	ssyncset.done $0x0  }
0xa0: {  	[sflag:s22] =	ssyncadd.s32 s3;
	_ =	sdelay $0x1  }
0xa1: {  	s23 =	simm.s32 $0x1B8B  }
0xa2: {  	_ =	swait.ge [sflag:s23], $0x1  }
0xa3: {  	[sflag:s23] =	ssyncset.done $0x0  }
0xa4: {  	s25 =	simm.s32 $0x1B8E;
	s24 =	sld [smem:$0x3FFE];
	[sflag:s23] =	ssyncadd.s32 $0xFFFFFFFF  }
0xa5: {  	s26 =	simm.s32 $execute0_lowered;
	[smem:$0x3FD2] =	sst s25  }
0xa6: {  	s4 =	sshll.u32 s26, $0x1;
	_ =	strace $0x80000052;
	[dreg:$0x1] =	wrdreg $0xFFFFFFFF  }
0xa7: {  	s28 =	simm.s32 $_size_execute0_lowered;
	s2 =	sadd.s32 s2, s4;
	[dreg:$0x0] =	wrdreg $0x0  }
0xa8: {  	s4 =	sshll.u32 s28, $0x1;
	[dreg:$0x2] =	wrdreg s2  }
0xa9: {  	[dreg:$0x3] =	wrdreg s4  }
0xaa: {  	[dreg:$0x4] =	wrdreg $0xC0  }
0xab: {  	_ =	task [dreg:s6], $0x5FFFF  }
0xac: {  	[dreg:$0x1] =	wrdreg $0xFFFFFFFF  }
0xad: {  	[dreg:$0x0] =	wrdreg $0x60  }
0xae: {  	[dreg:$0x2] =	wrdreg s24  }
0xaf: {  	[dreg:$0x3] =	wrdreg $0xA8000  }
0xb0: {  	[dreg:$0x4] =	wrdreg $0x9  }
0xb1: {  	_ =	task.clear_ibuf [dreg:s6], $0x5FFFF;
	_ =	strace $0x90000052  }
0xb2: {  	s29 =	simm.s32 $0x9;
	_ =	strace $0x80000054  }
0xb3: {  	_ =	swait.ge [sflag:s29], $0x1  }
0xb4: {  	[sflag:s29] =	ssyncadd.s32 $0xFFFFFFFF  }
0xb5: {  	_ =	strace $0x90000054  }
0xb6: {  	_ =	sfence  }
0xb7: {  	s30 =	sld [smem:$0x0];
	_ =	sdelay $0x2  }
0xb8: {  	s31 =	sshll.u32 s1, $0xD;
	s1 =	sshrl.u32 s1, $0x2  }
0xb9: {  	s3 =	sand.u32 $0x4000, s31;
	s1 =	sadd.s32 s1, s30  }
0xba: {  	s0 =	sor.u32 s3, s0;
	s1 =	sshll.u32 s1, $0x11  }
0xbb: {  	s0 =	sor.u32 s1, s0  }
0xbc: {  	s0 =	sadd.s32 $0x8F2B, s0  }
0xbd: {  	[sflag:s0] =	ssyncadd.remote.s32 $0x1  }
0xbe: {  	_ =	sfence.sel $0xFFFF  }
0xbf: {  	[dreg:$0x0] =	wrdreg $0xFFFFFFFF;
	(pc) =	sbr.abs _section_cstart, $3  }
0xc0: {  	[dreg:$0x1] =	wrdreg $0xFFFFFFFF  }
0xc1: {  	_ =	task.clear_ibuf [dreg:s6], $0x2FFFF;
	_ =	strace $0x9FFFFFFF  }
0xc2: {  	(tm) =	ssettm $0x7FFFFFFF  }
0xc3: {  	_ =	shalt  }
tec
execute0_lowered:
.L_overlay_start_1:
0x0: {  	(tag) =	ssettag $0x1  }
0x1: {  	s0 =	srdreg.scid;
	s1 =	rddreg [dreg:$0x0]  }
0x2: {  	s13 =	stileid.u32;
	s2 =	rddreg [dreg:$0x1]  }
0x3: {  	s28 =	simm.s32 $0x2;
	s31 =	simm.s32 $0x0;
	s11 =	smul.u32 $0x5, s13  }
0x4: {  	s0 =	sand.u32 $0x1, s0;
	s3 =	sshll.u32 s13, $0x1;
	s15 =	smul.u32 $0x50000, s13  }
0x5: {  	s6 =	sadd.s32 $0x198E800, s1;
	s5 =	sor.u32 s0, s3;
	s8 =	smul.u32 $0x28000, s0  }
0x6: {  	s3 =	simm.s32 $0x0;
	s9 =	ssub.s32 $0x2, s0;
	s0 =	smul.u32 $0x140000, s0  }
0x7: {  	s19 =	sshll.u32 s13, $0x6;
	s4 =	smul.u32 $0x2800, s5;
	[smem:$0x7FF] =	sst s3  }
0x8: {  	s10 =	sshrl.u32 s9, $0x1;
	s12 =	smul.u32 $0x28000, s5;
	s5 =	sor.u32 $0x1C03, s19  }
0x9: {  	s20 =	sshrl.u32 s15, $0x2;
	s16 =	sadd.s32 $0x1, s11;
	s17 =	sadd.s32 $0x2, s11  }
0xa: {  	s18 =	sadd.s32 $0x3, s11;
	s19 =	smul.u32 $0x280000, s13;
	s29 =	sadd.s32 s15, s6  }
0xb: {  	_ =	strace $0x80000053;
	s9 =	ssub.s32 s9, s10;
	s21 =	sshll.u32 s16, $0xE  }
0xc: {  	s23 =	sshll.u32 s17, $0xE;
	s24 =	sshll.u32 s18, $0xE;
	s30 =	sadd.s32 s8, s29  }
0xd: {  	s4 =	sshrl.u32 s4, $0x3;
	s14 =	sadd.s32 s6, s12;
	s9 =	smax.u32 s9, $0x1  }
0xe: {  	s22 =	sadd.s32 s21, s2;
	s25 =	sadd.s32 s23, s2;
	s12 =	sadd.s32 s24, s2  }
0xf: {  	s0 =	sadd.s32 s0, s19;
	s21 =	sshll.u32 s16, $0xB;
	s23 =	sshll.u32 s18, $0xB  }
0x10: {  	s16 =	sadd.s32 $0x800, s30;
	s18 =	simm.s32 $0x2800;
	[dreg:$0x5] =	wrdreg s9  }
0x11: {  	s19 =	simm.s32 $0x1;
	s7 =	sadd.s32 s4, s1;
	[dreg:$0x6] =	wrdreg s22  }
0x12: {  	s4 =	sadd.s32 $0xE600, s1;
	s1 =	sadd.s32 s8, s1;
	[dreg:$0x7] =	wrdreg s25  }
0x13: {  	s22 =	sshll.u32 s17, $0xB;
	s0 =	sor.u32 $0x8000, s0;
	s17 =	simm.s32 $0x3  }
0x14: {  	s25 =	simm.s32 $0x6800;
	s7 =	sadd.s32 $0x22600, s7;
	s1 =	sadd.s32 $0xAD4600, s1  }
0x15: {  	s0 =	sshrl.u32 s0, $0x3;
	[dreg:$0x3] =	wrdreg s7;
	s7 =	sadd.s32 s20, s2  }
0x16: {  	s20 =	sadd.s32 $0x4, s11;
	s11 =	smov.u32 s14;
	s14 =	sadd.s32 $0x27800, s14  }
0x17: {  	s15 =	sadd.s32 s0, s6;
	s21 =	sadd.s32 s21, s1;
	s22 =	sadd.s32 s22, s1  }
0x18: {  	[dreg:$0x4] =	wrdreg s7;
	s7 =	smul.u32 $0x2800, s13;
	s26 =	sshll.u32 s20, $0xE  }
0x19: {  	s23 =	sadd.s32 s23, s1;
	s24 =	sshll.u32 s20, $0xB;
	s13 =	sadd.s32 s26, s2  }
0x1a: {  	s24 =	sadd.s32 s24, s1;
	s26 =	simm.s32 $0x80;
	s20 =	sadd.s32 s7, s1  }
.LBB2_1:
0x1b: {  	s0 =	rddreg [dreg:$0x4]  }
0x1c: {  	s1 =	sshrl.u32 s0, $0x3  }
0x1d: {  	[spmem:s1], [sflag:s5] =	dma.local [hbm:s4], $0x800  }
0x1e: {  	_ =	swait.ge [sflag:s17], $0x800  }
0x1f: {  	[sflag:s17] =	ssyncset.done $0x0;
	s7 =	rddreg [dreg:$0x6]  }
0x20: {  	[sflag:s17] =	ssyncadd.s32 $0xFFFFF800;
	s0 =	sshrl.u32 s7, $0x3  }
0x21: {  	[spmem:s0], [sflag:s5] =	dma.local [hbm:s4], $0x800  }
0x22: {  	_ =	swait.ge [sflag:s17], $0x800  }
0x23: {  	[sflag:s17] =	ssyncset.done $0x0;
	s6 =	rddreg [dreg:$0x7]  }
0x24: {  	[sflag:s17] =	ssyncadd.s32 $0xFFFFF800;
	s29 =	sshrl.u32 s6, $0x3  }
0x25: {  	[spmem:s29], [sflag:s5] =	dma.local [hbm:s4], $0x800  }
0x26: {  	_ =	swait.ge [sflag:s17], $0x800  }
0x27: {  	[sflag:s17] =	ssyncset.done $0x0  }
0x28: {  	s30 =	sshrl.u32 s12, $0x3;
	[sflag:s17] =	ssyncadd.s32 $0xFFFFF800  }
0x29: {  	[spmem:s30], [sflag:s5] =	dma.local [hbm:s4], $0x800  }
0x2a: {  	_ =	swait.ge [sflag:s17], $0x800  }
0x2b: {  	[sflag:s17] =	ssyncset.done $0x0  }
0x2c: {  	s6 =	sshrl.u32 s13, $0x3;
	[sflag:s17] =	ssyncadd.s32 $0xFFFFF800  }
0x2d: {  	[spmem:s6], [sflag:s5] =	dma.local [hbm:s4], $0x800  }
0x2e: {  	_ =	swait.ge [sflag:s17], $0x800  }
0x2f: {  	[sflag:s17] =	ssyncset.done $0x0  }
0x30: {  	[sflag:s17] =	ssyncadd.s32 $0xFFFFF800  }
0x31: {  	[bflag:$0x0] =	sbarrier.arrive $0xFFFF  }
0x32: {  	s7 =	rddreg [dreg:$0x3]  }
0x33: {  	[tilespmem:s3], [sflag:$0x3] =	stream.linear.gather [hbm4b:s7+s3], $0x2800, $0x38;
	[tilespmem:$0x1E800] =	vst v63  }
0x34: {  	_ =	swait.ge [sflag:s17], $0x2800  }
0x35: {  	[sflag:s17] =	ssyncset.done $0x0  }
0x36: {  	[sflag:s17] =	ssyncadd.s32 $0xFFFFD800  }
0x37: {  	[tilespmem:s18], [sflag:$0x1] =	stream.linear.gather [hbm4b:s11+s3], $0x4000, $0x38;
	[tilespmem:$0x1E800] =	vst v63  }
0x38: {  	_ =	swait.ge [sflag:s19], $0x4000  }
0x39: {  	[sflag:s19] =	ssyncset.done $0x0  }
0x3a: {  	s8 =	sadd.s32 $0x0, s16;
	[sflag:s19] =	ssyncadd.s32 $0xFFFFC000  }
0x3b: {  	[tilespmem:s25], [sflag:$0x2] =	stream.linear.gather [hbm4b:s8+s3], $0x4000, $0x38;
	[tilespmem:$0x1E800] =	vst v63  }
0x3c: {  	_ = 	snop  }
0x3d: {  	[spmem:s2] =	stream.indirect.scatter.add.f32 [tilespmem:s18], [sflag:$0x3], $0x80, s3, s26, $0xb8;
	[tilespmem:$0x1E800] =	vst v63  }
0x3e: {  	_ =	swait.ge [sflag:s17], $0x4000  }
0x3f: {  	[sflag:s17] =	ssyncset.done $0x0  }
0x40: {  	[sflag:s17] =	ssyncadd.s32 $0xFFFFC000  }
0x41: {  	_ =	swait.ge [sflag:s28], $0x4000  }
0x42: {  	[sflag:s28] =	ssyncset.done $0x0  }
0x43: {  	s9 =	sadd.s32 $0x0, s15;
	[sflag:s28] =	ssyncadd.s32 $0xFFFFC000  }
0x44: {  	[tilespmem:s18], [sflag:$0x1] =	stream.linear.gather [hbm4b:s9+s3], $0x4000, $0x38;
	[tilespmem:$0x1E800] =	vst v63  }
0x45: {  	s10 =	simm.s32 $0x80  }
0x46: {  	[spmem:s2] =	stream.indirect.scatter.add.f32 [tilespmem:s25], [sflag:$0x3], $0x80, s10, s26, $0xb8;
	[tilespmem:$0x1E800] =	vst v63  }
0x47: {  	_ =	swait.ge [sflag:s17], $0x4000  }
0x48: {  	s7 =	simm.s32 $0x0;
	s8 =	simm.s32 $0x1000;
	[sflag:s17] =	ssyncset.done $0x0  }
.LBB2_2:
0x49: {  	p0 =	sne.s32 s8, $0x26000;
	[sflag:s17] =	ssyncadd.s32 $0xFFFFC000;
	s7 =	sadd.s32 $0x100, s7  }
0x4a: {  	s9 =	smov.u32 s8;
	s8 =	sadd.s32 $0x1000, s8  }
0x4b: {  	_ =	swait.ge [sflag:s19], $0x4000  }
0x4c: {  	[sflag:s19] =	ssyncset.done $0x0  }
0x4d: {  	s10 =	sadd.s32 s9, s16;
	[sflag:s19] =	ssyncadd.s32 $0xFFFFC000  }
0x4e: {  	[tilespmem:s25], [sflag:$0x2] =	stream.linear.gather [hbm4b:s10+s3], $0x4000, $0x38;
	[tilespmem:$0x1E800] =	vst v63  }
0x4f: {  	_ = 	snop  }
0x50: {  	[spmem:s2] =	stream.indirect.scatter.add.f32 [tilespmem:s18], [sflag:$0x3], $0x80, s7, s26, $0xb8;
	[tilespmem:$0x1E800] =	vst v63  }
0x51: {  	_ =	swait.ge [sflag:s17], $0x4000  }
0x52: {  	[sflag:s17] =	ssyncset.done $0x0  }
0x53: {  	[sflag:s17] =	ssyncadd.s32 $0xFFFFC000  }
0x54: {  	_ =	swait.ge [sflag:s28], $0x4000  }
0x55: {  	[sflag:s28] =	ssyncset.done $0x0  }
0x56: {  	s9 =	sadd.s32 s9, s15;
	[sflag:s28] =	ssyncadd.s32 $0xFFFFC000  }
0x57: {  	[tilespmem:s18], [sflag:$0x1] =	stream.linear.gather [hbm4b:s9+s3], $0x4000, $0x38;
	[tilespmem:$0x1E800] =	vst v63  }
.Ltmp0:
0x58: {  	_ = 	snop;
	(pc) =	sbr.rel @p0 .LBB2_2-.Ltmp0, $4  }
0x59: {  	s9 =	sadd.s32 $0x80, s7  }
0x5a: {  	[spmem:s2] =	stream.indirect.scatter.add.f32 [tilespmem:s25], [sflag:$0x3], $0x80, s9, s26, $0xb8;
	[tilespmem:$0x1E800] =	vst v63  }
0x5b: {  	_ =	swait.ge [sflag:s17], $0x4000  }
0x5c: {  	[sflag:s17] =	ssyncset.done $0x0  }
0x5d: {  	[sflag:s17] =	ssyncadd.s32 $0xFFFFC000  }
0x5e: {  	_ =	swait.ge [sflag:s19], $0x4000  }
0x5f: {  	[sflag:s19] =	ssyncset.done $0x0  }
0x60: {  	[sflag:s19] =	ssyncadd.s32 $0xFFFFC000  }
0x61: {  	[tilespmem:s25], [sflag:$0x2] =	stream.linear.gather [hbm4b:s14+s3], $0x4000, $0x38;
	[tilespmem:$0x1E800] =	vst v63  }
0x62: {  	s7 =	simm.s32 $0x2700  }
0x63: {  	[spmem:s2] =	stream.indirect.scatter.add.f32 [tilespmem:s18], [sflag:$0x3], $0x80, s7, s26, $0xb8;
	[tilespmem:$0x1E800] =	vst v63  }
0x64: {  	_ =	swait.ge [sflag:s17], $0x4000  }
0x65: {  	[sflag:s17] =	ssyncset.done $0x0  }
0x66: {  	[sflag:s17] =	ssyncadd.s32 $0xFFFFC000  }
0x67: {  	_ =	swait.ge [sflag:s28], $0x4000  }
0x68: {  	[sflag:s28] =	ssyncset.done $0x0  }
0x69: {  	s10 =	simm.s32 $0x2780;
	[sflag:s28] =	ssyncadd.s32 $0xFFFFC000  }
0x6a: {  	[spmem:s2] =	stream.indirect.scatter.add.f32 [tilespmem:s25], [sflag:$0x3], $0x80, s10, s26, $0xb8;
	[tilespmem:$0x1E800] =	vst v63  }
0x6b: {  	_ =	swait.ge [sflag:s17], $0x4000  }
0x6c: {  	[sflag:s17] =	ssyncset.done $0x0  }
0x6d: {  	[sflag:s17] =	ssyncadd.s32 $0xFFFFC000  }
0x6e: {  	[bflag:$0x0] =	sbarrier.arrive $0xFFFF  }
0x6f: {  	[hbm:s20], [sflag:s5] =	dma.local [spmem:s1], $0x800  }
0x70: {  	_ =	swait.ge [sflag:s17], $0x800  }
0x71: {  	[sflag:s17] =	ssyncset.done $0x0  }
0x72: {  	[sflag:s17] =	ssyncadd.s32 $0xFFFFF800  }
0x73: {  	[hbm:s21], [sflag:s5] =	dma.local [spmem:s0], $0x800  }
0x74: {  	_ =	swait.ge [sflag:s17], $0x800  }
0x75: {  	[sflag:s17] =	ssyncset.done $0x0  }
0x76: {  	[sflag:s17] =	ssyncadd.s32 $0xFFFFF800  }
0x77: {  	[hbm:s22], [sflag:s5] =	dma.local [spmem:s29], $0x800  }
0x78: {  	_ =	swait.ge [sflag:s17], $0x800  }
0x79: {  	[sflag:s17] =	ssyncset.done $0x0  }
0x7a: {  	[sflag:s17] =	ssyncadd.s32 $0xFFFFF800  }
0x7b: {  	[hbm:s23], [sflag:s5] =	dma.local [spmem:s30], $0x800  }
0x7c: {  	_ =	swait.ge [sflag:s17], $0x800  }
0x7d: {  	[sflag:s17] =	ssyncset.done $0x0  }
0x7e: {  	[sflag:s17] =	ssyncadd.s32 $0xFFFFF800  }
0x7f: {  	[hbm:s24], [sflag:s5] =	dma.local [spmem:s6], $0x800  }
0x80: {  	_ =	swait.ge [sflag:s17], $0x800  }
0x81: {  	s31 =	sadd.s32 $0x1, s31;
	s30 =	rddreg [dreg:$0x5]  }
0x82: {  	p0 =	sne.s32 s31, s30  }
.Ltmp1:
0x83: {  	_ = 	snop;
	(pc) =	sbr.rel @p0 .LBB2_1-.Ltmp1, $3  }
0x84: {  	_ =	sdelay $0x1  }
0x85: {  	[sflag:s17] =	ssyncset.done $0x0  }
0x86: {  	[sflag:s17] =	ssyncadd.s32 $0xFFFFF800  }
0x87: {  	_ =	sfence.sel $0x180000  }
0x88: {  	[bflag:$0x0] =	sbarrier.arrive $0xFFFF  }
0x89: {  	_ =	strace $0x90000053  }
0x8a: {  	s0 =	stileid.u32;
	[bflag:$0x2] =	sbarrier.arrive $0xFFFF  }
0x8b: {  	p0 =	sne.s32 s0, $0x0;
	s0 =	rddreg [dreg:$0x2]  }
0x8c: {  	s0 =	sadd.s32 @!p0 $0x100000, s0  }
0x8d: {  	[sflag:s0] =	ssyncadd.tile.s32 @!p0 $0x1;
	_ =	shalt  }
.Lfunc_end2:
_tile_overlayer_lowered:
.L_overlay_start_2:
0x8e: {  	(tag) =	ssettag $0x2  }
0x8f: {  	s0 =	rddreg [dreg:$0x0];
	s2 =	stileid.u32  }
0x90: {  	s1 =	rddreg [dreg:$0x1];
	p0 =	sne.s32 s2, $0x0  }
0x91: {  	s3 =	rddreg [dreg:$0x2];
	[bflag:$0x3] =	sbarrier.arrive $0xFFFF;
	s2 =	simm.s32 @!p0 $0x1C03  }
0x92: {  	[timem:s3], [sflag:s2] =	dma.local @!p0 [hbm:s0], s1  }
0x93: {  	s0 =	simm.s32 @!p0 $0x3  }
0x94: {  	_ =	swait.ge @!p0 [sflag:s0], s1  }
0x95: {  	s1 =	ssub.s32 @!p0 $0x0, s1;
	[sflag:s0] =	ssyncset.done @!p0 $0x0  }
0x96: {  	[sflag:s0] =	ssyncadd.s32 @!p0 s1  }
0x97: {  	[bflag:$0x3] =	sbarrier.arrive $0xFFFF  }
0x98: {  	_ =	shalt  }

// kernel: kernel.40.cloned.1.call-start
scs
__scs_entry_jumppad:
0x0: {  	(pc) =	sbr.rel $0x88, $3  }
0x1: {  	(tag) =	ssettag $0x0;
	lr =	simm.s32 $0x1  }
0x2: {  	[smem:$0x3F73] =	sst lr;
	_ =	strace $0xD0000000  }
0x3: {  	_ = 	snop  }
0x4: {  	_ = 	snop  }
0x5: {  	_ = 	snop  }
0x6: {  	_ = 	snop  }
0x7: {  	_ = 	snop  }
__scs_overlays_trampoline_lowered:
0x8: {  	[smem:$0x3F82] =	sst s0  }
0x9: {  	[smem:$0x3F83] =	sst s1  }
0xa: {  	[smem:$0x3F84] =	sst s2  }
0xb: {  	[smem:$0x3F85] =	sst s3  }
0xc: {  	[smem:$0x3F86] =	sst s4  }
0xd: {  	[smem:$0x3F87] =	sst s5  }
0xe: {  	[smem:$0x3F88] =	sst s6  }
0xf: {  	[smem:$0x3F89] =	sst s7  }
0x10: {  	[smem:$0x3F8A] =	sst s8  }
0x11: {  	[smem:$0x3F8B] =	sst s9;
	s0 =	simm.s32 @!p0 $0x0  }
0x12: {  	s1 =	sld [smem:$0x3F71];
	s0 =	simm.s32 @p0 $0x1  }
0x13: {  	[smem:$0x3F8C] =	sst s0;
	s0 =	simm.s32 @!p1 $0x0  }
0x14: {  	s2 =	sld [smem:$0x3F70];
	s0 =	simm.s32 @p1 $0x1  }
0x15: {  	[smem:$0x3F8D] =	sst s0;
	s0 =	simm.s32 @!p2 $0x0  }
0x16: {  	s3 =	sld [smem:$0x3FDB];
	s0 =	simm.s32 @p2 $0x1  }
0x17: {  	s4 =	simm.s32 $0x1BF5;
	[smem:$0x3F8F] =	sst s0  }
0x18: {  	s0 =	sld [smem:$0x3F72];
	_ =	swait.ge [sflag:s4], $0x0  }
0x19: {  	s7 =	sld [smem:$0x3F73]  }
0x1a: {  	s8 =	sadd.s32 $0xFFFFE003, lr  }
0x1b: {  	s9 =	sadd.s32 $0xFFFFFEF7, lr;
	s5 =	simm.s32 $0xFFFFFFFF;
	p2 =	slt.u32 s8, $0xFFFFF086  }
0x1c: {  	p1 =	slt.u32 s9, $0xF7A;
	s5 =	simm.s32 @!p2 $0x0  }
0x1d: {  	s5 =	simm.s32 @p1 $0x1;
	p0 =	seq.s32 s7, s2  }
0x1e: {  	s7 =	smul.u32 @!p0 $0xF7A, s2;
	p2 =	seq.s32 @!p0 s5, $0x0  }
0x1f: {  	s9 =	smul.u32 $0xF7A, s1;
	s8 =	simm.s32 @!p0 $0x1BF5;
	p2 =	por !p2, p0  }
0x20: {  	[sflag:s8] =	ssyncset.s32 @!p0 $0xFFFFF086;
	s6 =	sadd.s32 @!p0 s3, s7;
	s7 =	simm.s32 @!p0 $0x108  }
0x21: {  	s3 =	sadd.s32 s3, s9;
	s6 =	sadd.s32 @!p0 $0x88, s6;
	s7 =	simm.s32 @p2 $0x1082  }
0x22: {  	[simem:s7], [sflag:s8] =	dma.local @!p0 [hbm:s6], $0xF7A  }
0x23: {  	s9 =	sor.u32 $0xD0000000, s2;
	s6 =	simm.s32 $0x108;
	_ =	swait.ge @!p0 [sflag:s8], $0x0  }
0x24: {  	s3 =	sadd.s32 $0x88, s3;
	s6 =	simm.s32 @!p1 $0x1082;
	[sflag:s4] =	ssyncset.s32 $0xFFFFF086  }
0x25: {  	[simem:s6], [sflag:s4] =	dma.local [hbm:s3], $0xF7A  }
0x26: {  	[smem:$0x3F73] =	sst s1;
	(tag) =	ssettag s2;
	_ =	strace s9  }
0x27: {  	s1 =	sld [smem:$0x3F83]  }
0x28: {  	s2 =	sld [smem:$0x3F84]  }
0x29: {  	s4 =	sld [smem:$0x3F86]  }
0x2a: {  	p0 =	seq.s32 s5, $0x0;
	s5 =	sld [smem:$0x3F87]  }
0x2b: {  	s6 =	sld [smem:$0x3F88]  }
0x2c: {  	s7 =	sld [smem:$0x3F89]  }
0x2d: {  	s3 =	simm.s32 $0x108;
	s8 =	sld [smem:$0x3F8A]  }
0x2e: {  	s3 =	simm.s32 @!p0 $0x1082;
	s9 =	sld [smem:$0x3F8B]  }
0x2f: {  	lr =	sadd.s32 s0, s3;
	s0 =	sld [smem:$0x3F82]  }
0x30: {  	s3 =	sld [smem:$0x3F85]  }
0x31: {  	[smem:$0x3F8E] =	sst s10  }
0x32: {  	s10 =	sld [smem:$0x3F8C];
	_ =	sdelay $0x3  }
0x33: {  	p0 =	seq.s32 s10, $0x1;
	s10 =	sld [smem:$0x3F8E];
	_ =	sdelay $0x3  }
0x34: {  	[smem:$0x3F8E] =	sst s10  }
0x35: {  	s10 =	sld [smem:$0x3F8D];
	_ =	sdelay $0x3  }
0x36: {  	p1 =	seq.s32 s10, $0x1;
	s10 =	sld [smem:$0x3F8E];
	_ =	sdelay $0x3  }
0x37: {  	[smem:$0x3F8E] =	sst s10  }
0x38: {  	s10 =	sld [smem:$0x3F8F]  }
0x39: {  	_ = 	snop;
	(pc) =	sbr.ind lr, $3  }
0x3a: {  	_ = 	snop  }
0x3b: {  	_ = 	snop  }
0x3c: {  	p2 =	seq.s32 s10, $0x1;
	s10 =	sld [smem:$0x3F8E]  }
0x3d: {  	_ =	shalt  }
0x3e: {  	_ =	shalt  }
0x3f: {  	_ =	shalt  }
0x40: {  	_ =	shalt  }
0x41: {  	_ =	shalt  }
0x42: {  	_ =	shalt  }
0x43: {  	_ =	shalt  }
0x44: {  	_ =	shalt  }
0x45: {  	_ =	shalt  }
0x46: {  	_ =	shalt  }
0x47: {  	_ =	shalt  }
0x48: {  	_ =	shalt  }
0x49: {  	_ =	shalt  }
0x4a: {  	_ =	shalt  }
0x4b: {  	_ =	shalt  }
0x4c: {  	_ =	shalt  }
0x4d: {  	_ =	shalt  }
0x4e: {  	_ =	shalt  }
0x4f: {  	_ =	shalt  }
0x50: {  	_ =	shalt  }
0x51: {  	_ =	shalt  }
0x52: {  	_ =	shalt  }
0x53: {  	_ =	shalt  }
0x54: {  	_ =	shalt  }
0x55: {  	_ =	shalt  }
0x56: {  	_ =	shalt  }
0x57: {  	_ =	shalt  }
0x58: {  	_ =	shalt  }
0x59: {  	_ =	shalt  }
0x5a: {  	_ =	shalt  }
0x5b: {  	_ =	shalt  }
0x5c: {  	_ =	shalt  }
0x5d: {  	_ =	shalt  }
0x5e: {  	_ =	shalt  }
0x5f: {  	_ =	shalt  }
0x60: {  	_ =	shalt  }
0x61: {  	_ =	shalt  }
0x62: {  	_ =	shalt  }
0x63: {  	_ =	shalt  }
0x64: {  	_ =	shalt  }
0x65: {  	_ =	shalt  }
0x66: {  	_ =	shalt  }
0x67: {  	_ =	shalt  }
0x68: {  	_ =	shalt  }
0x69: {  	_ =	shalt  }
0x6a: {  	_ =	shalt  }
0x6b: {  	_ =	shalt  }
0x6c: {  	_ =	shalt  }
0x6d: {  	_ =	shalt  }
0x6e: {  	_ =	shalt  }
0x6f: {  	_ =	shalt  }
0x70: {  	_ =	shalt  }
0x71: {  	_ =	shalt  }
0x72: {  	_ =	shalt  }
0x73: {  	_ =	shalt  }
0x74: {  	_ =	shalt  }
0x75: {  	_ =	shalt  }
0x76: {  	_ =	shalt  }
0x77: {  	_ =	shalt  }
0x78: {  	_ =	shalt  }
0x79: {  	_ =	shalt  }
0x7a: {  	_ =	shalt  }
0x7b: {  	_ =	shalt  }
0x7c: {  	_ =	shalt  }
0x7d: {  	_ =	shalt  }
0x7e: {  	_ =	shalt  }
0x7f: {  	_ =	shalt  }
0x80: {  	_ =	shalt  }
0x81: {  	_ =	shalt  }
0x82: {  	_ =	shalt  }
0x83: {  	_ =	shalt  }
0x84: {  	_ =	shalt  }
0x85: {  	_ =	shalt  }
0x86: {  	_ =	shalt  }
0x87: {  	_ =	shalt  }
.Lfunc_end0:
.L_simem_size_0:
called_computation.5_lowered:
.L_overlay_start_0:
0x88: {  	s2 =	sld [smem:$0x3FD9]  }
0x89: {  	s3 =	sld [smem:$0x3FFE];
	_ =	sdelay $0x1  }
0x8a: {  	s1 =	srdreg.scid  }
0x8b: {  	s0 =	sand.u32 $0x1, s1  }
0x8c: {  	s16 =	sshll.u32 s0, $0xA;
	s2 =	sadd.s32 s3, s2  }
0x8d: {  	s2 =	sadd.s32 s2, s16  }
0x8e: {  	[smem:$0x3F9A] =	sst s2  }
0x8f: {  	_ = 	snop  }
0x90: {  	(tm) =	ssettm $0x1  }
0x91: {  	s17 =	sld [smem:$0x3FFB];
	_ =	sdelay $0x3  }
0x92: {  	_ =	strace s17  }
0x93: {  	s2 =	sld [smem:$0x3FFC];
	_ =	sdelay $0x3  }
0x94: {  	_ =	strace s2  }
0x95: {  	s2 =	sld [smem:$0x3FFD];
	_ =	sdelay $0x3  }
0x96: {  	_ =	strace s2  }
0x97: {  	_ =	strace $0x8FFFFFFF  }
0x98: {  	s18 =	sld [smem:$0x3FDB];
	_ =	sdelay $0x1  }
0x99: {  	s19 =	simm.s32 $_scs_section_size  }
0x9a: {  	s4 =	simm.s32 $_size__tile_overlayer_lowered;
	s5 =	simm.s32 $_tile_overlayer_lowered  }
0x9b: {  	s22 =	simm.s32 $0x1BFF;
	s21 =	sshll.u32 s5, $0x1;
	s2 =	sadd.s32 s19, s18  }
0x9c: {  	s6 =	simm.s32 $0x0;
	s20 =	sshll.u32 s4, $0x1;
	s4 =	sadd.s32 s21, s2  }
0x9d: {  	[timem:s6], [sflag:s22] =	dma.local [hbm:s4], s20  }
0x9e: {  	_ =	swait.ge [sflag:s22], s20  }
0x9f: {  	s3 =	ssub.s32 $0x0, s20;
	[sflag:s22] =	ssyncset.done $0x0  }
0xa0: {  	[sflag:s22] =	ssyncadd.s32 s3;
	_ =	sdelay $0x1  }
0xa1: {  	s23 =	simm.s32 $0x1B8B  }
0xa2: {  	_ =	swait.ge [sflag:s23], $0x1  }
0xa3: {  	[sflag:s23] =	ssyncset.done $0x0  }
0xa4: {  	s25 =	simm.s32 $0x1B8E;
	s24 =	sld [smem:$0x3FFE];
	[sflag:s23] =	ssyncadd.s32 $0xFFFFFFFF  }
0xa5: {  	s26 =	simm.s32 $execute0_lowered;
	[smem:$0x3FD2] =	sst s25  }
0xa6: {  	s4 =	sshll.u32 s26, $0x1;
	_ =	strace $0x80000055;
	[dreg:$0x1] =	wrdreg $0xFFFFFFFF  }
0xa7: {  	s28 =	simm.s32 $_size_execute0_lowered;
	s2 =	sadd.s32 s2, s4;
	[dreg:$0x0] =	wrdreg $0x0  }
0xa8: {  	s4 =	sshll.u32 s28, $0x1;
	[dreg:$0x2] =	wrdreg s2  }
0xa9: {  	[dreg:$0x3] =	wrdreg s4  }
0xaa: {  	[dreg:$0x4] =	wrdreg $0xC0  }
0xab: {  	_ =	task [dreg:s6], $0x5FFFF  }
0xac: {  	[dreg:$0x1] =	wrdreg $0xFFFFFFFF  }
0xad: {  	[dreg:$0x0] =	wrdreg $0x60  }
0xae: {  	[dreg:$0x2] =	wrdreg s24  }
0xaf: {  	[dreg:$0x3] =	wrdreg $0x9  }
0xb0: {  	_ =	task.clear_ibuf [dreg:s6], $0x4FFFF;
	_ =	strace $0x90000055  }
0xb1: {  	s29 =	simm.s32 $0x9;
	_ =	strace $0x80000057  }
0xb2: {  	_ =	swait.ge [sflag:s29], $0x1  }
0xb3: {  	[sflag:s29] =	ssyncadd.s32 $0xFFFFFFFF  }
0xb4: {  	_ =	strace $0x90000057  }
0xb5: {  	_ =	sfence  }
0xb6: {  	s30 =	sld [smem:$0x0];
	_ =	sdelay $0x2  }
0xb7: {  	s31 =	sshll.u32 s1, $0xD;
	s1 =	sshrl.u32 s1, $0x2  }
0xb8: {  	s3 =	sand.u32 $0x4000, s31;
	s1 =	sadd.s32 s1, s30  }
0xb9: {  	s0 =	sor.u32 s3, s0;
	s1 =	sshll.u32 s1, $0x11  }
0xba: {  	s0 =	sor.u32 s1, s0  }
0xbb: {  	s0 =	sadd.s32 $0x8F2B, s0  }
0xbc: {  	[sflag:s0] =	ssyncadd.remote.s32 $0x1  }
0xbd: {  	_ =	sfence.sel $0xFFFF  }
0xbe: {  	[dreg:$0x0] =	wrdreg $0xFFFFFFFF;
	(pc) =	sbr.abs _section_cstart, $3  }
0xbf: {  	[dreg:$0x1] =	wrdreg $0xFFFFFFFF  }
0xc0: {  	_ =	task.clear_ibuf [dreg:s6], $0x2FFFF;
	_ =	strace $0x9FFFFFFF  }
0xc1: {  	(tm) =	ssettm $0x7FFFFFFF  }
tec
execute0_lowered:
.L_overlay_start_1:
0x0: {  	(tag) =	ssettag $0x1  }
0x1: {  	s0 =	srdreg.scid  }
0x2: {  	s16 =	stileid.u32;
	s1 =	rddreg [dreg:$0x0];
	s2 =	simm.s32 $0x0  }
0x3: {  	s29 =	simm.s32 $0x11000;
	s30 =	simm.s32 $0x2;
	s14 =	smul.u32 $0x280000, s16  }
0x4: {  	s31 =	simm.s32 $0x3;
	s0 =	sand.u32 $0x1, s0;
	s18 =	smul.u32 $0x50000, s16  }
0x5: {  	s28 =	simm.s32 $0x4;
	s3 =	sshll.u32 s16, $0x1;
	s15 =	smul.u32 $0x140000, s0  }
0x6: {  	s5 =	sor.u32 s0, s3;
	s7 =	ssub.s32 $0x2, s0;
	s0 =	smul.u32 $0x28000, s0  }
0x7: {  	[smem:$0x7FF] =	sst s2;
	s4 =	sadd.s32 $0xAFB800, s1;
	s6 =	smul.u32 $0x2800, s5  }
0x8: {  	s17 =	sadd.s32 $0x36600, s1;
	_ =	strace $0x80000056;
	s9 =	smul.u32 $0x28000, s5  }
0x9: {  	s3 =	sadd.s32 $0xAD4600, s1;
	s8 =	sshrl.u32 s7, $0x1;
	s5 =	smul.u32 $0x140000, s5  }
0xa: {  	s26 =	sadd.s32 s18, s17;
	s7 =	ssub.s32 s7, s8;
	s24 =	sadd.s32 s15, s14  }
0xb: {  	s6 =	sshrl.u32 s6, $0x3;
	s20 =	sadd.s32 s17, s9;
	s22 =	sor.u32 $0x800, s9  }
0xc: {  	s5 =	sshrl.u32 s5, $0x3;
	s25 =	sor.u32 $0x8000, s24;
	s15 =	smax.u32 s7, $0x1  }
0xd: {  	s24 =	simm.s32 $0x9000;
	s6 =	sadd.s32 s6, s1;
	s1 =	sadd.s32 $0x536600, s1  }
0xe: {  	[dreg:$0x4] =	wrdreg s20;
	s23 =	sadd.s32 $0x27000, s5;
	s5 =	sadd.s32 $0x27800, s5  }
0xf: {  	s20 =	simm.s32 $0x5;
	s19 =	sadd.s32 $0x18600, s6;
	s6 =	sadd.s32 $0x2C600, s6  }
0x10: {  	s21 =	sadd.s32 s1, s9;
	s9 =	sadd.s32 s17, s22;
	s10 =	sadd.s32 s1, s22  }
0x11: {  	s11 =	sadd.s32 s17, s23;
	s12 =	sadd.s32 s1, s23;
	s13 =	sadd.s32 s17, s5  }
0x12: {  	s14 =	sadd.s32 s1, s5;
	s5 =	sshrl.u32 s25, $0x3;
	[dreg:$0x2] =	wrdreg s19  }
0x13: {  	s22 =	simm.s32 $0x80;
	s23 =	simm.s32 $0x5000;
	[dreg:$0x3] =	wrdreg s6  }
0x14: {  	s25 =	simm.s32 $0x1;
	[dreg:$0x5] =	wrdreg s21;
	s16 =	sadd.s32 s5, s1  }
0x15: {  	s6 =	sadd.s32 s0, s26;
	s1 =	sadd.s32 s18, s1;
	s17 =	sadd.s32 s5, s17  }
0x16: {  	s21 =	simm.s32 $0x2800;
	s26 =	simm.s32 $0xD000;
	s0 =	sadd.s32 s0, s1  }
0x17: {  	s18 =	sadd.s32 $0x1800, s6;
	s1 =	simm.s32 $0x0;
	s19 =	sadd.s32 $0x1800, s0  }
.LBB2_1:
0x18: {  	s0 =	rddreg [dreg:$0x2]  }
0x19: {  	[tilespmem:s2], [sflag:$0x5] =	stream.linear.gather [hbm4b:s0+s2], $0x2800, $0x38;
	[tilespmem:$0x15000] =	vst v63  }
0x1a: {  	_ =	swait.ge [sflag:s20], $0x2800  }
0x1b: {  	[sflag:s20] =	ssyncset.done $0x0  }
0x1c: {  	s8 =	rddreg [dreg:$0x3];
	[sflag:s20] =	ssyncadd.s32 $0xFFFFD800  }
0x1d: {  	[tilespmem:s21], [sflag:$0x5] =	stream.linear.gather [hbm4b:s8+s2], $0x2800, $0x38;
	[tilespmem:$0x15000] =	vst v63  }
0x1e: {  	_ =	swait.ge [sflag:s20], $0x2800  }
0x1f: {  	[sflag:s20] =	ssyncset.done $0x0  }
0x20: {  	[sflag:s20] =	ssyncadd.s32 $0xFFFFD800  }
0x21: {  	[tilespmem:s23], [sflag:$0x1] =	stream.indirect.gather [hbm4b:s3+s22], $0x80, s2, s22, $0xb8;
	[tilespmem:$0x15000] =	vst v63  }
0x22: {  	_ = 	snop  }
0x23: {  	[tilespmem:s24], [sflag:$0x1] =	stream.indirect.gather [hbm4b:s4+s22], $0x80, s21, s22, $0xb8;
	[tilespmem:$0x15000] =	vst v63  }
0x24: {  	_ =	swait.ge [sflag:s25], $0x4000  }
0x25: {  	[sflag:s25] =	ssyncset.done $0x0  }
0x26: {  	[sflag:s25] =	ssyncadd.s32 $0xFFFFC000  }
0x27: {  	_ =	swait.ge [sflag:s25], $0x4000  }
0x28: {  	[sflag:s25] =	ssyncset.done $0x0  }
0x29: {  	s5 =	rddreg [dreg:$0x4];
	[sflag:s25] =	ssyncadd.s32 $0xFFFFC000  }
0x2a: {  	[hbm4b:s5+s2] =	stream.linear.scatter [tilespmem:s23], [sflag:$0x3], $0x4000, $0x38;
	[tilespmem:$0x15000] =	vst v63  }
0x2b: {  	s6 =	rddreg [dreg:$0x5]  }
0x2c: {  	[hbm4b:s6+s2] =	stream.linear.scatter [tilespmem:s24], [sflag:$0x3], $0x4000, $0x38;
	[tilespmem:$0x15000] =	vst v63  }
0x2d: {  	_ = 	snop  }
0x2e: {  	[tilespmem:s26], [sflag:$0x2] =	stream.indirect.gather [hbm4b:s3+s22], $0x80, s22, s22, $0xb8;
	[tilespmem:$0x15000] =	vst v63  }
0x2f: {  	s7 =	simm.s32 $0x2880  }
0x30: {  	[tilespmem:s29], [sflag:$0x2] =	stream.indirect.gather [hbm4b:s4+s22], $0x80, s7, s22, $0xb8;
	[tilespmem:$0x15000] =	vst v63  }
0x31: {  	_ =	swait.ge [sflag:s30], $0x4000  }
0x32: {  	[sflag:s30] =	ssyncset.done $0x0  }
0x33: {  	[sflag:s30] =	ssyncadd.s32 $0xFFFFC000  }
0x34: {  	_ =	swait.ge [sflag:s30], $0x4000  }
0x35: {  	[sflag:s30] =	ssyncset.done $0x0  }
0x36: {  	[sflag:s30] =	ssyncadd.s32 $0xFFFFC000  }
0x37: {  	[hbm4b:s9+s2] =	stream.linear.scatter [tilespmem:s26], [sflag:$0x4], $0x4000, $0x38;
	[tilespmem:$0x15000] =	vst v63  }
0x38: {  	_ = 	snop  }
0x39: {  	[hbm4b:s10+s2] =	stream.linear.scatter [tilespmem:s29], [sflag:$0x4], $0x4000, $0x38;
	[tilespmem:$0x15000] =	vst v63  }
0x3a: {  	_ =	swait.ge [sflag:s31], $0x4000  }
0x3b: {  	[sflag:s31] =	ssyncset.done $0x0  }
0x3c: {  	[sflag:s31] =	ssyncadd.s32 $0xFFFFC000  }
0x3d: {  	_ =	swait.ge [sflag:s31], $0x4000  }
0x3e: {  	[sflag:s31] =	ssyncset.done $0x0  }
0x3f: {  	s8 =	simm.s32 $0x100;
	[sflag:s31] =	ssyncadd.s32 $0xFFFFC000  }
0x40: {  	[tilespmem:s23], [sflag:$0x1] =	stream.indirect.gather [hbm4b:s3+s22], $0x80, s8, s22, $0xb8;
	[tilespmem:$0x15000] =	vst v63  }
0x41: {  	s5 =	simm.s32 $0x2900  }
0x42: {  	[tilespmem:s24], [sflag:$0x1] =	stream.indirect.gather [hbm4b:s4+s22], $0x80, s5, s22, $0xb8;
	[tilespmem:$0x15000] =	vst v63  }
0x43: {  	_ =	swait.ge [sflag:s25], $0x4000  }
0x44: {  	[sflag:s25] =	ssyncset.done $0x0  }
0x45: {  	[sflag:s25] =	ssyncadd.s32 $0xFFFFC000  }
0x46: {  	_ =	swait.ge [sflag:s25], $0x4000  }
0x47: {  	[sflag:s25] =	ssyncset.done $0x0  }
0x48: {  	s6 =	sadd.s32 $0x0, s17;
	[sflag:s25] =	ssyncadd.s32 $0xFFFFC000  }
0x49: {  	[hbm4b:s6+s2] =	stream.linear.scatter [tilespmem:s23], [sflag:$0x3], $0x4000, $0x38;
	[tilespmem:$0x15000] =	vst v63  }
0x4a: {  	s7 =	sadd.s32 $0x0, s16  }
0x4b: {  	[hbm4b:s7+s2] =	stream.linear.scatter [tilespmem:s24], [sflag:$0x3], $0x4000, $0x38;
	[tilespmem:$0x15000] =	vst v63  }
0x4c: {  	_ =	swait.ge [sflag:s28], $0x4000  }
0x4d: {  	[sflag:s28] =	ssyncset.done $0x0  }
0x4e: {  	[sflag:s28] =	ssyncadd.s32 $0xFFFFC000  }
0x4f: {  	_ =	swait.ge [sflag:s28], $0x4000  }
0x50: {  	[sflag:s28] =	ssyncset.done $0x0  }
0x51: {  	s8 =	simm.s32 $0x180;
	[sflag:s28] =	ssyncadd.s32 $0xFFFFC000  }
0x52: {  	[tilespmem:s26], [sflag:$0x2] =	stream.indirect.gather [hbm4b:s3+s22], $0x80, s8, s22, $0xb8;
	[tilespmem:$0x15000] =	vst v63  }
0x53: {  	s5 =	simm.s32 $0x2980  }
0x54: {  	[tilespmem:s29], [sflag:$0x2] =	stream.indirect.gather [hbm4b:s4+s22], $0x80, s5, s22, $0xb8;
	[tilespmem:$0x15000] =	vst v63  }
0x55: {  	_ =	swait.ge [sflag:s30], $0x4000  }
0x56: {  	[sflag:s30] =	ssyncset.done $0x0  }
0x57: {  	[sflag:s30] =	ssyncadd.s32 $0xFFFFC000  }
0x58: {  	_ =	swait.ge [sflag:s30], $0x4000  }
0x59: {  	[sflag:s30] =	ssyncset.done $0x0  }
0x5a: {  	s6 =	sadd.s32 $0x0, s18;
	[sflag:s30] =	ssyncadd.s32 $0xFFFFC000  }
0x5b: {  	[hbm4b:s6+s2] =	stream.linear.scatter [tilespmem:s26], [sflag:$0x4], $0x4000, $0x38;
	[tilespmem:$0x15000] =	vst v63  }
0x5c: {  	s7 =	sadd.s32 $0x0, s19  }
0x5d: {  	[hbm4b:s7+s2] =	stream.linear.scatter [tilespmem:s29], [sflag:$0x4], $0x4000, $0x38;
	[tilespmem:$0x15000] =	vst v63  }
0x5e: {  	_ =	swait.ge [sflag:s31], $0x4000  }
0x5f: {  	[sflag:s31] =	ssyncset.done $0x0  }
0x60: {  	[sflag:s31] =	ssyncadd.s32 $0xFFFFC000  }
0x61: {  	s0 =	simm.s32 $0x1000;
	_ =	swait.ge [sflag:s31], $0x4000  }
0x62: {  	s8 =	simm.s32 $0x200;
	s5 =	simm.s32 $0x280;
	[sflag:s31] =	ssyncset.done $0x0  }
0x63: {  	s6 =	simm.s32 $0x2A80;
	s7 =	simm.s32 $0x2A00;
	[sflag:s31] =	ssyncadd.s32 $0xFFFFC000  }
0x64: {  	[tilespmem:s23], [sflag:$0x1] =	stream.indirect.gather [hbm4b:s3+s22], $0x80, s8, s22, $0xb8;
	[tilespmem:$0x15000] =	vst v63  }
.LBB2_2:
0x65: {  	[tilespmem:s24], [sflag:$0x1] =	stream.indirect.gather [hbm4b:s4+s22], $0x80, s7, s22, $0xb8;
	[tilespmem:$0x15000] =	vst v63  }
0x66: {  	s7 =	smov.u32 s0  }
0x67: {  	p0 =	sne.s32 s0, $0x25000;
	s0 =	sadd.s32 $0x1000, s0;
	_ =	swait.ge [sflag:s25], $0x4000  }
0x68: {  	[sflag:s25] =	ssyncset.done $0x0  }
0x69: {  	[sflag:s25] =	ssyncadd.s32 $0xFFFFC000  }
0x6a: {  	_ =	swait.ge [sflag:s25], $0x4000  }
0x6b: {  	[sflag:s25] =	ssyncset.done $0x0  }
0x6c: {  	s8 =	sadd.s32 s7, s17;
	[sflag:s25] =	ssyncadd.s32 $0xFFFFC000  }
0x6d: {  	[hbm4b:s8+s2] =	stream.linear.scatter [tilespmem:s23], [sflag:$0x3], $0x4000, $0x38;
	[tilespmem:$0x15000] =	vst v63  }
0x6e: {  	s8 =	sadd.s32 s7, s16  }
0x6f: {  	[hbm4b:s8+s2] =	stream.linear.scatter [tilespmem:s24], [sflag:$0x3], $0x4000, $0x38;
	[tilespmem:$0x15000] =	vst v63  }
0x70: {  	_ =	swait.ge [sflag:s28], $0x4000  }
0x71: {  	[sflag:s28] =	ssyncset.done $0x0  }
0x72: {  	[sflag:s28] =	ssyncadd.s32 $0xFFFFC000  }
0x73: {  	_ =	swait.ge [sflag:s28], $0x4000  }
0x74: {  	[sflag:s28] =	ssyncset.done $0x0  }
0x75: {  	[sflag:s28] =	ssyncadd.s32 $0xFFFFC000  }
0x76: {  	[tilespmem:s26], [sflag:$0x2] =	stream.indirect.gather [hbm4b:s3+s22], $0x80, s5, s22, $0xb8;
	[tilespmem:$0x15000] =	vst v63  }
0x77: {  	_ = 	snop  }
0x78: {  	[tilespmem:s29], [sflag:$0x2] =	stream.indirect.gather [hbm4b:s4+s22], $0x80, s6, s22, $0xb8;
	[tilespmem:$0x15000] =	vst v63  }
0x79: {  	_ =	swait.ge [sflag:s30], $0x4000  }
0x7a: {  	[sflag:s30] =	ssyncset.done $0x0  }
0x7b: {  	[sflag:s30] =	ssyncadd.s32 $0xFFFFC000  }
0x7c: {  	_ =	swait.ge [sflag:s30], $0x4000  }
0x7d: {  	[sflag:s30] =	ssyncset.done $0x0  }
0x7e: {  	s8 =	sadd.s32 s7, s18;
	[sflag:s30] =	ssyncadd.s32 $0xFFFFC000  }
0x7f: {  	[hbm4b:s8+s2] =	stream.linear.scatter [tilespmem:s26], [sflag:$0x4], $0x4000, $0x38;
	[tilespmem:$0x15000] =	vst v63  }
0x80: {  	s7 =	sadd.s32 s7, s19  }
0x81: {  	[hbm4b:s7+s2] =	stream.linear.scatter [tilespmem:s29], [sflag:$0x4], $0x4000, $0x38;
	[tilespmem:$0x15000] =	vst v63  }
0x82: {  	_ =	swait.ge [sflag:s31], $0x4000  }
0x83: {  	[sflag:s31] =	ssyncset.done $0x0  }
0x84: {  	[sflag:s31] =	ssyncadd.s32 $0xFFFFC000  }
.Ltmp0:
0x85: {  	_ =	swait.ge [sflag:s31], $0x4000;
	(pc) =	sbr.rel @p0 .LBB2_2-.Ltmp0, $4  }
0x86: {  	[sflag:s31] =	ssyncset.done $0x0  }
0x87: {  	s7 =	sadd.s32 $0x80, s5;
	[sflag:s31] =	ssyncadd.s32 $0xFFFFC000  }
0x88: {  	[tilespmem:s23], [sflag:$0x1] =	stream.indirect.gather [hbm4b:s3+s22], $0x80, s7, s22, $0xb8;
	[tilespmem:$0x15000] =	vst v63  }
0x89: {  	s5 =	sadd.s32 $0x100, s5;
	s7 =	sadd.s32 $0x80, s6;
	s6 =	sadd.s32 $0x100, s6  }
0x8a: {  	[tilespmem:s24], [sflag:$0x1] =	stream.indirect.gather [hbm4b:s4+s22], $0x80, s7, s22, $0xb8;
	[tilespmem:$0x15000] =	vst v63  }
0x8b: {  	_ =	swait.ge [sflag:s25], $0x4000  }
0x8c: {  	[sflag:s25] =	ssyncset.done $0x0  }
0x8d: {  	[sflag:s25] =	ssyncadd.s32 $0xFFFFC000  }
0x8e: {  	_ =	swait.ge [sflag:s25], $0x4000  }
0x8f: {  	[sflag:s25] =	ssyncset.done $0x0  }
0x90: {  	[sflag:s25] =	ssyncadd.s32 $0xFFFFC000  }
0x91: {  	[hbm4b:s11+s2] =	stream.linear.scatter [tilespmem:s23], [sflag:$0x3], $0x4000, $0x38;
	[tilespmem:$0x15000] =	vst v63  }
0x92: {  	_ = 	snop  }
0x93: {  	[hbm4b:s12+s2] =	stream.linear.scatter [tilespmem:s24], [sflag:$0x3], $0x4000, $0x38;
	[tilespmem:$0x15000] =	vst v63  }
0x94: {  	_ =	swait.ge [sflag:s28], $0x4000  }
0x95: {  	[sflag:s28] =	ssyncset.done $0x0  }
0x96: {  	[sflag:s28] =	ssyncadd.s32 $0xFFFFC000  }
0x97: {  	_ =	swait.ge [sflag:s28], $0x4000  }
0x98: {  	[sflag:s28] =	ssyncset.done $0x0  }
0x99: {  	s0 =	simm.s32 $0x2780;
	[sflag:s28] =	ssyncadd.s32 $0xFFFFC000  }
0x9a: {  	[tilespmem:s26], [sflag:$0x2] =	stream.indirect.gather [hbm4b:s3+s22], $0x80, s0, s22, $0xb8;
	[tilespmem:$0x15000] =	vst v63  }
0x9b: {  	s8 =	simm.s32 $0x4F80  }
0x9c: {  	[tilespmem:s29], [sflag:$0x2] =	stream.indirect.gather [hbm4b:s4+s22], $0x80, s8, s22, $0xb8;
	[tilespmem:$0x15000] =	vst v63  }
0x9d: {  	_ =	swait.ge [sflag:s30], $0x4000  }
0x9e: {  	[sflag:s30] =	ssyncset.done $0x0  }
0x9f: {  	[sflag:s30] =	ssyncadd.s32 $0xFFFFC000  }
0xa0: {  	_ =	swait.ge [sflag:s30], $0x4000  }
0xa1: {  	[sflag:s30] =	ssyncset.done $0x0  }
0xa2: {  	[sflag:s30] =	ssyncadd.s32 $0xFFFFC000  }
0xa3: {  	[hbm4b:s13+s2] =	stream.linear.scatter [tilespmem:s26], [sflag:$0x4], $0x4000, $0x38;
	[tilespmem:$0x15000] =	vst v63  }
0xa4: {  	_ = 	snop  }
0xa5: {  	[hbm4b:s14+s2] =	stream.linear.scatter [tilespmem:s29], [sflag:$0x4], $0x4000, $0x38;
	[tilespmem:$0x15000] =	vst v63  }
0xa6: {  	_ =	swait.ge [sflag:s31], $0x4000  }
0xa7: {  	[sflag:s31] =	ssyncset.done $0x0  }
0xa8: {  	[sflag:s31] =	ssyncadd.s32 $0xFFFFC000  }
0xa9: {  	_ =	swait.ge [sflag:s31], $0x4000  }
0xaa: {  	[sflag:s31] =	ssyncset.done $0x0  }
0xab: {  	s1 =	sadd.s32 $0x1, s1;
	[sflag:s31] =	ssyncadd.s32 $0xFFFFC000  }
0xac: {  	p0 =	sne.s32 s1, s15;
	_ =	swait.ge [sflag:s28], $0x4000  }
.Ltmp1:
0xad: {  	[sflag:s28] =	ssyncset.done $0x0;
	(pc) =	sbr.rel @p0 .LBB2_1-.Ltmp1, $4  }
0xae: {  	[sflag:s28] =	ssyncadd.s32 $0xFFFFC000  }
0xaf: {  	_ =	swait.ge [sflag:s28], $0x4000  }
0xb0: {  	[sflag:s28] =	ssyncset.done $0x0  }
0xb1: {  	[sflag:s28] =	ssyncadd.s32 $0xFFFFC000  }
0xb2: {  	_ =	sfence.sel $0x180000  }
0xb3: {  	[bflag:$0x0] =	sbarrier.arrive $0xFFFF  }
0xb4: {  	_ =	strace $0x90000056  }
0xb5: {  	s0 =	stileid.u32;
	[bflag:$0x2] =	sbarrier.arrive $0xFFFF  }
0xb6: {  	p0 =	sne.s32 s0, $0x0;
	s0 =	rddreg [dreg:$0x1]  }
0xb7: {  	s0 =	sadd.s32 @!p0 $0x100000, s0  }
0xb8: {  	[sflag:s0] =	ssyncadd.tile.s32 @!p0 $0x1;
	_ =	shalt  }
.Lfunc_end2:
_tile_overlayer_lowered:
.L_overlay_start_2:
0xb9: {  	(tag) =	ssettag $0x2  }
0xba: {  	s0 =	rddreg [dreg:$0x0];
	s2 =	stileid.u32  }
0xbb: {  	s1 =	rddreg [dreg:$0x1];
	p0 =	sne.s32 s2, $0x0  }
0xbc: {  	s3 =	rddreg [dreg:$0x2];
	[bflag:$0x3] =	sbarrier.arrive $0xFFFF;
	s2 =	simm.s32 @!p0 $0x1C05  }
0xbd: {  	[timem:s3], [sflag:s2] =	dma.local @!p0 [hbm:s0], s1  }
0xbe: {  	s0 =	simm.s32 @!p0 $0x5  }
0xbf: {  	_ =	swait.ge @!p0 [sflag:s0], s1  }
0xc0: {  	s1 =	ssub.s32 @!p0 $0x0, s1;
	[sflag:s0] =	ssyncset.done @!p0 $0x0  }
0xc1: {  	[sflag:s0] =	ssyncadd.s32 @!p0 s1  }
0xc2: {  	[bflag:$0x3] =	sbarrier.arrive $0xFFFF  }
0xc3: {  	_ =	shalt  }

// kernel: kernel.43.cloned.1.call-start
scs
__scs_entry_jumppad:
0x0: {  	(pc) =	sbr.rel $0x88, $3  }
0x1: {  	(tag) =	ssettag $0x0;
	lr =	simm.s32 $0x1  }
0x2: {  	[smem:$0x3F73] =	sst lr;
	_ =	strace $0xD0000000  }
0x3: {  	_ = 	snop  }
0x4: {  	_ = 	snop  }
0x5: {  	_ = 	snop  }
0x6: {  	_ = 	snop  }
0x7: {  	_ = 	snop  }
__scs_overlays_trampoline_lowered:
0x8: {  	[smem:$0x3F82] =	sst s0  }
0x9: {  	[smem:$0x3F83] =	sst s1  }
0xa: {  	[smem:$0x3F84] =	sst s2  }
0xb: {  	[smem:$0x3F85] =	sst s3  }
0xc: {  	[smem:$0x3F86] =	sst s4  }
0xd: {  	[smem:$0x3F87] =	sst s5  }
0xe: {  	[smem:$0x3F88] =	sst s6  }
0xf: {  	[smem:$0x3F89] =	sst s7  }
0x10: {  	[smem:$0x3F8A] =	sst s8  }
0x11: {  	[smem:$0x3F8B] =	sst s9;
	s0 =	simm.s32 @!p0 $0x0  }
0x12: {  	s1 =	sld [smem:$0x3F71];
	s0 =	simm.s32 @p0 $0x1  }
0x13: {  	[smem:$0x3F8C] =	sst s0;
	s0 =	simm.s32 @!p1 $0x0  }
0x14: {  	s2 =	sld [smem:$0x3F70];
	s0 =	simm.s32 @p1 $0x1  }
0x15: {  	[smem:$0x3F8D] =	sst s0;
	s0 =	simm.s32 @!p2 $0x0  }
0x16: {  	s3 =	sld [smem:$0x3FDB];
	s0 =	simm.s32 @p2 $0x1  }
0x17: {  	s4 =	simm.s32 $0x1BF5;
	[smem:$0x3F8F] =	sst s0  }
0x18: {  	s0 =	sld [smem:$0x3F72];
	_ =	swait.ge [sflag:s4], $0x0  }
0x19: {  	s7 =	sld [smem:$0x3F73]  }
0x1a: {  	s8 =	sadd.s32 $0xFFFFE003, lr  }
0x1b: {  	s9 =	sadd.s32 $0xFFFFFEF7, lr;
	s5 =	simm.s32 $0xFFFFFFFF;
	p2 =	slt.u32 s8, $0xFFFFF086  }
0x1c: {  	p1 =	slt.u32 s9, $0xF7A;
	s5 =	simm.s32 @!p2 $0x0  }
0x1d: {  	s5 =	simm.s32 @p1 $0x1;
	p0 =	seq.s32 s7, s2  }
0x1e: {  	s7 =	smul.u32 @!p0 $0xF7A, s2;
	p2 =	seq.s32 @!p0 s5, $0x0  }
0x1f: {  	s9 =	smul.u32 $0xF7A, s1;
	s8 =	simm.s32 @!p0 $0x1BF5;
	p2 =	por !p2, p0  }
0x20: {  	[sflag:s8] =	ssyncset.s32 @!p0 $0xFFFFF086;
	s6 =	sadd.s32 @!p0 s3, s7;
	s7 =	simm.s32 @!p0 $0x108  }
0x21: {  	s3 =	sadd.s32 s3, s9;
	s6 =	sadd.s32 @!p0 $0x88, s6;
	s7 =	simm.s32 @p2 $0x1082  }
0x22: {  	[simem:s7], [sflag:s8] =	dma.local @!p0 [hbm:s6], $0xF7A  }
0x23: {  	s9 =	sor.u32 $0xD0000000, s2;
	s6 =	simm.s32 $0x108;
	_ =	swait.ge @!p0 [sflag:s8], $0x0  }
0x24: {  	s3 =	sadd.s32 $0x88, s3;
	s6 =	simm.s32 @!p1 $0x1082;
	[sflag:s4] =	ssyncset.s32 $0xFFFFF086  }
0x25: {  	[simem:s6], [sflag:s4] =	dma.local [hbm:s3], $0xF7A  }
0x26: {  	[smem:$0x3F73] =	sst s1;
	(tag) =	ssettag s2;
	_ =	strace s9  }
0x27: {  	s1 =	sld [smem:$0x3F83]  }
0x28: {  	s2 =	sld [smem:$0x3F84]  }
0x29: {  	s4 =	sld [smem:$0x3F86]  }
0x2a: {  	p0 =	seq.s32 s5, $0x0;
	s5 =	sld [smem:$0x3F87]  }
0x2b: {  	s6 =	sld [smem:$0x3F88]  }
0x2c: {  	s7 =	sld [smem:$0x3F89]  }
0x2d: {  	s3 =	simm.s32 $0x108;
	s8 =	sld [smem:$0x3F8A]  }
0x2e: {  	s3 =	simm.s32 @!p0 $0x1082;
	s9 =	sld [smem:$0x3F8B]  }
0x2f: {  	lr =	sadd.s32 s0, s3;
	s0 =	sld [smem:$0x3F82]  }
0x30: {  	s3 =	sld [smem:$0x3F85]  }
0x31: {  	[smem:$0x3F8E] =	sst s10  }
0x32: {  	s10 =	sld [smem:$0x3F8C];
	_ =	sdelay $0x3  }
0x33: {  	p0 =	seq.s32 s10, $0x1;
	s10 =	sld [smem:$0x3F8E];
	_ =	sdelay $0x3  }
0x34: {  	[smem:$0x3F8E] =	sst s10  }
0x35: {  	s10 =	sld [smem:$0x3F8D];
	_ =	sdelay $0x3  }
0x36: {  	p1 =	seq.s32 s10, $0x1;
	s10 =	sld [smem:$0x3F8E];
	_ =	sdelay $0x3  }
0x37: {  	[smem:$0x3F8E] =	sst s10  }
0x38: {  	s10 =	sld [smem:$0x3F8F]  }
0x39: {  	_ = 	snop;
	(pc) =	sbr.ind lr, $3  }
0x3a: {  	_ = 	snop  }
0x3b: {  	_ = 	snop  }
0x3c: {  	p2 =	seq.s32 s10, $0x1;
	s10 =	sld [smem:$0x3F8E]  }
0x3d: {  	_ =	shalt  }
0x3e: {  	_ =	shalt  }
0x3f: {  	_ =	shalt  }
0x40: {  	_ =	shalt  }
0x41: {  	_ =	shalt  }
0x42: {  	_ =	shalt  }
0x43: {  	_ =	shalt  }
0x44: {  	_ =	shalt  }
0x45: {  	_ =	shalt  }
0x46: {  	_ =	shalt  }
0x47: {  	_ =	shalt  }
0x48: {  	_ =	shalt  }
0x49: {  	_ =	shalt  }
0x4a: {  	_ =	shalt  }
0x4b: {  	_ =	shalt  }
0x4c: {  	_ =	shalt  }
0x4d: {  	_ =	shalt  }
0x4e: {  	_ =	shalt  }
0x4f: {  	_ =	shalt  }
0x50: {  	_ =	shalt  }
0x51: {  	_ =	shalt  }
0x52: {  	_ =	shalt  }
0x53: {  	_ =	shalt  }
0x54: {  	_ =	shalt  }
0x55: {  	_ =	shalt  }
0x56: {  	_ =	shalt  }
0x57: {  	_ =	shalt  }
0x58: {  	_ =	shalt  }
0x59: {  	_ =	shalt  }
0x5a: {  	_ =	shalt  }
0x5b: {  	_ =	shalt  }
0x5c: {  	_ =	shalt  }
0x5d: {  	_ =	shalt  }
0x5e: {  	_ =	shalt  }
0x5f: {  	_ =	shalt  }
0x60: {  	_ =	shalt  }
0x61: {  	_ =	shalt  }
0x62: {  	_ =	shalt  }
0x63: {  	_ =	shalt  }
0x64: {  	_ =	shalt  }
0x65: {  	_ =	shalt  }
0x66: {  	_ =	shalt  }
0x67: {  	_ =	shalt  }
0x68: {  	_ =	shalt  }
0x69: {  	_ =	shalt  }
0x6a: {  	_ =	shalt  }
0x6b: {  	_ =	shalt  }
0x6c: {  	_ =	shalt  }
0x6d: {  	_ =	shalt  }
0x6e: {  	_ =	shalt  }
0x6f: {  	_ =	shalt  }
0x70: {  	_ =	shalt  }
0x71: {  	_ =	shalt  }
0x72: {  	_ =	shalt  }
0x73: {  	_ =	shalt  }
0x74: {  	_ =	shalt  }
0x75: {  	_ =	shalt  }
0x76: {  	_ =	shalt  }
0x77: {  	_ =	shalt  }
0x78: {  	_ =	shalt  }
0x79: {  	_ =	shalt  }
0x7a: {  	_ =	shalt  }
0x7b: {  	_ =	shalt  }
0x7c: {  	_ =	shalt  }
0x7d: {  	_ =	shalt  }
0x7e: {  	_ =	shalt  }
0x7f: {  	_ =	shalt  }
0x80: {  	_ =	shalt  }
0x81: {  	_ =	shalt  }
0x82: {  	_ =	shalt  }
0x83: {  	_ =	shalt  }
0x84: {  	_ =	shalt  }
0x85: {  	_ =	shalt  }
0x86: {  	_ =	shalt  }
0x87: {  	_ =	shalt  }
.Lfunc_end0:
.L_simem_size_0:
called_computation.6_lowered:
.L_overlay_start_0:
0x88: {  	s2 =	sld [smem:$0x3FD9]  }
0x89: {  	s3 =	sld [smem:$0x3FFE];
	_ =	sdelay $0x1  }
0x8a: {  	s1 =	srdreg.scid  }
0x8b: {  	s0 =	sand.u32 $0x1, s1  }
0x8c: {  	s17 =	sshll.u32 s0, $0xA;
	s2 =	sadd.s32 s3, s2  }
0x8d: {  	s2 =	sadd.s32 s2, s17  }
0x8e: {  	[smem:$0x3F9A] =	sst s2  }
0x8f: {  	_ = 	snop  }
0x90: {  	(tm) =	ssettm $0x1  }
0x91: {  	s18 =	sld [smem:$0x3FFB];
	_ =	sdelay $0x3  }
0x92: {  	_ =	strace s18  }
0x93: {  	s2 =	sld [smem:$0x3FFC];
	_ =	sdelay $0x3  }
0x94: {  	_ =	strace s2  }
0x95: {  	s2 =	sld [smem:$0x3FFD];
	_ =	sdelay $0x3  }
0x96: {  	_ =	strace s2  }
0x97: {  	_ =	strace $0x8FFFFFFF  }
0x98: {  	s19 =	sld [smem:$0x3FDB];
	_ =	sdelay $0x1  }
0x99: {  	s20 =	simm.s32 $_scs_section_size  }
0x9a: {  	s4 =	simm.s32 $_size__tile_overlayer_lowered;
	s5 =	simm.s32 $_tile_overlayer_lowered  }
0x9b: {  	s6 =	simm.s32 $0x1BFF;
	s21 =	sshll.u32 s5, $0x1;
	s3 =	sadd.s32 s20, s19  }
0x9c: {  	s22 =	simm.s32 $0x0;
	s4 =	sshll.u32 s4, $0x1;
	s5 =	sadd.s32 s21, s3  }
0x9d: {  	[timem:s22], [sflag:s6] =	dma.local [hbm:s5], s4  }
0x9e: {  	_ =	swait.ge [sflag:s6], s4  }
0x9f: {  	s4 =	ssub.s32 $0x0, s4;
	[sflag:s6] =	ssyncset.done $0x0  }
0xa0: {  	[sflag:s6] =	ssyncadd.s32 s4;
	_ =	sdelay $0x1  }
0xa1: {  	s23 =	simm.s32 $0x1B8B  }
0xa2: {  	_ =	swait.ge [sflag:s23], $0x1  }
0xa3: {  	[sflag:s23] =	ssyncset.done $0x0  }
0xa4: {  	[sflag:s23] =	ssyncadd.s32 $0xFFFFFFFF  }
0xa5: {  	s4 =	sld [smem:$0x0]  }
0xa6: {  	s5 =	sand.u32 $0xFFFFFFFE, s1  }
0xa7: {  	p0 =	sne.s32 s1, s5  }
0xa8: {  	s5 =	sshll.u32 @p0 s5, $0xE  }
0xa9: {  	s5 =	sadd.s32 @p0 $0x11B8D, s5;
	s6 =	sshll.u32 @p0 s4, $0x11  }
0xaa: {  	s5 =	sor.u32 @p0 s6, s5  }
0xab: {  	[sflag:s5] =	ssyncadd.remote.s32 @p0 $0x1;
	_ =	sdelay $0x1  }
0xac: {  	s5 =	simm.s32 @p0 $0x1B8D  }
0xad: {  	_ =	swait.eq @p0 [sflag:s5], $0x1  }
0xae: {  	[sflag:s5] =	ssyncadd.s32 @p0 $0xFFFFFFFF  }
0xaf: {  	s6 =	sshll.u32 @!p0 s1, $0xE  }
0xb0: {  	s6 =	sor.u32 @!p0 $0x4000, s6;
	s5 =	simm.s32 @!p0 $0x1B8D  }
0xb1: {  	s4 =	sshll.u32 @!p0 s4, $0x11;
	s6 =	sadd.s32 @!p0 $0x11B8D, s6;
	_ =	swait.eq @!p0 [sflag:s5], $0x1  }
0xb2: {  	s4 =	sor.u32 @!p0 s4, s6;
	[sflag:s5] =	ssyncadd.s32 @!p0 $0xFFFFFFFF  }
0xb3: {  	s25 =	simm.s32 $0x1B8E;
	s24 =	sld [smem:$0x3FFE];
	[sflag:s4] =	ssyncadd.remote.s32 @!p0 $0x1  }
0xb4: {  	s26 =	simm.s32 $execute0_lowered;
	[smem:$0x3FD2] =	sst s25  }
0xb5: {  	s5 =	sshll.u32 s26, $0x1;
	_ =	strace $0x8000005E;
	[dreg:$0x1] =	wrdreg $0xFFFFFFFF  }
0xb6: {  	s28 =	simm.s32 $_size_execute0_lowered;
	s3 =	sadd.s32 s3, s5;
	[dreg:$0x0] =	wrdreg $0x0  }
0xb7: {  	s5 =	sshll.u32 s28, $0x1;
	[dreg:$0x2] =	wrdreg s3  }
0xb8: {  	[dreg:$0x3] =	wrdreg s5  }
0xb9: {  	[dreg:$0x4] =	wrdreg $0xC0  }
0xba: {  	_ =	task [dreg:s22], $0x5FFFF  }
0xbb: {  	[dreg:$0x1] =	wrdreg $0xFFFFFFFF  }
0xbc: {  	[dreg:$0x0] =	wrdreg $0x60  }
0xbd: {  	[dreg:$0x2] =	wrdreg s24  }
0xbe: {  	[dreg:$0x3] =	wrdreg $0x9  }
0xbf: {  	_ =	task.clear_ibuf [dreg:s22], $0x4FFFF;
	_ =	strace $0x9000005E  }
0xc0: {  	s29 =	simm.s32 $0x9;
	_ =	strace $0x80000060  }
0xc1: {  	_ =	swait.ge [sflag:s29], $0x1  }
0xc2: {  	[sflag:s29] =	ssyncadd.s32 $0xFFFFFFFF  }
0xc3: {  	_ =	strace $0x90000060  }
0xc4: {  	_ =	sfence  }
0xc5: {  	s30 =	sld [smem:$0x0];
	_ =	sdelay $0x2  }
0xc6: {  	s31 =	sshll.u32 s1, $0xD;
	s1 =	sshrl.u32 s1, $0x2  }
0xc7: {  	s4 =	sand.u32 $0x4000, s31;
	s1 =	sadd.s32 s1, s30  }
0xc8: {  	s0 =	sor.u32 s4, s0;
	s1 =	sshll.u32 s1, $0x11  }
0xc9: {  	s0 =	sor.u32 s1, s0  }
0xca: {  	s0 =	sadd.s32 $0x8F2B, s0  }
0xcb: {  	[sflag:s0] =	ssyncadd.remote.s32 $0x1  }
0xcc: {  	_ =	sfence.sel $0xFFFF  }
0xcd: {  	[dreg:$0x0] =	wrdreg $0xFFFFFFFF;
	(pc) =	sbr.abs _section_cstart, $3  }
0xce: {  	[dreg:$0x1] =	wrdreg $0xFFFFFFFF  }
0xcf: {  	_ =	task.clear_ibuf [dreg:s22], $0x2FFFF;
	_ =	strace $0x9FFFFFFF  }
0xd0: {  	(tm) =	ssettm $0x7FFFFFFF  }
0xd1: {  	_ =	shalt  }
tec
execute0_lowered:
.L_overlay_start_1:
0x0: {  	(tag) =	ssettag $0x1  }
0x1: {  	s1 =	srdreg.scid;
	s0 =	stileid.u32  }
0x2: {  	s4 =	rddreg [dreg:$0x0];
	s2 =	simm.s32 $0x0;
	s15 =	simm.s32 $0x1  }
0x3: {  	s16 =	simm.s32 $0x6800;
	s17 =	simm.s32 $0x2;
	s18 =	simm.s32 $0x3  }
0x4: {  	s19 =	simm.s32 $0x100;
	s20 =	simm.s32 $0x4;
	s12 =	smul.u32 $0x280000, s0  }
0x5: {  	s21 =	simm.s32 $0x2780;
	s8 =	sand.u32 $0x1, s1;
	s13 =	smul.u32 $0x50000, s0  }
0x6: {  	s22 =	simm.s32 $0x0;
	s3 =	sshll.u32 s0, $0x1;
	s28 =	smul.u32 $0x140000, s8  }
0x7: {  	s1 =	rddreg [dreg:$0x1];
	s5 =	sor.u32 s8, s3;
	s14 =	smul.u32 $0x28000, s8  }
0x8: {  	[smem:$0x7FF] =	sst s2;
	s11 =	sadd.s32 $0x5E600, s4;
	s6 =	smul.u32 $0x2800, s5  }
0x9: {  	_ =	strace $0x8000005F;
	s9 =	ssub.s32 $0x2, s8;
	s7 =	smul.u32 $0x28000, s5  }
0xa: {  	s3 =	sadd.s32 $0xB22A00, s4;
	s10 =	smul.u32 $0x140000, s5;
	s26 =	sshrl.u32 s9, $0x1  }
0xb: {  	s30 =	sadd.s32 s13, s11;
	s13 =	simm.s32 $0x80;
	s9 =	ssub.s32 s9, s26  }
0xc: {  	s12 =	sadd.s32 s28, s12;
	s31 =	sadd.s32 s14, s30;
	s14 =	simm.s32 $0x2800  }
0xd: {  	s6 =	sshrl.u32 s6, $0x3;
	s10 =	sshrl.u32 s10, $0x3;
	s12 =	sor.u32 $0x8000, s12  }
0xe: {  	s9 =	smax.u32 s9, $0x1;
	s6 =	sadd.s32 s6, s4;
	s4 =	sadd.s32 s11, s7  }
0xf: {  	s10 =	sadd.s32 s11, s10;
	s29 =	sshrl.u32 s12, $0x3;
	s12 =	simm.s32 $0x5  }
0x10: {  	s5 =	sadd.s32 $0x2C600, s6;
	s6 =	sadd.s32 $0x800, s4;
	s7 =	sadd.s32 $0x27000, s10  }
0x11: {  	s8 =	sadd.s32 $0x27800, s10;
	s10 =	sadd.s32 s29, s11;
	s11 =	sadd.s32 $0x1800, s31  }
.LBB2_1:
0x12: {  	[tilespmem:s2], [sflag:$0x5] =	stream.linear.gather [hbm4b:s5+s2], $0x2800, $0x38;
	[tilespmem:$0xA800] =	vst v63  }
0x13: {  	_ =	swait.ge [sflag:s12], $0x2800  }
0x14: {  	[sflag:s12] =	ssyncset.done $0x0  }
0x15: {  	[sflag:s12] =	ssyncadd.s32 $0xFFFFD800  }
0x16: {  	[tilespmem:s14], [sflag:$0x1] =	stream.indirect.gather [hbm4b:s3+s13], $0x80, s2, s13, $0xb8;
	[tilespmem:$0xA800] =	vst v63  }
0x17: {  	_ =	swait.ge [sflag:s15], $0x4000  }
0x18: {  	[sflag:s15] =	ssyncset.done $0x0  }
0x19: {  	[sflag:s15] =	ssyncadd.s32 $0xFFFFC000  }
0x1a: {  	[hbm4b:s4+s2] =	stream.linear.scatter [tilespmem:s14], [sflag:$0x3], $0x4000, $0x38;
	[tilespmem:$0xA800] =	vst v63  }
0x1b: {  	_ = 	snop  }
0x1c: {  	[tilespmem:s16], [sflag:$0x2] =	stream.indirect.gather [hbm4b:s3+s13], $0x80, s13, s13, $0xb8;
	[tilespmem:$0xA800] =	vst v63  }
0x1d: {  	_ =	swait.ge [sflag:s17], $0x4000  }
0x1e: {  	[sflag:s17] =	ssyncset.done $0x0  }
0x1f: {  	[sflag:s17] =	ssyncadd.s32 $0xFFFFC000  }
0x20: {  	[hbm4b:s6+s2] =	stream.linear.scatter [tilespmem:s16], [sflag:$0x4], $0x4000, $0x38;
	[tilespmem:$0xA800] =	vst v63  }
0x21: {  	_ =	swait.ge [sflag:s18], $0x4000  }
0x22: {  	[sflag:s18] =	ssyncset.done $0x0  }
0x23: {  	[sflag:s18] =	ssyncadd.s32 $0xFFFFC000  }
0x24: {  	[tilespmem:s14], [sflag:$0x1] =	stream.indirect.gather [hbm4b:s3+s13], $0x80, s19, s13, $0xb8;
	[tilespmem:$0xA800] =	vst v63  }
0x25: {  	_ =	swait.ge [sflag:s15], $0x4000  }
0x26: {  	[sflag:s15] =	ssyncset.done $0x0  }
0x27: {  	s23 =	sadd.s32 $0x0, s10;
	[sflag:s15] =	ssyncadd.s32 $0xFFFFC000  }
0x28: {  	[hbm4b:s23+s2] =	stream.linear.scatter [tilespmem:s14], [sflag:$0x3], $0x4000, $0x38;
	[tilespmem:$0xA800] =	vst v63  }
0x29: {  	_ =	swait.ge [sflag:s20], $0x4000  }
0x2a: {  	[sflag:s20] =	ssyncset.done $0x0  }
0x2b: {  	s30 =	simm.s32 $0x180;
	[sflag:s20] =	ssyncadd.s32 $0xFFFFC000  }
0x2c: {  	[tilespmem:s16], [sflag:$0x2] =	stream.indirect.gather [hbm4b:s3+s13], $0x80, s30, s13, $0xb8;
	[tilespmem:$0xA800] =	vst v63  }
0x2d: {  	_ =	swait.ge [sflag:s17], $0x4000  }
0x2e: {  	[sflag:s17] =	ssyncset.done $0x0  }
0x2f: {  	s31 =	sadd.s32 $0x0, s11;
	[sflag:s17] =	ssyncadd.s32 $0xFFFFC000  }
0x30: {  	[hbm4b:s31+s2] =	stream.linear.scatter [tilespmem:s16], [sflag:$0x4], $0x4000, $0x38;
	[tilespmem:$0xA800] =	vst v63  }
0x31: {  	_ =	swait.ge [sflag:s18], $0x4000  }
0x32: {  	s24 =	simm.s32 $0x1000;
	[sflag:s18] =	ssyncset.done $0x0  }
0x33: {  	s25 =	simm.s32 $0x300;
	s23 =	simm.s32 $0x200;
	[sflag:s18] =	ssyncadd.s32 $0xFFFFC000  }
.LBB2_2:
0x34: {  	[tilespmem:s14], [sflag:$0x1] =	stream.indirect.gather [hbm4b:s3+s13], $0x80, s23, s13, $0xb8;
	[tilespmem:$0xA800] =	vst v63  }
0x35: {  	s26 =	smov.u32 s24;
	s23 =	smov.u32 s25  }
0x36: {  	p0 =	sne.s32 s24, $0x25000;
	s24 =	sadd.s32 $0x1000, s24;
	_ =	swait.ge [sflag:s15], $0x4000  }
0x37: {  	[sflag:s15] =	ssyncset.done $0x0  }
0x38: {  	s28 =	sadd.s32 s26, s10;
	[sflag:s15] =	ssyncadd.s32 $0xFFFFC000  }
0x39: {  	[hbm4b:s28+s2] =	stream.linear.scatter [tilespmem:s14], [sflag:$0x3], $0x4000, $0x38;
	[tilespmem:$0xA800] =	vst v63  }
0x3a: {  	_ =	swait.ge [sflag:s20], $0x4000  }
0x3b: {  	[sflag:s20] =	ssyncset.done $0x0  }
0x3c: {  	s28 =	sadd.s32 $0xFFFFFF80, s25;
	[sflag:s20] =	ssyncadd.s32 $0xFFFFC000  }
0x3d: {  	[tilespmem:s16], [sflag:$0x2] =	stream.indirect.gather [hbm4b:s3+s13], $0x80, s28, s13, $0xb8;
	[tilespmem:$0xA800] =	vst v63  }
0x3e: {  	_ =	swait.ge [sflag:s17], $0x4000  }
0x3f: {  	[sflag:s17] =	ssyncset.done $0x0  }
.Ltmp0:
0x40: {  	s26 =	sadd.s32 s26, s11;
	[sflag:s17] =	ssyncadd.s32 $0xFFFFC000;
	(pc) =	sbr.rel @p0 .LBB2_2-.Ltmp0, $4  }
0x41: {  	[hbm4b:s26+s2] =	stream.linear.scatter [tilespmem:s16], [sflag:$0x4], $0x4000, $0x38;
	[tilespmem:$0xA800] =	vst v63  }
0x42: {  	_ =	swait.ge [sflag:s18], $0x4000  }
0x43: {  	[sflag:s18] =	ssyncset.done $0x0  }
0x44: {  	s25 =	sadd.s32 $0x100, s25;
	[sflag:s18] =	ssyncadd.s32 $0xFFFFC000  }
0x45: {  	[tilespmem:s14], [sflag:$0x1] =	stream.indirect.gather [hbm4b:s3+s13], $0x80, s23, s13, $0xb8;
	[tilespmem:$0xA800] =	vst v63  }
0x46: {  	_ =	swait.ge [sflag:s15], $0x4000  }
0x47: {  	[sflag:s15] =	ssyncset.done $0x0  }
0x48: {  	[sflag:s15] =	ssyncadd.s32 $0xFFFFC000  }
0x49: {  	[hbm4b:s7+s2] =	stream.linear.scatter [tilespmem:s14], [sflag:$0x3], $0x4000, $0x38;
	[tilespmem:$0xA800] =	vst v63  }
0x4a: {  	_ =	swait.ge [sflag:s20], $0x4000  }
0x4b: {  	[sflag:s20] =	ssyncset.done $0x0  }
0x4c: {  	[sflag:s20] =	ssyncadd.s32 $0xFFFFC000  }
0x4d: {  	[tilespmem:s16], [sflag:$0x2] =	stream.indirect.gather [hbm4b:s3+s13], $0x80, s21, s13, $0xb8;
	[tilespmem:$0xA800] =	vst v63  }
0x4e: {  	_ =	swait.ge [sflag:s17], $0x4000  }
0x4f: {  	[sflag:s17] =	ssyncset.done $0x0  }
0x50: {  	s22 =	sadd.s32 $0x1, s22;
	[sflag:s17] =	ssyncadd.s32 $0xFFFFC000  }
0x51: {  	[hbm4b:s8+s2] =	stream.linear.scatter [tilespmem:s16], [sflag:$0x4], $0x4000, $0x38;
	[tilespmem:$0xA800] =	vst v63  }
0x52: {  	p0 =	sne.s32 s22, s9;
	_ =	swait.ge [sflag:s18], $0x4000  }
.Ltmp1:
0x53: {  	[sflag:s18] =	ssyncset.done $0x0;
	(pc) =	sbr.rel @p0 .LBB2_1-.Ltmp1, $4  }
0x54: {  	[sflag:s18] =	ssyncadd.s32 $0xFFFFC000  }
0x55: {  	_ =	swait.ge [sflag:s20], $0x4000  }
0x56: {  	[sflag:s20] =	ssyncset.done $0x0  }
0x57: {  	[sflag:s20] =	ssyncadd.s32 $0xFFFFC000  }
0x58: {  	_ =	sfence.sel $0x180000  }
0x59: {  	[bflag:$0x0] =	sbarrier.arrive $0xFFFF  }
0x5a: {  	p0 =	sne.s32 s0, $0x0;
	_ =	strace $0x9000005F  }
0x5b: {  	s0 =	sadd.s32 @!p0 $0x100000, s1;
	[bflag:$0x2] =	sbarrier.arrive $0xFFFF  }
0x5c: {  	[sflag:s0] =	ssyncadd.tile.s32 @!p0 $0x1;
	_ =	shalt  }
.Lfunc_end2:
_tile_overlayer_lowered:
.L_overlay_start_2:
0x5d: {  	(tag) =	ssettag $0x2  }
0x5e: {  	s0 =	rddreg [dreg:$0x0];
	s2 =	stileid.u32  }
0x5f: {  	s1 =	rddreg [dreg:$0x1];
	p0 =	sne.s32 s2, $0x0  }
0x60: {  	s3 =	rddreg [dreg:$0x2];
	[bflag:$0x3] =	sbarrier.arrive $0xFFFF;
	s2 =	simm.s32 @!p0 $0x1C05  }
0x61: {  	[timem:s3], [sflag:s2] =	dma.local @!p0 [hbm:s0], s1  }
0x62: {  	s0 =	simm.s32 @!p0 $0x5  }
0x63: {  	_ =	swait.ge @!p0 [sflag:s0], s1  }
0x64: {  	s1 =	ssub.s32 @!p0 $0x0, s1;
	[sflag:s0] =	ssyncset.done @!p0 $0x0  }
0x65: {  	[sflag:s0] =	ssyncadd.s32 @!p0 s1  }
0x66: {  	[bflag:$0x3] =	sbarrier.arrive $0xFFFF  }
0x67: {  	_ =	shalt  }

// kernel: kernel.46.cloned.1.call-start
scs
__scs_entry_jumppad:
0x0: {  	(pc) =	sbr.rel $0x88, $3  }
0x1: {  	(tag) =	ssettag $0x0;
	lr =	simm.s32 $0x1  }
0x2: {  	[smem:$0x3F73] =	sst lr;
	_ =	strace $0xD0000000  }
0x3: {  	_ = 	snop  }
0x4: {  	_ = 	snop  }
0x5: {  	_ = 	snop  }
0x6: {  	_ = 	snop  }
0x7: {  	_ = 	snop  }
__scs_overlays_trampoline_lowered:
0x8: {  	[smem:$0x3F82] =	sst s0  }
0x9: {  	[smem:$0x3F83] =	sst s1  }
0xa: {  	[smem:$0x3F84] =	sst s2  }
0xb: {  	[smem:$0x3F85] =	sst s3  }
0xc: {  	[smem:$0x3F86] =	sst s4  }
0xd: {  	[smem:$0x3F87] =	sst s5  }
0xe: {  	[smem:$0x3F88] =	sst s6  }
0xf: {  	[smem:$0x3F89] =	sst s7  }
0x10: {  	[smem:$0x3F8A] =	sst s8  }
0x11: {  	[smem:$0x3F8B] =	sst s9;
	s0 =	simm.s32 @!p0 $0x0  }
0x12: {  	s1 =	sld [smem:$0x3F71];
	s0 =	simm.s32 @p0 $0x1  }
0x13: {  	[smem:$0x3F8C] =	sst s0;
	s0 =	simm.s32 @!p1 $0x0  }
0x14: {  	s2 =	sld [smem:$0x3F70];
	s0 =	simm.s32 @p1 $0x1  }
0x15: {  	[smem:$0x3F8D] =	sst s0;
	s0 =	simm.s32 @!p2 $0x0  }
0x16: {  	s3 =	sld [smem:$0x3FDB];
	s0 =	simm.s32 @p2 $0x1  }
0x17: {  	s4 =	simm.s32 $0x1BF5;
	[smem:$0x3F8F] =	sst s0  }
0x18: {  	s0 =	sld [smem:$0x3F72];
	_ =	swait.ge [sflag:s4], $0x0  }
0x19: {  	s7 =	sld [smem:$0x3F73]  }
0x1a: {  	s8 =	sadd.s32 $0xFFFFE003, lr  }
0x1b: {  	s9 =	sadd.s32 $0xFFFFFEF7, lr;
	s5 =	simm.s32 $0xFFFFFFFF;
	p2 =	slt.u32 s8, $0xFFFFF086  }
0x1c: {  	p1 =	slt.u32 s9, $0xF7A;
	s5 =	simm.s32 @!p2 $0x0  }
0x1d: {  	s5 =	simm.s32 @p1 $0x1;
	p0 =	seq.s32 s7, s2  }
0x1e: {  	s7 =	smul.u32 @!p0 $0xF7A, s2;
	p2 =	seq.s32 @!p0 s5, $0x0  }
0x1f: {  	s9 =	smul.u32 $0xF7A, s1;
	s8 =	simm.s32 @!p0 $0x1BF5;
	p2 =	por !p2, p0  }
0x20: {  	[sflag:s8] =	ssyncset.s32 @!p0 $0xFFFFF086;
	s6 =	sadd.s32 @!p0 s3, s7;
	s7 =	simm.s32 @!p0 $0x108  }
0x21: {  	s3 =	sadd.s32 s3, s9;
	s6 =	sadd.s32 @!p0 $0x88, s6;
	s7 =	simm.s32 @p2 $0x1082  }
0x22: {  	[simem:s7], [sflag:s8] =	dma.local @!p0 [hbm:s6], $0xF7A  }
0x23: {  	s9 =	sor.u32 $0xD0000000, s2;
	s6 =	simm.s32 $0x108;
	_ =	swait.ge @!p0 [sflag:s8], $0x0  }
0x24: {  	s3 =	sadd.s32 $0x88, s3;
	s6 =	simm.s32 @!p1 $0x1082;
	[sflag:s4] =	ssyncset.s32 $0xFFFFF086  }
0x25: {  	[simem:s6], [sflag:s4] =	dma.local [hbm:s3], $0xF7A  }
0x26: {  	[smem:$0x3F73] =	sst s1;
	(tag) =	ssettag s2;
	_ =	strace s9  }
0x27: {  	s1 =	sld [smem:$0x3F83]  }
0x28: {  	s2 =	sld [smem:$0x3F84]  }
0x29: {  	s4 =	sld [smem:$0x3F86]  }
0x2a: {  	p0 =	seq.s32 s5, $0x0;
	s5 =	sld [smem:$0x3F87]  }
0x2b: {  	s6 =	sld [smem:$0x3F88]  }
0x2c: {  	s7 =	sld [smem:$0x3F89]  }
0x2d: {  	s3 =	simm.s32 $0x108;
	s8 =	sld [smem:$0x3F8A]  }
0x2e: {  	s3 =	simm.s32 @!p0 $0x1082;
	s9 =	sld [smem:$0x3F8B]  }
0x2f: {  	lr =	sadd.s32 s0, s3;
	s0 =	sld [smem:$0x3F82]  }
0x30: {  	s3 =	sld [smem:$0x3F85]  }
0x31: {  	[smem:$0x3F8E] =	sst s10  }
0x32: {  	s10 =	sld [smem:$0x3F8C];
	_ =	sdelay $0x3  }
0x33: {  	p0 =	seq.s32 s10, $0x1;
	s10 =	sld [smem:$0x3F8E];
	_ =	sdelay $0x3  }
0x34: {  	[smem:$0x3F8E] =	sst s10  }
0x35: {  	s10 =	sld [smem:$0x3F8D];
	_ =	sdelay $0x3  }
0x36: {  	p1 =	seq.s32 s10, $0x1;
	s10 =	sld [smem:$0x3F8E];
	_ =	sdelay $0x3  }
0x37: {  	[smem:$0x3F8E] =	sst s10  }
0x38: {  	s10 =	sld [smem:$0x3F8F]  }
0x39: {  	_ = 	snop;
	(pc) =	sbr.ind lr, $3  }
0x3a: {  	_ = 	snop  }
0x3b: {  	_ = 	snop  }
0x3c: {  	p2 =	seq.s32 s10, $0x1;
	s10 =	sld [smem:$0x3F8E]  }
0x3d: {  	_ =	shalt  }
0x3e: {  	_ =	shalt  }
0x3f: {  	_ =	shalt  }
0x40: {  	_ =	shalt  }
0x41: {  	_ =	shalt  }
0x42: {  	_ =	shalt  }
0x43: {  	_ =	shalt  }
0x44: {  	_ =	shalt  }
0x45: {  	_ =	shalt  }
0x46: {  	_ =	shalt  }
0x47: {  	_ =	shalt  }
0x48: {  	_ =	shalt  }
0x49: {  	_ =	shalt  }
0x4a: {  	_ =	shalt  }
0x4b: {  	_ =	shalt  }
0x4c: {  	_ =	shalt  }
0x4d: {  	_ =	shalt  }
0x4e: {  	_ =	shalt  }
0x4f: {  	_ =	shalt  }
0x50: {  	_ =	shalt  }
0x51: {  	_ =	shalt  }
0x52: {  	_ =	shalt  }
0x53: {  	_ =	shalt  }
0x54: {  	_ =	shalt  }
0x55: {  	_ =	shalt  }
0x56: {  	_ =	shalt  }
0x57: {  	_ =	shalt  }
0x58: {  	_ =	shalt  }
0x59: {  	_ =	shalt  }
0x5a: {  	_ =	shalt  }
0x5b: {  	_ =	shalt  }
0x5c: {  	_ =	shalt  }
0x5d: {  	_ =	shalt  }
0x5e: {  	_ =	shalt  }
0x5f: {  	_ =	shalt  }
0x60: {  	_ =	shalt  }
0x61: {  	_ =	shalt  }
0x62: {  	_ =	shalt  }
0x63: {  	_ =	shalt  }
0x64: {  	_ =	shalt  }
0x65: {  	_ =	shalt  }
0x66: {  	_ =	shalt  }
0x67: {  	_ =	shalt  }
0x68: {  	_ =	shalt  }
0x69: {  	_ =	shalt  }
0x6a: {  	_ =	shalt  }
0x6b: {  	_ =	shalt  }
0x6c: {  	_ =	shalt  }
0x6d: {  	_ =	shalt  }
0x6e: {  	_ =	shalt  }
0x6f: {  	_ =	shalt  }
0x70: {  	_ =	shalt  }
0x71: {  	_ =	shalt  }
0x72: {  	_ =	shalt  }
0x73: {  	_ =	shalt  }
0x74: {  	_ =	shalt  }
0x75: {  	_ =	shalt  }
0x76: {  	_ =	shalt  }
0x77: {  	_ =	shalt  }
0x78: {  	_ =	shalt  }
0x79: {  	_ =	shalt  }
0x7a: {  	_ =	shalt  }
0x7b: {  	_ =	shalt  }
0x7c: {  	_ =	shalt  }
0x7d: {  	_ =	shalt  }
0x7e: {  	_ =	shalt  }
0x7f: {  	_ =	shalt  }
0x80: {  	_ =	shalt  }
0x81: {  	_ =	shalt  }
0x82: {  	_ =	shalt  }
0x83: {  	_ =	shalt  }
0x84: {  	_ =	shalt  }
0x85: {  	_ =	shalt  }
0x86: {  	_ =	shalt  }
0x87: {  	_ =	shalt  }
.Lfunc_end0:
.L_simem_size_0:
called_computation.7_lowered:
.L_overlay_start_0:
0x88: {  	s2 =	sld [smem:$0x3FD9]  }
0x89: {  	s3 =	sld [smem:$0x3FFE];
	_ =	sdelay $0x1  }
0x8a: {  	s1 =	srdreg.scid  }
0x8b: {  	s0 =	sand.u32 $0x1, s1  }
0x8c: {  	s16 =	sshll.u32 s0, $0xA;
	s2 =	sadd.s32 s3, s2  }
0x8d: {  	s2 =	sadd.s32 s2, s16  }
0x8e: {  	[smem:$0x3F9A] =	sst s2  }
0x8f: {  	_ = 	snop  }
0x90: {  	(tm) =	ssettm $0x1  }
0x91: {  	s17 =	sld [smem:$0x3FFB];
	_ =	sdelay $0x3  }
0x92: {  	_ =	strace s17  }
0x93: {  	s2 =	sld [smem:$0x3FFC];
	_ =	sdelay $0x3  }
0x94: {  	_ =	strace s2  }
0x95: {  	s2 =	sld [smem:$0x3FFD];
	_ =	sdelay $0x3  }
0x96: {  	_ =	strace s2  }
0x97: {  	_ =	strace $0x8FFFFFFF  }
0x98: {  	s18 =	sld [smem:$0x3FDB];
	_ =	sdelay $0x1  }
0x99: {  	s19 =	simm.s32 $_scs_section_size  }
0x9a: {  	s4 =	simm.s32 $_size__tile_overlayer_lowered;
	s5 =	simm.s32 $_tile_overlayer_lowered  }
0x9b: {  	s22 =	simm.s32 $0x1BFF;
	s21 =	sshll.u32 s5, $0x1;
	s2 =	sadd.s32 s19, s18  }
0x9c: {  	s6 =	simm.s32 $0x0;
	s20 =	sshll.u32 s4, $0x1;
	s4 =	sadd.s32 s21, s2  }
0x9d: {  	[timem:s6], [sflag:s22] =	dma.local [hbm:s4], s20  }
0x9e: {  	_ =	swait.ge [sflag:s22], s20  }
0x9f: {  	s3 =	ssub.s32 $0x0, s20;
	[sflag:s22] =	ssyncset.done $0x0  }
0xa0: {  	[sflag:s22] =	ssyncadd.s32 s3;
	_ =	sdelay $0x1  }
0xa1: {  	s23 =	simm.s32 $0x1B8B  }
0xa2: {  	_ =	swait.ge [sflag:s23], $0x1  }
0xa3: {  	[sflag:s23] =	ssyncset.done $0x0  }
0xa4: {  	s25 =	simm.s32 $0x1B8E;
	s24 =	sld [smem:$0x3FFE];
	[sflag:s23] =	ssyncadd.s32 $0xFFFFFFFF  }
0xa5: {  	s26 =	simm.s32 $execute0_lowered;
	[smem:$0x3FD2] =	sst s25  }
0xa6: {  	s4 =	sshll.u32 s26, $0x1;
	_ =	strace $0x80000058;
	[dreg:$0x1] =	wrdreg $0xFFFFFFFF  }
0xa7: {  	s28 =	simm.s32 $_size_execute0_lowered;
	s2 =	sadd.s32 s2, s4;
	[dreg:$0x0] =	wrdreg $0x0  }
0xa8: {  	s4 =	sshll.u32 s28, $0x1;
	[dreg:$0x2] =	wrdreg s2  }
0xa9: {  	[dreg:$0x3] =	wrdreg s4  }
0xaa: {  	[dreg:$0x4] =	wrdreg $0xC0  }
0xab: {  	_ =	task [dreg:s6], $0x5FFFF  }
0xac: {  	[dreg:$0x1] =	wrdreg $0xFFFFFFFF  }
0xad: {  	[dreg:$0x0] =	wrdreg $0x60  }
0xae: {  	[dreg:$0x2] =	wrdreg s24  }
0xaf: {  	[dreg:$0x3] =	wrdreg $0x9  }
0xb0: {  	_ =	task.clear_ibuf [dreg:s6], $0x4FFFF;
	_ =	strace $0x90000058  }
0xb1: {  	s29 =	simm.s32 $0x9;
	_ =	strace $0x8000005A  }
0xb2: {  	_ =	swait.ge [sflag:s29], $0x1  }
0xb3: {  	[sflag:s29] =	ssyncadd.s32 $0xFFFFFFFF  }
0xb4: {  	_ =	strace $0x9000005A  }
0xb5: {  	_ =	sfence  }
0xb6: {  	s30 =	sld [smem:$0x0];
	_ =	sdelay $0x2  }
0xb7: {  	s31 =	sshll.u32 s1, $0xD;
	s1 =	sshrl.u32 s1, $0x2  }
0xb8: {  	s3 =	sand.u32 $0x4000, s31;
	s1 =	sadd.s32 s1, s30  }
0xb9: {  	s0 =	sor.u32 s3, s0;
	s1 =	sshll.u32 s1, $0x11  }
0xba: {  	s0 =	sor.u32 s1, s0  }
0xbb: {  	s0 =	sadd.s32 $0x8F2B, s0  }
0xbc: {  	[sflag:s0] =	ssyncadd.remote.s32 $0x1  }
0xbd: {  	_ =	sfence.sel $0xFFFF  }
0xbe: {  	[dreg:$0x0] =	wrdreg $0xFFFFFFFF;
	(pc) =	sbr.abs _section_cstart, $3  }
0xbf: {  	[dreg:$0x1] =	wrdreg $0xFFFFFFFF  }
0xc0: {  	_ =	task.clear_ibuf [dreg:s6], $0x2FFFF;
	_ =	strace $0x9FFFFFFF  }
0xc1: {  	(tm) =	ssettm $0x7FFFFFFF  }
tec
execute0_lowered:
.L_overlay_start_1:
0x0: {  	(tag) =	ssettag $0x1  }
0x1: {  	s1 =	srdreg.scid  }
0x2: {  	s0 =	stileid.u32;
	s5 =	rddreg [dreg:$0x0];
	s10 =	simm.s32 $0xC000  }
0x3: {  	s11 =	simm.s32 $0x80;
	s12 =	simm.s32 $0x400;
	s13 =	simm.s32 $0x0  }
0x4: {  	s3 =	sand.u32 $0x1, s1;
	s2 =	sshll.u32 s0, $0x1;
	s1 =	rddreg [dreg:$0x1]  }
0x5: {  	s4 =	sshrl.u32 s0, $0x2;
	s6 =	sor.u32 s3, s2;
	s2 =	simm.s32 $0x0  }
0x6: {  	s4 =	smul.u32 $0x50000, s4;
	s31 =	ssub.s32 $0x2, s3;
	s7 =	sshll.u32 s6, $0x7  }
0x7: {  	s3 =	sadd.s32 $0xAD4600, s5;
	[smem:$0x7FF] =	sst s2;
	s7 =	sand.u32 $0x380, s7  }
0x8: {  	s9 =	sshrl.u32 s31, $0x1;
	_ =	strace $0x80000059;
	s4 =	sor.u32 s4, s7  }
0x9: {  	s7 =	ssub.s32 s31, s9;
	s9 =	simm.s32 $0x1;
	s8 =	sshrl.u32 s4, $0x3  }
0xa: {  	s4 =	sadd.s32 $0xAAC600, s5;
	s7 =	smax.u32 s7, $0x1;
	s8 =	sadd.s32 s8, s5  }
0xb: {  	v0 =	vimm.f32 $0.0e+00;
	s5 =	smul.u32 $0xA000, s6;
	s6 =	sadd.s32 $0x36600, s8;
	s8 =	simm.s32 $0xA000  }
.LBB2_1:
0xc: {  	s14 =	simm.s32 $0x40;
	s15 =	simm.s32 $0x0  }
.LBB2_2:
0xd: {  	p0 =	sne.s32 s14, $0x27FC0;
	[tilespmem:s15+$0x0] =	vst v0;
	s15 =	smov.u32 s14;
	s14 =	sadd.s32 $0x40, s14  }
.Ltmp0:
0xe: {  	(pc) =	sbr.rel @p0 .LBB2_2-.Ltmp0, $2  }
0xf: {  	_ =	sdelay $0x2  }
0x10: {  	s15 =	sshra.s32 s15, $0x2  }
0x11: {  	[tilespmem:s15+$0x0] =	vst v0;
	s14 =	simm.s32 $0x0;
	s15 =	simm.s32 $0x0  }
.LBB2_4:
0x12: {  	s16 =	sshll.u32 s15, $0xD  }
0x13: {  	s16 =	sadd.s32 s5, s16  }
0x14: {  	s16 =	sshrl.u32 s16, $0x3  }
0x15: {  	s17 =	sadd.s32 s3, s16  }
0x16: {  	[tilespmem:s8], [sflag:$0x1] =	stream.linear.gather [hbm4b:s17+s14], $0x2000, $0x38;
	[tilespmem:$0xE000] =	vst v63  }
0x17: {  	_ =	swait.ge [sflag:s9], $0x2000  }
0x18: {  	[sflag:s9] =	ssyncset.done $0x0  }
0x19: {  	s16 =	sadd.s32 s4, s16;
	[sflag:s9] =	ssyncadd.s32 $0xFFFFE000  }
0x1a: {  	[tilespmem:s10], [sflag:$0x1] =	stream.linear.gather [hbm4b:s16+s14], $0x2000, $0x38;
	[tilespmem:$0xE000] =	vst v63  }
0x1b: {  	_ =	swait.ge [sflag:s9], $0x2000  }
0x1c: {  	[sflag:s9] =	ssyncset.done $0x0  }
0x1d: {  	s17 =	simm.s32 $0x0;
	s16 =	simm.s32 $0x40;
	[sflag:s9] =	ssyncadd.s32 $0xFFFFE000  }
.LBB2_5:
0x1e: {  	p0 =	sne.s32 s16, $0x7FC0;
	v1 =	vld [tilespmem:s17+$0xC000];
	_ =	sdelay $0x2  }
0x1f: {  	v2 =	vld [tilespmem:s17+$0xA000]  }
.Ltmp1:
0x20: {  	(pc) =	sbr.rel @p0 .LBB2_5-.Ltmp1, $2  }
0x21: {  	_ =	sdelay $0x2  }
0x22: {  	s17 =	sshra.s32 s16, $0x2;
	s16 =	sadd.s32 $0x40, s16;
	[tilespmem:v1+s2+$0x0] =	vst.idx.add.f32.msk $0xffff, v2  }
0x23: {  	v1 =	vld [tilespmem:s17+$0xC000];
	_ =	sdelay $0x1  }
0x24: {  	s15 =	sadd.s32 $0x1, s15  }
0x25: {  	v2 =	vld [tilespmem:s17+$0xA000];
	p0 =	sne.s32 s15, $0x5  }
.Ltmp2:
0x26: {  	_ = 	snop;
	(pc) =	sbr.rel @p0 .LBB2_4-.Ltmp2, $2  }
0x27: {  	_ =	sdelay $0x2  }
0x28: {  	[tilespmem:v1+s2+$0x0] =	vst.idx.add.f32.msk $0xffff, v2  }
0x29: {  	s13 =	sadd.s32 $0x1, s13  }
0x2a: {  	p0 =	sne.s32 s13, s7  }
.Ltmp3:
0x2b: {  	_ = 	snop;
	(pc) =	sbr.rel @p0 .LBB2_1-.Ltmp3, $4  }
0x2c: {  	[hbm4b:s6+s11] =	stream.strided.scatter [tilespmem:s2], [sflag:$0x1], $0xA000, s12, s11, $0x38;
	[tilespmem:$0xE000] =	vst v63  }
0x2d: {  	_ =	swait.ge [sflag:s9], $0xA000  }
0x2e: {  	[sflag:s9] =	ssyncset.done $0x0  }
0x2f: {  	[sflag:s9] =	ssyncadd.s32 $0xFFFF6000  }
0x30: {  	_ =	sfence.sel $0x180000  }
0x31: {  	[bflag:$0x0] =	sbarrier.arrive $0xFFFF  }
0x32: {  	p0 =	sne.s32 s0, $0x0;
	_ =	strace $0x90000059  }
0x33: {  	s0 =	sadd.s32 @!p0 $0x100000, s1;
	[bflag:$0x2] =	sbarrier.arrive $0xFFFF  }
0x34: {  	[sflag:s0] =	ssyncadd.tile.s32 @!p0 $0x1;
	_ =	shalt  }
.Lfunc_end2:
_tile_overlayer_lowered:
.L_overlay_start_2:
0x35: {  	(tag) =	ssettag $0x2  }
0x36: {  	s0 =	rddreg [dreg:$0x0];
	s2 =	stileid.u32  }
0x37: {  	s1 =	rddreg [dreg:$0x1];
	p0 =	sne.s32 s2, $0x0  }
0x38: {  	s3 =	rddreg [dreg:$0x2];
	[bflag:$0x3] =	sbarrier.arrive $0xFFFF;
	s2 =	simm.s32 @!p0 $0x1C01  }
0x39: {  	[timem:s3], [sflag:s2] =	dma.local @!p0 [hbm:s0], s1  }
0x3a: {  	s0 =	simm.s32 @!p0 $0x1  }
0x3b: {  	_ =	swait.ge @!p0 [sflag:s0], s1  }
0x3c: {  	s1 =	ssub.s32 @!p0 $0x0, s1;
	[sflag:s0] =	ssyncset.done @!p0 $0x0  }
0x3d: {  	[sflag:s0] =	ssyncadd.s32 @!p0 s1  }
0x3e: {  	[bflag:$0x3] =	sbarrier.arrive $0xFFFF  }
0x3f: {  	_ =	shalt  }

// kernel: kernel.49.cloned.1.call-start
scs
__scs_entry_jumppad:
0x0: {  	(pc) =	sbr.rel $0x88, $3  }
0x1: {  	(tag) =	ssettag $0x0;
	lr =	simm.s32 $0x1  }
0x2: {  	[smem:$0x3F73] =	sst lr;
	_ =	strace $0xD0000000  }
0x3: {  	_ = 	snop  }
0x4: {  	_ = 	snop  }
0x5: {  	_ = 	snop  }
0x6: {  	_ = 	snop  }
0x7: {  	_ = 	snop  }
__scs_overlays_trampoline_lowered:
0x8: {  	[smem:$0x3F82] =	sst s0  }
0x9: {  	[smem:$0x3F83] =	sst s1  }
0xa: {  	[smem:$0x3F84] =	sst s2  }
0xb: {  	[smem:$0x3F85] =	sst s3  }
0xc: {  	[smem:$0x3F86] =	sst s4  }
0xd: {  	[smem:$0x3F87] =	sst s5  }
0xe: {  	[smem:$0x3F88] =	sst s6  }
0xf: {  	[smem:$0x3F89] =	sst s7  }
0x10: {  	[smem:$0x3F8A] =	sst s8  }
0x11: {  	[smem:$0x3F8B] =	sst s9;
	s0 =	simm.s32 @!p0 $0x0  }
0x12: {  	s1 =	sld [smem:$0x3F71];
	s0 =	simm.s32 @p0 $0x1  }
0x13: {  	[smem:$0x3F8C] =	sst s0;
	s0 =	simm.s32 @!p1 $0x0  }
0x14: {  	s2 =	sld [smem:$0x3F70];
	s0 =	simm.s32 @p1 $0x1  }
0x15: {  	[smem:$0x3F8D] =	sst s0;
	s0 =	simm.s32 @!p2 $0x0  }
0x16: {  	s3 =	sld [smem:$0x3FDB];
	s0 =	simm.s32 @p2 $0x1  }
0x17: {  	s4 =	simm.s32 $0x1BF5;
	[smem:$0x3F8F] =	sst s0  }
0x18: {  	s0 =	sld [smem:$0x3F72];
	_ =	swait.ge [sflag:s4], $0x0  }
0x19: {  	s7 =	sld [smem:$0x3F73]  }
0x1a: {  	s8 =	sadd.s32 $0xFFFFE003, lr  }
0x1b: {  	s9 =	sadd.s32 $0xFFFFFEF7, lr;
	s5 =	simm.s32 $0xFFFFFFFF;
	p2 =	slt.u32 s8, $0xFFFFF086  }
0x1c: {  	p1 =	slt.u32 s9, $0xF7A;
	s5 =	simm.s32 @!p2 $0x0  }
0x1d: {  	s5 =	simm.s32 @p1 $0x1;
	p0 =	seq.s32 s7, s2  }
0x1e: {  	s7 =	smul.u32 @!p0 $0xF7A, s2;
	p2 =	seq.s32 @!p0 s5, $0x0  }
0x1f: {  	s9 =	smul.u32 $0xF7A, s1;
	s8 =	simm.s32 @!p0 $0x1BF5;
	p2 =	por !p2, p0  }
0x20: {  	[sflag:s8] =	ssyncset.s32 @!p0 $0xFFFFF086;
	s6 =	sadd.s32 @!p0 s3, s7;
	s7 =	simm.s32 @!p0 $0x108  }
0x21: {  	s3 =	sadd.s32 s3, s9;
	s6 =	sadd.s32 @!p0 $0x88, s6;
	s7 =	simm.s32 @p2 $0x1082  }
0x22: {  	[simem:s7], [sflag:s8] =	dma.local @!p0 [hbm:s6], $0xF7A  }
0x23: {  	s9 =	sor.u32 $0xD0000000, s2;
	s6 =	simm.s32 $0x108;
	_ =	swait.ge @!p0 [sflag:s8], $0x0  }
0x24: {  	s3 =	sadd.s32 $0x88, s3;
	s6 =	simm.s32 @!p1 $0x1082;
	[sflag:s4] =	ssyncset.s32 $0xFFFFF086  }
0x25: {  	[simem:s6], [sflag:s4] =	dma.local [hbm:s3], $0xF7A  }
0x26: {  	[smem:$0x3F73] =	sst s1;
	(tag) =	ssettag s2;
	_ =	strace s9  }
0x27: {  	s1 =	sld [smem:$0x3F83]  }
0x28: {  	s2 =	sld [smem:$0x3F84]  }
0x29: {  	s4 =	sld [smem:$0x3F86]  }
0x2a: {  	p0 =	seq.s32 s5, $0x0;
	s5 =	sld [smem:$0x3F87]  }
0x2b: {  	s6 =	sld [smem:$0x3F88]  }
0x2c: {  	s7 =	sld [smem:$0x3F89]  }
0x2d: {  	s3 =	simm.s32 $0x108;
	s8 =	sld [smem:$0x3F8A]  }
0x2e: {  	s3 =	simm.s32 @!p0 $0x1082;
	s9 =	sld [smem:$0x3F8B]  }
0x2f: {  	lr =	sadd.s32 s0, s3;
	s0 =	sld [smem:$0x3F82]  }
0x30: {  	s3 =	sld [smem:$0x3F85]  }
0x31: {  	[smem:$0x3F8E] =	sst s10  }
0x32: {  	s10 =	sld [smem:$0x3F8C];
	_ =	sdelay $0x3  }
0x33: {  	p0 =	seq.s32 s10, $0x1;
	s10 =	sld [smem:$0x3F8E];
	_ =	sdelay $0x3  }
0x34: {  	[smem:$0x3F8E] =	sst s10  }
0x35: {  	s10 =	sld [smem:$0x3F8D];
	_ =	sdelay $0x3  }
0x36: {  	p1 =	seq.s32 s10, $0x1;
	s10 =	sld [smem:$0x3F8E];
	_ =	sdelay $0x3  }
0x37: {  	[smem:$0x3F8E] =	sst s10  }
0x38: {  	s10 =	sld [smem:$0x3F8F]  }
0x39: {  	_ = 	snop;
	(pc) =	sbr.ind lr, $3  }
0x3a: {  	_ = 	snop  }
0x3b: {  	_ = 	snop  }
0x3c: {  	p2 =	seq.s32 s10, $0x1;
	s10 =	sld [smem:$0x3F8E]  }
0x3d: {  	_ =	shalt  }
0x3e: {  	_ =	shalt  }
0x3f: {  	_ =	shalt  }
0x40: {  	_ =	shalt  }
0x41: {  	_ =	shalt  }
0x42: {  	_ =	shalt  }
0x43: {  	_ =	shalt  }
0x44: {  	_ =	shalt  }
0x45: {  	_ =	shalt  }
0x46: {  	_ =	shalt  }
0x47: {  	_ =	shalt  }
0x48: {  	_ =	shalt  }
0x49: {  	_ =	shalt  }
0x4a: {  	_ =	shalt  }
0x4b: {  	_ =	shalt  }
0x4c: {  	_ =	shalt  }
0x4d: {  	_ =	shalt  }
0x4e: {  	_ =	shalt  }
0x4f: {  	_ =	shalt  }
0x50: {  	_ =	shalt  }
0x51: {  	_ =	shalt  }
0x52: {  	_ =	shalt  }
0x53: {  	_ =	shalt  }
0x54: {  	_ =	shalt  }
0x55: {  	_ =	shalt  }
0x56: {  	_ =	shalt  }
0x57: {  	_ =	shalt  }
0x58: {  	_ =	shalt  }
0x59: {  	_ =	shalt  }
0x5a: {  	_ =	shalt  }
0x5b: {  	_ =	shalt  }
0x5c: {  	_ =	shalt  }
0x5d: {  	_ =	shalt  }
0x5e: {  	_ =	shalt  }
0x5f: {  	_ =	shalt  }
0x60: {  	_ =	shalt  }
0x61: {  	_ =	shalt  }
0x62: {  	_ =	shalt  }
0x63: {  	_ =	shalt  }
0x64: {  	_ =	shalt  }
0x65: {  	_ =	shalt  }
0x66: {  	_ =	shalt  }
0x67: {  	_ =	shalt  }
0x68: {  	_ =	shalt  }
0x69: {  	_ =	shalt  }
0x6a: {  	_ =	shalt  }
0x6b: {  	_ =	shalt  }
0x6c: {  	_ =	shalt  }
0x6d: {  	_ =	shalt  }
0x6e: {  	_ =	shalt  }
0x6f: {  	_ =	shalt  }
0x70: {  	_ =	shalt  }
0x71: {  	_ =	shalt  }
0x72: {  	_ =	shalt  }
0x73: {  	_ =	shalt  }
0x74: {  	_ =	shalt  }
0x75: {  	_ =	shalt  }
0x76: {  	_ =	shalt  }
0x77: {  	_ =	shalt  }
0x78: {  	_ =	shalt  }
0x79: {  	_ =	shalt  }
0x7a: {  	_ =	shalt  }
0x7b: {  	_ =	shalt  }
0x7c: {  	_ =	shalt  }
0x7d: {  	_ =	shalt  }
0x7e: {  	_ =	shalt  }
0x7f: {  	_ =	shalt  }
0x80: {  	_ =	shalt  }
0x81: {  	_ =	shalt  }
0x82: {  	_ =	shalt  }
0x83: {  	_ =	shalt  }
0x84: {  	_ =	shalt  }
0x85: {  	_ =	shalt  }
0x86: {  	_ =	shalt  }
0x87: {  	_ =	shalt  }
.Lfunc_end0:
.L_simem_size_0:
called_computation.8_lowered:
.L_overlay_start_0:
0x88: {  	s2 =	sld [smem:$0x3FD9]  }
0x89: {  	s3 =	sld [smem:$0x3FFE];
	_ =	sdelay $0x1  }
0x8a: {  	s1 =	srdreg.scid  }
0x8b: {  	s0 =	sand.u32 $0x1, s1  }
0x8c: {  	s16 =	sshll.u32 s0, $0xA;
	s2 =	sadd.s32 s3, s2  }
0x8d: {  	s2 =	sadd.s32 s2, s16  }
0x8e: {  	[smem:$0x3F9A] =	sst s2  }
0x8f: {  	_ = 	snop  }
0x90: {  	(tm) =	ssettm $0x1  }
0x91: {  	s17 =	sld [smem:$0x3FFB];
	_ =	sdelay $0x3  }
0x92: {  	_ =	strace s17  }
0x93: {  	s2 =	sld [smem:$0x3FFC];
	_ =	sdelay $0x3  }
0x94: {  	_ =	strace s2  }
0x95: {  	s2 =	sld [smem:$0x3FFD];
	_ =	sdelay $0x3  }
0x96: {  	_ =	strace s2  }
0x97: {  	_ =	strace $0x8FFFFFFF  }
0x98: {  	s18 =	sld [smem:$0x3FDB];
	_ =	sdelay $0x1  }
0x99: {  	s19 =	simm.s32 $_scs_section_size  }
0x9a: {  	s4 =	simm.s32 $_size__tile_overlayer_lowered;
	s5 =	simm.s32 $_tile_overlayer_lowered  }
0x9b: {  	s22 =	simm.s32 $0x1BFF;
	s21 =	sshll.u32 s5, $0x1;
	s2 =	sadd.s32 s19, s18  }
0x9c: {  	s6 =	simm.s32 $0x0;
	s20 =	sshll.u32 s4, $0x1;
	s4 =	sadd.s32 s21, s2  }
0x9d: {  	[timem:s6], [sflag:s22] =	dma.local [hbm:s4], s20  }
0x9e: {  	_ =	swait.ge [sflag:s22], s20  }
0x9f: {  	s3 =	ssub.s32 $0x0, s20;
	[sflag:s22] =	ssyncset.done $0x0  }
0xa0: {  	[sflag:s22] =	ssyncadd.s32 s3;
	_ =	sdelay $0x1  }
0xa1: {  	s23 =	simm.s32 $0x1B8B  }
0xa2: {  	_ =	swait.ge [sflag:s23], $0x1  }
0xa3: {  	[sflag:s23] =	ssyncset.done $0x0  }
0xa4: {  	s25 =	simm.s32 $0x1B8E;
	s24 =	sld [smem:$0x3FFE];
	[sflag:s23] =	ssyncadd.s32 $0xFFFFFFFF  }
0xa5: {  	s26 =	simm.s32 $execute0_lowered;
	[smem:$0x3FD2] =	sst s25  }
0xa6: {  	s4 =	sshll.u32 s26, $0x1;
	_ =	strace $0x8000005B;
	[dreg:$0x1] =	wrdreg $0xFFFFFFFF  }
0xa7: {  	s28 =	simm.s32 $_size_execute0_lowered;
	s2 =	sadd.s32 s2, s4;
	[dreg:$0x0] =	wrdreg $0x0  }
0xa8: {  	s4 =	sshll.u32 s28, $0x1;
	[dreg:$0x2] =	wrdreg s2  }
0xa9: {  	[dreg:$0x3] =	wrdreg s4  }
0xaa: {  	[dreg:$0x4] =	wrdreg $0xC0  }
0xab: {  	_ =	task [dreg:s6], $0x5FFFF  }
0xac: {  	[dreg:$0x1] =	wrdreg $0xFFFFFFFF  }
0xad: {  	[dreg:$0x0] =	wrdreg $0x60  }
0xae: {  	[dreg:$0x2] =	wrdreg s24  }
0xaf: {  	[dreg:$0x3] =	wrdreg $0xA  }
0xb0: {  	_ =	task.clear_ibuf [dreg:s6], $0x4FFFF;
	_ =	strace $0x9000005B  }
0xb1: {  	s29 =	simm.s32 $0xA;
	_ =	strace $0x8000005D  }
0xb2: {  	_ =	swait.ge [sflag:s29], $0x1  }
0xb3: {  	[sflag:s29] =	ssyncadd.s32 $0xFFFFFFFF  }
0xb4: {  	_ =	strace $0x9000005D  }
0xb5: {  	_ =	sfence  }
0xb6: {  	s30 =	sld [smem:$0x0];
	_ =	sdelay $0x2  }
0xb7: {  	s31 =	sshll.u32 s1, $0xD;
	s1 =	sshrl.u32 s1, $0x2  }
0xb8: {  	s3 =	sand.u32 $0x4000, s31;
	s1 =	sadd.s32 s1, s30  }
0xb9: {  	s0 =	sor.u32 s3, s0;
	s1 =	sshll.u32 s1, $0x11  }
0xba: {  	s0 =	sor.u32 s1, s0  }
0xbb: {  	s0 =	sadd.s32 $0x8F2B, s0  }
0xbc: {  	[sflag:s0] =	ssyncadd.remote.s32 $0x1  }
0xbd: {  	_ =	sfence.sel $0xFFFF  }
0xbe: {  	[dreg:$0x0] =	wrdreg $0xFFFFFFFF;
	(pc) =	sbr.abs _section_cstart, $3  }
0xbf: {  	[dreg:$0x1] =	wrdreg $0xFFFFFFFF  }
0xc0: {  	_ =	task.clear_ibuf [dreg:s6], $0x2FFFF;
	_ =	strace $0x9FFFFFFF  }
0xc1: {  	(tm) =	ssettm $0x7FFFFFFF  }
tec
execute0_lowered:
.L_overlay_start_1:
0x0: {  	(tag) =	ssettag $0x1  }
0x1: {  	s6 =	rddreg [dreg:$0x0]  }
0x2: {  	s0 =	rddreg [dreg:$0x1];
	s1 =	simm.s32 $0x0  }
0x3: {  	s4 =	srdreg.scid;
	s2 =	stileid.u32;
	s11 =	simm.s32 $0xC000  }
0x4: {  	s12 =	simm.s32 $0xE000;
	s13 =	simm.s32 $0x0;
	[smem:$0x7FF] =	sst s1  }
0x5: {  	s3 =	sadd.s32 $0xAD4600, s6;
	s7 =	sand.u32 $0x1, s4;
	s4 =	sadd.s32 $0xAAC600, s6  }
0x6: {  	s9 =	sshll.u32 s2, $0x1;
	s5 =	sadd.s32 $0xEE00, s6;
	s8 =	ssub.s32 $0x2, s7  }
0x7: {  	s6 =	sadd.s32 $0x36600, s6;
	_ =	strace $0x8000005C;
	s10 =	sshrl.u32 s8, $0x1  }
0x8: {  	s7 =	sor.u32 s7, s9;
	s9 =	simm.s32 $0x1;
	s8 =	ssub.s32 s8, s10  }
0x9: {  	s7 =	smul.u32 $0xA000, s7;
	s10 =	simm.s32 $0xA000;
	s8 =	smax.u32 s8, $0x1  }
.LBB2_1:
0xa: {  	[tilespmem:s1], [sflag:$0x1] =	stream.linear.gather [hbm4b:s5+s1], $0xA000, $0x38;
	[tilespmem:$0x10000] =	vst v63  }
0xb: {  	_ =	swait.ge [sflag:s9], $0xA000  }
0xc: {  	[sflag:s9] =	ssyncset.done $0x0  }
0xd: {  	s14 =	simm.s32 $0x0;
	[sflag:s9] =	ssyncadd.s32 $0xFFFF6000  }
.LBB2_2:
0xe: {  	s15 =	sshll.u32 s14, $0xD  }
0xf: {  	s15 =	sadd.s32 s7, s15  }
0x10: {  	s15 =	sshrl.u32 s15, $0x3  }
0x11: {  	s17 =	simm.s32 $0x0;
	s16 =	sadd.s32 s3, s15  }
0x12: {  	[tilespmem:s10], [sflag:$0x1] =	stream.linear.gather [hbm4b:s16+s17], $0x2000, $0x38;
	[tilespmem:$0x10000] =	vst v63  }
0x13: {  	_ =	swait.ge [sflag:s9], $0x2000  }
0x14: {  	[sflag:s9] =	ssyncset.done $0x0  }
0x15: {  	s31 =	sadd.s32 s4, s15;
	[sflag:s9] =	ssyncadd.s32 $0xFFFFE000  }
0x16: {  	[tilespmem:s11], [sflag:$0x1] =	stream.linear.gather [hbm4b:s31+s17], $0x2000, $0x38;
	[tilespmem:$0x10000] =	vst v63  }
0x17: {  	_ =	swait.ge [sflag:s9], $0x2000  }
0x18: {  	[sflag:s9] =	ssyncset.done $0x0  }
0x19: {  	s16 =	simm.s32 $0x0;
	[sflag:s9] =	ssyncadd.s32 $0xFFFFE000  }
0x1a: {  	v0 =	vld [tilespmem:s16+$0xC000];
	_ =	sdelay $0x7  }
0x1b: {  	v0 =	vld.idx.msk [tilespmem:v0+s1+$0x0], $0xffff;
	_ =	sdelay $0x4  }
0x1c: {  	v0 =	vadd.f32 $1.000000020e-16, v0;
	_ =	sdelay $0x1  }
0x1d: {  	(erf) = vrcp.f32 v0;
	_ =	sdelay $0x3  }
0x1e: {  	s18 =	simm.s32 $0x10;
	s17 =	simm.s32 $0x80;
	v0 =	vld [tilespmem:s16+$0xA000]  }
.LBB2_3:
0x1f: {  	p0 =	sne.s32 s17, $0x7FC0;
	v1 =	vld [tilespmem:s18+$0xC000];
	_ =	sdelay $0x3  }
0x20: {  	v2 =	vpop (erf)  }
0x21: {  	v0 =	vmul.f32 v2, v0;
	_ =	sdelay $0x1  }
0x22: {  	[tilespmem:s16+$0xE000] =	vst v0;
	s16 =	smov.u32 s18  }
0x23: {  	v0 =	vld.idx.msk [tilespmem:v1+s1+$0x0], $0xffff;
	_ =	sdelay $0x5  }
0x24: {  	v0 =	vadd.f32 $1.000000020e-16, v0;
	_ =	sdelay $0x1  }
.Ltmp0:
0x25: {  	(erf) = vrcp.f32 v0;
	(pc) =	sbr.rel @p0 .LBB2_3-.Ltmp0, $2  }
0x26: {  	_ =	sdelay $0x2  }
0x27: {  	s18 =	sshra.s32 s17, $0x2;
	s17 =	sadd.s32 $0x40, s17;
	v0 =	vld [tilespmem:s16+$0xA000]  }
0x28: {  	v1 =	vld [tilespmem:s18+$0xC000];
	_ =	sdelay $0x3  }
0x29: {  	v2 =	vpop (erf)  }
0x2a: {  	v0 =	vmul.f32 v2, v0;
	_ =	sdelay $0x1  }
0x2b: {  	[tilespmem:s16+$0xE000] =	vst v0  }
0x2c: {  	v0 =	vld.idx.msk [tilespmem:v1+s1+$0x0], $0xffff;
	_ =	sdelay $0x4  }
0x2d: {  	v0 =	vadd.f32 $1.000000020e-16, v0;
	_ =	sdelay $0x1  }
0x2e: {  	(erf) = vrcp.f32 v0;
	_ =	sdelay $0x4  }
0x2f: {  	v62 =	vld [tilespmem:s18+$0xA000];
	_ =	sdelay $0x3  }
0x30: {  	v63 =	vpop (erf)  }
0x31: {  	s14 =	sadd.s32 $0x1, s14;
	v0 =	vmul.f32 v63, v62  }
0x32: {  	p0 =	sne.s32 s14, $0x5  }
.Ltmp1:
0x33: {  	s15 =	sadd.s32 s6, s15;
	[tilespmem:s18+$0xE000] =	vst v0;
	(pc) =	sbr.rel @p0 .LBB2_2-.Ltmp1, $4  }
0x34: {  	[hbm4b:s15+s1] =	stream.linear.scatter [tilespmem:s12], [sflag:$0x1], $0x2000, $0x38;
	[tilespmem:$0x10000] =	vst v63  }
0x35: {  	_ =	swait.ge [sflag:s9], $0x2000  }
0x36: {  	[sflag:s9] =	ssyncset.done $0x0  }
0x37: {  	[sflag:s9] =	ssyncadd.s32 $0xFFFFE000  }
0x38: {  	s13 =	sadd.s32 $0x1, s13  }
0x39: {  	p0 =	sne.s32 s13, s8  }
.Ltmp2:
0x3a: {  	_ = 	snop;
	(pc) =	sbr.rel @p0 .LBB2_1-.Ltmp2, $1  }
0x3b: {  	_ =	sdelay $0x3  }
0x3c: {  	_ =	sfence.sel $0x180000  }
0x3d: {  	[bflag:$0x0] =	sbarrier.arrive $0xFFFF  }
0x3e: {  	p0 =	sne.s32 s2, $0x0;
	_ =	strace $0x9000005C  }
0x3f: {  	s0 =	sadd.s32 @!p0 $0x100000, s0;
	[bflag:$0x2] =	sbarrier.arrive $0xFFFF  }
0x40: {  	[sflag:s0] =	ssyncadd.tile.s32 @!p0 $0x1;
	_ =	shalt  }
.Lfunc_end2:
_tile_overlayer_lowered:
.L_overlay_start_2:
0x41: {  	(tag) =	ssettag $0x2  }
0x42: {  	s0 =	rddreg [dreg:$0x0];
	s2 =	stileid.u32  }
0x43: {  	s1 =	rddreg [dreg:$0x1];
	p0 =	sne.s32 s2, $0x0  }
0x44: {  	s3 =	rddreg [dreg:$0x2];
	[bflag:$0x3] =	sbarrier.arrive $0xFFFF;
	s2 =	simm.s32 @!p0 $0x1C01  }
0x45: {  	[timem:s3], [sflag:s2] =	dma.local @!p0 [hbm:s0], s1  }
0x46: {  	s0 =	simm.s32 @!p0 $0x1  }
0x47: {  	_ =	swait.ge @!p0 [sflag:s0], s1  }
0x48: {  	s1 =	ssub.s32 @!p0 $0x0, s1;
	[sflag:s0] =	ssyncset.done @!p0 $0x0  }
0x49: {  	[sflag:s0] =	ssyncadd.s32 @!p0 s1  }
0x4a: {  	[bflag:$0x3] =	sbarrier.arrive $0xFFFF  }
0x4b: {  	_ =	shalt  }

// kernel: kernel.52.cloned.1.call-start
scs
__scs_entry_jumppad:
0x0: {  	(pc) =	sbr.rel $0x88, $3  }
0x1: {  	(tag) =	ssettag $0x0;
	lr =	simm.s32 $0x1  }
0x2: {  	[smem:$0x3F73] =	sst lr;
	_ =	strace $0xD0000000  }
0x3: {  	_ = 	snop  }
0x4: {  	_ = 	snop  }
0x5: {  	_ = 	snop  }
0x6: {  	_ = 	snop  }
0x7: {  	_ = 	snop  }
__scs_overlays_trampoline_lowered:
0x8: {  	[smem:$0x3F82] =	sst s0  }
0x9: {  	[smem:$0x3F83] =	sst s1  }
0xa: {  	[smem:$0x3F84] =	sst s2  }
0xb: {  	[smem:$0x3F85] =	sst s3  }
0xc: {  	[smem:$0x3F86] =	sst s4  }
0xd: {  	[smem:$0x3F87] =	sst s5  }
0xe: {  	[smem:$0x3F88] =	sst s6  }
0xf: {  	[smem:$0x3F89] =	sst s7  }
0x10: {  	[smem:$0x3F8A] =	sst s8  }
0x11: {  	[smem:$0x3F8B] =	sst s9;
	s0 =	simm.s32 @!p0 $0x0  }
0x12: {  	s1 =	sld [smem:$0x3F71];
	s0 =	simm.s32 @p0 $0x1  }
0x13: {  	[smem:$0x3F8C] =	sst s0;
	s0 =	simm.s32 @!p1 $0x0  }
0x14: {  	s2 =	sld [smem:$0x3F70];
	s0 =	simm.s32 @p1 $0x1  }
0x15: {  	[smem:$0x3F8D] =	sst s0;
	s0 =	simm.s32 @!p2 $0x0  }
0x16: {  	s3 =	sld [smem:$0x3FDB];
	s0 =	simm.s32 @p2 $0x1  }
0x17: {  	s4 =	simm.s32 $0x1BF5;
	[smem:$0x3F8F] =	sst s0  }
0x18: {  	s0 =	sld [smem:$0x3F72];
	_ =	swait.ge [sflag:s4], $0x0  }
0x19: {  	s7 =	sld [smem:$0x3F73]  }
0x1a: {  	s8 =	sadd.s32 $0xFFFFE003, lr  }
0x1b: {  	s9 =	sadd.s32 $0xFFFFFEF7, lr;
	s5 =	simm.s32 $0xFFFFFFFF;
	p2 =	slt.u32 s8, $0xFFFFF086  }
0x1c: {  	p1 =	slt.u32 s9, $0xF7A;
	s5 =	simm.s32 @!p2 $0x0  }
0x1d: {  	s5 =	simm.s32 @p1 $0x1;
	p0 =	seq.s32 s7, s2  }
0x1e: {  	s7 =	smul.u32 @!p0 $0xF7A, s2;
	p2 =	seq.s32 @!p0 s5, $0x0  }
0x1f: {  	s9 =	smul.u32 $0xF7A, s1;
	s8 =	simm.s32 @!p0 $0x1BF5;
	p2 =	por !p2, p0  }
0x20: {  	[sflag:s8] =	ssyncset.s32 @!p0 $0xFFFFF086;
	s6 =	sadd.s32 @!p0 s3, s7;
	s7 =	simm.s32 @!p0 $0x108  }
0x21: {  	s3 =	sadd.s32 s3, s9;
	s6 =	sadd.s32 @!p0 $0x88, s6;
	s7 =	simm.s32 @p2 $0x1082  }
0x22: {  	[simem:s7], [sflag:s8] =	dma.local @!p0 [hbm:s6], $0xF7A  }
0x23: {  	s9 =	sor.u32 $0xD0000000, s2;
	s6 =	simm.s32 $0x108;
	_ =	swait.ge @!p0 [sflag:s8], $0x0  }
0x24: {  	s3 =	sadd.s32 $0x88, s3;
	s6 =	simm.s32 @!p1 $0x1082;
	[sflag:s4] =	ssyncset.s32 $0xFFFFF086  }
0x25: {  	[simem:s6], [sflag:s4] =	dma.local [hbm:s3], $0xF7A  }
0x26: {  	[smem:$0x3F73] =	sst s1;
	(tag) =	ssettag s2;
	_ =	strace s9  }
0x27: {  	s1 =	sld [smem:$0x3F83]  }
0x28: {  	s2 =	sld [smem:$0x3F84]  }
0x29: {  	s4 =	sld [smem:$0x3F86]  }
0x2a: {  	p0 =	seq.s32 s5, $0x0;
	s5 =	sld [smem:$0x3F87]  }
0x2b: {  	s6 =	sld [smem:$0x3F88]  }
0x2c: {  	s7 =	sld [smem:$0x3F89]  }
0x2d: {  	s3 =	simm.s32 $0x108;
	s8 =	sld [smem:$0x3F8A]  }
0x2e: {  	s3 =	simm.s32 @!p0 $0x1082;
	s9 =	sld [smem:$0x3F8B]  }
0x2f: {  	lr =	sadd.s32 s0, s3;
	s0 =	sld [smem:$0x3F82]  }
0x30: {  	s3 =	sld [smem:$0x3F85]  }
0x31: {  	[smem:$0x3F8E] =	sst s10  }
0x32: {  	s10 =	sld [smem:$0x3F8C];
	_ =	sdelay $0x3  }
0x33: {  	p0 =	seq.s32 s10, $0x1;
	s10 =	sld [smem:$0x3F8E];
	_ =	sdelay $0x3  }
0x34: {  	[smem:$0x3F8E] =	sst s10  }
0x35: {  	s10 =	sld [smem:$0x3F8D];
	_ =	sdelay $0x3  }
0x36: {  	p1 =	seq.s32 s10, $0x1;
	s10 =	sld [smem:$0x3F8E];
	_ =	sdelay $0x3  }
0x37: {  	[smem:$0x3F8E] =	sst s10  }
0x38: {  	s10 =	sld [smem:$0x3F8F]  }
0x39: {  	_ = 	snop;
	(pc) =	sbr.ind lr, $3  }
0x3a: {  	_ = 	snop  }
0x3b: {  	_ = 	snop  }
0x3c: {  	p2 =	seq.s32 s10, $0x1;
	s10 =	sld [smem:$0x3F8E]  }
0x3d: {  	_ =	shalt  }
0x3e: {  	_ =	shalt  }
0x3f: {  	_ =	shalt  }
0x40: {  	_ =	shalt  }
0x41: {  	_ =	shalt  }
0x42: {  	_ =	shalt  }
0x43: {  	_ =	shalt  }
0x44: {  	_ =	shalt  }
0x45: {  	_ =	shalt  }
0x46: {  	_ =	shalt  }
0x47: {  	_ =	shalt  }
0x48: {  	_ =	shalt  }
0x49: {  	_ =	shalt  }
0x4a: {  	_ =	shalt  }
0x4b: {  	_ =	shalt  }
0x4c: {  	_ =	shalt  }
0x4d: {  	_ =	shalt  }
0x4e: {  	_ =	shalt  }
0x4f: {  	_ =	shalt  }
0x50: {  	_ =	shalt  }
0x51: {  	_ =	shalt  }
0x52: {  	_ =	shalt  }
0x53: {  	_ =	shalt  }
0x54: {  	_ =	shalt  }
0x55: {  	_ =	shalt  }
0x56: {  	_ =	shalt  }
0x57: {  	_ =	shalt  }
0x58: {  	_ =	shalt  }
0x59: {  	_ =	shalt  }
0x5a: {  	_ =	shalt  }
0x5b: {  	_ =	shalt  }
0x5c: {  	_ =	shalt  }
0x5d: {  	_ =	shalt  }
0x5e: {  	_ =	shalt  }
0x5f: {  	_ =	shalt  }
0x60: {  	_ =	shalt  }
0x61: {  	_ =	shalt  }
0x62: {  	_ =	shalt  }
0x63: {  	_ =	shalt  }
0x64: {  	_ =	shalt  }
0x65: {  	_ =	shalt  }
0x66: {  	_ =	shalt  }
0x67: {  	_ =	shalt  }
0x68: {  	_ =	shalt  }
0x69: {  	_ =	shalt  }
0x6a: {  	_ =	shalt  }
0x6b: {  	_ =	shalt  }
0x6c: {  	_ =	shalt  }
0x6d: {  	_ =	shalt  }
0x6e: {  	_ =	shalt  }
0x6f: {  	_ =	shalt  }
0x70: {  	_ =	shalt  }
0x71: {  	_ =	shalt  }
0x72: {  	_ =	shalt  }
0x73: {  	_ =	shalt  }
0x74: {  	_ =	shalt  }
0x75: {  	_ =	shalt  }
0x76: {  	_ =	shalt  }
0x77: {  	_ =	shalt  }
0x78: {  	_ =	shalt  }
0x79: {  	_ =	shalt  }
0x7a: {  	_ =	shalt  }
0x7b: {  	_ =	shalt  }
0x7c: {  	_ =	shalt  }
0x7d: {  	_ =	shalt  }
0x7e: {  	_ =	shalt  }
0x7f: {  	_ =	shalt  }
0x80: {  	_ =	shalt  }
0x81: {  	_ =	shalt  }
0x82: {  	_ =	shalt  }
0x83: {  	_ =	shalt  }
0x84: {  	_ =	shalt  }
0x85: {  	_ =	shalt  }
0x86: {  	_ =	shalt  }
0x87: {  	_ =	shalt  }
.Lfunc_end0:
.L_simem_size_0:
called_computation.9_lowered:
.L_overlay_start_0:
0x88: {  	s2 =	sld [smem:$0x3FD9]  }
0x89: {  	s3 =	sld [smem:$0x3FFE];
	_ =	sdelay $0x1  }
0x8a: {  	s1 =	srdreg.scid  }
0x8b: {  	s0 =	sand.u32 $0x1, s1  }
0x8c: {  	s16 =	sshll.u32 s0, $0xA;
	s2 =	sadd.s32 s3, s2  }
0x8d: {  	s2 =	sadd.s32 s2, s16  }
0x8e: {  	[smem:$0x3F9A] =	sst s2  }
0x8f: {  	_ = 	snop  }
0x90: {  	(tm) =	ssettm $0x1  }
0x91: {  	s17 =	sld [smem:$0x3FFB];
	_ =	sdelay $0x3  }
0x92: {  	_ =	strace s17  }
0x93: {  	s2 =	sld [smem:$0x3FFC];
	_ =	sdelay $0x3  }
0x94: {  	_ =	strace s2  }
0x95: {  	s2 =	sld [smem:$0x3FFD];
	_ =	sdelay $0x3  }
0x96: {  	_ =	strace s2  }
0x97: {  	_ =	strace $0x8FFFFFFF  }
0x98: {  	s18 =	sld [smem:$0x3FDB];
	_ =	sdelay $0x1  }
0x99: {  	s19 =	simm.s32 $_scs_section_size  }
0x9a: {  	s4 =	simm.s32 $_size__tile_overlayer_lowered;
	s5 =	simm.s32 $_tile_overlayer_lowered  }
0x9b: {  	s22 =	simm.s32 $0x1BFF;
	s21 =	sshll.u32 s5, $0x1;
	s2 =	sadd.s32 s19, s18  }
0x9c: {  	s6 =	simm.s32 $0x0;
	s20 =	sshll.u32 s4, $0x1;
	s4 =	sadd.s32 s21, s2  }
0x9d: {  	[timem:s6], [sflag:s22] =	dma.local [hbm:s4], s20  }
0x9e: {  	_ =	swait.ge [sflag:s22], s20  }
0x9f: {  	s3 =	ssub.s32 $0x0, s20;
	[sflag:s22] =	ssyncset.done $0x0  }
0xa0: {  	[sflag:s22] =	ssyncadd.s32 s3;
	_ =	sdelay $0x1  }
0xa1: {  	s23 =	simm.s32 $0x1B8B  }
0xa2: {  	_ =	swait.ge [sflag:s23], $0x1  }
0xa3: {  	[sflag:s23] =	ssyncset.done $0x0  }
0xa4: {  	s25 =	simm.s32 $0x1B8E;
	s24 =	sld [smem:$0x3FFE];
	[sflag:s23] =	ssyncadd.s32 $0xFFFFFFFF  }
0xa5: {  	s26 =	simm.s32 $execute0_lowered;
	[smem:$0x3FD2] =	sst s25  }
0xa6: {  	s4 =	sshll.u32 s26, $0x1;
	_ =	strace $0x80000061;
	[dreg:$0x1] =	wrdreg $0xFFFFFFFF  }
0xa7: {  	s28 =	simm.s32 $_size_execute0_lowered;
	s2 =	sadd.s32 s2, s4;
	[dreg:$0x0] =	wrdreg $0x0  }
0xa8: {  	s4 =	sshll.u32 s28, $0x1;
	[dreg:$0x2] =	wrdreg s2  }
0xa9: {  	[dreg:$0x3] =	wrdreg s4  }
0xaa: {  	[dreg:$0x4] =	wrdreg $0xC0  }
0xab: {  	_ =	task [dreg:s6], $0x5FFFF  }
0xac: {  	[dreg:$0x1] =	wrdreg $0xFFFFFFFF  }
0xad: {  	[dreg:$0x0] =	wrdreg $0x60  }
0xae: {  	[dreg:$0x2] =	wrdreg s24  }
0xaf: {  	[dreg:$0x3] =	wrdreg $0xA8000  }
0xb0: {  	[dreg:$0x4] =	wrdreg $0x9  }
0xb1: {  	_ =	task.clear_ibuf [dreg:s6], $0x5FFFF;
	_ =	strace $0x90000061  }
0xb2: {  	s29 =	simm.s32 $0x9;
	_ =	strace $0x80000063  }
0xb3: {  	_ =	swait.ge [sflag:s29], $0x1  }
0xb4: {  	[sflag:s29] =	ssyncadd.s32 $0xFFFFFFFF  }
0xb5: {  	_ =	strace $0x90000063  }
0xb6: {  	_ =	sfence  }
0xb7: {  	s30 =	sld [smem:$0x0];
	_ =	sdelay $0x2  }
0xb8: {  	s31 =	sshll.u32 s1, $0xD;
	s1 =	sshrl.u32 s1, $0x2  }
0xb9: {  	s3 =	sand.u32 $0x4000, s31;
	s1 =	sadd.s32 s1, s30  }
0xba: {  	s0 =	sor.u32 s3, s0;
	s1 =	sshll.u32 s1, $0x11  }
0xbb: {  	s0 =	sor.u32 s1, s0  }
0xbc: {  	s0 =	sadd.s32 $0x8F2B, s0  }
0xbd: {  	[sflag:s0] =	ssyncadd.remote.s32 $0x1  }
0xbe: {  	_ =	sfence.sel $0xFFFF  }
0xbf: {  	[dreg:$0x0] =	wrdreg $0xFFFFFFFF;
	(pc) =	sbr.abs _section_cstart, $3  }
0xc0: {  	[dreg:$0x1] =	wrdreg $0xFFFFFFFF  }
0xc1: {  	_ =	task.clear_ibuf [dreg:s6], $0x2FFFF;
	_ =	strace $0x9FFFFFFF  }
0xc2: {  	(tm) =	ssettm $0x7FFFFFFF  }
0xc3: {  	_ =	shalt  }
tec
execute0_lowered:
.L_overlay_start_1:
0x0: {  	(tag) =	ssettag $0x1  }
0x1: {  	s0 =	srdreg.scid;
	s1 =	rddreg [dreg:$0x0]  }
0x2: {  	s13 =	stileid.u32;
	s2 =	rddreg [dreg:$0x1]  }
0x3: {  	s28 =	simm.s32 $0x2;
	s31 =	simm.s32 $0x0;
	s11 =	smul.u32 $0x5, s13  }
0x4: {  	s0 =	sand.u32 $0x1, s0;
	s3 =	sshll.u32 s13, $0x1;
	s15 =	smul.u32 $0x50000, s13  }
0x5: {  	s6 =	sadd.s32 $0xA5E600, s1;
	s5 =	sor.u32 s0, s3;
	s8 =	smul.u32 $0x28000, s0  }
0x6: {  	s3 =	simm.s32 $0x0;
	s9 =	ssub.s32 $0x2, s0;
	s0 =	smul.u32 $0x140000, s0  }
0x7: {  	s19 =	sshll.u32 s13, $0x6;
	s4 =	smul.u32 $0x2800, s5;
	[smem:$0x7FF] =	sst s3  }
0x8: {  	s10 =	sshrl.u32 s9, $0x1;
	s12 =	smul.u32 $0x28000, s5;
	s5 =	sor.u32 $0x1C03, s19  }
0x9: {  	s20 =	sshrl.u32 s15, $0x2;
	s16 =	sadd.s32 $0x1, s11;
	s17 =	sadd.s32 $0x2, s11  }
0xa: {  	s18 =	sadd.s32 $0x3, s11;
	s19 =	smul.u32 $0x280000, s13;
	s29 =	sadd.s32 s15, s6  }
0xb: {  	_ =	strace $0x80000062;
	s9 =	ssub.s32 s9, s10;
	s21 =	sshll.u32 s16, $0xE  }
0xc: {  	s23 =	sshll.u32 s17, $0xE;
	s24 =	sshll.u32 s18, $0xE;
	s30 =	sadd.s32 s8, s29  }
0xd: {  	s4 =	sshrl.u32 s4, $0x3;
	s14 =	sadd.s32 s6, s12;
	s9 =	smax.u32 s9, $0x1  }
0xe: {  	s22 =	sadd.s32 s21, s2;
	s25 =	sadd.s32 s23, s2;
	s12 =	sadd.s32 s24, s2  }
0xf: {  	s0 =	sadd.s32 s0, s19;
	s21 =	sshll.u32 s16, $0xB;
	s23 =	sshll.u32 s18, $0xB  }
0x10: {  	s16 =	sadd.s32 $0x800, s30;
	s18 =	simm.s32 $0x2800;
	[dreg:$0x5] =	wrdreg s9  }
0x11: {  	s19 =	simm.s32 $0x1;
	s7 =	sadd.s32 s4, s1;
	[dreg:$0x6] =	wrdreg s22  }
0x12: {  	s4 =	sadd.s32 $0xE600, s1;
	s1 =	sadd.s32 s8, s1;
	[dreg:$0x7] =	wrdreg s25  }
0x13: {  	s22 =	sshll.u32 s17, $0xB;
	s0 =	sor.u32 $0x8000, s0;
	s17 =	simm.s32 $0x3  }
0x14: {  	s25 =	simm.s32 $0x6800;
	s7 =	sadd.s32 $0x22600, s7;
	s1 =	sadd.s32 $0x2C600, s1  }
0x15: {  	s0 =	sshrl.u32 s0, $0x3;
	[dreg:$0x3] =	wrdreg s7;
	s7 =	sadd.s32 s20, s2  }
0x16: {  	s20 =	sadd.s32 $0x4, s11;
	s11 =	smov.u32 s14;
	s14 =	sadd.s32 $0x27800, s14  }
0x17: {  	s15 =	sadd.s32 s0, s6;
	s21 =	sadd.s32 s21, s1;
	s22 =	sadd.s32 s22, s1  }
0x18: {  	[dreg:$0x4] =	wrdreg s7;
	s7 =	smul.u32 $0x2800, s13;
	s26 =	sshll.u32 s20, $0xE  }
0x19: {  	s23 =	sadd.s32 s23, s1;
	s24 =	sshll.u32 s20, $0xB;
	s13 =	sadd.s32 s26, s2  }
0x1a: {  	s24 =	sadd.s32 s24, s1;
	s26 =	simm.s32 $0x80;
	s20 =	sadd.s32 s7, s1  }
.LBB2_1:
0x1b: {  	s0 =	rddreg [dreg:$0x4]  }
0x1c: {  	s1 =	sshrl.u32 s0, $0x3  }
0x1d: {  	[spmem:s1], [sflag:s5] =	dma.local [hbm:s4], $0x800  }
0x1e: {  	_ =	swait.ge [sflag:s17], $0x800  }
0x1f: {  	[sflag:s17] =	ssyncset.done $0x0;
	s7 =	rddreg [dreg:$0x6]  }
0x20: {  	[sflag:s17] =	ssyncadd.s32 $0xFFFFF800;
	s0 =	sshrl.u32 s7, $0x3  }
0x21: {  	[spmem:s0], [sflag:s5] =	dma.local [hbm:s4], $0x800  }
0x22: {  	_ =	swait.ge [sflag:s17], $0x800  }
0x23: {  	[sflag:s17] =	ssyncset.done $0x0;
	s6 =	rddreg [dreg:$0x7]  }
0x24: {  	[sflag:s17] =	ssyncadd.s32 $0xFFFFF800;
	s29 =	sshrl.u32 s6, $0x3  }
0x25: {  	[spmem:s29], [sflag:s5] =	dma.local [hbm:s4], $0x800  }
0x26: {  	_ =	swait.ge [sflag:s17], $0x800  }
0x27: {  	[sflag:s17] =	ssyncset.done $0x0  }
0x28: {  	s30 =	sshrl.u32 s12, $0x3;
	[sflag:s17] =	ssyncadd.s32 $0xFFFFF800  }
0x29: {  	[spmem:s30], [sflag:s5] =	dma.local [hbm:s4], $0x800  }
0x2a: {  	_ =	swait.ge [sflag:s17], $0x800  }
0x2b: {  	[sflag:s17] =	ssyncset.done $0x0  }
0x2c: {  	s6 =	sshrl.u32 s13, $0x3;
	[sflag:s17] =	ssyncadd.s32 $0xFFFFF800  }
0x2d: {  	[spmem:s6], [sflag:s5] =	dma.local [hbm:s4], $0x800  }
0x2e: {  	_ =	swait.ge [sflag:s17], $0x800  }
0x2f: {  	[sflag:s17] =	ssyncset.done $0x0  }
0x30: {  	[sflag:s17] =	ssyncadd.s32 $0xFFFFF800  }
0x31: {  	[bflag:$0x0] =	sbarrier.arrive $0xFFFF  }
0x32: {  	s7 =	rddreg [dreg:$0x3]  }
0x33: {  	[tilespmem:s3], [sflag:$0x3] =	stream.linear.gather [hbm4b:s7+s3], $0x2800, $0x38;
	[tilespmem:$0x1E800] =	vst v63  }
0x34: {  	_ =	swait.ge [sflag:s17], $0x2800  }
0x35: {  	[sflag:s17] =	ssyncset.done $0x0  }
0x36: {  	[sflag:s17] =	ssyncadd.s32 $0xFFFFD800  }
0x37: {  	[tilespmem:s18], [sflag:$0x1] =	stream.linear.gather [hbm4b:s11+s3], $0x4000, $0x38;
	[tilespmem:$0x1E800] =	vst v63  }
0x38: {  	_ =	swait.ge [sflag:s19], $0x4000  }
0x39: {  	[sflag:s19] =	ssyncset.done $0x0  }
0x3a: {  	s8 =	sadd.s32 $0x0, s16;
	[sflag:s19] =	ssyncadd.s32 $0xFFFFC000  }
0x3b: {  	[tilespmem:s25], [sflag:$0x2] =	stream.linear.gather [hbm4b:s8+s3], $0x4000, $0x38;
	[tilespmem:$0x1E800] =	vst v63  }
0x3c: {  	_ = 	snop  }
0x3d: {  	[spmem:s2] =	stream.indirect.scatter.add.f32 [tilespmem:s18], [sflag:$0x3], $0x80, s3, s26, $0xb8;
	[tilespmem:$0x1E800] =	vst v63  }
0x3e: {  	_ =	swait.ge [sflag:s17], $0x4000  }
0x3f: {  	[sflag:s17] =	ssyncset.done $0x0  }
0x40: {  	[sflag:s17] =	ssyncadd.s32 $0xFFFFC000  }
0x41: {  	_ =	swait.ge [sflag:s28], $0x4000  }
0x42: {  	[sflag:s28] =	ssyncset.done $0x0  }
0x43: {  	s9 =	sadd.s32 $0x0, s15;
	[sflag:s28] =	ssyncadd.s32 $0xFFFFC000  }
0x44: {  	[tilespmem:s18], [sflag:$0x1] =	stream.linear.gather [hbm4b:s9+s3], $0x4000, $0x38;
	[tilespmem:$0x1E800] =	vst v63  }
0x45: {  	s10 =	simm.s32 $0x80  }
0x46: {  	[spmem:s2] =	stream.indirect.scatter.add.f32 [tilespmem:s25], [sflag:$0x3], $0x80, s10, s26, $0xb8;
	[tilespmem:$0x1E800] =	vst v63  }
0x47: {  	_ =	swait.ge [sflag:s17], $0x4000  }
0x48: {  	s7 =	simm.s32 $0x0;
	s8 =	simm.s32 $0x1000;
	[sflag:s17] =	ssyncset.done $0x0  }
.LBB2_2:
0x49: {  	p0 =	sne.s32 s8, $0x26000;
	[sflag:s17] =	ssyncadd.s32 $0xFFFFC000;
	s7 =	sadd.s32 $0x100, s7  }
0x4a: {  	s9 =	smov.u32 s8;
	s8 =	sadd.s32 $0x1000, s8  }
0x4b: {  	_ =	swait.ge [sflag:s19], $0x4000  }
0x4c: {  	[sflag:s19] =	ssyncset.done $0x0  }
0x4d: {  	s10 =	sadd.s32 s9, s16;
	[sflag:s19] =	ssyncadd.s32 $0xFFFFC000  }
0x4e: {  	[tilespmem:s25], [sflag:$0x2] =	stream.linear.gather [hbm4b:s10+s3], $0x4000, $0x38;
	[tilespmem:$0x1E800] =	vst v63  }
0x4f: {  	_ = 	snop  }
0x50: {  	[spmem:s2] =	stream.indirect.scatter.add.f32 [tilespmem:s18], [sflag:$0x3], $0x80, s7, s26, $0xb8;
	[tilespmem:$0x1E800] =	vst v63  }
0x51: {  	_ =	swait.ge [sflag:s17], $0x4000  }
0x52: {  	[sflag:s17] =	ssyncset.done $0x0  }
0x53: {  	[sflag:s17] =	ssyncadd.s32 $0xFFFFC000  }
0x54: {  	_ =	swait.ge [sflag:s28], $0x4000  }
0x55: {  	[sflag:s28] =	ssyncset.done $0x0  }
0x56: {  	s9 =	sadd.s32 s9, s15;
	[sflag:s28] =	ssyncadd.s32 $0xFFFFC000  }
0x57: {  	[tilespmem:s18], [sflag:$0x1] =	stream.linear.gather [hbm4b:s9+s3], $0x4000, $0x38;
	[tilespmem:$0x1E800] =	vst v63  }
.Ltmp0:
0x58: {  	_ = 	snop;
	(pc) =	sbr.rel @p0 .LBB2_2-.Ltmp0, $4  }
0x59: {  	s9 =	sadd.s32 $0x80, s7  }
0x5a: {  	[spmem:s2] =	stream.indirect.scatter.add.f32 [tilespmem:s25], [sflag:$0x3], $0x80, s9, s26, $0xb8;
	[tilespmem:$0x1E800] =	vst v63  }
0x5b: {  	_ =	swait.ge [sflag:s17], $0x4000  }
0x5c: {  	[sflag:s17] =	ssyncset.done $0x0  }
0x5d: {  	[sflag:s17] =	ssyncadd.s32 $0xFFFFC000  }
0x5e: {  	_ =	swait.ge [sflag:s19], $0x4000  }
0x5f: {  	[sflag:s19] =	ssyncset.done $0x0  }
0x60: {  	[sflag:s19] =	ssyncadd.s32 $0xFFFFC000  }
0x61: {  	[tilespmem:s25], [sflag:$0x2] =	stream.linear.gather [hbm4b:s14+s3], $0x4000, $0x38;
	[tilespmem:$0x1E800] =	vst v63  }
0x62: {  	s7 =	simm.s32 $0x2700  }
0x63: {  	[spmem:s2] =	stream.indirect.scatter.add.f32 [tilespmem:s18], [sflag:$0x3], $0x80, s7, s26, $0xb8;
	[tilespmem:$0x1E800] =	vst v63  }
0x64: {  	_ =	swait.ge [sflag:s17], $0x4000  }
0x65: {  	[sflag:s17] =	ssyncset.done $0x0  }
0x66: {  	[sflag:s17] =	ssyncadd.s32 $0xFFFFC000  }
0x67: {  	_ =	swait.ge [sflag:s28], $0x4000  }
0x68: {  	[sflag:s28] =	ssyncset.done $0x0  }
0x69: {  	s10 =	simm.s32 $0x2780;
	[sflag:s28] =	ssyncadd.s32 $0xFFFFC000  }
0x6a: {  	[spmem:s2] =	stream.indirect.scatter.add.f32 [tilespmem:s25], [sflag:$0x3], $0x80, s10, s26, $0xb8;
	[tilespmem:$0x1E800] =	vst v63  }
0x6b: {  	_ =	swait.ge [sflag:s17], $0x4000  }
0x6c: {  	[sflag:s17] =	ssyncset.done $0x0  }
0x6d: {  	[sflag:s17] =	ssyncadd.s32 $0xFFFFC000  }
0x6e: {  	[bflag:$0x0] =	sbarrier.arrive $0xFFFF  }
0x6f: {  	[hbm:s20], [sflag:s5] =	dma.local [spmem:s1], $0x800  }
0x70: {  	_ =	swait.ge [sflag:s17], $0x800  }
0x71: {  	[sflag:s17] =	ssyncset.done $0x0  }
0x72: {  	[sflag:s17] =	ssyncadd.s32 $0xFFFFF800  }
0x73: {  	[hbm:s21], [sflag:s5] =	dma.local [spmem:s0], $0x800  }
0x74: {  	_ =	swait.ge [sflag:s17], $0x800  }
0x75: {  	[sflag:s17] =	ssyncset.done $0x0  }
0x76: {  	[sflag:s17] =	ssyncadd.s32 $0xFFFFF800  }
0x77: {  	[hbm:s22], [sflag:s5] =	dma.local [spmem:s29], $0x800  }
0x78: {  	_ =	swait.ge [sflag:s17], $0x800  }
0x79: {  	[sflag:s17] =	ssyncset.done $0x0  }
0x7a: {  	[sflag:s17] =	ssyncadd.s32 $0xFFFFF800  }
0x7b: {  	[hbm:s23], [sflag:s5] =	dma.local [spmem:s30], $0x800  }
0x7c: {  	_ =	swait.ge [sflag:s17], $0x800  }
0x7d: {  	[sflag:s17] =	ssyncset.done $0x0  }
0x7e: {  	[sflag:s17] =	ssyncadd.s32 $0xFFFFF800  }
0x7f: {  	[hbm:s24], [sflag:s5] =	dma.local [spmem:s6], $0x800  }
0x80: {  	_ =	swait.ge [sflag:s17], $0x800  }
0x81: {  	s31 =	sadd.s32 $0x1, s31;
	s30 =	rddreg [dreg:$0x5]  }
0x82: {  	p0 =	sne.s32 s31, s30  }
.Ltmp1:
0x83: {  	_ = 	snop;
	(pc) =	sbr.rel @p0 .LBB2_1-.Ltmp1, $3  }
0x84: {  	_ =	sdelay $0x1  }
0x85: {  	[sflag:s17] =	ssyncset.done $0x0  }
0x86: {  	[sflag:s17] =	ssyncadd.s32 $0xFFFFF800  }
0x87: {  	_ =	sfence.sel $0x180000  }
0x88: {  	[bflag:$0x0] =	sbarrier.arrive $0xFFFF  }
0x89: {  	_ =	strace $0x90000062  }
0x8a: {  	s0 =	stileid.u32;
	[bflag:$0x2] =	sbarrier.arrive $0xFFFF  }
0x8b: {  	p0 =	sne.s32 s0, $0x0;
	s0 =	rddreg [dreg:$0x2]  }
0x8c: {  	s0 =	sadd.s32 @!p0 $0x100000, s0  }
0x8d: {  	[sflag:s0] =	ssyncadd.tile.s32 @!p0 $0x1;
	_ =	shalt  }
.Lfunc_end2:
_tile_overlayer_lowered:
.L_overlay_start_2:
0x8e: {  	(tag) =	ssettag $0x2  }
0x8f: {  	s0 =	rddreg [dreg:$0x0];
	s2 =	stileid.u32  }
0x90: {  	s1 =	rddreg [dreg:$0x1];
	p0 =	sne.s32 s2, $0x0  }
0x91: {  	s3 =	rddreg [dreg:$0x2];
	[bflag:$0x3] =	sbarrier.arrive $0xFFFF;
	s2 =	simm.s32 @!p0 $0x1C03  }
0x92: {  	[timem:s3], [sflag:s2] =	dma.local @!p0 [hbm:s0], s1  }
0x93: {  	s0 =	simm.s32 @!p0 $0x3  }
0x94: {  	_ =	swait.ge @!p0 [sflag:s0], s1  }
0x95: {  	s1 =	ssub.s32 @!p0 $0x0, s1;
	[sflag:s0] =	ssyncset.done @!p0 $0x0  }
0x96: {  	[sflag:s0] =	ssyncadd.s32 @!p0 s1  }
0x97: {  	[bflag:$0x3] =	sbarrier.arrive $0xFFFF  }
0x98: {  	_ =	shalt  }

</sc_bundles>
